<compile_context>
chip_gen: v7x
topology: tpu7x:2x2x1
jax: 0.10.2.dev20260603
libtpu: 0.0.44.dev20260713+nightly
codegen_flags: <defaults>
</compile_context>

<pallas_src>
import functools

import jax
import jax.numpy as jnp
from jax import lax
from jax.experimental import pallas as pl
from jax.experimental.pallas import tpu as pltpu
from jax.experimental.pallas import tpu_sc as plsc

EMBED = 128
S = 25
B_PAD = 10240
NC, NS = 2, 16
NW = NC * NS
RW = B_PAD // NW
CH = 5
KK = 1
NCHUNK = RW // (CH * KK)
SELF_CH = 64
NSELF = RW // SELF_CH
NBUF = 4


def _sc_gather_body(emb, nodes_r, n0_r, n1_r, n2_r,
                    out_self, out_n0, out_n1, out_n2,
                    idx0, idx1, sidx_v,
                    buf0, buf1, buf2, buf3, stage,
                    sem0, sem1, sem2, sem3):
    wid = lax.axis_index("s") * NC + lax.axis_index("c")
    base = wid * RW
    bufs = (buf0, buf1, buf2, buf3)
    sems = (sem0, sem1, sem2, sem3)

    pltpu.sync_copy(nodes_r.at[wid], sidx_v)

    def self_chunk(ch, carry):
        pltpu.sync_copy(emb.at[sidx_v.at[ch]], buf0.at[pl.ds(0, SELF_CH)])
        pltpu.sync_copy(buf0.at[pl.ds(0, SELF_CH)],
                        out_self.at[pl.ds(base + ch * SELF_CH, SELF_CH)])
        return carry

    lax.fori_loop(0, NSELF, self_chunk, 0)

    pltpu.sync_copy(n0_r.at[wid], idx0)
    pltpu.sync_copy(n1_r.at[wid], idx1)

    nv = EMBED // 16

    def accum(buf, c):
        def row(r, rcarry):
            b0 = r * S
            init = tuple(buf[b0, pl.ds(v * 16, 16)] for v in range(nv))

            def add_n(n, acc):
                return tuple(acc[v] + buf[b0 + n, pl.ds(v * 16, 16)]
                             for v in range(nv))

            acc = lax.fori_loop(1, S, add_n, init)
            for v in range(nv):
                stage[c * KK * CH + r, pl.ds(v * 16, 16)] = acc[v]
            return rcarry
        lax.fori_loop(0, KK * CH, row, 0)

    for li, (idx_v, out_n) in enumerate(
            ((idx0, out_n0), (idx1, out_n1), (idx0, out_n2))):
        if li == 2:
            pltpu.sync_copy(n2_r.at[wid], idx0)
        for b in range(NBUF):
            pltpu.async_copy(emb.at[idx_v.at[b]], bufs[b], sems[b])

        def group(g, carry):
            c0 = g * NBUF
            for b in range(NBUF):
                c = c0 + b
                pltpu.make_async_copy(
                    emb.at[idx_v.at[c]], bufs[b], sems[b]).wait()
                accum(bufs[b], c)

                @pl.when(c + NBUF < NCHUNK)
                def _():
                    pltpu.async_copy(
                        emb.at[idx_v.at[c + NBUF]], bufs[b], sems[b])
            return carry

        lax.fori_loop(0, NCHUNK // NBUF, group, 0)
        pltpu.sync_copy(stage, out_n.at[pl.ds(base, RW)])


def _sc_gather(emb, nodes_r, n0_r, n1_r, n2_r):
    mesh = plsc.VectorSubcoreMesh(core_axis_name="c", subcore_axis_name="s")
    f32 = jnp.float32
    out = jax.ShapeDtypeStruct((B_PAD, EMBED), f32)
    call = pl.kernel(
        _sc_gather_body, mesh=mesh,
        out_type=[out, out, out, out],
        scratch_types=[
            pltpu.VMEM((NCHUNK, KK * CH * S), jnp.int32),
            pltpu.VMEM((NCHUNK, KK * CH * S), jnp.int32),
            pltpu.VMEM((NSELF, SELF_CH), jnp.int32),
            pltpu.VMEM((KK * CH * S, EMBED), f32),
            pltpu.VMEM((KK * CH * S, EMBED), f32),
            pltpu.VMEM((KK * CH * S, EMBED), f32),
            pltpu.VMEM((KK * CH * S, EMBED), f32),
            pltpu.VMEM((RW, EMBED), f32),
            pltpu.SemaphoreType.DMA,
            pltpu.SemaphoreType.DMA,
            pltpu.SemaphoreType.DMA,
            pltpu.SemaphoreType.DMA,
        ],
    )
    return call(emb, nodes_r, n0_r, n1_r, n2_r)


def _tc_dense_body(sv_ref, n0_ref, n1_ref, n2_ref,
                   ws0_ref, wn0_ref, ws1_ref, wn1_ref, ws2_ref, wn2_ref,
                   dense_ref, out_ref):
    inv_s = jnp.float32(1.0 / S)
    dot = functools.partial(jnp.dot, preferred_element_type=jnp.float32)
    h = sv_ref[...]
    for nref, ws, wn in ((n0_ref, ws0_ref, wn0_ref),
                         (n1_ref, ws1_ref, wn1_ref),
                         (n2_ref, ws2_ref, wn2_ref)):
        mean = nref[...] * inv_s
        h = jnp.concatenate([dot(h, ws[...]), dot(mean, wn[...])], axis=-1)
        h = jnp.maximum(h, 0.0)
    out_ref[...] = jax.nn.sigmoid(dot(h, dense_ref[...]))


def _tc_dense(sv, n0, n1, n2, ws0, wn0, ws1, wn1, ws2, wn2, dense):
    bt = 512
    grid = (B_PAD // bt,)
    row_spec = pl.BlockSpec((bt, EMBED), lambda i: (i, 0))
    full = lambda a: pl.BlockSpec(a.shape, lambda i: (0,) * a.ndim)
    return pl.pallas_call(
        _tc_dense_body,
        grid=grid,
        in_specs=[row_spec, row_spec, row_spec, row_spec,
                  full(ws0), full(wn0), full(ws1), full(wn1),
                  full(ws2), full(wn2), full(dense)],
        out_specs=pl.BlockSpec((bt, 64), lambda i: (i, 0)),
        out_shape=jax.ShapeDtypeStruct((B_PAD, 64), jnp.float32),
    )(sv, n0, n1, n2, ws0, wn0, ws1, wn1, ws2, wn2, dense)


def kernel(nodes, neigh0, neigh1, neigh2, embedding,
           ws0, wn0, ws1, wn1, ws2, wn2, dense):
    b = nodes.shape[0]
    pad = B_PAD - b
    nodes_p = jnp.pad(nodes.astype(jnp.int32), (0, pad))
    nodes_r = nodes_p.reshape(NW, NSELF, SELF_CH)
    neigh_r = [
        jnp.pad(n.astype(jnp.int32), ((0, pad), (0, 0)))
        .reshape(NW, NCHUNK, KK * CH * S)
        for n in (neigh0, neigh1, neigh2)
    ]
    sv, s0, s1, s2 = _sc_gather(embedding, nodes_r, *neigh_r)
    out = _tc_dense(sv, s0, s1, s2, ws0, wn0, ws1, wn1, ws2, wn2, dense)
    return out[:b]

# --- scband reference (transcript-rebuilt; emitter-appended) ---
"""Pipeline reference for scband-supervised-graph-sage-70566312673407 (READ-ONLY COPY).

The authoritative reference and input builder live on the scoring server;
editing this copy changes nothing except your own understanding.
"""

import jax, jax.numpy as jnp
import numpy as np

NODE_SIZE = 100000
EMBED = 128
LAYERS = [128, 128, 128]
LABELS = 64
B = 10000
S = 25


def setup_inputs(seed: int = 0) -> dict:
    key = jax.random.key(seed)
    ks = jax.random.split(key, 16)
    nodes = jax.random.randint(ks[0], (B,), 0, NODE_SIZE, dtype=jnp.int64 if jax.config.jax_enable_x64 else jnp.int32)
    neigh0 = jax.random.randint(ks[1], (B, S), 0, NODE_SIZE)
    neigh1 = jax.random.randint(ks[2], (B, S), 0, NODE_SIZE)
    neigh2 = jax.random.randint(ks[3], (B, S), 0, NODE_SIZE)
    embedding = jax.random.normal(ks[4], (NODE_SIZE, EMBED), dtype=jnp.float32) * (1.0 / np.sqrt(EMBED))
    # MeanAggregator weights: self path and neigh path; concat=True doubles output dim.
    in_dims = [EMBED, 2 * LAYERS[0], 2 * LAYERS[1]]
    ws0 = jax.random.normal(ks[5], (in_dims[0], LAYERS[0]), dtype=jnp.float32) * (1.0 / np.sqrt(in_dims[0]))
    wn0 = jax.random.normal(ks[6], (EMBED, LAYERS[0]), dtype=jnp.float32) * (1.0 / np.sqrt(EMBED))
    ws1 = jax.random.normal(ks[7], (in_dims[1], LAYERS[1]), dtype=jnp.float32) * (1.0 / np.sqrt(in_dims[1]))
    wn1 = jax.random.normal(ks[8], (EMBED, LAYERS[1]), dtype=jnp.float32) * (1.0 / np.sqrt(EMBED))
    ws2 = jax.random.normal(ks[9], (in_dims[2], LAYERS[2]), dtype=jnp.float32) * (1.0 / np.sqrt(in_dims[2]))
    wn2 = jax.random.normal(ks[10], (EMBED, LAYERS[2]), dtype=jnp.float32) * (1.0 / np.sqrt(EMBED))
    dense = jax.random.normal(ks[11], (2 * LAYERS[2], LABELS), dtype=jnp.float32) * (1.0 / np.sqrt(2 * LAYERS[2]))
    return {"nodes": nodes, "neigh0": neigh0, "neigh1": neigh1, "neigh2": neigh2,
            "embedding": embedding, "ws0": ws0, "wn0": wn0, "ws1": ws1, "wn1": wn1,
            "ws2": ws2, "wn2": wn2, "dense": dense}


def _mean_aggregator(self_vec, neigh_vec, w_self, w_neigh):
    # dropout is identity at inference
    neigh_mean = jnp.mean(neigh_vec, axis=1)
    from_self = self_vec @ w_self
    from_neigh = neigh_mean @ w_neigh
    out = jnp.concatenate([from_self, from_neigh], axis=-1)  # concat=True
    return jax.nn.relu(out)


def reference(nodes, neigh0, neigh1, neigh2, embedding, ws0, wn0, ws1, wn1, ws2, wn2, dense):
    self_vec = jnp.take(embedding, nodes, axis=0)  # tf.nn.embedding_lookup + squeeze
    neigh_samples = [neigh0, neigh1, neigh2]
    weights = [(ws0, wn0), (ws1, wn1), (ws2, wn2)]
    for i in range(3):
        neigh_vec = jnp.take(embedding, neigh_samples[i], axis=0)  # [B, S, EMBED]
        w_self, w_neigh = weights[i]
        self_vec = _mean_aggregator(self_vec, neigh_vec, w_self, w_neigh)
    output = self_vec @ dense
    output = jax.nn.sigmoid(output)
    return output

if __name__ == "__main__":
    import jax
    _d = setup_inputs()
    print(jax.jit(kernel)(*tuple(_d.values())))

</pallas_src>

<mosaic_0001>
#map = affine_map<(d0, d1) -> (0, 0)>
#map1 = affine_map<(d0, d1) -> (0, 0, 0)>
module attributes {stable_mosaic.version = 14 : i64} {
  func.func @_sc_gather_body(%arg0: i32, %arg1: i32, %arg2: memref<100000x128xf32, #tpu.memory_space<hbm>>, %arg3: memref<32x5x64xi32, #tpu.memory_space<hbm>>, %arg4: memref<32x64x125xi32, #tpu.memory_space<hbm>>, %arg5: memref<32x64x125xi32, #tpu.memory_space<hbm>>, %arg6: memref<32x64x125xi32, #tpu.memory_space<hbm>>, %arg7: memref<10240x128xf32, #tpu.memory_space<hbm>>, %arg8: memref<10240x128xf32, #tpu.memory_space<hbm>>, %arg9: memref<10240x128xf32, #tpu.memory_space<hbm>>, %arg10: memref<10240x128xf32, #tpu.memory_space<hbm>>, %arg11: memref<64x125xi32, #tpu.memory_space<vmem>>, %arg12: memref<64x125xi32, #tpu.memory_space<vmem>>, %arg13: memref<5x64xi32, #tpu.memory_space<vmem>>, %arg14: memref<125x128xf32, #tpu.memory_space<vmem>>, %arg15: memref<125x128xf32, #tpu.memory_space<vmem>>, %arg16: memref<125x128xf32, #tpu.memory_space<vmem>>, %arg17: memref<125x128xf32, #tpu.memory_space<vmem>>, %arg18: memref<320x128xf32, #tpu.memory_space<vmem>>, %arg19: memref<!tpu.dma_semaphore, #tpu.memory_space<semaphore_mem>>, %arg20: memref<!tpu.dma_semaphore, #tpu.memory_space<semaphore_mem>>, %arg21: memref<!tpu.dma_semaphore, #tpu.memory_space<semaphore_mem>>, %arg22: memref<!tpu.dma_semaphore, #tpu.memory_space<semaphore_mem>>) attributes {dimension_semantics = [#tpu.dimension_semantics<core_parallel>, #tpu.dimension_semantics<subcore_parallel>], iteration_bounds = array<i64: 2, 16>, scalar_prefetch = 0 : i64, scratch_operands = 12 : i64, tpu.core_type = #tpu.core_type<sc_vector_subcore>, window_params = [{transform_indices = #map}, {transform_indices = #map1}, {transform_indices = #map1}, {transform_indices = #map1}, {transform_indices = #map1}, {transform_indices = #map}, {transform_indices = #map}, {transform_indices = #map}, {transform_indices = #map}]} {
    %mul3A = arith.constant 2 : i32
    %mul3A_0 = arith.muli %arg1, %mul3A : i32
    %add3A = arith.addi %mul3A_0, %arg0 : i32
    %mul3A_1 = arith.constant 320 : i32
    %mul3A_2 = arith.muli %add3A, %mul3A_1 : i32
    "tpu.region"() ({
      %run_scoped3A = tpu.sem_alloc : memref<!tpu.dma_semaphore, #tpu.memory_space<semaphore_mem>>
      %dma_start3A_109 = arith.constant 0 : i32
      %dma_start3A_110 = arith.constant 0 : i32
      %dma_start3A_111 = tpu.memref_slice %arg3[%add3A, %dma_start3A_109, %dma_start3A_110] : memref<32x5x64xi32, #tpu.memory_space<hbm>> -> memref<1x5x64xi32, #tpu.memory_space<hbm>>
      %dma_start3A_112 = tpu.memref_squeeze %dma_start3A_111 : memref<1x5x64xi32, #tpu.memory_space<hbm>> -> memref<5x64xi32, #tpu.memory_space<hbm>>
      %dma_start3A_113 = arith.constant 0 : i32
      %dma_start3A_114 = arith.constant 0 : i32
      %dma_start3A_115 = tpu.memref_slice %arg3[%add3A, %dma_start3A_113, %dma_start3A_114] : memref<32x5x64xi32, #tpu.memory_space<hbm>> -> memref<1x5x64xi32, #tpu.memory_space<hbm>>
      %dma_start3A_116 = tpu.memref_squeeze %dma_start3A_115 : memref<1x5x64xi32, #tpu.memory_space<hbm>> -> memref<5x64xi32, #tpu.memory_space<hbm>>
      tpu.enqueue_dma source(%dma_start3A_116 : memref<5x64xi32, #tpu.memory_space<hbm>>) target(%arg13 : memref<5x64xi32, #tpu.memory_space<vmem>>) target_semaphore(%run_scoped3A : memref<!tpu.dma_semaphore, #tpu.memory_space<semaphore_mem>>)
      %dma_wait3A = arith.constant 0 : i32
      %dma_wait3A_117 = arith.constant 0 : i32
      %dma_wait3A_118 = tpu.memref_slice %arg3[%add3A, %dma_wait3A, %dma_wait3A_117] : memref<32x5x64xi32, #tpu.memory_space<hbm>> -> memref<1x5x64xi32, #tpu.memory_space<hbm>>
      %dma_wait3A_119 = tpu.memref_squeeze %dma_wait3A_118 : memref<1x5x64xi32, #tpu.memory_space<hbm>> -> memref<5x64xi32, #tpu.memory_space<hbm>>
      %dma_wait3A_120 = arith.constant 0 : i32
      %dma_wait3A_121 = arith.constant 0 : i32
      %dma_wait3A_122 = tpu.memref_slice %arg3[%add3A, %dma_wait3A_120, %dma_wait3A_121] : memref<32x5x64xi32, #tpu.memory_space<hbm>> -> memref<1x5x64xi32, #tpu.memory_space<hbm>>
      %dma_wait3A_123 = tpu.memref_squeeze %dma_wait3A_122 : memref<1x5x64xi32, #tpu.memory_space<hbm>> -> memref<5x64xi32, #tpu.memory_space<hbm>>
      tpu.wait_dma2 semaphore(%run_scoped3A : memref<!tpu.dma_semaphore, #tpu.memory_space<semaphore_mem>>) src(%dma_wait3A_123 : memref<5x64xi32, #tpu.memory_space<hbm>>) dst(%arg13 : memref<5x64xi32, #tpu.memory_space<vmem>>)
      tpu.yield
    }) : () -> ()
    %scan3A = arith.constant 0 : i32
    %scan3A_3 = arith.constant 0 : i32
    %scan3A_4 = arith.constant 5 : i32
    %scan3A_5 = arith.addi %scan3A_3, %scan3A_4 : i32
    %scan3A_6 = arith.constant 1 : i32
    scf.for %scan3A_109 = %scan3A_3 to %scan3A_5 step %scan3A_6  : i32 {
      "tpu.region"() ({
        %run_scoped3A = tpu.sem_alloc : memref<!tpu.dma_semaphore, #tpu.memory_space<semaphore_mem>>
        %dma_start3A_113 = arith.constant 0 : i32
        %dma_start3A_114 = arith.constant 0 : i32
        %dma_start3A_115 = tpu.memref_slice %arg14[%dma_start3A_113, %dma_start3A_114] : memref<125x128xf32, #tpu.memory_space<vmem>> -> memref<64x128xf32, #tpu.memory_space<vmem>>
        %dma_start3A_116 = arith.constant 0 : i32
        %dma_start3A_117 = tpu.memref_slice %arg13[%scan3A_109, %dma_start3A_116] : memref<5x64xi32, #tpu.memory_space<vmem>> -> memref<1x64xi32, #tpu.memory_space<vmem>>
        %dma_start3A_118 = tpu.memref_squeeze %dma_start3A_117 : memref<1x64xi32, #tpu.memory_space<vmem>> -> memref<64xi32, #tpu.memory_space<vmem>>
        %dma_start3A_119 = arith.constant 0 : i32
        %dma_start3A_120 = arith.constant 0 : i32
        %dma_start3A_121 = tpu.memref_slice %arg2[%dma_start3A_119, %dma_start3A_120] : memref<100000x128xf32, #tpu.memory_space<hbm>> -> memref<100000x128xf32, #tpu.memory_space<hbm>>
        tpu.enqueue_indirect_dma source(%dma_start3A_121 : memref<100000x128xf32, #tpu.memory_space<hbm>>) target(%dma_start3A_115 : memref<64x128xf32, #tpu.memory_space<vmem>>) offsets(%dma_start3A_118 : memref<64xi32, #tpu.memory_space<vmem>>) semaphore(%run_scoped3A : memref<!tpu.dma_semaphore, #tpu.memory_space<semaphore_mem>>)
        %dma_wait3A = arith.constant 0 : i32
        %dma_wait3A_122 = arith.constant 0 : i32
        %dma_wait3A_123 = tpu.memref_slice %arg14[%dma_wait3A, %dma_wait3A_122] : memref<125x128xf32, #tpu.memory_space<vmem>> -> memref<64x128xf32, #tpu.memory_space<vmem>>
        %dma_wait3A_124 = arith.constant 0 : i32
        %dma_wait3A_125 = tpu.memref_slice %arg13[%scan3A_109, %dma_wait3A_124] : memref<5x64xi32, #tpu.memory_space<vmem>> -> memref<1x64xi32, #tpu.memory_space<vmem>>
        %dma_wait3A_126 = tpu.memref_squeeze %dma_wait3A_125 : memref<1x64xi32, #tpu.memory_space<vmem>> -> memref<64xi32, #tpu.memory_space<vmem>>
        %dma_wait3A_127 = arith.constant 0 : i32
        %dma_wait3A_128 = arith.constant 0 : i32
        %dma_wait3A_129 = tpu.memref_slice %arg2[%dma_wait3A_127, %dma_wait3A_128] : memref<100000x128xf32, #tpu.memory_space<hbm>> -> memref<100000x128xf32, #tpu.memory_space<hbm>>
        tpu.wait_indirect_dma semaphore(%run_scoped3A : memref<!tpu.dma_semaphore, #tpu.memory_space<semaphore_mem>>) src(%dma_wait3A_129 : memref<100000x128xf32, #tpu.memory_space<hbm>>) dst(%dma_wait3A_123 : memref<64x128xf32, #tpu.memory_space<vmem>>)
        tpu.yield
      }) : () -> ()
      %mul3A_110 = arith.constant 64 : i32
      %mul3A_111 = arith.muli %scan3A_109, %mul3A_110 : i32
      %add3A_112 = arith.addi %mul3A_2, %mul3A_111 : i32
      "tpu.region"() ({
        %run_scoped3A = tpu.sem_alloc : memref<!tpu.dma_semaphore, #tpu.memory_space<semaphore_mem>>
        %dma_start3A_113 = arith.constant 0 : i32
        %dma_start3A_114 = arith.constant 0 : i32
        %dma_start3A_115 = tpu.memref_slice %arg14[%dma_start3A_113, %dma_start3A_114] : memref<125x128xf32, #tpu.memory_space<vmem>> -> memref<64x128xf32, #tpu.memory_space<vmem>>
        %dma_start3A_116 = arith.constant 0 : i32
        %dma_start3A_117 = tpu.memref_slice %arg7[%add3A_112, %dma_start3A_116] : memref<10240x128xf32, #tpu.memory_space<hbm>> -> memref<64x128xf32, #tpu.memory_space<hbm>>
        %dma_start3A_118 = arith.constant 0 : i32
        %dma_start3A_119 = tpu.memref_slice %arg7[%add3A_112, %dma_start3A_118] : memref<10240x128xf32, #tpu.memory_space<hbm>> -> memref<64x128xf32, #tpu.memory_space<hbm>>
        %dma_start3A_120 = arith.constant 0 : i32
        %dma_start3A_121 = arith.constant 0 : i32
        %dma_start3A_122 = tpu.memref_slice %arg14[%dma_start3A_120, %dma_start3A_121] : memref<125x128xf32, #tpu.memory_space<vmem>> -> memref<64x128xf32, #tpu.memory_space<vmem>>
        tpu.enqueue_dma source(%dma_start3A_122 : memref<64x128xf32, #tpu.memory_space<vmem>>) target(%dma_start3A_119 : memref<64x128xf32, #tpu.memory_space<hbm>>) target_semaphore(%run_scoped3A : memref<!tpu.dma_semaphore, #tpu.memory_space<semaphore_mem>>)
        %dma_wait3A = arith.constant 0 : i32
        %dma_wait3A_123 = arith.constant 0 : i32
        %dma_wait3A_124 = tpu.memref_slice %arg14[%dma_wait3A, %dma_wait3A_123] : memref<125x128xf32, #tpu.memory_space<vmem>> -> memref<64x128xf32, #tpu.memory_space<vmem>>
        %dma_wait3A_125 = arith.constant 0 : i32
        %dma_wait3A_126 = tpu.memref_slice %arg7[%add3A_112, %dma_wait3A_125] : memref<10240x128xf32, #tpu.memory_space<hbm>> -> memref<64x128xf32, #tpu.memory_space<hbm>>
        %dma_wait3A_127 = arith.constant 0 : i32
        %dma_wait3A_128 = tpu.memref_slice %arg7[%add3A_112, %dma_wait3A_127] : memref<10240x128xf32, #tpu.memory_space<hbm>> -> memref<64x128xf32, #tpu.memory_space<hbm>>
        %dma_wait3A_129 = arith.constant 0 : i32
        %dma_wait3A_130 = arith.constant 0 : i32
        %dma_wait3A_131 = tpu.memref_slice %arg14[%dma_wait3A_129, %dma_wait3A_130] : memref<125x128xf32, #tpu.memory_space<vmem>> -> memref<64x128xf32, #tpu.memory_space<vmem>>
        tpu.wait_dma2 semaphore(%run_scoped3A : memref<!tpu.dma_semaphore, #tpu.memory_space<semaphore_mem>>) src(%dma_wait3A_131 : memref<64x128xf32, #tpu.memory_space<vmem>>) dst(%dma_wait3A_128 : memref<64x128xf32, #tpu.memory_space<hbm>>)
        tpu.yield
      }) : () -> ()
    }
    %scan3A_7 = arith.constant 5 : i32
    "tpu.region"() ({
      %run_scoped3A = tpu.sem_alloc : memref<!tpu.dma_semaphore, #tpu.memory_space<semaphore_mem>>
      %dma_start3A_109 = arith.constant 0 : i32
      %dma_start3A_110 = arith.constant 0 : i32
      %dma_start3A_111 = tpu.memref_slice %arg4[%add3A, %dma_start3A_109, %dma_start3A_110] : memref<32x64x125xi32, #tpu.memory_space<hbm>> -> memref<1x64x125xi32, #tpu.memory_space<hbm>>
      %dma_start3A_112 = tpu.memref_squeeze %dma_start3A_111 : memref<1x64x125xi32, #tpu.memory_space<hbm>> -> memref<64x125xi32, #tpu.memory_space<hbm>>
      %dma_start3A_113 = arith.constant 0 : i32
      %dma_start3A_114 = arith.constant 0 : i32
      %dma_start3A_115 = tpu.memref_slice %arg4[%add3A, %dma_start3A_113, %dma_start3A_114] : memref<32x64x125xi32, #tpu.memory_space<hbm>> -> memref<1x64x125xi32, #tpu.memory_space<hbm>>
      %dma_start3A_116 = tpu.memref_squeeze %dma_start3A_115 : memref<1x64x125xi32, #tpu.memory_space<hbm>> -> memref<64x125xi32, #tpu.memory_space<hbm>>
      tpu.enqueue_dma source(%dma_start3A_116 : memref<64x125xi32, #tpu.memory_space<hbm>>) target(%arg11 : memref<64x125xi32, #tpu.memory_space<vmem>>) target_semaphore(%run_scoped3A : memref<!tpu.dma_semaphore, #tpu.memory_space<semaphore_mem>>)
      %dma_wait3A = arith.constant 0 : i32
      %dma_wait3A_117 = arith.constant 0 : i32
      %dma_wait3A_118 = tpu.memref_slice %arg4[%add3A, %dma_wait3A, %dma_wait3A_117] : memref<32x64x125xi32, #tpu.memory_space<hbm>> -> memref<1x64x125xi32, #tpu.memory_space<hbm>>
      %dma_wait3A_119 = tpu.memref_squeeze %dma_wait3A_118 : memref<1x64x125xi32, #tpu.memory_space<hbm>> -> memref<64x125xi32, #tpu.memory_space<hbm>>
      %dma_wait3A_120 = arith.constant 0 : i32
      %dma_wait3A_121 = arith.constant 0 : i32
      %dma_wait3A_122 = tpu.memref_slice %arg4[%add3A, %dma_wait3A_120, %dma_wait3A_121] : memref<32x64x125xi32, #tpu.memory_space<hbm>> -> memref<1x64x125xi32, #tpu.memory_space<hbm>>
      %dma_wait3A_123 = tpu.memref_squeeze %dma_wait3A_122 : memref<1x64x125xi32, #tpu.memory_space<hbm>> -> memref<64x125xi32, #tpu.memory_space<hbm>>
      tpu.wait_dma2 semaphore(%run_scoped3A : memref<!tpu.dma_semaphore, #tpu.memory_space<semaphore_mem>>) src(%dma_wait3A_123 : memref<64x125xi32, #tpu.memory_space<hbm>>) dst(%arg11 : memref<64x125xi32, #tpu.memory_space<vmem>>)
      tpu.yield
    }) : () -> ()
    "tpu.region"() ({
      %run_scoped3A = tpu.sem_alloc : memref<!tpu.dma_semaphore, #tpu.memory_space<semaphore_mem>>
      %dma_start3A_109 = arith.constant 0 : i32
      %dma_start3A_110 = arith.constant 0 : i32
      %dma_start3A_111 = tpu.memref_slice %arg5[%add3A, %dma_start3A_109, %dma_start3A_110] : memref<32x64x125xi32, #tpu.memory_space<hbm>> -> memref<1x64x125xi32, #tpu.memory_space<hbm>>
      %dma_start3A_112 = tpu.memref_squeeze %dma_start3A_111 : memref<1x64x125xi32, #tpu.memory_space<hbm>> -> memref<64x125xi32, #tpu.memory_space<hbm>>
      %dma_start3A_113 = arith.constant 0 : i32
      %dma_start3A_114 = arith.constant 0 : i32
      %dma_start3A_115 = tpu.memref_slice %arg5[%add3A, %dma_start3A_113, %dma_start3A_114] : memref<32x64x125xi32, #tpu.memory_space<hbm>> -> memref<1x64x125xi32, #tpu.memory_space<hbm>>
      %dma_start3A_116 = tpu.memref_squeeze %dma_start3A_115 : memref<1x64x125xi32, #tpu.memory_space<hbm>> -> memref<64x125xi32, #tpu.memory_space<hbm>>
      tpu.enqueue_dma source(%dma_start3A_116 : memref<64x125xi32, #tpu.memory_space<hbm>>) target(%arg12 : memref<64x125xi32, #tpu.memory_space<vmem>>) target_semaphore(%run_scoped3A : memref<!tpu.dma_semaphore, #tpu.memory_space<semaphore_mem>>)
      %dma_wait3A = arith.constant 0 : i32
      %dma_wait3A_117 = arith.constant 0 : i32
      %dma_wait3A_118 = tpu.memref_slice %arg5[%add3A, %dma_wait3A, %dma_wait3A_117] : memref<32x64x125xi32, #tpu.memory_space<hbm>> -> memref<1x64x125xi32, #tpu.memory_space<hbm>>
      %dma_wait3A_119 = tpu.memref_squeeze %dma_wait3A_118 : memref<1x64x125xi32, #tpu.memory_space<hbm>> -> memref<64x125xi32, #tpu.memory_space<hbm>>
      %dma_wait3A_120 = arith.constant 0 : i32
      %dma_wait3A_121 = arith.constant 0 : i32
      %dma_wait3A_122 = tpu.memref_slice %arg5[%add3A, %dma_wait3A_120, %dma_wait3A_121] : memref<32x64x125xi32, #tpu.memory_space<hbm>> -> memref<1x64x125xi32, #tpu.memory_space<hbm>>
      %dma_wait3A_123 = tpu.memref_squeeze %dma_wait3A_122 : memref<1x64x125xi32, #tpu.memory_space<hbm>> -> memref<64x125xi32, #tpu.memory_space<hbm>>
      tpu.wait_dma2 semaphore(%run_scoped3A : memref<!tpu.dma_semaphore, #tpu.memory_space<semaphore_mem>>) src(%dma_wait3A_123 : memref<64x125xi32, #tpu.memory_space<hbm>>) dst(%arg12 : memref<64x125xi32, #tpu.memory_space<vmem>>)
      tpu.yield
    }) : () -> ()
    %dma_start3A = arith.constant 0 : i32
    %dma_start3A_8 = arith.constant 0 : i32
    %dma_start3A_9 = tpu.memref_slice %arg11[%dma_start3A, %dma_start3A_8] : memref<64x125xi32, #tpu.memory_space<vmem>> -> memref<1x125xi32, #tpu.memory_space<vmem>>
    %dma_start3A_10 = tpu.memref_squeeze %dma_start3A_9 : memref<1x125xi32, #tpu.memory_space<vmem>> -> memref<125xi32, #tpu.memory_space<vmem>>
    %dma_start3A_11 = arith.constant 0 : i32
    %dma_start3A_12 = arith.constant 0 : i32
    %dma_start3A_13 = tpu.memref_slice %arg2[%dma_start3A_11, %dma_start3A_12] : memref<100000x128xf32, #tpu.memory_space<hbm>> -> memref<100000x128xf32, #tpu.memory_space<hbm>>
    tpu.enqueue_indirect_dma source(%dma_start3A_13 : memref<100000x128xf32, #tpu.memory_space<hbm>>) target(%arg14 : memref<125x128xf32, #tpu.memory_space<vmem>>) offsets(%dma_start3A_10 : memref<125xi32, #tpu.memory_space<vmem>>) semaphore(%arg19 : memref<!tpu.dma_semaphore, #tpu.memory_space<semaphore_mem>>)
    %dma_start3A_14 = arith.constant 1 : i32
    %dma_start3A_15 = arith.constant 0 : i32
    %dma_start3A_16 = tpu.memref_slice %arg11[%dma_start3A_14, %dma_start3A_15] : memref<64x125xi32, #tpu.memory_space<vmem>> -> memref<1x125xi32, #tpu.memory_space<vmem>>
    %dma_start3A_17 = tpu.memref_squeeze %dma_start3A_16 : memref<1x125xi32, #tpu.memory_space<vmem>> -> memref<125xi32, #tpu.memory_space<vmem>>
    %dma_start3A_18 = arith.constant 0 : i32
    %dma_start3A_19 = arith.constant 0 : i32
    %dma_start3A_20 = tpu.memref_slice %arg2[%dma_start3A_18, %dma_start3A_19] : memref<100000x128xf32, #tpu.memory_space<hbm>> -> memref<100000x128xf32, #tpu.memory_space<hbm>>
    tpu.enqueue_indirect_dma source(%dma_start3A_20 : memref<100000x128xf32, #tpu.memory_space<hbm>>) target(%arg15 : memref<125x128xf32, #tpu.memory_space<vmem>>) offsets(%dma_start3A_17 : memref<125xi32, #tpu.memory_space<vmem>>) semaphore(%arg20 : memref<!tpu.dma_semaphore, #tpu.memory_space<semaphore_mem>>)
    %dma_start3A_21 = arith.constant 2 : i32
    %dma_start3A_22 = arith.constant 0 : i32
    %dma_start3A_23 = tpu.memref_slice %arg11[%dma_start3A_21, %dma_start3A_22] : memref<64x125xi32, #tpu.memory_space<vmem>> -> memref<1x125xi32, #tpu.memory_space<vmem>>
    %dma_start3A_24 = tpu.memref_squeeze %dma_start3A_23 : memref<1x125xi32, #tpu.memory_space<vmem>> -> memref<125xi32, #tpu.memory_space<vmem>>
    %dma_start3A_25 = arith.constant 0 : i32
    %dma_start3A_26 = arith.constant 0 : i32
    %dma_start3A_27 = tpu.memref_slice %arg2[%dma_start3A_25, %dma_start3A_26] : memref<100000x128xf32, #tpu.memory_space<hbm>> -> memref<100000x128xf32, #tpu.memory_space<hbm>>
    tpu.enqueue_indirect_dma source(%dma_start3A_27 : memref<100000x128xf32, #tpu.memory_space<hbm>>) target(%arg16 : memref<125x128xf32, #tpu.memory_space<vmem>>) offsets(%dma_start3A_24 : memref<125xi32, #tpu.memory_space<vmem>>) semaphore(%arg21 : memref<!tpu.dma_semaphore, #tpu.memory_space<semaphore_mem>>)
    %dma_start3A_28 = arith.constant 3 : i32
    %dma_start3A_29 = arith.constant 0 : i32
    %dma_start3A_30 = tpu.memref_slice %arg11[%dma_start3A_28, %dma_start3A_29] : memref<64x125xi32, #tpu.memory_space<vmem>> -> memref<1x125xi32, #tpu.memory_space<vmem>>
    %dma_start3A_31 = tpu.memref_squeeze %dma_start3A_30 : memref<1x125xi32, #tpu.memory_space<vmem>> -> memref<125xi32, #tpu.memory_space<vmem>>
    %dma_start3A_32 = arith.constant 0 : i32
    %dma_start3A_33 = arith.constant 0 : i32
    %dma_start3A_34 = tpu.memref_slice %arg2[%dma_start3A_32, %dma_start3A_33] : memref<100000x128xf32, #tpu.memory_space<hbm>> -> memref<100000x128xf32, #tpu.memory_space<hbm>>
    tpu.enqueue_indirect_dma source(%dma_start3A_34 : memref<100000x128xf32, #tpu.memory_space<hbm>>) target(%arg17 : memref<125x128xf32, #tpu.memory_space<vmem>>) offsets(%dma_start3A_31 : memref<125xi32, #tpu.memory_space<vmem>>) semaphore(%arg22 : memref<!tpu.dma_semaphore, #tpu.memory_space<semaphore_mem>>)
    %scan3A_35 = arith.constant 0 : i32
    %scan3A_36 = arith.constant 0 : i32
    %scan3A_37 = arith.constant 16 : i32
    %scan3A_38 = arith.addi %scan3A_36, %scan3A_37 : i32
    %scan3A_39 = arith.constant 1 : i32
    scf.for %scan3A_109 = %scan3A_36 to %scan3A_38 step %scan3A_39  : i32 {
      %mul3A_110 = arith.constant 4 : i32
      %mul3A_111 = arith.muli %scan3A_109, %mul3A_110 : i32
      %add3A_112 = arith.constant 0 : i32
      %add3A_113 = arith.addi %mul3A_111, %add3A_112 : i32
      %dma_wait3A = arith.constant 0 : i32
      %dma_wait3A_114 = tpu.memref_slice %arg11[%add3A_113, %dma_wait3A] : memref<64x125xi32, #tpu.memory_space<vmem>> -> memref<1x125xi32, #tpu.memory_space<vmem>>
      %dma_wait3A_115 = tpu.memref_squeeze %dma_wait3A_114 : memref<1x125xi32, #tpu.memory_space<vmem>> -> memref<125xi32, #tpu.memory_space<vmem>>
      %dma_wait3A_116 = arith.constant 0 : i32
      %dma_wait3A_117 = arith.constant 0 : i32
      %dma_wait3A_118 = tpu.memref_slice %arg2[%dma_wait3A_116, %dma_wait3A_117] : memref<100000x128xf32, #tpu.memory_space<hbm>> -> memref<100000x128xf32, #tpu.memory_space<hbm>>
      tpu.wait_indirect_dma semaphore(%arg19 : memref<!tpu.dma_semaphore, #tpu.memory_space<semaphore_mem>>) src(%dma_wait3A_118 : memref<100000x128xf32, #tpu.memory_space<hbm>>) dst(%arg14 : memref<125x128xf32, #tpu.memory_space<vmem>>)
      %scan3A_119 = arith.constant 0 : i32
      %scan3A_120 = arith.constant 0 : i32
      %scan3A_121 = arith.constant 5 : i32
      %scan3A_122 = arith.addi %scan3A_120, %scan3A_121 : i32
      %scan3A_123 = arith.constant 1 : i32
      scf.for %scan3A_192 = %scan3A_120 to %scan3A_122 step %scan3A_123  : i32 {
        %mul3A_193 = arith.constant 25 : i32
        %mul3A_194 = arith.muli %scan3A_192, %mul3A_193 : i32
        %get3A = arith.index_cast %mul3A_194 : i32 to index
        %get3A_195 = arith.constant 0 : index
        %get3A_196 = tpu.vector_load %arg14[%get3A, %get3A_195] {strides = array<i32>} : memref<125x128xf32, #tpu.memory_space<vmem>>, vector<1x16xf32>,
        %get3A_197 = vector.shape_cast %get3A_196 : vector<1x16xf32> to vector<16xf32>
        %get3A_198 = arith.index_cast %mul3A_194 : i32 to index
        %get3A_199 = arith.constant 16 : index
        %get3A_200 = tpu.vector_load %arg14[%get3A_198, %get3A_199] {strides = array<i32>} : memref<125x128xf32, #tpu.memory_space<vmem>>, vector<1x16xf32>,
        %get3A_201 = vector.shape_cast %get3A_200 : vector<1x16xf32> to vector<16xf32>
        %get3A_202 = arith.index_cast %mul3A_194 : i32 to index
        %get3A_203 = arith.constant 32 : index
        %get3A_204 = tpu.vector_load %arg14[%get3A_202, %get3A_203] {strides = array<i32>} : memref<125x128xf32, #tpu.memory_space<vmem>>, vector<1x16xf32>,
        %get3A_205 = vector.shape_cast %get3A_204 : vector<1x16xf32> to vector<16xf32>
        %get3A_206 = arith.index_cast %mul3A_194 : i32 to index
        %get3A_207 = arith.constant 48 : index
        %get3A_208 = tpu.vector_load %arg14[%get3A_206, %get3A_207] {strides = array<i32>} : memref<125x128xf32, #tpu.memory_space<vmem>>, vector<1x16xf32>,
        %get3A_209 = vector.shape_cast %get3A_208 : vector<1x16xf32> to vector<16xf32>
        %get3A_210 = arith.index_cast %mul3A_194 : i32 to index
        %get3A_211 = arith.constant 64 : index
        %get3A_212 = tpu.vector_load %arg14[%get3A_210, %get3A_211] {strides = array<i32>} : memref<125x128xf32, #tpu.memory_space<vmem>>, vector<1x16xf32>,
        %get3A_213 = vector.shape_cast %get3A_212 : vector<1x16xf32> to vector<16xf32>
        %get3A_214 = arith.index_cast %mul3A_194 : i32 to index
        %get3A_215 = arith.constant 80 : index
        %get3A_216 = tpu.vector_load %arg14[%get3A_214, %get3A_215] {strides = array<i32>} : memref<125x128xf32, #tpu.memory_space<vmem>>, vector<1x16xf32>,
        %get3A_217 = vector.shape_cast %get3A_216 : vector<1x16xf32> to vector<16xf32>
        %get3A_218 = arith.index_cast %mul3A_194 : i32 to index
        %get3A_219 = arith.constant 96 : index
        %get3A_220 = tpu.vector_load %arg14[%get3A_218, %get3A_219] {strides = array<i32>} : memref<125x128xf32, #tpu.memory_space<vmem>>, vector<1x16xf32>,
        %get3A_221 = vector.shape_cast %get3A_220 : vector<1x16xf32> to vector<16xf32>
        %get3A_222 = arith.index_cast %mul3A_194 : i32 to index
        %get3A_223 = arith.constant 112 : index
        %get3A_224 = tpu.vector_load %arg14[%get3A_222, %get3A_223] {strides = array<i32>} : memref<125x128xf32, #tpu.memory_space<vmem>>, vector<1x16xf32>,
        %get3A_225 = vector.shape_cast %get3A_224 : vector<1x16xf32> to vector<16xf32>
        %scan3A_226 = arith.constant 1 : i32
        %scan3A_227 = arith.constant 24 : i32
        %scan3A_228 = arith.addi %scan3A_226, %scan3A_227 : i32
        %scan3A_229 = arith.constant 1 : i32
        %scan3A_230:8 = scf.for %scan3A_311 = %scan3A_226 to %scan3A_228 step %scan3A_229 iter_args(%scan3A_312 = %get3A_197, %scan3A_313 = %get3A_201, %scan3A_314 = %get3A_205, %scan3A_315 = %get3A_209, %scan3A_316 = %get3A_213, %scan3A_317 = %get3A_217, %scan3A_318 = %get3A_221, %scan3A_319 = %get3A_225) -> (vector<16xf32>, vector<16xf32>, vector<16xf32>, vector<16xf32>, vector<16xf32>, vector<16xf32>, vector<16xf32>, vector<16xf32>)  : i32 {
          %add3A_320 = arith.addi %mul3A_194, %scan3A_311 : i32
          %get3A_321 = arith.index_cast %add3A_320 : i32 to index
          %get3A_322 = arith.constant 0 : index
          %get3A_323 = tpu.vector_load %arg14[%get3A_321, %get3A_322] {strides = array<i32>} : memref<125x128xf32, #tpu.memory_space<vmem>>, vector<1x16xf32>,
          %get3A_324 = vector.shape_cast %get3A_323 : vector<1x16xf32> to vector<16xf32>
          %add3A_325 = arith.addf %scan3A_312, %get3A_324 : vector<16xf32>
          %add3A_326 = arith.addi %mul3A_194, %scan3A_311 : i32
          %get3A_327 = arith.index_cast %add3A_326 : i32 to index
          %get3A_328 = arith.constant 16 : index
          %get3A_329 = tpu.vector_load %arg14[%get3A_327, %get3A_328] {strides = array<i32>} : memref<125x128xf32, #tpu.memory_space<vmem>>, vector<1x16xf32>,
          %get3A_330 = vector.shape_cast %get3A_329 : vector<1x16xf32> to vector<16xf32>
          %add3A_331 = arith.addf %scan3A_313, %get3A_330 : vector<16xf32>
          %add3A_332 = arith.addi %mul3A_194, %scan3A_311 : i32
          %get3A_333 = arith.index_cast %add3A_332 : i32 to index
          %get3A_334 = arith.constant 32 : index
          %get3A_335 = tpu.vector_load %arg14[%get3A_333, %get3A_334] {strides = array<i32>} : memref<125x128xf32, #tpu.memory_space<vmem>>, vector<1x16xf32>,
          %get3A_336 = vector.shape_cast %get3A_335 : vector<1x16xf32> to vector<16xf32>
          %add3A_337 = arith.addf %scan3A_314, %get3A_336 : vector<16xf32>
          %add3A_338 = arith.addi %mul3A_194, %scan3A_311 : i32
          %get3A_339 = arith.index_cast %add3A_338 : i32 to index
          %get3A_340 = arith.constant 48 : index
          %get3A_341 = tpu.vector_load %arg14[%get3A_339, %get3A_340] {strides = array<i32>} : memref<125x128xf32, #tpu.memory_space<vmem>>, vector<1x16xf32>,
          %get3A_342 = vector.shape_cast %get3A_341 : vector<1x16xf32> to vector<16xf32>
          %add3A_343 = arith.addf %scan3A_315, %get3A_342 : vector<16xf32>
          %add3A_344 = arith.addi %mul3A_194, %scan3A_311 : i32
          %get3A_345 = arith.index_cast %add3A_344 : i32 to index
          %get3A_346 = arith.constant 64 : index
          %get3A_347 = tpu.vector_load %arg14[%get3A_345, %get3A_346] {strides = array<i32>} : memref<125x128xf32, #tpu.memory_space<vmem>>, vector<1x16xf32>,
          %get3A_348 = vector.shape_cast %get3A_347 : vector<1x16xf32> to vector<16xf32>
          %add3A_349 = arith.addf %scan3A_316, %get3A_348 : vector<16xf32>
          %add3A_350 = arith.addi %mul3A_194, %scan3A_311 : i32
          %get3A_351 = arith.index_cast %add3A_350 : i32 to index
          %get3A_352 = arith.constant 80 : index
          %get3A_353 = tpu.vector_load %arg14[%get3A_351, %get3A_352] {strides = array<i32>} : memref<125x128xf32, #tpu.memory_space<vmem>>, vector<1x16xf32>,
          %get3A_354 = vector.shape_cast %get3A_353 : vector<1x16xf32> to vector<16xf32>
          %add3A_355 = arith.addf %scan3A_317, %get3A_354 : vector<16xf32>
          %add3A_356 = arith.addi %mul3A_194, %scan3A_311 : i32
          %get3A_357 = arith.index_cast %add3A_356 : i32 to index
          %get3A_358 = arith.constant 96 : index
          %get3A_359 = tpu.vector_load %arg14[%get3A_357, %get3A_358] {strides = array<i32>} : memref<125x128xf32, #tpu.memory_space<vmem>>, vector<1x16xf32>,
          %get3A_360 = vector.shape_cast %get3A_359 : vector<1x16xf32> to vector<16xf32>
          %add3A_361 = arith.addf %scan3A_318, %get3A_360 : vector<16xf32>
          %add3A_362 = arith.addi %mul3A_194, %scan3A_311 : i32
          %get3A_363 = arith.index_cast %add3A_362 : i32 to index
          %get3A_364 = arith.constant 112 : index
          %get3A_365 = tpu.vector_load %arg14[%get3A_363, %get3A_364] {strides = array<i32>} : memref<125x128xf32, #tpu.memory_space<vmem>>, vector<1x16xf32>,
          %get3A_366 = vector.shape_cast %get3A_365 : vector<1x16xf32> to vector<16xf32>
          %add3A_367 = arith.addf %scan3A_319, %get3A_366 : vector<16xf32>
          scf.yield %add3A_325, %add3A_331, %add3A_337, %add3A_343, %add3A_349, %add3A_355, %add3A_361, %add3A_367 : vector<16xf32>, vector<16xf32>, vector<16xf32>, vector<16xf32>, vector<16xf32>, vector<16xf32>, vector<16xf32>, vector<16xf32>
        }
        %scan3A_231 = arith.constant 24 : i32
        %mul3A_232 = arith.constant 1 : i32
        %mul3A_233 = arith.muli %add3A_113, %mul3A_232 : i32
        %mul3A_234 = arith.constant 5 : i32
        %mul3A_235 = arith.muli %mul3A_233, %mul3A_234 : i32
        %add3A_236 = arith.addi %mul3A_235, %scan3A_192 : i32
        %swap3A = arith.index_cast %add3A_236 : i32 to index
        %swap3A_237 = arith.constant 0 : index
        %swap3A_238 = tpu.vector_load %arg18[%swap3A, %swap3A_237] {strides = array<i32>} : memref<320x128xf32, #tpu.memory_space<vmem>>, vector<1x16xf32>,
        %swap3A_239 = vector.shape_cast %swap3A_238 : vector<1x16xf32> to vector<16xf32>
        %swap3A_240 = vector.shape_cast %scan3A_230#0 : vector<16xf32> to vector<1x16xf32>
        tpu.vector_store %arg18[%swap3A, %swap3A_237], %swap3A_240 {strides = array<i32>} : memref<320x128xf32, #tpu.memory_space<vmem>>, vector<1x16xf32>,
        %mul3A_241 = arith.constant 1 : i32
        %mul3A_242 = arith.muli %add3A_113, %mul3A_241 : i32
        %mul3A_243 = arith.constant 5 : i32
        %mul3A_244 = arith.muli %mul3A_242, %mul3A_243 : i32
        %add3A_245 = arith.addi %mul3A_244, %scan3A_192 : i32
        %swap3A_246 = arith.index_cast %add3A_245 : i32 to index
        %swap3A_247 = arith.constant 16 : index
        %swap3A_248 = tpu.vector_load %arg18[%swap3A_246, %swap3A_247] {strides = array<i32>} : memref<320x128xf32, #tpu.memory_space<vmem>>, vector<1x16xf32>,
        %swap3A_249 = vector.shape_cast %swap3A_248 : vector<1x16xf32> to vector<16xf32>
        %swap3A_250 = vector.shape_cast %scan3A_230#1 : vector<16xf32> to vector<1x16xf32>
        tpu.vector_store %arg18[%swap3A_246, %swap3A_247], %swap3A_250 {strides = array<i32>} : memref<320x128xf32, #tpu.memory_space<vmem>>, vector<1x16xf32>,
        %mul3A_251 = arith.constant 1 : i32
        %mul3A_252 = arith.muli %add3A_113, %mul3A_251 : i32
        %mul3A_253 = arith.constant 5 : i32
        %mul3A_254 = arith.muli %mul3A_252, %mul3A_253 : i32
        %add3A_255 = arith.addi %mul3A_254, %scan3A_192 : i32
        %swap3A_256 = arith.index_cast %add3A_255 : i32 to index
        %swap3A_257 = arith.constant 32 : index
        %swap3A_258 = tpu.vector_load %arg18[%swap3A_256, %swap3A_257] {strides = array<i32>} : memref<320x128xf32, #tpu.memory_space<vmem>>, vector<1x16xf32>,
        %swap3A_259 = vector.shape_cast %swap3A_258 : vector<1x16xf32> to vector<16xf32>
        %swap3A_260 = vector.shape_cast %scan3A_230#2 : vector<16xf32> to vector<1x16xf32>
        tpu.vector_store %arg18[%swap3A_256, %swap3A_257], %swap3A_260 {strides = array<i32>} : memref<320x128xf32, #tpu.memory_space<vmem>>, vector<1x16xf32>,
        %mul3A_261 = arith.constant 1 : i32
        %mul3A_262 = arith.muli %add3A_113, %mul3A_261 : i32
        %mul3A_263 = arith.constant 5 : i32
        %mul3A_264 = arith.muli %mul3A_262, %mul3A_263 : i32
        %add3A_265 = arith.addi %mul3A_264, %scan3A_192 : i32
        %swap3A_266 = arith.index_cast %add3A_265 : i32 to index
        %swap3A_267 = arith.constant 48 : index
        %swap3A_268 = tpu.vector_load %arg18[%swap3A_266, %swap3A_267] {strides = array<i32>} : memref<320x128xf32, #tpu.memory_space<vmem>>, vector<1x16xf32>,
        %swap3A_269 = vector.shape_cast %swap3A_268 : vector<1x16xf32> to vector<16xf32>
        %swap3A_270 = vector.shape_cast %scan3A_230#3 : vector<16xf32> to vector<1x16xf32>
        tpu.vector_store %arg18[%swap3A_266, %swap3A_267], %swap3A_270 {strides = array<i32>} : memref<320x128xf32, #tpu.memory_space<vmem>>, vector<1x16xf32>,
        %mul3A_271 = arith.constant 1 : i32
        %mul3A_272 = arith.muli %add3A_113, %mul3A_271 : i32
        %mul3A_273 = arith.constant 5 : i32
        %mul3A_274 = arith.muli %mul3A_272, %mul3A_273 : i32
        %add3A_275 = arith.addi %mul3A_274, %scan3A_192 : i32
        %swap3A_276 = arith.index_cast %add3A_275 : i32 to index
        %swap3A_277 = arith.constant 64 : index
        %swap3A_278 = tpu.vector_load %arg18[%swap3A_276, %swap3A_277] {strides = array<i32>} : memref<320x128xf32, #tpu.memory_space<vmem>>, vector<1x16xf32>,
        %swap3A_279 = vector.shape_cast %swap3A_278 : vector<1x16xf32> to vector<16xf32>
        %swap3A_280 = vector.shape_cast %scan3A_230#4 : vector<16xf32> to vector<1x16xf32>
        tpu.vector_store %arg18[%swap3A_276, %swap3A_277], %swap3A_280 {strides = array<i32>} : memref<320x128xf32, #tpu.memory_space<vmem>>, vector<1x16xf32>,
        %mul3A_281 = arith.constant 1 : i32
        %mul3A_282 = arith.muli %add3A_113, %mul3A_281 : i32
        %mul3A_283 = arith.constant 5 : i32
        %mul3A_284 = arith.muli %mul3A_282, %mul3A_283 : i32
        %add3A_285 = arith.addi %mul3A_284, %scan3A_192 : i32
        %swap3A_286 = arith.index_cast %add3A_285 : i32 to index
        %swap3A_287 = arith.constant 80 : index
        %swap3A_288 = tpu.vector_load %arg18[%swap3A_286, %swap3A_287] {strides = array<i32>} : memref<320x128xf32, #tpu.memory_space<vmem>>, vector<1x16xf32>,
        %swap3A_289 = vector.shape_cast %swap3A_288 : vector<1x16xf32> to vector<16xf32>
        %swap3A_290 = vector.shape_cast %scan3A_230#5 : vector<16xf32> to vector<1x16xf32>
        tpu.vector_store %arg18[%swap3A_286, %swap3A_287], %swap3A_290 {strides = array<i32>} : memref<320x128xf32, #tpu.memory_space<vmem>>, vector<1x16xf32>,
        %mul3A_291 = arith.constant 1 : i32
        %mul3A_292 = arith.muli %add3A_113, %mul3A_291 : i32
        %mul3A_293 = arith.constant 5 : i32
        %mul3A_294 = arith.muli %mul3A_292, %mul3A_293 : i32
        %add3A_295 = arith.addi %mul3A_294, %scan3A_192 : i32
        %swap3A_296 = arith.index_cast %add3A_295 : i32 to index
        %swap3A_297 = arith.constant 96 : index
        %swap3A_298 = tpu.vector_load %arg18[%swap3A_296, %swap3A_297] {strides = array<i32>} : memref<320x128xf32, #tpu.memory_space<vmem>>, vector<1x16xf32>,
        %swap3A_299 = vector.shape_cast %swap3A_298 : vector<1x16xf32> to vector<16xf32>
        %swap3A_300 = vector.shape_cast %scan3A_230#6 : vector<16xf32> to vector<1x16xf32>
        tpu.vector_store %arg18[%swap3A_296, %swap3A_297], %swap3A_300 {strides = array<i32>} : memref<320x128xf32, #tpu.memory_space<vmem>>, vector<1x16xf32>,
        %mul3A_301 = arith.constant 1 : i32
        %mul3A_302 = arith.muli %add3A_113, %mul3A_301 : i32
        %mul3A_303 = arith.constant 5 : i32
        %mul3A_304 = arith.muli %mul3A_302, %mul3A_303 : i32
        %add3A_305 = arith.addi %mul3A_304, %scan3A_192 : i32
        %swap3A_306 = arith.index_cast %add3A_305 : i32 to index
        %swap3A_307 = arith.constant 112 : index
        %swap3A_308 = tpu.vector_load %arg18[%swap3A_306, %swap3A_307] {strides = array<i32>} : memref<320x128xf32, #tpu.memory_space<vmem>>, vector<1x16xf32>,
        %swap3A_309 = vector.shape_cast %swap3A_308 : vector<1x16xf32> to vector<16xf32>
        %swap3A_310 = vector.shape_cast %scan3A_230#7 : vector<16xf32> to vector<1x16xf32>
        tpu.vector_store %arg18[%swap3A_306, %swap3A_307], %swap3A_310 {strides = array<i32>} : memref<320x128xf32, #tpu.memory_space<vmem>>, vector<1x16xf32>,
      }
      %scan3A_124 = arith.constant 5 : i32
      %add3A_125 = arith.constant 4 : i32
      %add3A_126 = arith.addi %add3A_113, %add3A_125 : i32
      %lt3A = arith.constant 64 : i32
      %lt3A_127 = arith.cmpi slt, %add3A_126, %lt3A : i32
      %convert_element_type3A = arith.extui %lt3A_127 : i1 to i32
      %cond3A = arith.constant 0 : i32
      %cond3A_128 = arith.cmpi ne, %convert_element_type3A, %cond3A : i32
      scf.if %cond3A_128 {
        %add3A_192 = arith.constant 4 : i32
        %add3A_193 = arith.addi %add3A_113, %add3A_192 : i32
        %dma_start3A_194 = arith.constant 0 : i32
        %dma_start3A_195 = tpu.memref_slice %arg11[%add3A_193, %dma_start3A_194] : memref<64x125xi32, #tpu.memory_space<vmem>> -> memref<1x125xi32, #tpu.memory_space<vmem>>
        %dma_start3A_196 = tpu.memref_squeeze %dma_start3A_195 : memref<1x125xi32, #tpu.memory_space<vmem>> -> memref<125xi32, #tpu.memory_space<vmem>>
        %dma_start3A_197 = arith.constant 0 : i32
        %dma_start3A_198 = arith.constant 0 : i32
        %dma_start3A_199 = tpu.memref_slice %arg2[%dma_start3A_197, %dma_start3A_198] : memref<100000x128xf32, #tpu.memory_space<hbm>> -> memref<100000x128xf32, #tpu.memory_space<hbm>>
        tpu.enqueue_indirect_dma source(%dma_start3A_199 : memref<100000x128xf32, #tpu.memory_space<hbm>>) target(%arg14 : memref<125x128xf32, #tpu.memory_space<vmem>>) offsets(%dma_start3A_196 : memref<125xi32, #tpu.memory_space<vmem>>) semaphore(%arg19 : memref<!tpu.dma_semaphore, #tpu.memory_space<semaphore_mem>>)
      } else {
      }
      %add3A_129 = arith.constant 1 : i32
      %add3A_130 = arith.addi %mul3A_111, %add3A_129 : i32
      %dma_wait3A_131 = arith.constant 0 : i32
      %dma_wait3A_132 = tpu.memref_slice %arg11[%add3A_130, %dma_wait3A_131] : memref<64x125xi32, #tpu.memory_space<vmem>> -> memref<1x125xi32, #tpu.memory_space<vmem>>
      %dma_wait3A_133 = tpu.memref_squeeze %dma_wait3A_132 : memref<1x125xi32, #tpu.memory_space<vmem>> -> memref<125xi32, #tpu.memory_space<vmem>>
      %dma_wait3A_134 = arith.constant 0 : i32
      %dma_wait3A_135 = arith.constant 0 : i32
      %dma_wait3A_136 = tpu.memref_slice %arg2[%dma_wait3A_134, %dma_wait3A_135] : memref<100000x128xf32, #tpu.memory_space<hbm>> -> memref<100000x128xf32, #tpu.memory_space<hbm>>
      tpu.wait_indirect_dma semaphore(%arg20 : memref<!tpu.dma_semaphore, #tpu.memory_space<semaphore_mem>>) src(%dma_wait3A_136 : memref<100000x128xf32, #tpu.memory_space<hbm>>) dst(%arg15 : memref<125x128xf32, #tpu.memory_space<vmem>>)
      %scan3A_137 = arith.constant 0 : i32
      %scan3A_138 = arith.constant 0 : i32
      %scan3A_139 = arith.constant 5 : i32
      %scan3A_140 = arith.addi %scan3A_138, %scan3A_139 : i32
      %scan3A_141 = arith.constant 1 : i32
      scf.for %scan3A_192 = %scan3A_138 to %scan3A_140 step %scan3A_141  : i32 {
        %mul3A_193 = arith.constant 25 : i32
        %mul3A_194 = arith.muli %scan3A_192, %mul3A_193 : i32
        %get3A = arith.index_cast %mul3A_194 : i32 to index
        %get3A_195 = arith.constant 0 : index
        %get3A_196 = tpu.vector_load %arg15[%get3A, %get3A_195] {strides = array<i32>} : memref<125x128xf32, #tpu.memory_space<vmem>>, vector<1x16xf32>,
        %get3A_197 = vector.shape_cast %get3A_196 : vector<1x16xf32> to vector<16xf32>
        %get3A_198 = arith.index_cast %mul3A_194 : i32 to index
        %get3A_199 = arith.constant 16 : index
        %get3A_200 = tpu.vector_load %arg15[%get3A_198, %get3A_199] {strides = array<i32>} : memref<125x128xf32, #tpu.memory_space<vmem>>, vector<1x16xf32>,
        %get3A_201 = vector.shape_cast %get3A_200 : vector<1x16xf32> to vector<16xf32>
        %get3A_202 = arith.index_cast %mul3A_194 : i32 to index
        %get3A_203 = arith.constant 32 : index
        %get3A_204 = tpu.vector_load %arg15[%get3A_202, %get3A_203] {strides = array<i32>} : memref<125x128xf32, #tpu.memory_space<vmem>>, vector<1x16xf32>,
        %get3A_205 = vector.shape_cast %get3A_204 : vector<1x16xf32> to vector<16xf32>
        %get3A_206 = arith.index_cast %mul3A_194 : i32 to index
        %get3A_207 = arith.constant 48 : index
        %get3A_208 = tpu.vector_load %arg15[%get3A_206, %get3A_207] {strides = array<i32>} : memref<125x128xf32, #tpu.memory_space<vmem>>, vector<1x16xf32>,
        %get3A_209 = vector.shape_cast %get3A_208 : vector<1x16xf32> to vector<16xf32>
        %get3A_210 = arith.index_cast %mul3A_194 : i32 to index
        %get3A_211 = arith.constant 64 : index
        %get3A_212 = tpu.vector_load %arg15[%get3A_210, %get3A_211] {strides = array<i32>} : memref<125x128xf32, #tpu.memory_space<vmem>>, vector<1x16xf32>,
        %get3A_213 = vector.shape_cast %get3A_212 : vector<1x16xf32> to vector<16xf32>
        %get3A_214 = arith.index_cast %mul3A_194 : i32 to index
        %get3A_215 = arith.constant 80 : index
        %get3A_216 = tpu.vector_load %arg15[%get3A_214, %get3A_215] {strides = array<i32>} : memref<125x128xf32, #tpu.memory_space<vmem>>, vector<1x16xf32>,
        %get3A_217 = vector.shape_cast %get3A_216 : vector<1x16xf32> to vector<16xf32>
        %get3A_218 = arith.index_cast %mul3A_194 : i32 to index
        %get3A_219 = arith.constant 96 : index
        %get3A_220 = tpu.vector_load %arg15[%get3A_218, %get3A_219] {strides = array<i32>} : memref<125x128xf32, #tpu.memory_space<vmem>>, vector<1x16xf32>,
        %get3A_221 = vector.shape_cast %get3A_220 : vector<1x16xf32> to vector<16xf32>
        %get3A_222 = arith.index_cast %mul3A_194 : i32 to index
        %get3A_223 = arith.constant 112 : index
        %get3A_224 = tpu.vector_load %arg15[%get3A_222, %get3A_223] {strides = array<i32>} : memref<125x128xf32, #tpu.memory_space<vmem>>, vector<1x16xf32>,
        %get3A_225 = vector.shape_cast %get3A_224 : vector<1x16xf32> to vector<16xf32>
        %scan3A_226 = arith.constant 1 : i32
        %scan3A_227 = arith.constant 24 : i32
        %scan3A_228 = arith.addi %scan3A_226, %scan3A_227 : i32
        %scan3A_229 = arith.constant 1 : i32
        %scan3A_230:8 = scf.for %scan3A_311 = %scan3A_226 to %scan3A_228 step %scan3A_229 iter_args(%scan3A_312 = %get3A_197, %scan3A_313 = %get3A_201, %scan3A_314 = %get3A_205, %scan3A_315 = %get3A_209, %scan3A_316 = %get3A_213, %scan3A_317 = %get3A_217, %scan3A_318 = %get3A_221, %scan3A_319 = %get3A_225) -> (vector<16xf32>, vector<16xf32>, vector<16xf32>, vector<16xf32>, vector<16xf32>, vector<16xf32>, vector<16xf32>, vector<16xf32>)  : i32 {
          %add3A_320 = arith.addi %mul3A_194, %scan3A_311 : i32
          %get3A_321 = arith.index_cast %add3A_320 : i32 to index
          %get3A_322 = arith.constant 0 : index
          %get3A_323 = tpu.vector_load %arg15[%get3A_321, %get3A_322] {strides = array<i32>} : memref<125x128xf32, #tpu.memory_space<vmem>>, vector<1x16xf32>,
          %get3A_324 = vector.shape_cast %get3A_323 : vector<1x16xf32> to vector<16xf32>
          %add3A_325 = arith.addf %scan3A_312, %get3A_324 : vector<16xf32>
          %add3A_326 = arith.addi %mul3A_194, %scan3A_311 : i32
          %get3A_327 = arith.index_cast %add3A_326 : i32 to index
          %get3A_328 = arith.constant 16 : index
          %get3A_329 = tpu.vector_load %arg15[%get3A_327, %get3A_328] {strides = array<i32>} : memref<125x128xf32, #tpu.memory_space<vmem>>, vector<1x16xf32>,
          %get3A_330 = vector.shape_cast %get3A_329 : vector<1x16xf32> to vector<16xf32>
          %add3A_331 = arith.addf %scan3A_313, %get3A_330 : vector<16xf32>
          %add3A_332 = arith.addi %mul3A_194, %scan3A_311 : i32
          %get3A_333 = arith.index_cast %add3A_332 : i32 to index
          %get3A_334 = arith.constant 32 : index
          %get3A_335 = tpu.vector_load %arg15[%get3A_333, %get3A_334] {strides = array<i32>} : memref<125x128xf32, #tpu.memory_space<vmem>>, vector<1x16xf32>,
          %get3A_336 = vector.shape_cast %get3A_335 : vector<1x16xf32> to vector<16xf32>
          %add3A_337 = arith.addf %scan3A_314, %get3A_336 : vector<16xf32>
          %add3A_338 = arith.addi %mul3A_194, %scan3A_311 : i32
          %get3A_339 = arith.index_cast %add3A_338 : i32 to index
          %get3A_340 = arith.constant 48 : index
          %get3A_341 = tpu.vector_load %arg15[%get3A_339, %get3A_340] {strides = array<i32>} : memref<125x128xf32, #tpu.memory_space<vmem>>, vector<1x16xf32>,
          %get3A_342 = vector.shape_cast %get3A_341 : vector<1x16xf32> to vector<16xf32>
          %add3A_343 = arith.addf %scan3A_315, %get3A_342 : vector<16xf32>
          %add3A_344 = arith.addi %mul3A_194, %scan3A_311 : i32
          %get3A_345 = arith.index_cast %add3A_344 : i32 to index
          %get3A_346 = arith.constant 64 : index
          %get3A_347 = tpu.vector_load %arg15[%get3A_345, %get3A_346] {strides = array<i32>} : memref<125x128xf32, #tpu.memory_space<vmem>>, vector<1x16xf32>,
          %get3A_348 = vector.shape_cast %get3A_347 : vector<1x16xf32> to vector<16xf32>
          %add3A_349 = arith.addf %scan3A_316, %get3A_348 : vector<16xf32>
          %add3A_350 = arith.addi %mul3A_194, %scan3A_311 : i32
          %get3A_351 = arith.index_cast %add3A_350 : i32 to index
          %get3A_352 = arith.constant 80 : index
          %get3A_353 = tpu.vector_load %arg15[%get3A_351, %get3A_352] {strides = array<i32>} : memref<125x128xf32, #tpu.memory_space<vmem>>, vector<1x16xf32>,
          %get3A_354 = vector.shape_cast %get3A_353 : vector<1x16xf32> to vector<16xf32>
          %add3A_355 = arith.addf %scan3A_317, %get3A_354 : vector<16xf32>
          %add3A_356 = arith.addi %mul3A_194, %scan3A_311 : i32
          %get3A_357 = arith.index_cast %add3A_356 : i32 to index
          %get3A_358 = arith.constant 96 : index
          %get3A_359 = tpu.vector_load %arg15[%get3A_357, %get3A_358] {strides = array<i32>} : memref<125x128xf32, #tpu.memory_space<vmem>>, vector<1x16xf32>,
          %get3A_360 = vector.shape_cast %get3A_359 : vector<1x16xf32> to vector<16xf32>
          %add3A_361 = arith.addf %scan3A_318, %get3A_360 : vector<16xf32>
          %add3A_362 = arith.addi %mul3A_194, %scan3A_311 : i32
          %get3A_363 = arith.index_cast %add3A_362 : i32 to index
          %get3A_364 = arith.constant 112 : index
          %get3A_365 = tpu.vector_load %arg15[%get3A_363, %get3A_364] {strides = array<i32>} : memref<125x128xf32, #tpu.memory_space<vmem>>, vector<1x16xf32>,
          %get3A_366 = vector.shape_cast %get3A_365 : vector<1x16xf32> to vector<16xf32>
          %add3A_367 = arith.addf %scan3A_319, %get3A_366 : vector<16xf32>
          scf.yield %add3A_325, %add3A_331, %add3A_337, %add3A_343, %add3A_349, %add3A_355, %add3A_361, %add3A_367 : vector<16xf32>, vector<16xf32>, vector<16xf32>, vector<16xf32>, vector<16xf32>, vector<16xf32>, vector<16xf32>, vector<16xf32>
        }
        %scan3A_231 = arith.constant 24 : i32
        %mul3A_232 = arith.constant 1 : i32
        %mul3A_233 = arith.muli %add3A_130, %mul3A_232 : i32
        %mul3A_234 = arith.constant 5 : i32
        %mul3A_235 = arith.muli %mul3A_233, %mul3A_234 : i32
        %add3A_236 = arith.addi %mul3A_235, %scan3A_192 : i32
        %swap3A = arith.index_cast %add3A_236 : i32 to index
        %swap3A_237 = arith.constant 0 : index
        %swap3A_238 = tpu.vector_load %arg18[%swap3A, %swap3A_237] {strides = array<i32>} : memref<320x128xf32, #tpu.memory_space<vmem>>, vector<1x16xf32>,
        %swap3A_239 = vector.shape_cast %swap3A_238 : vector<1x16xf32> to vector<16xf32>
        %swap3A_240 = vector.shape_cast %scan3A_230#0 : vector<16xf32> to vector<1x16xf32>
        tpu.vector_store %arg18[%swap3A, %swap3A_237], %swap3A_240 {strides = array<i32>} : memref<320x128xf32, #tpu.memory_space<vmem>>, vector<1x16xf32>,
        %mul3A_241 = arith.constant 1 : i32
        %mul3A_242 = arith.muli %add3A_130, %mul3A_241 : i32
        %mul3A_243 = arith.constant 5 : i32
        %mul3A_244 = arith.muli %mul3A_242, %mul3A_243 : i32
        %add3A_245 = arith.addi %mul3A_244, %scan3A_192 : i32
        %swap3A_246 = arith.index_cast %add3A_245 : i32 to index
        %swap3A_247 = arith.constant 16 : index
        %swap3A_248 = tpu.vector_load %arg18[%swap3A_246, %swap3A_247] {strides = array<i32>} : memref<320x128xf32, #tpu.memory_space<vmem>>, vector<1x16xf32>,
        %swap3A_249 = vector.shape_cast %swap3A_248 : vector<1x16xf32> to vector<16xf32>
        %swap3A_250 = vector.shape_cast %scan3A_230#1 : vector<16xf32> to vector<1x16xf32>
        tpu.vector_store %arg18[%swap3A_246, %swap3A_247], %swap3A_250 {strides = array<i32>} : memref<320x128xf32, #tpu.memory_space<vmem>>, vector<1x16xf32>,
        %mul3A_251 = arith.constant 1 : i32
        %mul3A_252 = arith.muli %add3A_130, %mul3A_251 : i32
        %mul3A_253 = arith.constant 5 : i32
        %mul3A_254 = arith.muli %mul3A_252, %mul3A_253 : i32
        %add3A_255 = arith.addi %mul3A_254, %scan3A_192 : i32
        %swap3A_256 = arith.index_cast %add3A_255 : i32 to index
        %swap3A_257 = arith.constant 32 : index
        %swap3A_258 = tpu.vector_load %arg18[%swap3A_256, %swap3A_257] {strides = array<i32>} : memref<320x128xf32, #tpu.memory_space<vmem>>, vector<1x16xf32>,
        %swap3A_259 = vector.shape_cast %swap3A_258 : vector<1x16xf32> to vector<16xf32>
        %swap3A_260 = vector.shape_cast %scan3A_230#2 : vector<16xf32> to vector<1x16xf32>
        tpu.vector_store %arg18[%swap3A_256, %swap3A_257], %swap3A_260 {strides = array<i32>} : memref<320x128xf32, #tpu.memory_space<vmem>>, vector<1x16xf32>,
        %mul3A_261 = arith.constant 1 : i32
        %mul3A_262 = arith.muli %add3A_130, %mul3A_261 : i32
        %mul3A_263 = arith.constant 5 : i32
        %mul3A_264 = arith.muli %mul3A_262, %mul3A_263 : i32
        %add3A_265 = arith.addi %mul3A_264, %scan3A_192 : i32
        %swap3A_266 = arith.index_cast %add3A_265 : i32 to index
        %swap3A_267 = arith.constant 48 : index
        %swap3A_268 = tpu.vector_load %arg18[%swap3A_266, %swap3A_267] {strides = array<i32>} : memref<320x128xf32, #tpu.memory_space<vmem>>, vector<1x16xf32>,
        %swap3A_269 = vector.shape_cast %swap3A_268 : vector<1x16xf32> to vector<16xf32>
        %swap3A_270 = vector.shape_cast %scan3A_230#3 : vector<16xf32> to vector<1x16xf32>
        tpu.vector_store %arg18[%swap3A_266, %swap3A_267], %swap3A_270 {strides = array<i32>} : memref<320x128xf32, #tpu.memory_space<vmem>>, vector<1x16xf32>,
        %mul3A_271 = arith.constant 1 : i32
        %mul3A_272 = arith.muli %add3A_130, %mul3A_271 : i32
        %mul3A_273 = arith.constant 5 : i32
        %mul3A_274 = arith.muli %mul3A_272, %mul3A_273 : i32
        %add3A_275 = arith.addi %mul3A_274, %scan3A_192 : i32
        %swap3A_276 = arith.index_cast %add3A_275 : i32 to index
        %swap3A_277 = arith.constant 64 : index
        %swap3A_278 = tpu.vector_load %arg18[%swap3A_276, %swap3A_277] {strides = array<i32>} : memref<320x128xf32, #tpu.memory_space<vmem>>, vector<1x16xf32>,
        %swap3A_279 = vector.shape_cast %swap3A_278 : vector<1x16xf32> to vector<16xf32>
        %swap3A_280 = vector.shape_cast %scan3A_230#4 : vector<16xf32> to vector<1x16xf32>
        tpu.vector_store %arg18[%swap3A_276, %swap3A_277], %swap3A_280 {strides = array<i32>} : memref<320x128xf32, #tpu.memory_space<vmem>>, vector<1x16xf32>,
        %mul3A_281 = arith.constant 1 : i32
        %mul3A_282 = arith.muli %add3A_130, %mul3A_281 : i32
        %mul3A_283 = arith.constant 5 : i32
        %mul3A_284 = arith.muli %mul3A_282, %mul3A_283 : i32
        %add3A_285 = arith.addi %mul3A_284, %scan3A_192 : i32
        %swap3A_286 = arith.index_cast %add3A_285 : i32 to index
        %swap3A_287 = arith.constant 80 : index
        %swap3A_288 = tpu.vector_load %arg18[%swap3A_286, %swap3A_287] {strides = array<i32>} : memref<320x128xf32, #tpu.memory_space<vmem>>, vector<1x16xf32>,
        %swap3A_289 = vector.shape_cast %swap3A_288 : vector<1x16xf32> to vector<16xf32>
        %swap3A_290 = vector.shape_cast %scan3A_230#5 : vector<16xf32> to vector<1x16xf32>
        tpu.vector_store %arg18[%swap3A_286, %swap3A_287], %swap3A_290 {strides = array<i32>} : memref<320x128xf32, #tpu.memory_space<vmem>>, vector<1x16xf32>,
        %mul3A_291 = arith.constant 1 : i32
        %mul3A_292 = arith.muli %add3A_130, %mul3A_291 : i32
        %mul3A_293 = arith.constant 5 : i32
        %mul3A_294 = arith.muli %mul3A_292, %mul3A_293 : i32
        %add3A_295 = arith.addi %mul3A_294, %scan3A_192 : i32
        %swap3A_296 = arith.index_cast %add3A_295 : i32 to index
        %swap3A_297 = arith.constant 96 : index
        %swap3A_298 = tpu.vector_load %arg18[%swap3A_296, %swap3A_297] {strides = array<i32>} : memref<320x128xf32, #tpu.memory_space<vmem>>, vector<1x16xf32>,
        %swap3A_299 = vector.shape_cast %swap3A_298 : vector<1x16xf32> to vector<16xf32>
        %swap3A_300 = vector.shape_cast %scan3A_230#6 : vector<16xf32> to vector<1x16xf32>
        tpu.vector_store %arg18[%swap3A_296, %swap3A_297], %swap3A_300 {strides = array<i32>} : memref<320x128xf32, #tpu.memory_space<vmem>>, vector<1x16xf32>,
        %mul3A_301 = arith.constant 1 : i32
        %mul3A_302 = arith.muli %add3A_130, %mul3A_301 : i32
        %mul3A_303 = arith.constant 5 : i32
        %mul3A_304 = arith.muli %mul3A_302, %mul3A_303 : i32
        %add3A_305 = arith.addi %mul3A_304, %scan3A_192 : i32
        %swap3A_306 = arith.index_cast %add3A_305 : i32 to index
        %swap3A_307 = arith.constant 112 : index
        %swap3A_308 = tpu.vector_load %arg18[%swap3A_306, %swap3A_307] {strides = array<i32>} : memref<320x128xf32, #tpu.memory_space<vmem>>, vector<1x16xf32>,
        %swap3A_309 = vector.shape_cast %swap3A_308 : vector<1x16xf32> to vector<16xf32>
        %swap3A_310 = vector.shape_cast %scan3A_230#7 : vector<16xf32> to vector<1x16xf32>
        tpu.vector_store %arg18[%swap3A_306, %swap3A_307], %swap3A_310 {strides = array<i32>} : memref<320x128xf32, #tpu.memory_space<vmem>>, vector<1x16xf32>,
      }
      %scan3A_142 = arith.constant 5 : i32
      %add3A_143 = arith.constant 4 : i32
      %add3A_144 = arith.addi %add3A_130, %add3A_143 : i32
      %lt3A_145 = arith.constant 64 : i32
      %lt3A_146 = arith.cmpi slt, %add3A_144, %lt3A_145 : i32
      %convert_element_type3A_147 = arith.extui %lt3A_146 : i1 to i32
      %cond3A_148 = arith.constant 0 : i32
      %cond3A_149 = arith.cmpi ne, %convert_element_type3A_147, %cond3A_148 : i32
      scf.if %cond3A_149 {
        %add3A_192 = arith.constant 4 : i32
        %add3A_193 = arith.addi %add3A_130, %add3A_192 : i32
        %dma_start3A_194 = arith.constant 0 : i32
        %dma_start3A_195 = tpu.memref_slice %arg11[%add3A_193, %dma_start3A_194] : memref<64x125xi32, #tpu.memory_space<vmem>> -> memref<1x125xi32, #tpu.memory_space<vmem>>
        %dma_start3A_196 = tpu.memref_squeeze %dma_start3A_195 : memref<1x125xi32, #tpu.memory_space<vmem>> -> memref<125xi32, #tpu.memory_space<vmem>>
        %dma_start3A_197 = arith.constant 0 : i32
        %dma_start3A_198 = arith.constant 0 : i32
        %dma_start3A_199 = tpu.memref_slice %arg2[%dma_start3A_197, %dma_start3A_198] : memref<100000x128xf32, #tpu.memory_space<hbm>> -> memref<100000x128xf32, #tpu.memory_space<hbm>>
        tpu.enqueue_indirect_dma source(%dma_start3A_199 : memref<100000x128xf32, #tpu.memory_space<hbm>>) target(%arg15 : memref<125x128xf32, #tpu.memory_space<vmem>>) offsets(%dma_start3A_196 : memref<125xi32, #tpu.memory_space<vmem>>) semaphore(%arg20 : memref<!tpu.dma_semaphore, #tpu.memory_space<semaphore_mem>>)
      } else {
      }
      %add3A_150 = arith.constant 2 : i32
      %add3A_151 = arith.addi %mul3A_111, %add3A_150 : i32
      %dma_wait3A_152 = arith.constant 0 : i32
      %dma_wait3A_153 = tpu.memref_slice %arg11[%add3A_151, %dma_wait3A_152] : memref<64x125xi32, #tpu.memory_space<vmem>> -> memref<1x125xi32, #tpu.memory_space<vmem>>
      %dma_wait3A_154 = tpu.memref_squeeze %dma_wait3A_153 : memref<1x125xi32, #tpu.memory_space<vmem>> -> memref<125xi32, #tpu.memory_space<vmem>>
      %dma_wait3A_155 = arith.constant 0 : i32
      %dma_wait3A_156 = arith.constant 0 : i32
      %dma_wait3A_157 = tpu.memref_slice %arg2[%dma_wait3A_155, %dma_wait3A_156] : memref<100000x128xf32, #tpu.memory_space<hbm>> -> memref<100000x128xf32, #tpu.memory_space<hbm>>
      tpu.wait_indirect_dma semaphore(%arg21 : memref<!tpu.dma_semaphore, #tpu.memory_space<semaphore_mem>>) src(%dma_wait3A_157 : memref<100000x128xf32, #tpu.memory_space<hbm>>) dst(%arg16 : memref<125x128xf32, #tpu.memory_space<vmem>>)
      %scan3A_158 = arith.constant 0 : i32
      %scan3A_159 = arith.constant 0 : i32
      %scan3A_160 = arith.constant 5 : i32
      %scan3A_161 = arith.addi %scan3A_159, %scan3A_160 : i32
      %scan3A_162 = arith.constant 1 : i32
      scf.for %scan3A_192 = %scan3A_159 to %scan3A_161 step %scan3A_162  : i32 {
        %mul3A_193 = arith.constant 25 : i32
        %mul3A_194 = arith.muli %scan3A_192, %mul3A_193 : i32
        %get3A = arith.index_cast %mul3A_194 : i32 to index
        %get3A_195 = arith.constant 0 : index
        %get3A_196 = tpu.vector_load %arg16[%get3A, %get3A_195] {strides = array<i32>} : memref<125x128xf32, #tpu.memory_space<vmem>>, vector<1x16xf32>,
        %get3A_197 = vector.shape_cast %get3A_196 : vector<1x16xf32> to vector<16xf32>
        %get3A_198 = arith.index_cast %mul3A_194 : i32 to index
        %get3A_199 = arith.constant 16 : index
        %get3A_200 = tpu.vector_load %arg16[%get3A_198, %get3A_199] {strides = array<i32>} : memref<125x128xf32, #tpu.memory_space<vmem>>, vector<1x16xf32>,
        %get3A_201 = vector.shape_cast %get3A_200 : vector<1x16xf32> to vector<16xf32>
        %get3A_202 = arith.index_cast %mul3A_194 : i32 to index
        %get3A_203 = arith.constant 32 : index
        %get3A_204 = tpu.vector_load %arg16[%get3A_202, %get3A_203] {strides = array<i32>} : memref<125x128xf32, #tpu.memory_space<vmem>>, vector<1x16xf32>,
        %get3A_205 = vector.shape_cast %get3A_204 : vector<1x16xf32> to vector<16xf32>
        %get3A_206 = arith.index_cast %mul3A_194 : i32 to index
        %get3A_207 = arith.constant 48 : index
        %get3A_208 = tpu.vector_load %arg16[%get3A_206, %get3A_207] {strides = array<i32>} : memref<125x128xf32, #tpu.memory_space<vmem>>, vector<1x16xf32>,
        %get3A_209 = vector.shape_cast %get3A_208 : vector<1x16xf32> to vector<16xf32>
        %get3A_210 = arith.index_cast %mul3A_194 : i32 to index
        %get3A_211 = arith.constant 64 : index
        %get3A_212 = tpu.vector_load %arg16[%get3A_210, %get3A_211] {strides = array<i32>} : memref<125x128xf32, #tpu.memory_space<vmem>>, vector<1x16xf32>,
        %get3A_213 = vector.shape_cast %get3A_212 : vector<1x16xf32> to vector<16xf32>
        %get3A_214 = arith.index_cast %mul3A_194 : i32 to index
        %get3A_215 = arith.constant 80 : index
        %get3A_216 = tpu.vector_load %arg16[%get3A_214, %get3A_215] {strides = array<i32>} : memref<125x128xf32, #tpu.memory_space<vmem>>, vector<1x16xf32>,
        %get3A_217 = vector.shape_cast %get3A_216 : vector<1x16xf32> to vector<16xf32>
        %get3A_218 = arith.index_cast %mul3A_194 : i32 to index
        %get3A_219 = arith.constant 96 : index
        %get3A_220 = tpu.vector_load %arg16[%get3A_218, %get3A_219] {strides = array<i32>} : memref<125x128xf32, #tpu.memory_space<vmem>>, vector<1x16xf32>,
        %get3A_221 = vector.shape_cast %get3A_220 : vector<1x16xf32> to vector<16xf32>
        %get3A_222 = arith.index_cast %mul3A_194 : i32 to index
        %get3A_223 = arith.constant 112 : index
        %get3A_224 = tpu.vector_load %arg16[%get3A_222, %get3A_223] {strides = array<i32>} : memref<125x128xf32, #tpu.memory_space<vmem>>, vector<1x16xf32>,
        %get3A_225 = vector.shape_cast %get3A_224 : vector<1x16xf32> to vector<16xf32>
        %scan3A_226 = arith.constant 1 : i32
        %scan3A_227 = arith.constant 24 : i32
        %scan3A_228 = arith.addi %scan3A_226, %scan3A_227 : i32
        %scan3A_229 = arith.constant 1 : i32
        %scan3A_230:8 = scf.for %scan3A_311 = %scan3A_226 to %scan3A_228 step %scan3A_229 iter_args(%scan3A_312 = %get3A_197, %scan3A_313 = %get3A_201, %scan3A_314 = %get3A_205, %scan3A_315 = %get3A_209, %scan3A_316 = %get3A_213, %scan3A_317 = %get3A_217, %scan3A_318 = %get3A_221, %scan3A_319 = %get3A_225) -> (vector<16xf32>, vector<16xf32>, vector<16xf32>, vector<16xf32>, vector<16xf32>, vector<16xf32>, vector<16xf32>, vector<16xf32>)  : i32 {
          %add3A_320 = arith.addi %mul3A_194, %scan3A_311 : i32
          %get3A_321 = arith.index_cast %add3A_320 : i32 to index
          %get3A_322 = arith.constant 0 : index
          %get3A_323 = tpu.vector_load %arg16[%get3A_321, %get3A_322] {strides = array<i32>} : memref<125x128xf32, #tpu.memory_space<vmem>>, vector<1x16xf32>,
          %get3A_324 = vector.shape_cast %get3A_323 : vector<1x16xf32> to vector<16xf32>
          %add3A_325 = arith.addf %scan3A_312, %get3A_324 : vector<16xf32>
          %add3A_326 = arith.addi %mul3A_194, %scan3A_311 : i32
          %get3A_327 = arith.index_cast %add3A_326 : i32 to index
          %get3A_328 = arith.constant 16 : index
          %get3A_329 = tpu.vector_load %arg16[%get3A_327, %get3A_328] {strides = array<i32>} : memref<125x128xf32, #tpu.memory_space<vmem>>, vector<1x16xf32>,
          %get3A_330 = vector.shape_cast %get3A_329 : vector<1x16xf32> to vector<16xf32>
          %add3A_331 = arith.addf %scan3A_313, %get3A_330 : vector<16xf32>
          %add3A_332 = arith.addi %mul3A_194, %scan3A_311 : i32
          %get3A_333 = arith.index_cast %add3A_332 : i32 to index
          %get3A_334 = arith.constant 32 : index
          %get3A_335 = tpu.vector_load %arg16[%get3A_333, %get3A_334] {strides = array<i32>} : memref<125x128xf32, #tpu.memory_space<vmem>>, vector<1x16xf32>,
          %get3A_336 = vector.shape_cast %get3A_335 : vector<1x16xf32> to vector<16xf32>
          %add3A_337 = arith.addf %scan3A_314, %get3A_336 : vector<16xf32>
          %add3A_338 = arith.addi %mul3A_194, %scan3A_311 : i32
          %get3A_339 = arith.index_cast %add3A_338 : i32 to index
          %get3A_340 = arith.constant 48 : index
          %get3A_341 = tpu.vector_load %arg16[%get3A_339, %get3A_340] {strides = array<i32>} : memref<125x128xf32, #tpu.memory_space<vmem>>, vector<1x16xf32>,
          %get3A_342 = vector.shape_cast %get3A_341 : vector<1x16xf32> to vector<16xf32>
          %add3A_343 = arith.addf %scan3A_315, %get3A_342 : vector<16xf32>
          %add3A_344 = arith.addi %mul3A_194, %scan3A_311 : i32
          %get3A_345 = arith.index_cast %add3A_344 : i32 to index
          %get3A_346 = arith.constant 64 : index
          %get3A_347 = tpu.vector_load %arg16[%get3A_345, %get3A_346] {strides = array<i32>} : memref<125x128xf32, #tpu.memory_space<vmem>>, vector<1x16xf32>,
          %get3A_348 = vector.shape_cast %get3A_347 : vector<1x16xf32> to vector<16xf32>
          %add3A_349 = arith.addf %scan3A_316, %get3A_348 : vector<16xf32>
          %add3A_350 = arith.addi %mul3A_194, %scan3A_311 : i32
          %get3A_351 = arith.index_cast %add3A_350 : i32 to index
          %get3A_352 = arith.constant 80 : index
          %get3A_353 = tpu.vector_load %arg16[%get3A_351, %get3A_352] {strides = array<i32>} : memref<125x128xf32, #tpu.memory_space<vmem>>, vector<1x16xf32>,
          %get3A_354 = vector.shape_cast %get3A_353 : vector<1x16xf32> to vector<16xf32>
          %add3A_355 = arith.addf %scan3A_317, %get3A_354 : vector<16xf32>
          %add3A_356 = arith.addi %mul3A_194, %scan3A_311 : i32
          %get3A_357 = arith.index_cast %add3A_356 : i32 to index
          %get3A_358 = arith.constant 96 : index
          %get3A_359 = tpu.vector_load %arg16[%get3A_357, %get3A_358] {strides = array<i32>} : memref<125x128xf32, #tpu.memory_space<vmem>>, vector<1x16xf32>,
          %get3A_360 = vector.shape_cast %get3A_359 : vector<1x16xf32> to vector<16xf32>
          %add3A_361 = arith.addf %scan3A_318, %get3A_360 : vector<16xf32>
          %add3A_362 = arith.addi %mul3A_194, %scan3A_311 : i32
          %get3A_363 = arith.index_cast %add3A_362 : i32 to index
          %get3A_364 = arith.constant 112 : index
          %get3A_365 = tpu.vector_load %arg16[%get3A_363, %get3A_364] {strides = array<i32>} : memref<125x128xf32, #tpu.memory_space<vmem>>, vector<1x16xf32>,
          %get3A_366 = vector.shape_cast %get3A_365 : vector<1x16xf32> to vector<16xf32>
          %add3A_367 = arith.addf %scan3A_319, %get3A_366 : vector<16xf32>
          scf.yield %add3A_325, %add3A_331, %add3A_337, %add3A_343, %add3A_349, %add3A_355, %add3A_361, %add3A_367 : vector<16xf32>, vector<16xf32>, vector<16xf32>, vector<16xf32>, vector<16xf32>, vector<16xf32>, vector<16xf32>, vector<16xf32>
        }
        %scan3A_231 = arith.constant 24 : i32
        %mul3A_232 = arith.constant 1 : i32
        %mul3A_233 = arith.muli %add3A_151, %mul3A_232 : i32
        %mul3A_234 = arith.constant 5 : i32
        %mul3A_235 = arith.muli %mul3A_233, %mul3A_234 : i32
        %add3A_236 = arith.addi %mul3A_235, %scan3A_192 : i32
        %swap3A = arith.index_cast %add3A_236 : i32 to index
        %swap3A_237 = arith.constant 0 : index
        %swap3A_238 = tpu.vector_load %arg18[%swap3A, %swap3A_237] {strides = array<i32>} : memref<320x128xf32, #tpu.memory_space<vmem>>, vector<1x16xf32>,
        %swap3A_239 = vector.shape_cast %swap3A_238 : vector<1x16xf32> to vector<16xf32>
        %swap3A_240 = vector.shape_cast %scan3A_230#0 : vector<16xf32> to vector<1x16xf32>
        tpu.vector_store %arg18[%swap3A, %swap3A_237], %swap3A_240 {strides = array<i32>} : memref<320x128xf32, #tpu.memory_space<vmem>>, vector<1x16xf32>,
        %mul3A_241 = arith.constant 1 : i32
        %mul3A_242 = arith.muli %add3A_151, %mul3A_241 : i32
        %mul3A_243 = arith.constant 5 : i32
        %mul3A_244 = arith.muli %mul3A_242, %mul3A_243 : i32
        %add3A_245 = arith.addi %mul3A_244, %scan3A_192 : i32
        %swap3A_246 = arith.index_cast %add3A_245 : i32 to index
        %swap3A_247 = arith.constant 16 : index
        %swap3A_248 = tpu.vector_load %arg18[%swap3A_246, %swap3A_247] {strides = array<i32>} : memref<320x128xf32, #tpu.memory_space<vmem>>, vector<1x16xf32>,
        %swap3A_249 = vector.shape_cast %swap3A_248 : vector<1x16xf32> to vector<16xf32>
        %swap3A_250 = vector.shape_cast %scan3A_230#1 : vector<16xf32> to vector<1x16xf32>
        tpu.vector_store %arg18[%swap3A_246, %swap3A_247], %swap3A_250 {strides = array<i32>} : memref<320x128xf32, #tpu.memory_space<vmem>>, vector<1x16xf32>,
        %mul3A_251 = arith.constant 1 : i32
        %mul3A_252 = arith.muli %add3A_151, %mul3A_251 : i32
        %mul3A_253 = arith.constant 5 : i32
        %mul3A_254 = arith.muli %mul3A_252, %mul3A_253 : i32
        %add3A_255 = arith.addi %mul3A_254, %scan3A_192 : i32
        %swap3A_256 = arith.index_cast %add3A_255 : i32 to index
        %swap3A_257 = arith.constant 32 : index
        %swap3A_258 = tpu.vector_load %arg18[%swap3A_256, %swap3A_257] {strides = array<i32>} : memref<320x128xf32, #tpu.memory_space<vmem>>, vector<1x16xf32>,
        %swap3A_259 = vector.shape_cast %swap3A_258 : vector<1x16xf32> to vector<16xf32>
        %swap3A_260 = vector.shape_cast %scan3A_230#2 : vector<16xf32> to vector<1x16xf32>
        tpu.vector_store %arg18[%swap3A_256, %swap3A_257], %swap3A_260 {strides = array<i32>} : memref<320x128xf32, #tpu.memory_space<vmem>>, vector<1x16xf32>,
        %mul3A_261 = arith.constant 1 : i32
        %mul3A_262 = arith.muli %add3A_151, %mul3A_261 : i32
        %mul3A_263 = arith.constant 5 : i32
        %mul3A_264 = arith.muli %mul3A_262, %mul3A_263 : i32
        %add3A_265 = arith.addi %mul3A_264, %scan3A_192 : i32
        %swap3A_266 = arith.index_cast %add3A_265 : i32 to index
        %swap3A_267 = arith.constant 48 : index
        %swap3A_268 = tpu.vector_load %arg18[%swap3A_266, %swap3A_267] {strides = array<i32>} : memref<320x128xf32, #tpu.memory_space<vmem>>, vector<1x16xf32>,
        %swap3A_269 = vector.shape_cast %swap3A_268 : vector<1x16xf32> to vector<16xf32>
        %swap3A_270 = vector.shape_cast %scan3A_230#3 : vector<16xf32> to vector<1x16xf32>
        tpu.vector_store %arg18[%swap3A_266, %swap3A_267], %swap3A_270 {strides = array<i32>} : memref<320x128xf32, #tpu.memory_space<vmem>>, vector<1x16xf32>,
        %mul3A_271 = arith.constant 1 : i32
        %mul3A_272 = arith.muli %add3A_151, %mul3A_271 : i32
        %mul3A_273 = arith.constant 5 : i32
        %mul3A_274 = arith.muli %mul3A_272, %mul3A_273 : i32
        %add3A_275 = arith.addi %mul3A_274, %scan3A_192 : i32
        %swap3A_276 = arith.index_cast %add3A_275 : i32 to index
        %swap3A_277 = arith.constant 64 : index
        %swap3A_278 = tpu.vector_load %arg18[%swap3A_276, %swap3A_277] {strides = array<i32>} : memref<320x128xf32, #tpu.memory_space<vmem>>, vector<1x16xf32>,
        %swap3A_279 = vector.shape_cast %swap3A_278 : vector<1x16xf32> to vector<16xf32>
        %swap3A_280 = vector.shape_cast %scan3A_230#4 : vector<16xf32> to vector<1x16xf32>
        tpu.vector_store %arg18[%swap3A_276, %swap3A_277], %swap3A_280 {strides = array<i32>} : memref<320x128xf32, #tpu.memory_space<vmem>>, vector<1x16xf32>,
        %mul3A_281 = arith.constant 1 : i32
        %mul3A_282 = arith.muli %add3A_151, %mul3A_281 : i32
        %mul3A_283 = arith.constant 5 : i32
        %mul3A_284 = arith.muli %mul3A_282, %mul3A_283 : i32
        %add3A_285 = arith.addi %mul3A_284, %scan3A_192 : i32
        %swap3A_286 = arith.index_cast %add3A_285 : i32 to index
        %swap3A_287 = arith.constant 80 : index
        %swap3A_288 = tpu.vector_load %arg18[%swap3A_286, %swap3A_287] {strides = array<i32>} : memref<320x128xf32, #tpu.memory_space<vmem>>, vector<1x16xf32>,
        %swap3A_289 = vector.shape_cast %swap3A_288 : vector<1x16xf32> to vector<16xf32>
        %swap3A_290 = vector.shape_cast %scan3A_230#5 : vector<16xf32> to vector<1x16xf32>
        tpu.vector_store %arg18[%swap3A_286, %swap3A_287], %swap3A_290 {strides = array<i32>} : memref<320x128xf32, #tpu.memory_space<vmem>>, vector<1x16xf32>,
        %mul3A_291 = arith.constant 1 : i32
        %mul3A_292 = arith.muli %add3A_151, %mul3A_291 : i32
        %mul3A_293 = arith.constant 5 : i32
        %mul3A_294 = arith.muli %mul3A_292, %mul3A_293 : i32
        %add3A_295 = arith.addi %mul3A_294, %scan3A_192 : i32
        %swap3A_296 = arith.index_cast %add3A_295 : i32 to index
        %swap3A_297 = arith.constant 96 : index
        %swap3A_298 = tpu.vector_load %arg18[%swap3A_296, %swap3A_297] {strides = array<i32>} : memref<320x128xf32, #tpu.memory_space<vmem>>, vector<1x16xf32>,
        %swap3A_299 = vector.shape_cast %swap3A_298 : vector<1x16xf32> to vector<16xf32>
        %swap3A_300 = vector.shape_cast %scan3A_230#6 : vector<16xf32> to vector<1x16xf32>
        tpu.vector_store %arg18[%swap3A_296, %swap3A_297], %swap3A_300 {strides = array<i32>} : memref<320x128xf32, #tpu.memory_space<vmem>>, vector<1x16xf32>,
        %mul3A_301 = arith.constant 1 : i32
        %mul3A_302 = arith.muli %add3A_151, %mul3A_301 : i32
        %mul3A_303 = arith.constant 5 : i32
        %mul3A_304 = arith.muli %mul3A_302, %mul3A_303 : i32
        %add3A_305 = arith.addi %mul3A_304, %scan3A_192 : i32
        %swap3A_306 = arith.index_cast %add3A_305 : i32 to index
        %swap3A_307 = arith.constant 112 : index
        %swap3A_308 = tpu.vector_load %arg18[%swap3A_306, %swap3A_307] {strides = array<i32>} : memref<320x128xf32, #tpu.memory_space<vmem>>, vector<1x16xf32>,
        %swap3A_309 = vector.shape_cast %swap3A_308 : vector<1x16xf32> to vector<16xf32>
        %swap3A_310 = vector.shape_cast %scan3A_230#7 : vector<16xf32> to vector<1x16xf32>
        tpu.vector_store %arg18[%swap3A_306, %swap3A_307], %swap3A_310 {strides = array<i32>} : memref<320x128xf32, #tpu.memory_space<vmem>>, vector<1x16xf32>,
      }
      %scan3A_163 = arith.constant 5 : i32
      %add3A_164 = arith.constant 4 : i32
      %add3A_165 = arith.addi %add3A_151, %add3A_164 : i32
      %lt3A_166 = arith.constant 64 : i32
      %lt3A_167 = arith.cmpi slt, %add3A_165, %lt3A_166 : i32
      %convert_element_type3A_168 = arith.extui %lt3A_167 : i1 to i32
      %cond3A_169 = arith.constant 0 : i32
      %cond3A_170 = arith.cmpi ne, %convert_element_type3A_168, %cond3A_169 : i32
      scf.if %cond3A_170 {
        %add3A_192 = arith.constant 4 : i32
        %add3A_193 = arith.addi %add3A_151, %add3A_192 : i32
        %dma_start3A_194 = arith.constant 0 : i32
        %dma_start3A_195 = tpu.memref_slice %arg11[%add3A_193, %dma_start3A_194] : memref<64x125xi32, #tpu.memory_space<vmem>> -> memref<1x125xi32, #tpu.memory_space<vmem>>
        %dma_start3A_196 = tpu.memref_squeeze %dma_start3A_195 : memref<1x125xi32, #tpu.memory_space<vmem>> -> memref<125xi32, #tpu.memory_space<vmem>>
        %dma_start3A_197 = arith.constant 0 : i32
        %dma_start3A_198 = arith.constant 0 : i32
        %dma_start3A_199 = tpu.memref_slice %arg2[%dma_start3A_197, %dma_start3A_198] : memref<100000x128xf32, #tpu.memory_space<hbm>> -> memref<100000x128xf32, #tpu.memory_space<hbm>>
        tpu.enqueue_indirect_dma source(%dma_start3A_199 : memref<100000x128xf32, #tpu.memory_space<hbm>>) target(%arg16 : memref<125x128xf32, #tpu.memory_space<vmem>>) offsets(%dma_start3A_196 : memref<125xi32, #tpu.memory_space<vmem>>) semaphore(%arg21 : memref<!tpu.dma_semaphore, #tpu.memory_space<semaphore_mem>>)
      } else {
      }
      %add3A_171 = arith.constant 3 : i32
      %add3A_172 = arith.addi %mul3A_111, %add3A_171 : i32
      %dma_wait3A_173 = arith.constant 0 : i32
      %dma_wait3A_174 = tpu.memref_slice %arg11[%add3A_172, %dma_wait3A_173] : memref<64x125xi32, #tpu.memory_space<vmem>> -> memref<1x125xi32, #tpu.memory_space<vmem>>
      %dma_wait3A_175 = tpu.memref_squeeze %dma_wait3A_174 : memref<1x125xi32, #tpu.memory_space<vmem>> -> memref<125xi32, #tpu.memory_space<vmem>>
      %dma_wait3A_176 = arith.constant 0 : i32
      %dma_wait3A_177 = arith.constant 0 : i32
      %dma_wait3A_178 = tpu.memref_slice %arg2[%dma_wait3A_176, %dma_wait3A_177] : memref<100000x128xf32, #tpu.memory_space<hbm>> -> memref<100000x128xf32, #tpu.memory_space<hbm>>
      tpu.wait_indirect_dma semaphore(%arg22 : memref<!tpu.dma_semaphore, #tpu.memory_space<semaphore_mem>>) src(%dma_wait3A_178 : memref<100000x128xf32, #tpu.memory_space<hbm>>) dst(%arg17 : memref<125x128xf32, #tpu.memory_space<vmem>>)
      %scan3A_179 = arith.constant 0 : i32
      %scan3A_180 = arith.constant 0 : i32
      %scan3A_181 = arith.constant 5 : i32
      %scan3A_182 = arith.addi %scan3A_180, %scan3A_181 : i32
      %scan3A_183 = arith.constant 1 : i32
      scf.for %scan3A_192 = %scan3A_180 to %scan3A_182 step %scan3A_183  : i32 {
        %mul3A_193 = arith.constant 25 : i32
        %mul3A_194 = arith.muli %scan3A_192, %mul3A_193 : i32
        %get3A = arith.index_cast %mul3A_194 : i32 to index
        %get3A_195 = arith.constant 0 : index
        %get3A_196 = tpu.vector_load %arg17[%get3A, %get3A_195] {strides = array<i32>} : memref<125x128xf32, #tpu.memory_space<vmem>>, vector<1x16xf32>,
        %get3A_197 = vector.shape_cast %get3A_196 : vector<1x16xf32> to vector<16xf32>
        %get3A_198 = arith.index_cast %mul3A_194 : i32 to index
        %get3A_199 = arith.constant 16 : index
        %get3A_200 = tpu.vector_load %arg17[%get3A_198, %get3A_199] {strides = array<i32>} : memref<125x128xf32, #tpu.memory_space<vmem>>, vector<1x16xf32>,
        %get3A_201 = vector.shape_cast %get3A_200 : vector<1x16xf32> to vector<16xf32>
        %get3A_202 = arith.index_cast %mul3A_194 : i32 to index
        %get3A_203 = arith.constant 32 : index
        %get3A_204 = tpu.vector_load %arg17[%get3A_202, %get3A_203] {strides = array<i32>} : memref<125x128xf32, #tpu.memory_space<vmem>>, vector<1x16xf32>,
        %get3A_205 = vector.shape_cast %get3A_204 : vector<1x16xf32> to vector<16xf32>
        %get3A_206 = arith.index_cast %mul3A_194 : i32 to index
        %get3A_207 = arith.constant 48 : index
        %get3A_208 = tpu.vector_load %arg17[%get3A_206, %get3A_207] {strides = array<i32>} : memref<125x128xf32, #tpu.memory_space<vmem>>, vector<1x16xf32>,
        %get3A_209 = vector.shape_cast %get3A_208 : vector<1x16xf32> to vector<16xf32>
        %get3A_210 = arith.index_cast %mul3A_194 : i32 to index
        %get3A_211 = arith.constant 64 : index
        %get3A_212 = tpu.vector_load %arg17[%get3A_210, %get3A_211] {strides = array<i32>} : memref<125x128xf32, #tpu.memory_space<vmem>>, vector<1x16xf32>,
        %get3A_213 = vector.shape_cast %get3A_212 : vector<1x16xf32> to vector<16xf32>
        %get3A_214 = arith.index_cast %mul3A_194 : i32 to index
        %get3A_215 = arith.constant 80 : index
        %get3A_216 = tpu.vector_load %arg17[%get3A_214, %get3A_215] {strides = array<i32>} : memref<125x128xf32, #tpu.memory_space<vmem>>, vector<1x16xf32>,
        %get3A_217 = vector.shape_cast %get3A_216 : vector<1x16xf32> to vector<16xf32>
        %get3A_218 = arith.index_cast %mul3A_194 : i32 to index
        %get3A_219 = arith.constant 96 : index
        %get3A_220 = tpu.vector_load %arg17[%get3A_218, %get3A_219] {strides = array<i32>} : memref<125x128xf32, #tpu.memory_space<vmem>>, vector<1x16xf32>,
        %get3A_221 = vector.shape_cast %get3A_220 : vector<1x16xf32> to vector<16xf32>
        %get3A_222 = arith.index_cast %mul3A_194 : i32 to index
        %get3A_223 = arith.constant 112 : index
        %get3A_224 = tpu.vector_load %arg17[%get3A_222, %get3A_223] {strides = array<i32>} : memref<125x128xf32, #tpu.memory_space<vmem>>, vector<1x16xf32>,
        %get3A_225 = vector.shape_cast %get3A_224 : vector<1x16xf32> to vector<16xf32>
        %scan3A_226 = arith.constant 1 : i32
        %scan3A_227 = arith.constant 24 : i32
        %scan3A_228 = arith.addi %scan3A_226, %scan3A_227 : i32
        %scan3A_229 = arith.constant 1 : i32
        %scan3A_230:8 = scf.for %scan3A_311 = %scan3A_226 to %scan3A_228 step %scan3A_229 iter_args(%scan3A_312 = %get3A_197, %scan3A_313 = %get3A_201, %scan3A_314 = %get3A_205, %scan3A_315 = %get3A_209, %scan3A_316 = %get3A_213, %scan3A_317 = %get3A_217, %scan3A_318 = %get3A_221, %scan3A_319 = %get3A_225) -> (vector<16xf32>, vector<16xf32>, vector<16xf32>, vector<16xf32>, vector<16xf32>, vector<16xf32>, vector<16xf32>, vector<16xf32>)  : i32 {
          %add3A_320 = arith.addi %mul3A_194, %scan3A_311 : i32
          %get3A_321 = arith.index_cast %add3A_320 : i32 to index
          %get3A_322 = arith.constant 0 : index
          %get3A_323 = tpu.vector_load %arg17[%get3A_321, %get3A_322] {strides = array<i32>} : memref<125x128xf32, #tpu.memory_space<vmem>>, vector<1x16xf32>,
          %get3A_324 = vector.shape_cast %get3A_323 : vector<1x16xf32> to vector<16xf32>
          %add3A_325 = arith.addf %scan3A_312, %get3A_324 : vector<16xf32>
          %add3A_326 = arith.addi %mul3A_194, %scan3A_311 : i32
          %get3A_327 = arith.index_cast %add3A_326 : i32 to index
          %get3A_328 = arith.constant 16 : index
          %get3A_329 = tpu.vector_load %arg17[%get3A_327, %get3A_328] {strides = array<i32>} : memref<125x128xf32, #tpu.memory_space<vmem>>, vector<1x16xf32>,
          %get3A_330 = vector.shape_cast %get3A_329 : vector<1x16xf32> to vector<16xf32>
          %add3A_331 = arith.addf %scan3A_313, %get3A_330 : vector<16xf32>
          %add3A_332 = arith.addi %mul3A_194, %scan3A_311 : i32
          %get3A_333 = arith.index_cast %add3A_332 : i32 to index
          %get3A_334 = arith.constant 32 : index
          %get3A_335 = tpu.vector_load %arg17[%get3A_333, %get3A_334] {strides = array<i32>} : memref<125x128xf32, #tpu.memory_space<vmem>>, vector<1x16xf32>,
          %get3A_336 = vector.shape_cast %get3A_335 : vector<1x16xf32> to vector<16xf32>
          %add3A_337 = arith.addf %scan3A_314, %get3A_336 : vector<16xf32>
          %add3A_338 = arith.addi %mul3A_194, %scan3A_311 : i32
          %get3A_339 = arith.index_cast %add3A_338 : i32 to index
          %get3A_340 = arith.constant 48 : index
          %get3A_341 = tpu.vector_load %arg17[%get3A_339, %get3A_340] {strides = array<i32>} : memref<125x128xf32, #tpu.memory_space<vmem>>, vector<1x16xf32>,
          %get3A_342 = vector.shape_cast %get3A_341 : vector<1x16xf32> to vector<16xf32>
          %add3A_343 = arith.addf %scan3A_315, %get3A_342 : vector<16xf32>
          %add3A_344 = arith.addi %mul3A_194, %scan3A_311 : i32
          %get3A_345 = arith.index_cast %add3A_344 : i32 to index
          %get3A_346 = arith.constant 64 : index
          %get3A_347 = tpu.vector_load %arg17[%get3A_345, %get3A_346] {strides = array<i32>} : memref<125x128xf32, #tpu.memory_space<vmem>>, vector<1x16xf32>,
          %get3A_348 = vector.shape_cast %get3A_347 : vector<1x16xf32> to vector<16xf32>
          %add3A_349 = arith.addf %scan3A_316, %get3A_348 : vector<16xf32>
          %add3A_350 = arith.addi %mul3A_194, %scan3A_311 : i32
          %get3A_351 = arith.index_cast %add3A_350 : i32 to index
          %get3A_352 = arith.constant 80 : index
          %get3A_353 = tpu.vector_load %arg17[%get3A_351, %get3A_352] {strides = array<i32>} : memref<125x128xf32, #tpu.memory_space<vmem>>, vector<1x16xf32>,
          %get3A_354 = vector.shape_cast %get3A_353 : vector<1x16xf32> to vector<16xf32>
          %add3A_355 = arith.addf %scan3A_317, %get3A_354 : vector<16xf32>
          %add3A_356 = arith.addi %mul3A_194, %scan3A_311 : i32
          %get3A_357 = arith.index_cast %add3A_356 : i32 to index
          %get3A_358 = arith.constant 96 : index
          %get3A_359 = tpu.vector_load %arg17[%get3A_357, %get3A_358] {strides = array<i32>} : memref<125x128xf32, #tpu.memory_space<vmem>>, vector<1x16xf32>,
          %get3A_360 = vector.shape_cast %get3A_359 : vector<1x16xf32> to vector<16xf32>
          %add3A_361 = arith.addf %scan3A_318, %get3A_360 : vector<16xf32>
          %add3A_362 = arith.addi %mul3A_194, %scan3A_311 : i32
          %get3A_363 = arith.index_cast %add3A_362 : i32 to index
          %get3A_364 = arith.constant 112 : index
          %get3A_365 = tpu.vector_load %arg17[%get3A_363, %get3A_364] {strides = array<i32>} : memref<125x128xf32, #tpu.memory_space<vmem>>, vector<1x16xf32>,
          %get3A_366 = vector.shape_cast %get3A_365 : vector<1x16xf32> to vector<16xf32>
          %add3A_367 = arith.addf %scan3A_319, %get3A_366 : vector<16xf32>
          scf.yield %add3A_325, %add3A_331, %add3A_337, %add3A_343, %add3A_349, %add3A_355, %add3A_361, %add3A_367 : vector<16xf32>, vector<16xf32>, vector<16xf32>, vector<16xf32>, vector<16xf32>, vector<16xf32>, vector<16xf32>, vector<16xf32>
        }
        %scan3A_231 = arith.constant 24 : i32
        %mul3A_232 = arith.constant 1 : i32
        %mul3A_233 = arith.muli %add3A_172, %mul3A_232 : i32
        %mul3A_234 = arith.constant 5 : i32
        %mul3A_235 = arith.muli %mul3A_233, %mul3A_234 : i32
        %add3A_236 = arith.addi %mul3A_235, %scan3A_192 : i32
        %swap3A = arith.index_cast %add3A_236 : i32 to index
        %swap3A_237 = arith.constant 0 : index
        %swap3A_238 = tpu.vector_load %arg18[%swap3A, %swap3A_237] {strides = array<i32>} : memref<320x128xf32, #tpu.memory_space<vmem>>, vector<1x16xf32>,
        %swap3A_239 = vector.shape_cast %swap3A_238 : vector<1x16xf32> to vector<16xf32>
        %swap3A_240 = vector.shape_cast %scan3A_230#0 : vector<16xf32> to vector<1x16xf32>
        tpu.vector_store %arg18[%swap3A, %swap3A_237], %swap3A_240 {strides = array<i32>} : memref<320x128xf32, #tpu.memory_space<vmem>>, vector<1x16xf32>,
        %mul3A_241 = arith.constant 1 : i32
        %mul3A_242 = arith.muli %add3A_172, %mul3A_241 : i32
        %mul3A_243 = arith.constant 5 : i32
        %mul3A_244 = arith.muli %mul3A_242, %mul3A_243 : i32
        %add3A_245 = arith.addi %mul3A_244, %scan3A_192 : i32
        %swap3A_246 = arith.index_cast %add3A_245 : i32 to index
        %swap3A_247 = arith.constant 16 : index
        %swap3A_248 = tpu.vector_load %arg18[%swap3A_246, %swap3A_247] {strides = array<i32>} : memref<320x128xf32, #tpu.memory_space<vmem>>, vector<1x16xf32>,
        %swap3A_249 = vector.shape_cast %swap3A_248 : vector<1x16xf32> to vector<16xf32>
        %swap3A_250 = vector.shape_cast %scan3A_230#1 : vector<16xf32> to vector<1x16xf32>
        tpu.vector_store %arg18[%swap3A_246, %swap3A_247], %swap3A_250 {strides = array<i32>} : memref<320x128xf32, #tpu.memory_space<vmem>>, vector<1x16xf32>,
        %mul3A_251 = arith.constant 1 : i32
        %mul3A_252 = arith.muli %add3A_172, %mul3A_251 : i32
        %mul3A_253 = arith.constant 5 : i32
        %mul3A_254 = arith.muli %mul3A_252, %mul3A_253 : i32
        %add3A_255 = arith.addi %mul3A_254, %scan3A_192 : i32
        %swap3A_256 = arith.index_cast %add3A_255 : i32 to index
        %swap3A_257 = arith.constant 32 : index
        %swap3A_258 = tpu.vector_load %arg18[%swap3A_256, %swap3A_257] {strides = array<i32>} : memref<320x128xf32, #tpu.memory_space<vmem>>, vector<1x16xf32>,
        %swap3A_259 = vector.shape_cast %swap3A_258 : vector<1x16xf32> to vector<16xf32>
        %swap3A_260 = vector.shape_cast %scan3A_230#2 : vector<16xf32> to vector<1x16xf32>
        tpu.vector_store %arg18[%swap3A_256, %swap3A_257], %swap3A_260 {strides = array<i32>} : memref<320x128xf32, #tpu.memory_space<vmem>>, vector<1x16xf32>,
        %mul3A_261 = arith.constant 1 : i32
        %mul3A_262 = arith.muli %add3A_172, %mul3A_261 : i32
        %mul3A_263 = arith.constant 5 : i32
        %mul3A_264 = arith.muli %mul3A_262, %mul3A_263 : i32
        %add3A_265 = arith.addi %mul3A_264, %scan3A_192 : i32
        %swap3A_266 = arith.index_cast %add3A_265 : i32 to index
        %swap3A_267 = arith.constant 48 : index
        %swap3A_268 = tpu.vector_load %arg18[%swap3A_266, %swap3A_267] {strides = array<i32>} : memref<320x128xf32, #tpu.memory_space<vmem>>, vector<1x16xf32>,
        %swap3A_269 = vector.shape_cast %swap3A_268 : vector<1x16xf32> to vector<16xf32>
        %swap3A_270 = vector.shape_cast %scan3A_230#3 : vector<16xf32> to vector<1x16xf32>
        tpu.vector_store %arg18[%swap3A_266, %swap3A_267], %swap3A_270 {strides = array<i32>} : memref<320x128xf32, #tpu.memory_space<vmem>>, vector<1x16xf32>,
        %mul3A_271 = arith.constant 1 : i32
        %mul3A_272 = arith.muli %add3A_172, %mul3A_271 : i32
        %mul3A_273 = arith.constant 5 : i32
        %mul3A_274 = arith.muli %mul3A_272, %mul3A_273 : i32
        %add3A_275 = arith.addi %mul3A_274, %scan3A_192 : i32
        %swap3A_276 = arith.index_cast %add3A_275 : i32 to index
        %swap3A_277 = arith.constant 64 : index
        %swap3A_278 = tpu.vector_load %arg18[%swap3A_276, %swap3A_277] {strides = array<i32>} : memref<320x128xf32, #tpu.memory_space<vmem>>, vector<1x16xf32>,
        %swap3A_279 = vector.shape_cast %swap3A_278 : vector<1x16xf32> to vector<16xf32>
        %swap3A_280 = vector.shape_cast %scan3A_230#4 : vector<16xf32> to vector<1x16xf32>
        tpu.vector_store %arg18[%swap3A_276, %swap3A_277], %swap3A_280 {strides = array<i32>} : memref<320x128xf32, #tpu.memory_space<vmem>>, vector<1x16xf32>,
        %mul3A_281 = arith.constant 1 : i32
        %mul3A_282 = arith.muli %add3A_172, %mul3A_281 : i32
        %mul3A_283 = arith.constant 5 : i32
        %mul3A_284 = arith.muli %mul3A_282, %mul3A_283 : i32
        %add3A_285 = arith.addi %mul3A_284, %scan3A_192 : i32
        %swap3A_286 = arith.index_cast %add3A_285 : i32 to index
        %swap3A_287 = arith.constant 80 : index
        %swap3A_288 = tpu.vector_load %arg18[%swap3A_286, %swap3A_287] {strides = array<i32>} : memref<320x128xf32, #tpu.memory_space<vmem>>, vector<1x16xf32>,
        %swap3A_289 = vector.shape_cast %swap3A_288 : vector<1x16xf32> to vector<16xf32>
        %swap3A_290 = vector.shape_cast %scan3A_230#5 : vector<16xf32> to vector<1x16xf32>
        tpu.vector_store %arg18[%swap3A_286, %swap3A_287], %swap3A_290 {strides = array<i32>} : memref<320x128xf32, #tpu.memory_space<vmem>>, vector<1x16xf32>,
        %mul3A_291 = arith.constant 1 : i32
        %mul3A_292 = arith.muli %add3A_172, %mul3A_291 : i32
        %mul3A_293 = arith.constant 5 : i32
        %mul3A_294 = arith.muli %mul3A_292, %mul3A_293 : i32
        %add3A_295 = arith.addi %mul3A_294, %scan3A_192 : i32
        %swap3A_296 = arith.index_cast %add3A_295 : i32 to index
        %swap3A_297 = arith.constant 96 : index
        %swap3A_298 = tpu.vector_load %arg18[%swap3A_296, %swap3A_297] {strides = array<i32>} : memref<320x128xf32, #tpu.memory_space<vmem>>, vector<1x16xf32>,
        %swap3A_299 = vector.shape_cast %swap3A_298 : vector<1x16xf32> to vector<16xf32>
        %swap3A_300 = vector.shape_cast %scan3A_230#6 : vector<16xf32> to vector<1x16xf32>
        tpu.vector_store %arg18[%swap3A_296, %swap3A_297], %swap3A_300 {strides = array<i32>} : memref<320x128xf32, #tpu.memory_space<vmem>>, vector<1x16xf32>,
        %mul3A_301 = arith.constant 1 : i32
        %mul3A_302 = arith.muli %add3A_172, %mul3A_301 : i32
        %mul3A_303 = arith.constant 5 : i32
        %mul3A_304 = arith.muli %mul3A_302, %mul3A_303 : i32
        %add3A_305 = arith.addi %mul3A_304, %scan3A_192 : i32
        %swap3A_306 = arith.index_cast %add3A_305 : i32 to index
        %swap3A_307 = arith.constant 112 : index
        %swap3A_308 = tpu.vector_load %arg18[%swap3A_306, %swap3A_307] {strides = array<i32>} : memref<320x128xf32, #tpu.memory_space<vmem>>, vector<1x16xf32>,
        %swap3A_309 = vector.shape_cast %swap3A_308 : vector<1x16xf32> to vector<16xf32>
        %swap3A_310 = vector.shape_cast %scan3A_230#7 : vector<16xf32> to vector<1x16xf32>
        tpu.vector_store %arg18[%swap3A_306, %swap3A_307], %swap3A_310 {strides = array<i32>} : memref<320x128xf32, #tpu.memory_space<vmem>>, vector<1x16xf32>,
      }
      %scan3A_184 = arith.constant 5 : i32
      %add3A_185 = arith.constant 4 : i32
      %add3A_186 = arith.addi %add3A_172, %add3A_185 : i32
      %lt3A_187 = arith.constant 64 : i32
      %lt3A_188 = arith.cmpi slt, %add3A_186, %lt3A_187 : i32
      %convert_element_type3A_189 = arith.extui %lt3A_188 : i1 to i32
      %cond3A_190 = arith.constant 0 : i32
      %cond3A_191 = arith.cmpi ne, %convert_element_type3A_189, %cond3A_190 : i32
      scf.if %cond3A_191 {
        %add3A_192 = arith.constant 4 : i32
        %add3A_193 = arith.addi %add3A_172, %add3A_192 : i32
        %dma_start3A_194 = arith.constant 0 : i32
        %dma_start3A_195 = tpu.memref_slice %arg11[%add3A_193, %dma_start3A_194] : memref<64x125xi32, #tpu.memory_space<vmem>> -> memref<1x125xi32, #tpu.memory_space<vmem>>
        %dma_start3A_196 = tpu.memref_squeeze %dma_start3A_195 : memref<1x125xi32, #tpu.memory_space<vmem>> -> memref<125xi32, #tpu.memory_space<vmem>>
        %dma_start3A_197 = arith.constant 0 : i32
        %dma_start3A_198 = arith.constant 0 : i32
        %dma_start3A_199 = tpu.memref_slice %arg2[%dma_start3A_197, %dma_start3A_198] : memref<100000x128xf32, #tpu.memory_space<hbm>> -> memref<100000x128xf32, #tpu.memory_space<hbm>>
        tpu.enqueue_indirect_dma source(%dma_start3A_199 : memref<100000x128xf32, #tpu.memory_space<hbm>>) target(%arg17 : memref<125x128xf32, #tpu.memory_space<vmem>>) offsets(%dma_start3A_196 : memref<125xi32, #tpu.memory_space<vmem>>) semaphore(%arg22 : memref<!tpu.dma_semaphore, #tpu.memory_space<semaphore_mem>>)
      } else {
      }
    }
    %scan3A_40 = arith.constant 16 : i32
    "tpu.region"() ({
      %run_scoped3A = tpu.sem_alloc : memref<!tpu.dma_semaphore, #tpu.memory_space<semaphore_mem>>
      %dma_start3A_109 = arith.constant 0 : i32
      %dma_start3A_110 = tpu.memref_slice %arg8[%mul3A_2, %dma_start3A_109] : memref<10240x128xf32, #tpu.memory_space<hbm>> -> memref<320x128xf32, #tpu.memory_space<hbm>>
      %dma_start3A_111 = arith.constant 0 : i32
      %dma_start3A_112 = tpu.memref_slice %arg8[%mul3A_2, %dma_start3A_111] : memref<10240x128xf32, #tpu.memory_space<hbm>> -> memref<320x128xf32, #tpu.memory_space<hbm>>
      tpu.enqueue_dma source(%arg18 : memref<320x128xf32, #tpu.memory_space<vmem>>) target(%dma_start3A_112 : memref<320x128xf32, #tpu.memory_space<hbm>>) target_semaphore(%run_scoped3A : memref<!tpu.dma_semaphore, #tpu.memory_space<semaphore_mem>>)
      %dma_wait3A = arith.constant 0 : i32
      %dma_wait3A_113 = tpu.memref_slice %arg8[%mul3A_2, %dma_wait3A] : memref<10240x128xf32, #tpu.memory_space<hbm>> -> memref<320x128xf32, #tpu.memory_space<hbm>>
      %dma_wait3A_114 = arith.constant 0 : i32
      %dma_wait3A_115 = tpu.memref_slice %arg8[%mul3A_2, %dma_wait3A_114] : memref<10240x128xf32, #tpu.memory_space<hbm>> -> memref<320x128xf32, #tpu.memory_space<hbm>>
      tpu.wait_dma2 semaphore(%run_scoped3A : memref<!tpu.dma_semaphore, #tpu.memory_space<semaphore_mem>>) src(%arg18 : memref<320x128xf32, #tpu.memory_space<vmem>>) dst(%dma_wait3A_115 : memref<320x128xf32, #tpu.memory_space<hbm>>)
      tpu.yield
    }) : () -> ()
    %dma_start3A_41 = arith.constant 0 : i32
    %dma_start3A_42 = arith.constant 0 : i32
    %dma_start3A_43 = tpu.memref_slice %arg12[%dma_start3A_41, %dma_start3A_42] : memref<64x125xi32, #tpu.memory_space<vmem>> -> memref<1x125xi32, #tpu.memory_space<vmem>>
    %dma_start3A_44 = tpu.memref_squeeze %dma_start3A_43 : memref<1x125xi32, #tpu.memory_space<vmem>> -> memref<125xi32, #tpu.memory_space<vmem>>
    %dma_start3A_45 = arith.constant 0 : i32
    %dma_start3A_46 = arith.constant 0 : i32
    %dma_start3A_47 = tpu.memref_slice %arg2[%dma_start3A_45, %dma_start3A_46] : memref<100000x128xf32, #tpu.memory_space<hbm>> -> memref<100000x128xf32, #tpu.memory_space<hbm>>
    tpu.enqueue_indirect_dma source(%dma_start3A_47 : memref<100000x128xf32, #tpu.memory_space<hbm>>) target(%arg14 : memref<125x128xf32, #tpu.memory_space<vmem>>) offsets(%dma_start3A_44 : memref<125xi32, #tpu.memory_space<vmem>>) semaphore(%arg19 : memref<!tpu.dma_semaphore, #tpu.memory_space<semaphore_mem>>)
    %dma_start3A_48 = arith.constant 1 : i32
    %dma_start3A_49 = arith.constant 0 : i32
    %dma_start3A_50 = tpu.memref_slice %arg12[%dma_start3A_48, %dma_start3A_49] : memref<64x125xi32, #tpu.memory_space<vmem>> -> memref<1x125xi32, #tpu.memory_space<vmem>>
    %dma_start3A_51 = tpu.memref_squeeze %dma_start3A_50 : memref<1x125xi32, #tpu.memory_space<vmem>> -> memref<125xi32, #tpu.memory_space<vmem>>
    %dma_start3A_52 = arith.constant 0 : i32
    %dma_start3A_53 = arith.constant 0 : i32
    %dma_start3A_54 = tpu.memref_slice %arg2[%dma_start3A_52, %dma_start3A_53] : memref<100000x128xf32, #tpu.memory_space<hbm>> -> memref<100000x128xf32, #tpu.memory_space<hbm>>
    tpu.enqueue_indirect_dma source(%dma_start3A_54 : memref<100000x128xf32, #tpu.memory_space<hbm>>) target(%arg15 : memref<125x128xf32, #tpu.memory_space<vmem>>) offsets(%dma_start3A_51 : memref<125xi32, #tpu.memory_space<vmem>>) semaphore(%arg20 : memref<!tpu.dma_semaphore, #tpu.memory_space<semaphore_mem>>)
    %dma_start3A_55 = arith.constant 2 : i32
    %dma_start3A_56 = arith.constant 0 : i32
    %dma_start3A_57 = tpu.memref_slice %arg12[%dma_start3A_55, %dma_start3A_56] : memref<64x125xi32, #tpu.memory_space<vmem>> -> memref<1x125xi32, #tpu.memory_space<vmem>>
    %dma_start3A_58 = tpu.memref_squeeze %dma_start3A_57 : memref<1x125xi32, #tpu.memory_space<vmem>> -> memref<125xi32, #tpu.memory_space<vmem>>
    %dma_start3A_59 = arith.constant 0 : i32
    %dma_start3A_60 = arith.constant 0 : i32
    %dma_start3A_61 = tpu.memref_slice %arg2[%dma_start3A_59, %dma_start3A_60] : memref<100000x128xf32, #tpu.memory_space<hbm>> -> memref<100000x128xf32, #tpu.memory_space<hbm>>
    tpu.enqueue_indirect_dma source(%dma_start3A_61 : memref<100000x128xf32, #tpu.memory_space<hbm>>) target(%arg16 : memref<125x128xf32, #tpu.memory_space<vmem>>) offsets(%dma_start3A_58 : memref<125xi32, #tpu.memory_space<vmem>>) semaphore(%arg21 : memref<!tpu.dma_semaphore, #tpu.memory_space<semaphore_mem>>)
    %dma_start3A_62 = arith.constant 3 : i32
    %dma_start3A_63 = arith.constant 0 : i32
    %dma_start3A_64 = tpu.memref_slice %arg12[%dma_start3A_62, %dma_start3A_63] : memref<64x125xi32, #tpu.memory_space<vmem>> -> memref<1x125xi32, #tpu.memory_space<vmem>>
    %dma_start3A_65 = tpu.memref_squeeze %dma_start3A_64 : memref<1x125xi32, #tpu.memory_space<vmem>> -> memref<125xi32, #tpu.memory_space<vmem>>
    %dma_start3A_66 = arith.constant 0 : i32
    %dma_start3A_67 = arith.constant 0 : i32
    %dma_start3A_68 = tpu.memref_slice %arg2[%dma_start3A_66, %dma_start3A_67] : memref<100000x128xf32, #tpu.memory_space<hbm>> -> memref<100000x128xf32, #tpu.memory_space<hbm>>
    tpu.enqueue_indirect_dma source(%dma_start3A_68 : memref<100000x128xf32, #tpu.memory_space<hbm>>) target(%arg17 : memref<125x128xf32, #tpu.memory_space<vmem>>) offsets(%dma_start3A_65 : memref<125xi32, #tpu.memory_space<vmem>>) semaphore(%arg22 : memref<!tpu.dma_semaphore, #tpu.memory_space<semaphore_mem>>)
    %scan3A_69 = arith.constant 0 : i32
    %scan3A_70 = arith.constant 0 : i32
    %scan3A_71 = arith.constant 16 : i32
    %scan3A_72 = arith.addi %scan3A_70, %scan3A_71 : i32
    %scan3A_73 = arith.constant 1 : i32
    scf.for %scan3A_109 = %scan3A_70 to %scan3A_72 step %scan3A_73  : i32 {
      %mul3A_110 = arith.constant 4 : i32
      %mul3A_111 = arith.muli %scan3A_109, %mul3A_110 : i32
      %add3A_112 = arith.constant 0 : i32
      %add3A_113 = arith.addi %mul3A_111, %add3A_112 : i32
      %dma_wait3A = arith.constant 0 : i32
      %dma_wait3A_114 = tpu.memref_slice %arg12[%add3A_113, %dma_wait3A] : memref<64x125xi32, #tpu.memory_space<vmem>> -> memref<1x125xi32, #tpu.memory_space<vmem>>
      %dma_wait3A_115 = tpu.memref_squeeze %dma_wait3A_114 : memref<1x125xi32, #tpu.memory_space<vmem>> -> memref<125xi32, #tpu.memory_space<vmem>>
      %dma_wait3A_116 = arith.constant 0 : i32
      %dma_wait3A_117 = arith.constant 0 : i32
      %dma_wait3A_118 = tpu.memref_slice %arg2[%dma_wait3A_116, %dma_wait3A_117] : memref<100000x128xf32, #tpu.memory_space<hbm>> -> memref<100000x128xf32, #tpu.memory_space<hbm>>
      tpu.wait_indirect_dma semaphore(%arg19 : memref<!tpu.dma_semaphore, #tpu.memory_space<semaphore_mem>>) src(%dma_wait3A_118 : memref<100000x128xf32, #tpu.memory_space<hbm>>) dst(%arg14 : memref<125x128xf32, #tpu.memory_space<vmem>>)
      %scan3A_119 = arith.constant 0 : i32
      %scan3A_120 = arith.constant 0 : i32
      %scan3A_121 = arith.constant 5 : i32
      %scan3A_122 = arith.addi %scan3A_120, %scan3A_121 : i32
      %scan3A_123 = arith.constant 1 : i32
      scf.for %scan3A_192 = %scan3A_120 to %scan3A_122 step %scan3A_123  : i32 {
        %mul3A_193 = arith.constant 25 : i32
        %mul3A_194 = arith.muli %scan3A_192, %mul3A_193 : i32
        %get3A = arith.index_cast %mul3A_194 : i32 to index
        %get3A_195 = arith.constant 0 : index
        %get3A_196 = tpu.vector_load %arg14[%get3A, %get3A_195] {strides = array<i32>} : memref<125x128xf32, #tpu.memory_space<vmem>>, vector<1x16xf32>,
        %get3A_197 = vector.shape_cast %get3A_196 : vector<1x16xf32> to vector<16xf32>
        %get3A_198 = arith.index_cast %mul3A_194 : i32 to index
        %get3A_199 = arith.constant 16 : index
        %get3A_200 = tpu.vector_load %arg14[%get3A_198, %get3A_199] {strides = array<i32>} : memref<125x128xf32, #tpu.memory_space<vmem>>, vector<1x16xf32>,
        %get3A_201 = vector.shape_cast %get3A_200 : vector<1x16xf32> to vector<16xf32>
        %get3A_202 = arith.index_cast %mul3A_194 : i32 to index
        %get3A_203 = arith.constant 32 : index
        %get3A_204 = tpu.vector_load %arg14[%get3A_202, %get3A_203] {strides = array<i32>} : memref<125x128xf32, #tpu.memory_space<vmem>>, vector<1x16xf32>,
        %get3A_205 = vector.shape_cast %get3A_204 : vector<1x16xf32> to vector<16xf32>
        %get3A_206 = arith.index_cast %mul3A_194 : i32 to index
        %get3A_207 = arith.constant 48 : index
        %get3A_208 = tpu.vector_load %arg14[%get3A_206, %get3A_207] {strides = array<i32>} : memref<125x128xf32, #tpu.memory_space<vmem>>, vector<1x16xf32>,
        %get3A_209 = vector.shape_cast %get3A_208 : vector<1x16xf32> to vector<16xf32>
        %get3A_210 = arith.index_cast %mul3A_194 : i32 to index
        %get3A_211 = arith.constant 64 : index
        %get3A_212 = tpu.vector_load %arg14[%get3A_210, %get3A_211] {strides = array<i32>} : memref<125x128xf32, #tpu.memory_space<vmem>>, vector<1x16xf32>,
        %get3A_213 = vector.shape_cast %get3A_212 : vector<1x16xf32> to vector<16xf32>
        %get3A_214 = arith.index_cast %mul3A_194 : i32 to index
        %get3A_215 = arith.constant 80 : index
        %get3A_216 = tpu.vector_load %arg14[%get3A_214, %get3A_215] {strides = array<i32>} : memref<125x128xf32, #tpu.memory_space<vmem>>, vector<1x16xf32>,
        %get3A_217 = vector.shape_cast %get3A_216 : vector<1x16xf32> to vector<16xf32>
        %get3A_218 = arith.index_cast %mul3A_194 : i32 to index
        %get3A_219 = arith.constant 96 : index
        %get3A_220 = tpu.vector_load %arg14[%get3A_218, %get3A_219] {strides = array<i32>} : memref<125x128xf32, #tpu.memory_space<vmem>>, vector<1x16xf32>,
        %get3A_221 = vector.shape_cast %get3A_220 : vector<1x16xf32> to vector<16xf32>
        %get3A_222 = arith.index_cast %mul3A_194 : i32 to index
        %get3A_223 = arith.constant 112 : index
        %get3A_224 = tpu.vector_load %arg14[%get3A_222, %get3A_223] {strides = array<i32>} : memref<125x128xf32, #tpu.memory_space<vmem>>, vector<1x16xf32>,
        %get3A_225 = vector.shape_cast %get3A_224 : vector<1x16xf32> to vector<16xf32>
        %scan3A_226 = arith.constant 1 : i32
        %scan3A_227 = arith.constant 24 : i32
        %scan3A_228 = arith.addi %scan3A_226, %scan3A_227 : i32
        %scan3A_229 = arith.constant 1 : i32
        %scan3A_230:8 = scf.for %scan3A_311 = %scan3A_226 to %scan3A_228 step %scan3A_229 iter_args(%scan3A_312 = %get3A_197, %scan3A_313 = %get3A_201, %scan3A_314 = %get3A_205, %scan3A_315 = %get3A_209, %scan3A_316 = %get3A_213, %scan3A_317 = %get3A_217, %scan3A_318 = %get3A_221, %scan3A_319 = %get3A_225) -> (vector<16xf32>, vector<16xf32>, vector<16xf32>, vector<16xf32>, vector<16xf32>, vector<16xf32>, vector<16xf32>, vector<16xf32>)  : i32 {
          %add3A_320 = arith.addi %mul3A_194, %scan3A_311 : i32
          %get3A_321 = arith.index_cast %add3A_320 : i32 to index
          %get3A_322 = arith.constant 0 : index
          %get3A_323 = tpu.vector_load %arg14[%get3A_321, %get3A_322] {strides = array<i32>} : memref<125x128xf32, #tpu.memory_space<vmem>>, vector<1x16xf32>,
          %get3A_324 = vector.shape_cast %get3A_323 : vector<1x16xf32> to vector<16xf32>
          %add3A_325 = arith.addf %scan3A_312, %get3A_324 : vector<16xf32>
          %add3A_326 = arith.addi %mul3A_194, %scan3A_311 : i32
          %get3A_327 = arith.index_cast %add3A_326 : i32 to index
          %get3A_328 = arith.constant 16 : index
          %get3A_329 = tpu.vector_load %arg14[%get3A_327, %get3A_328] {strides = array<i32>} : memref<125x128xf32, #tpu.memory_space<vmem>>, vector<1x16xf32>,
          %get3A_330 = vector.shape_cast %get3A_329 : vector<1x16xf32> to vector<16xf32>
          %add3A_331 = arith.addf %scan3A_313, %get3A_330 : vector<16xf32>
          %add3A_332 = arith.addi %mul3A_194, %scan3A_311 : i32
          %get3A_333 = arith.index_cast %add3A_332 : i32 to index
          %get3A_334 = arith.constant 32 : index
          %get3A_335 = tpu.vector_load %arg14[%get3A_333, %get3A_334] {strides = array<i32>} : memref<125x128xf32, #tpu.memory_space<vmem>>, vector<1x16xf32>,
          %get3A_336 = vector.shape_cast %get3A_335 : vector<1x16xf32> to vector<16xf32>
          %add3A_337 = arith.addf %scan3A_314, %get3A_336 : vector<16xf32>
          %add3A_338 = arith.addi %mul3A_194, %scan3A_311 : i32
          %get3A_339 = arith.index_cast %add3A_338 : i32 to index
          %get3A_340 = arith.constant 48 : index
          %get3A_341 = tpu.vector_load %arg14[%get3A_339, %get3A_340] {strides = array<i32>} : memref<125x128xf32, #tpu.memory_space<vmem>>, vector<1x16xf32>,
          %get3A_342 = vector.shape_cast %get3A_341 : vector<1x16xf32> to vector<16xf32>
          %add3A_343 = arith.addf %scan3A_315, %get3A_342 : vector<16xf32>
          %add3A_344 = arith.addi %mul3A_194, %scan3A_311 : i32
          %get3A_345 = arith.index_cast %add3A_344 : i32 to index
          %get3A_346 = arith.constant 64 : index
          %get3A_347 = tpu.vector_load %arg14[%get3A_345, %get3A_346] {strides = array<i32>} : memref<125x128xf32, #tpu.memory_space<vmem>>, vector<1x16xf32>,
          %get3A_348 = vector.shape_cast %get3A_347 : vector<1x16xf32> to vector<16xf32>
          %add3A_349 = arith.addf %scan3A_316, %get3A_348 : vector<16xf32>
          %add3A_350 = arith.addi %mul3A_194, %scan3A_311 : i32
          %get3A_351 = arith.index_cast %add3A_350 : i32 to index
          %get3A_352 = arith.constant 80 : index
          %get3A_353 = tpu.vector_load %arg14[%get3A_351, %get3A_352] {strides = array<i32>} : memref<125x128xf32, #tpu.memory_space<vmem>>, vector<1x16xf32>,
          %get3A_354 = vector.shape_cast %get3A_353 : vector<1x16xf32> to vector<16xf32>
          %add3A_355 = arith.addf %scan3A_317, %get3A_354 : vector<16xf32>
          %add3A_356 = arith.addi %mul3A_194, %scan3A_311 : i32
          %get3A_357 = arith.index_cast %add3A_356 : i32 to index
          %get3A_358 = arith.constant 96 : index
          %get3A_359 = tpu.vector_load %arg14[%get3A_357, %get3A_358] {strides = array<i32>} : memref<125x128xf32, #tpu.memory_space<vmem>>, vector<1x16xf32>,
          %get3A_360 = vector.shape_cast %get3A_359 : vector<1x16xf32> to vector<16xf32>
          %add3A_361 = arith.addf %scan3A_318, %get3A_360 : vector<16xf32>
          %add3A_362 = arith.addi %mul3A_194, %scan3A_311 : i32
          %get3A_363 = arith.index_cast %add3A_362 : i32 to index
          %get3A_364 = arith.constant 112 : index
          %get3A_365 = tpu.vector_load %arg14[%get3A_363, %get3A_364] {strides = array<i32>} : memref<125x128xf32, #tpu.memory_space<vmem>>, vector<1x16xf32>,
          %get3A_366 = vector.shape_cast %get3A_365 : vector<1x16xf32> to vector<16xf32>
          %add3A_367 = arith.addf %scan3A_319, %get3A_366 : vector<16xf32>
          scf.yield %add3A_325, %add3A_331, %add3A_337, %add3A_343, %add3A_349, %add3A_355, %add3A_361, %add3A_367 : vector<16xf32>, vector<16xf32>, vector<16xf32>, vector<16xf32>, vector<16xf32>, vector<16xf32>, vector<16xf32>, vector<16xf32>
        }
        %scan3A_231 = arith.constant 24 : i32
        %mul3A_232 = arith.constant 1 : i32
        %mul3A_233 = arith.muli %add3A_113, %mul3A_232 : i32
        %mul3A_234 = arith.constant 5 : i32
        %mul3A_235 = arith.muli %mul3A_233, %mul3A_234 : i32
        %add3A_236 = arith.addi %mul3A_235, %scan3A_192 : i32
        %swap3A = arith.index_cast %add3A_236 : i32 to index
        %swap3A_237 = arith.constant 0 : index
        %swap3A_238 = tpu.vector_load %arg18[%swap3A, %swap3A_237] {strides = array<i32>} : memref<320x128xf32, #tpu.memory_space<vmem>>, vector<1x16xf32>,
        %swap3A_239 = vector.shape_cast %swap3A_238 : vector<1x16xf32> to vector<16xf32>
        %swap3A_240 = vector.shape_cast %scan3A_230#0 : vector<16xf32> to vector<1x16xf32>
        tpu.vector_store %arg18[%swap3A, %swap3A_237], %swap3A_240 {strides = array<i32>} : memref<320x128xf32, #tpu.memory_space<vmem>>, vector<1x16xf32>,
        %mul3A_241 = arith.constant 1 : i32
        %mul3A_242 = arith.muli %add3A_113, %mul3A_241 : i32
        %mul3A_243 = arith.constant 5 : i32
        %mul3A_244 = arith.muli %mul3A_242, %mul3A_243 : i32
        %add3A_245 = arith.addi %mul3A_244, %scan3A_192 : i32
        %swap3A_246 = arith.index_cast %add3A_245 : i32 to index
        %swap3A_247 = arith.constant 16 : index
        %swap3A_248 = tpu.vector_load %arg18[%swap3A_246, %swap3A_247] {strides = array<i32>} : memref<320x128xf32, #tpu.memory_space<vmem>>, vector<1x16xf32>,
        %swap3A_249 = vector.shape_cast %swap3A_248 : vector<1x16xf32> to vector<16xf32>
        %swap3A_250 = vector.shape_cast %scan3A_230#1 : vector<16xf32> to vector<1x16xf32>
        tpu.vector_store %arg18[%swap3A_246, %swap3A_247], %swap3A_250 {strides = array<i32>} : memref<320x128xf32, #tpu.memory_space<vmem>>, vector<1x16xf32>,
        %mul3A_251 = arith.constant 1 : i32
        %mul3A_252 = arith.muli %add3A_113, %mul3A_251 : i32
        %mul3A_253 = arith.constant 5 : i32
        %mul3A_254 = arith.muli %mul3A_252, %mul3A_253 : i32
        %add3A_255 = arith.addi %mul3A_254, %scan3A_192 : i32
        %swap3A_256 = arith.index_cast %add3A_255 : i32 to index
        %swap3A_257 = arith.constant 32 : index
        %swap3A_258 = tpu.vector_load %arg18[%swap3A_256, %swap3A_257] {strides = array<i32>} : memref<320x128xf32, #tpu.memory_space<vmem>>, vector<1x16xf32>,
        %swap3A_259 = vector.shape_cast %swap3A_258 : vector<1x16xf32> to vector<16xf32>
        %swap3A_260 = vector.shape_cast %scan3A_230#2 : vector<16xf32> to vector<1x16xf32>
        tpu.vector_store %arg18[%swap3A_256, %swap3A_257], %swap3A_260 {strides = array<i32>} : memref<320x128xf32, #tpu.memory_space<vmem>>, vector<1x16xf32>,
        %mul3A_261 = arith.constant 1 : i32
        %mul3A_262 = arith.muli %add3A_113, %mul3A_261 : i32
        %mul3A_263 = arith.constant 5 : i32
        %mul3A_264 = arith.muli %mul3A_262, %mul3A_263 : i32
        %add3A_265 = arith.addi %mul3A_264, %scan3A_192 : i32
        %swap3A_266 = arith.index_cast %add3A_265 : i32 to index
        %swap3A_267 = arith.constant 48 : index
        %swap3A_268 = tpu.vector_load %arg18[%swap3A_266, %swap3A_267] {strides = array<i32>} : memref<320x128xf32, #tpu.memory_space<vmem>>, vector<1x16xf32>,
        %swap3A_269 = vector.shape_cast %swap3A_268 : vector<1x16xf32> to vector<16xf32>
        %swap3A_270 = vector.shape_cast %scan3A_230#3 : vector<16xf32> to vector<1x16xf32>
        tpu.vector_store %arg18[%swap3A_266, %swap3A_267], %swap3A_270 {strides = array<i32>} : memref<320x128xf32, #tpu.memory_space<vmem>>, vector<1x16xf32>,
        %mul3A_271 = arith.constant 1 : i32
        %mul3A_272 = arith.muli %add3A_113, %mul3A_271 : i32
        %mul3A_273 = arith.constant 5 : i32
        %mul3A_274 = arith.muli %mul3A_272, %mul3A_273 : i32
        %add3A_275 = arith.addi %mul3A_274, %scan3A_192 : i32
        %swap3A_276 = arith.index_cast %add3A_275 : i32 to index
        %swap3A_277 = arith.constant 64 : index
        %swap3A_278 = tpu.vector_load %arg18[%swap3A_276, %swap3A_277] {strides = array<i32>} : memref<320x128xf32, #tpu.memory_space<vmem>>, vector<1x16xf32>,
        %swap3A_279 = vector.shape_cast %swap3A_278 : vector<1x16xf32> to vector<16xf32>
        %swap3A_280 = vector.shape_cast %scan3A_230#4 : vector<16xf32> to vector<1x16xf32>
        tpu.vector_store %arg18[%swap3A_276, %swap3A_277], %swap3A_280 {strides = array<i32>} : memref<320x128xf32, #tpu.memory_space<vmem>>, vector<1x16xf32>,
        %mul3A_281 = arith.constant 1 : i32
        %mul3A_282 = arith.muli %add3A_113, %mul3A_281 : i32
        %mul3A_283 = arith.constant 5 : i32
        %mul3A_284 = arith.muli %mul3A_282, %mul3A_283 : i32
        %add3A_285 = arith.addi %mul3A_284, %scan3A_192 : i32
        %swap3A_286 = arith.index_cast %add3A_285 : i32 to index
        %swap3A_287 = arith.constant 80 : index
        %swap3A_288 = tpu.vector_load %arg18[%swap3A_286, %swap3A_287] {strides = array<i32>} : memref<320x128xf32, #tpu.memory_space<vmem>>, vector<1x16xf32>,
        %swap3A_289 = vector.shape_cast %swap3A_288 : vector<1x16xf32> to vector<16xf32>
        %swap3A_290 = vector.shape_cast %scan3A_230#5 : vector<16xf32> to vector<1x16xf32>
        tpu.vector_store %arg18[%swap3A_286, %swap3A_287], %swap3A_290 {strides = array<i32>} : memref<320x128xf32, #tpu.memory_space<vmem>>, vector<1x16xf32>,
        %mul3A_291 = arith.constant 1 : i32
        %mul3A_292 = arith.muli %add3A_113, %mul3A_291 : i32
        %mul3A_293 = arith.constant 5 : i32
        %mul3A_294 = arith.muli %mul3A_292, %mul3A_293 : i32
        %add3A_295 = arith.addi %mul3A_294, %scan3A_192 : i32
        %swap3A_296 = arith.index_cast %add3A_295 : i32 to index
        %swap3A_297 = arith.constant 96 : index
        %swap3A_298 = tpu.vector_load %arg18[%swap3A_296, %swap3A_297] {strides = array<i32>} : memref<320x128xf32, #tpu.memory_space<vmem>>, vector<1x16xf32>,
        %swap3A_299 = vector.shape_cast %swap3A_298 : vector<1x16xf32> to vector<16xf32>
        %swap3A_300 = vector.shape_cast %scan3A_230#6 : vector<16xf32> to vector<1x16xf32>
        tpu.vector_store %arg18[%swap3A_296, %swap3A_297], %swap3A_300 {strides = array<i32>} : memref<320x128xf32, #tpu.memory_space<vmem>>, vector<1x16xf32>,
        %mul3A_301 = arith.constant 1 : i32
        %mul3A_302 = arith.muli %add3A_113, %mul3A_301 : i32
        %mul3A_303 = arith.constant 5 : i32
        %mul3A_304 = arith.muli %mul3A_302, %mul3A_303 : i32
        %add3A_305 = arith.addi %mul3A_304, %scan3A_192 : i32
        %swap3A_306 = arith.index_cast %add3A_305 : i32 to index
        %swap3A_307 = arith.constant 112 : index
        %swap3A_308 = tpu.vector_load %arg18[%swap3A_306, %swap3A_307] {strides = array<i32>} : memref<320x128xf32, #tpu.memory_space<vmem>>, vector<1x16xf32>,
        %swap3A_309 = vector.shape_cast %swap3A_308 : vector<1x16xf32> to vector<16xf32>
        %swap3A_310 = vector.shape_cast %scan3A_230#7 : vector<16xf32> to vector<1x16xf32>
        tpu.vector_store %arg18[%swap3A_306, %swap3A_307], %swap3A_310 {strides = array<i32>} : memref<320x128xf32, #tpu.memory_space<vmem>>, vector<1x16xf32>,
      }
      %scan3A_124 = arith.constant 5 : i32
      %add3A_125 = arith.constant 4 : i32
      %add3A_126 = arith.addi %add3A_113, %add3A_125 : i32
      %lt3A = arith.constant 64 : i32
      %lt3A_127 = arith.cmpi slt, %add3A_126, %lt3A : i32
      %convert_element_type3A = arith.extui %lt3A_127 : i1 to i32
      %cond3A = arith.constant 0 : i32
      %cond3A_128 = arith.cmpi ne, %convert_element_type3A, %cond3A : i32
      scf.if %cond3A_128 {
        %add3A_192 = arith.constant 4 : i32
        %add3A_193 = arith.addi %add3A_113, %add3A_192 : i32
        %dma_start3A_194 = arith.constant 0 : i32
        %dma_start3A_195 = tpu.memref_slice %arg12[%add3A_193, %dma_start3A_194] : memref<64x125xi32, #tpu.memory_space<vmem>> -> memref<1x125xi32, #tpu.memory_space<vmem>>
        %dma_start3A_196 = tpu.memref_squeeze %dma_start3A_195 : memref<1x125xi32, #tpu.memory_space<vmem>> -> memref<125xi32, #tpu.memory_space<vmem>>
        %dma_start3A_197 = arith.constant 0 : i32
        %dma_start3A_198 = arith.constant 0 : i32
        %dma_start3A_199 = tpu.memref_slice %arg2[%dma_start3A_197, %dma_start3A_198] : memref<100000x128xf32, #tpu.memory_space<hbm>> -> memref<100000x128xf32, #tpu.memory_space<hbm>>
        tpu.enqueue_indirect_dma source(%dma_start3A_199 : memref<100000x128xf32, #tpu.memory_space<hbm>>) target(%arg14 : memref<125x128xf32, #tpu.memory_space<vmem>>) offsets(%dma_start3A_196 : memref<125xi32, #tpu.memory_space<vmem>>) semaphore(%arg19 : memref<!tpu.dma_semaphore, #tpu.memory_space<semaphore_mem>>)
      } else {
      }
      %add3A_129 = arith.constant 1 : i32
      %add3A_130 = arith.addi %mul3A_111, %add3A_129 : i32
      %dma_wait3A_131 = arith.constant 0 : i32
      %dma_wait3A_132 = tpu.memref_slice %arg12[%add3A_130, %dma_wait3A_131] : memref<64x125xi32, #tpu.memory_space<vmem>> -> memref<1x125xi32, #tpu.memory_space<vmem>>
      %dma_wait3A_133 = tpu.memref_squeeze %dma_wait3A_132 : memref<1x125xi32, #tpu.memory_space<vmem>> -> memref<125xi32, #tpu.memory_space<vmem>>
      %dma_wait3A_134 = arith.constant 0 : i32
      %dma_wait3A_135 = arith.constant 0 : i32
      %dma_wait3A_136 = tpu.memref_slice %arg2[%dma_wait3A_134, %dma_wait3A_135] : memref<100000x128xf32, #tpu.memory_space<hbm>> -> memref<100000x128xf32, #tpu.memory_space<hbm>>
      tpu.wait_indirect_dma semaphore(%arg20 : memref<!tpu.dma_semaphore, #tpu.memory_space<semaphore_mem>>) src(%dma_wait3A_136 : memref<100000x128xf32, #tpu.memory_space<hbm>>) dst(%arg15 : memref<125x128xf32, #tpu.memory_space<vmem>>)
      %scan3A_137 = arith.constant 0 : i32
      %scan3A_138 = arith.constant 0 : i32
      %scan3A_139 = arith.constant 5 : i32
      %scan3A_140 = arith.addi %scan3A_138, %scan3A_139 : i32
      %scan3A_141 = arith.constant 1 : i32
      scf.for %scan3A_192 = %scan3A_138 to %scan3A_140 step %scan3A_141  : i32 {
        %mul3A_193 = arith.constant 25 : i32
        %mul3A_194 = arith.muli %scan3A_192, %mul3A_193 : i32
        %get3A = arith.index_cast %mul3A_194 : i32 to index
        %get3A_195 = arith.constant 0 : index
        %get3A_196 = tpu.vector_load %arg15[%get3A, %get3A_195] {strides = array<i32>} : memref<125x128xf32, #tpu.memory_space<vmem>>, vector<1x16xf32>,
        %get3A_197 = vector.shape_cast %get3A_196 : vector<1x16xf32> to vector<16xf32>
        %get3A_198 = arith.index_cast %mul3A_194 : i32 to index
        %get3A_199 = arith.constant 16 : index
        %get3A_200 = tpu.vector_load %arg15[%get3A_198, %get3A_199] {strides = array<i32>} : memref<125x128xf32, #tpu.memory_space<vmem>>, vector<1x16xf32>,
        %get3A_201 = vector.shape_cast %get3A_200 : vector<1x16xf32> to vector<16xf32>
        %get3A_202 = arith.index_cast %mul3A_194 : i32 to index
        %get3A_203 = arith.constant 32 : index
        %get3A_204 = tpu.vector_load %arg15[%get3A_202, %get3A_203] {strides = array<i32>} : memref<125x128xf32, #tpu.memory_space<vmem>>, vector<1x16xf32>,
        %get3A_205 = vector.shape_cast %get3A_204 : vector<1x16xf32> to vector<16xf32>
        %get3A_206 = arith.index_cast %mul3A_194 : i32 to index
        %get3A_207 = arith.constant 48 : index
        %get3A_208 = tpu.vector_load %arg15[%get3A_206, %get3A_207] {strides = array<i32>} : memref<125x128xf32, #tpu.memory_space<vmem>>, vector<1x16xf32>,
        %get3A_209 = vector.shape_cast %get3A_208 : vector<1x16xf32> to vector<16xf32>
        %get3A_210 = arith.index_cast %mul3A_194 : i32 to index
        %get3A_211 = arith.constant 64 : index
        %get3A_212 = tpu.vector_load %arg15[%get3A_210, %get3A_211] {strides = array<i32>} : memref<125x128xf32, #tpu.memory_space<vmem>>, vector<1x16xf32>,
        %get3A_213 = vector.shape_cast %get3A_212 : vector<1x16xf32> to vector<16xf32>
        %get3A_214 = arith.index_cast %mul3A_194 : i32 to index
        %get3A_215 = arith.constant 80 : index
        %get3A_216 = tpu.vector_load %arg15[%get3A_214, %get3A_215] {strides = array<i32>} : memref<125x128xf32, #tpu.memory_space<vmem>>, vector<1x16xf32>,
        %get3A_217 = vector.shape_cast %get3A_216 : vector<1x16xf32> to vector<16xf32>
        %get3A_218 = arith.index_cast %mul3A_194 : i32 to index
        %get3A_219 = arith.constant 96 : index
        %get3A_220 = tpu.vector_load %arg15[%get3A_218, %get3A_219] {strides = array<i32>} : memref<125x128xf32, #tpu.memory_space<vmem>>, vector<1x16xf32>,
        %get3A_221 = vector.shape_cast %get3A_220 : vector<1x16xf32> to vector<16xf32>
        %get3A_222 = arith.index_cast %mul3A_194 : i32 to index
        %get3A_223 = arith.constant 112 : index
        %get3A_224 = tpu.vector_load %arg15[%get3A_222, %get3A_223] {strides = array<i32>} : memref<125x128xf32, #tpu.memory_space<vmem>>, vector<1x16xf32>,
        %get3A_225 = vector.shape_cast %get3A_224 : vector<1x16xf32> to vector<16xf32>
        %scan3A_226 = arith.constant 1 : i32
        %scan3A_227 = arith.constant 24 : i32
        %scan3A_228 = arith.addi %scan3A_226, %scan3A_227 : i32
        %scan3A_229 = arith.constant 1 : i32
        %scan3A_230:8 = scf.for %scan3A_311 = %scan3A_226 to %scan3A_228 step %scan3A_229 iter_args(%scan3A_312 = %get3A_197, %scan3A_313 = %get3A_201, %scan3A_314 = %get3A_205, %scan3A_315 = %get3A_209, %scan3A_316 = %get3A_213, %scan3A_317 = %get3A_217, %scan3A_318 = %get3A_221, %scan3A_319 = %get3A_225) -> (vector<16xf32>, vector<16xf32>, vector<16xf32>, vector<16xf32>, vector<16xf32>, vector<16xf32>, vector<16xf32>, vector<16xf32>)  : i32 {
          %add3A_320 = arith.addi %mul3A_194, %scan3A_311 : i32
          %get3A_321 = arith.index_cast %add3A_320 : i32 to index
          %get3A_322 = arith.constant 0 : index
          %get3A_323 = tpu.vector_load %arg15[%get3A_321, %get3A_322] {strides = array<i32>} : memref<125x128xf32, #tpu.memory_space<vmem>>, vector<1x16xf32>,
          %get3A_324 = vector.shape_cast %get3A_323 : vector<1x16xf32> to vector<16xf32>
          %add3A_325 = arith.addf %scan3A_312, %get3A_324 : vector<16xf32>
          %add3A_326 = arith.addi %mul3A_194, %scan3A_311 : i32
          %get3A_327 = arith.index_cast %add3A_326 : i32 to index
          %get3A_328 = arith.constant 16 : index
          %get3A_329 = tpu.vector_load %arg15[%get3A_327, %get3A_328] {strides = array<i32>} : memref<125x128xf32, #tpu.memory_space<vmem>>, vector<1x16xf32>,
          %get3A_330 = vector.shape_cast %get3A_329 : vector<1x16xf32> to vector<16xf32>
          %add3A_331 = arith.addf %scan3A_313, %get3A_330 : vector<16xf32>
          %add3A_332 = arith.addi %mul3A_194, %scan3A_311 : i32
          %get3A_333 = arith.index_cast %add3A_332 : i32 to index
          %get3A_334 = arith.constant 32 : index
          %get3A_335 = tpu.vector_load %arg15[%get3A_333, %get3A_334] {strides = array<i32>} : memref<125x128xf32, #tpu.memory_space<vmem>>, vector<1x16xf32>,
          %get3A_336 = vector.shape_cast %get3A_335 : vector<1x16xf32> to vector<16xf32>
          %add3A_337 = arith.addf %scan3A_314, %get3A_336 : vector<16xf32>
          %add3A_338 = arith.addi %mul3A_194, %scan3A_311 : i32
          %get3A_339 = arith.index_cast %add3A_338 : i32 to index
          %get3A_340 = arith.constant 48 : index
          %get3A_341 = tpu.vector_load %arg15[%get3A_339, %get3A_340] {strides = array<i32>} : memref<125x128xf32, #tpu.memory_space<vmem>>, vector<1x16xf32>,
          %get3A_342 = vector.shape_cast %get3A_341 : vector<1x16xf32> to vector<16xf32>
          %add3A_343 = arith.addf %scan3A_315, %get3A_342 : vector<16xf32>
          %add3A_344 = arith.addi %mul3A_194, %scan3A_311 : i32
          %get3A_345 = arith.index_cast %add3A_344 : i32 to index
          %get3A_346 = arith.constant 64 : index
          %get3A_347 = tpu.vector_load %arg15[%get3A_345, %get3A_346] {strides = array<i32>} : memref<125x128xf32, #tpu.memory_space<vmem>>, vector<1x16xf32>,
          %get3A_348 = vector.shape_cast %get3A_347 : vector<1x16xf32> to vector<16xf32>
          %add3A_349 = arith.addf %scan3A_316, %get3A_348 : vector<16xf32>
          %add3A_350 = arith.addi %mul3A_194, %scan3A_311 : i32
          %get3A_351 = arith.index_cast %add3A_350 : i32 to index
          %get3A_352 = arith.constant 80 : index
          %get3A_353 = tpu.vector_load %arg15[%get3A_351, %get3A_352] {strides = array<i32>} : memref<125x128xf32, #tpu.memory_space<vmem>>, vector<1x16xf32>,
          %get3A_354 = vector.shape_cast %get3A_353 : vector<1x16xf32> to vector<16xf32>
          %add3A_355 = arith.addf %scan3A_317, %get3A_354 : vector<16xf32>
          %add3A_356 = arith.addi %mul3A_194, %scan3A_311 : i32
          %get3A_357 = arith.index_cast %add3A_356 : i32 to index
          %get3A_358 = arith.constant 96 : index
          %get3A_359 = tpu.vector_load %arg15[%get3A_357, %get3A_358] {strides = array<i32>} : memref<125x128xf32, #tpu.memory_space<vmem>>, vector<1x16xf32>,
          %get3A_360 = vector.shape_cast %get3A_359 : vector<1x16xf32> to vector<16xf32>
          %add3A_361 = arith.addf %scan3A_318, %get3A_360 : vector<16xf32>
          %add3A_362 = arith.addi %mul3A_194, %scan3A_311 : i32
          %get3A_363 = arith.index_cast %add3A_362 : i32 to index
          %get3A_364 = arith.constant 112 : index
          %get3A_365 = tpu.vector_load %arg15[%get3A_363, %get3A_364] {strides = array<i32>} : memref<125x128xf32, #tpu.memory_space<vmem>>, vector<1x16xf32>,
          %get3A_366 = vector.shape_cast %get3A_365 : vector<1x16xf32> to vector<16xf32>
          %add3A_367 = arith.addf %scan3A_319, %get3A_366 : vector<16xf32>
          scf.yield %add3A_325, %add3A_331, %add3A_337, %add3A_343, %add3A_349, %add3A_355, %add3A_361, %add3A_367 : vector<16xf32>, vector<16xf32>, vector<16xf32>, vector<16xf32>, vector<16xf32>, vector<16xf32>, vector<16xf32>, vector<16xf32>
        }
        %scan3A_231 = arith.constant 24 : i32
        %mul3A_232 = arith.constant 1 : i32
        %mul3A_233 = arith.muli %add3A_130, %mul3A_232 : i32
        %mul3A_234 = arith.constant 5 : i32
        %mul3A_235 = arith.muli %mul3A_233, %mul3A_234 : i32
        %add3A_236 = arith.addi %mul3A_235, %scan3A_192 : i32
        %swap3A = arith.index_cast %add3A_236 : i32 to index
        %swap3A_237 = arith.constant 0 : index
        %swap3A_238 = tpu.vector_load %arg18[%swap3A, %swap3A_237] {strides = array<i32>} : memref<320x128xf32, #tpu.memory_space<vmem>>, vector<1x16xf32>,
        %swap3A_239 = vector.shape_cast %swap3A_238 : vector<1x16xf32> to vector<16xf32>
        %swap3A_240 = vector.shape_cast %scan3A_230#0 : vector<16xf32> to vector<1x16xf32>
        tpu.vector_store %arg18[%swap3A, %swap3A_237], %swap3A_240 {strides = array<i32>} : memref<320x128xf32, #tpu.memory_space<vmem>>, vector<1x16xf32>,
        %mul3A_241 = arith.constant 1 : i32
        %mul3A_242 = arith.muli %add3A_130, %mul3A_241 : i32
        %mul3A_243 = arith.constant 5 : i32
        %mul3A_244 = arith.muli %mul3A_242, %mul3A_243 : i32
        %add3A_245 = arith.addi %mul3A_244, %scan3A_192 : i32
        %swap3A_246 = arith.index_cast %add3A_245 : i32 to index
        %swap3A_247 = arith.constant 16 : index
        %swap3A_248 = tpu.vector_load %arg18[%swap3A_246, %swap3A_247] {strides = array<i32>} : memref<320x128xf32, #tpu.memory_space<vmem>>, vector<1x16xf32>,
        %swap3A_249 = vector.shape_cast %swap3A_248 : vector<1x16xf32> to vector<16xf32>
        %swap3A_250 = vector.shape_cast %scan3A_230#1 : vector<16xf32> to vector<1x16xf32>
        tpu.vector_store %arg18[%swap3A_246, %swap3A_247], %swap3A_250 {strides = array<i32>} : memref<320x128xf32, #tpu.memory_space<vmem>>, vector<1x16xf32>,
        %mul3A_251 = arith.constant 1 : i32
        %mul3A_252 = arith.muli %add3A_130, %mul3A_251 : i32
        %mul3A_253 = arith.constant 5 : i32
        %mul3A_254 = arith.muli %mul3A_252, %mul3A_253 : i32
        %add3A_255 = arith.addi %mul3A_254, %scan3A_192 : i32
        %swap3A_256 = arith.index_cast %add3A_255 : i32 to index
        %swap3A_257 = arith.constant 32 : index
        %swap3A_258 = tpu.vector_load %arg18[%swap3A_256, %swap3A_257] {strides = array<i32>} : memref<320x128xf32, #tpu.memory_space<vmem>>, vector<1x16xf32>,
        %swap3A_259 = vector.shape_cast %swap3A_258 : vector<1x16xf32> to vector<16xf32>
        %swap3A_260 = vector.shape_cast %scan3A_230#2 : vector<16xf32> to vector<1x16xf32>
        tpu.vector_store %arg18[%swap3A_256, %swap3A_257], %swap3A_260 {strides = array<i32>} : memref<320x128xf32, #tpu.memory_space<vmem>>, vector<1x16xf32>,
        %mul3A_261 = arith.constant 1 : i32
        %mul3A_262 = arith.muli %add3A_130, %mul3A_261 : i32
        %mul3A_263 = arith.constant 5 : i32
        %mul3A_264 = arith.muli %mul3A_262, %mul3A_263 : i32
        %add3A_265 = arith.addi %mul3A_264, %scan3A_192 : i32
        %swap3A_266 = arith.index_cast %add3A_265 : i32 to index
        %swap3A_267 = arith.constant 48 : index
        %swap3A_268 = tpu.vector_load %arg18[%swap3A_266, %swap3A_267] {strides = array<i32>} : memref<320x128xf32, #tpu.memory_space<vmem>>, vector<1x16xf32>,
        %swap3A_269 = vector.shape_cast %swap3A_268 : vector<1x16xf32> to vector<16xf32>
        %swap3A_270 = vector.shape_cast %scan3A_230#3 : vector<16xf32> to vector<1x16xf32>
        tpu.vector_store %arg18[%swap3A_266, %swap3A_267], %swap3A_270 {strides = array<i32>} : memref<320x128xf32, #tpu.memory_space<vmem>>, vector<1x16xf32>,
        %mul3A_271 = arith.constant 1 : i32
        %mul3A_272 = arith.muli %add3A_130, %mul3A_271 : i32
        %mul3A_273 = arith.constant 5 : i32
        %mul3A_274 = arith.muli %mul3A_272, %mul3A_273 : i32
        %add3A_275 = arith.addi %mul3A_274, %scan3A_192 : i32
        %swap3A_276 = arith.index_cast %add3A_275 : i32 to index
        %swap3A_277 = arith.constant 64 : index
        %swap3A_278 = tpu.vector_load %arg18[%swap3A_276, %swap3A_277] {strides = array<i32>} : memref<320x128xf32, #tpu.memory_space<vmem>>, vector<1x16xf32>,
        %swap3A_279 = vector.shape_cast %swap3A_278 : vector<1x16xf32> to vector<16xf32>
        %swap3A_280 = vector.shape_cast %scan3A_230#4 : vector<16xf32> to vector<1x16xf32>
        tpu.vector_store %arg18[%swap3A_276, %swap3A_277], %swap3A_280 {strides = array<i32>} : memref<320x128xf32, #tpu.memory_space<vmem>>, vector<1x16xf32>,
        %mul3A_281 = arith.constant 1 : i32
        %mul3A_282 = arith.muli %add3A_130, %mul3A_281 : i32
        %mul3A_283 = arith.constant 5 : i32
        %mul3A_284 = arith.muli %mul3A_282, %mul3A_283 : i32
        %add3A_285 = arith.addi %mul3A_284, %scan3A_192 : i32
        %swap3A_286 = arith.index_cast %add3A_285 : i32 to index
        %swap3A_287 = arith.constant 80 : index
        %swap3A_288 = tpu.vector_load %arg18[%swap3A_286, %swap3A_287] {strides = array<i32>} : memref<320x128xf32, #tpu.memory_space<vmem>>, vector<1x16xf32>,
        %swap3A_289 = vector.shape_cast %swap3A_288 : vector<1x16xf32> to vector<16xf32>
        %swap3A_290 = vector.shape_cast %scan3A_230#5 : vector<16xf32> to vector<1x16xf32>
        tpu.vector_store %arg18[%swap3A_286, %swap3A_287], %swap3A_290 {strides = array<i32>} : memref<320x128xf32, #tpu.memory_space<vmem>>, vector<1x16xf32>,
        %mul3A_291 = arith.constant 1 : i32
        %mul3A_292 = arith.muli %add3A_130, %mul3A_291 : i32
        %mul3A_293 = arith.constant 5 : i32
        %mul3A_294 = arith.muli %mul3A_292, %mul3A_293 : i32
        %add3A_295 = arith.addi %mul3A_294, %scan3A_192 : i32
        %swap3A_296 = arith.index_cast %add3A_295 : i32 to index
        %swap3A_297 = arith.constant 96 : index
        %swap3A_298 = tpu.vector_load %arg18[%swap3A_296, %swap3A_297] {strides = array<i32>} : memref<320x128xf32, #tpu.memory_space<vmem>>, vector<1x16xf32>,
        %swap3A_299 = vector.shape_cast %swap3A_298 : vector<1x16xf32> to vector<16xf32>
        %swap3A_300 = vector.shape_cast %scan3A_230#6 : vector<16xf32> to vector<1x16xf32>
        tpu.vector_store %arg18[%swap3A_296, %swap3A_297], %swap3A_300 {strides = array<i32>} : memref<320x128xf32, #tpu.memory_space<vmem>>, vector<1x16xf32>,
        %mul3A_301 = arith.constant 1 : i32
        %mul3A_302 = arith.muli %add3A_130, %mul3A_301 : i32
        %mul3A_303 = arith.constant 5 : i32
        %mul3A_304 = arith.muli %mul3A_302, %mul3A_303 : i32
        %add3A_305 = arith.addi %mul3A_304, %scan3A_192 : i32
        %swap3A_306 = arith.index_cast %add3A_305 : i32 to index
        %swap3A_307 = arith.constant 112 : index
        %swap3A_308 = tpu.vector_load %arg18[%swap3A_306, %swap3A_307] {strides = array<i32>} : memref<320x128xf32, #tpu.memory_space<vmem>>, vector<1x16xf32>,
        %swap3A_309 = vector.shape_cast %swap3A_308 : vector<1x16xf32> to vector<16xf32>
        %swap3A_310 = vector.shape_cast %scan3A_230#7 : vector<16xf32> to vector<1x16xf32>
        tpu.vector_store %arg18[%swap3A_306, %swap3A_307], %swap3A_310 {strides = array<i32>} : memref<320x128xf32, #tpu.memory_space<vmem>>, vector<1x16xf32>,
      }
      %scan3A_142 = arith.constant 5 : i32
      %add3A_143 = arith.constant 4 : i32
      %add3A_144 = arith.addi %add3A_130, %add3A_143 : i32
      %lt3A_145 = arith.constant 64 : i32
      %lt3A_146 = arith.cmpi slt, %add3A_144, %lt3A_145 : i32
      %convert_element_type3A_147 = arith.extui %lt3A_146 : i1 to i32
      %cond3A_148 = arith.constant 0 : i32
      %cond3A_149 = arith.cmpi ne, %convert_element_type3A_147, %cond3A_148 : i32
      scf.if %cond3A_149 {
        %add3A_192 = arith.constant 4 : i32
        %add3A_193 = arith.addi %add3A_130, %add3A_192 : i32
        %dma_start3A_194 = arith.constant 0 : i32
        %dma_start3A_195 = tpu.memref_slice %arg12[%add3A_193, %dma_start3A_194] : memref<64x125xi32, #tpu.memory_space<vmem>> -> memref<1x125xi32, #tpu.memory_space<vmem>>
        %dma_start3A_196 = tpu.memref_squeeze %dma_start3A_195 : memref<1x125xi32, #tpu.memory_space<vmem>> -> memref<125xi32, #tpu.memory_space<vmem>>
        %dma_start3A_197 = arith.constant 0 : i32
        %dma_start3A_198 = arith.constant 0 : i32
        %dma_start3A_199 = tpu.memref_slice %arg2[%dma_start3A_197, %dma_start3A_198] : memref<100000x128xf32, #tpu.memory_space<hbm>> -> memref<100000x128xf32, #tpu.memory_space<hbm>>
        tpu.enqueue_indirect_dma source(%dma_start3A_199 : memref<100000x128xf32, #tpu.memory_space<hbm>>) target(%arg15 : memref<125x128xf32, #tpu.memory_space<vmem>>) offsets(%dma_start3A_196 : memref<125xi32, #tpu.memory_space<vmem>>) semaphore(%arg20 : memref<!tpu.dma_semaphore, #tpu.memory_space<semaphore_mem>>)
      } else {
      }
      %add3A_150 = arith.constant 2 : i32
      %add3A_151 = arith.addi %mul3A_111, %add3A_150 : i32
      %dma_wait3A_152 = arith.constant 0 : i32
      %dma_wait3A_153 = tpu.memref_slice %arg12[%add3A_151, %dma_wait3A_152] : memref<64x125xi32, #tpu.memory_space<vmem>> -> memref<1x125xi32, #tpu.memory_space<vmem>>
      %dma_wait3A_154 = tpu.memref_squeeze %dma_wait3A_153 : memref<1x125xi32, #tpu.memory_space<vmem>> -> memref<125xi32, #tpu.memory_space<vmem>>
      %dma_wait3A_155 = arith.constant 0 : i32
      %dma_wait3A_156 = arith.constant 0 : i32
      %dma_wait3A_157 = tpu.memref_slice %arg2[%dma_wait3A_155, %dma_wait3A_156] : memref<100000x128xf32, #tpu.memory_space<hbm>> -> memref<100000x128xf32, #tpu.memory_space<hbm>>
      tpu.wait_indirect_dma semaphore(%arg21 : memref<!tpu.dma_semaphore, #tpu.memory_space<semaphore_mem>>) src(%dma_wait3A_157 : memref<100000x128xf32, #tpu.memory_space<hbm>>) dst(%arg16 : memref<125x128xf32, #tpu.memory_space<vmem>>)
      %scan3A_158 = arith.constant 0 : i32
      %scan3A_159 = arith.constant 0 : i32
      %scan3A_160 = arith.constant 5 : i32
      %scan3A_161 = arith.addi %scan3A_159, %scan3A_160 : i32
      %scan3A_162 = arith.constant 1 : i32
      scf.for %scan3A_192 = %scan3A_159 to %scan3A_161 step %scan3A_162  : i32 {
        %mul3A_193 = arith.constant 25 : i32
        %mul3A_194 = arith.muli %scan3A_192, %mul3A_193 : i32
        %get3A = arith.index_cast %mul3A_194 : i32 to index
        %get3A_195 = arith.constant 0 : index
        %get3A_196 = tpu.vector_load %arg16[%get3A, %get3A_195] {strides = array<i32>} : memref<125x128xf32, #tpu.memory_space<vmem>>, vector<1x16xf32>,
        %get3A_197 = vector.shape_cast %get3A_196 : vector<1x16xf32> to vector<16xf32>
        %get3A_198 = arith.index_cast %mul3A_194 : i32 to index
        %get3A_199 = arith.constant 16 : index
        %get3A_200 = tpu.vector_load %arg16[%get3A_198, %get3A_199] {strides = array<i32>} : memref<125x128xf32, #tpu.memory_space<vmem>>, vector<1x16xf32>,
        %get3A_201 = vector.shape_cast %get3A_200 : vector<1x16xf32> to vector<16xf32>
        %get3A_202 = arith.index_cast %mul3A_194 : i32 to index
        %get3A_203 = arith.constant 32 : index
        %get3A_204 = tpu.vector_load %arg16[%get3A_202, %get3A_203] {strides = array<i32>} : memref<125x128xf32, #tpu.memory_space<vmem>>, vector<1x16xf32>,
        %get3A_205 = vector.shape_cast %get3A_204 : vector<1x16xf32> to vector<16xf32>
        %get3A_206 = arith.index_cast %mul3A_194 : i32 to index
        %get3A_207 = arith.constant 48 : index
        %get3A_208 = tpu.vector_load %arg16[%get3A_206, %get3A_207] {strides = array<i32>} : memref<125x128xf32, #tpu.memory_space<vmem>>, vector<1x16xf32>,
        %get3A_209 = vector.shape_cast %get3A_208 : vector<1x16xf32> to vector<16xf32>
        %get3A_210 = arith.index_cast %mul3A_194 : i32 to index
        %get3A_211 = arith.constant 64 : index
        %get3A_212 = tpu.vector_load %arg16[%get3A_210, %get3A_211] {strides = array<i32>} : memref<125x128xf32, #tpu.memory_space<vmem>>, vector<1x16xf32>,
        %get3A_213 = vector.shape_cast %get3A_212 : vector<1x16xf32> to vector<16xf32>
        %get3A_214 = arith.index_cast %mul3A_194 : i32 to index
        %get3A_215 = arith.constant 80 : index
        %get3A_216 = tpu.vector_load %arg16[%get3A_214, %get3A_215] {strides = array<i32>} : memref<125x128xf32, #tpu.memory_space<vmem>>, vector<1x16xf32>,
        %get3A_217 = vector.shape_cast %get3A_216 : vector<1x16xf32> to vector<16xf32>
        %get3A_218 = arith.index_cast %mul3A_194 : i32 to index
        %get3A_219 = arith.constant 96 : index
        %get3A_220 = tpu.vector_load %arg16[%get3A_218, %get3A_219] {strides = array<i32>} : memref<125x128xf32, #tpu.memory_space<vmem>>, vector<1x16xf32>,
        %get3A_221 = vector.shape_cast %get3A_220 : vector<1x16xf32> to vector<16xf32>
        %get3A_222 = arith.index_cast %mul3A_194 : i32 to index
        %get3A_223 = arith.constant 112 : index
        %get3A_224 = tpu.vector_load %arg16[%get3A_222, %get3A_223] {strides = array<i32>} : memref<125x128xf32, #tpu.memory_space<vmem>>, vector<1x16xf32>,
        %get3A_225 = vector.shape_cast %get3A_224 : vector<1x16xf32> to vector<16xf32>
        %scan3A_226 = arith.constant 1 : i32
        %scan3A_227 = arith.constant 24 : i32
        %scan3A_228 = arith.addi %scan3A_226, %scan3A_227 : i32
        %scan3A_229 = arith.constant 1 : i32
        %scan3A_230:8 = scf.for %scan3A_311 = %scan3A_226 to %scan3A_228 step %scan3A_229 iter_args(%scan3A_312 = %get3A_197, %scan3A_313 = %get3A_201, %scan3A_314 = %get3A_205, %scan3A_315 = %get3A_209, %scan3A_316 = %get3A_213, %scan3A_317 = %get3A_217, %scan3A_318 = %get3A_221, %scan3A_319 = %get3A_225) -> (vector<16xf32>, vector<16xf32>, vector<16xf32>, vector<16xf32>, vector<16xf32>, vector<16xf32>, vector<16xf32>, vector<16xf32>)  : i32 {
          %add3A_320 = arith.addi %mul3A_194, %scan3A_311 : i32
          %get3A_321 = arith.index_cast %add3A_320 : i32 to index
          %get3A_322 = arith.constant 0 : index
          %get3A_323 = tpu.vector_load %arg16[%get3A_321, %get3A_322] {strides = array<i32>} : memref<125x128xf32, #tpu.memory_space<vmem>>, vector<1x16xf32>,
          %get3A_324 = vector.shape_cast %get3A_323 : vector<1x16xf32> to vector<16xf32>
          %add3A_325 = arith.addf %scan3A_312, %get3A_324 : vector<16xf32>
          %add3A_326 = arith.addi %mul3A_194, %scan3A_311 : i32
          %get3A_327 = arith.index_cast %add3A_326 : i32 to index
          %get3A_328 = arith.constant 16 : index
          %get3A_329 = tpu.vector_load %arg16[%get3A_327, %get3A_328] {strides = array<i32>} : memref<125x128xf32, #tpu.memory_space<vmem>>, vector<1x16xf32>,
          %get3A_330 = vector.shape_cast %get3A_329 : vector<1x16xf32> to vector<16xf32>
          %add3A_331 = arith.addf %scan3A_313, %get3A_330 : vector<16xf32>
          %add3A_332 = arith.addi %mul3A_194, %scan3A_311 : i32
          %get3A_333 = arith.index_cast %add3A_332 : i32 to index
          %get3A_334 = arith.constant 32 : index
          %get3A_335 = tpu.vector_load %arg16[%get3A_333, %get3A_334] {strides = array<i32>} : memref<125x128xf32, #tpu.memory_space<vmem>>, vector<1x16xf32>,
          %get3A_336 = vector.shape_cast %get3A_335 : vector<1x16xf32> to vector<16xf32>
          %add3A_337 = arith.addf %scan3A_314, %get3A_336 : vector<16xf32>
          %add3A_338 = arith.addi %mul3A_194, %scan3A_311 : i32
          %get3A_339 = arith.index_cast %add3A_338 : i32 to index
          %get3A_340 = arith.constant 48 : index
          %get3A_341 = tpu.vector_load %arg16[%get3A_339, %get3A_340] {strides = array<i32>} : memref<125x128xf32, #tpu.memory_space<vmem>>, vector<1x16xf32>,
          %get3A_342 = vector.shape_cast %get3A_341 : vector<1x16xf32> to vector<16xf32>
          %add3A_343 = arith.addf %scan3A_315, %get3A_342 : vector<16xf32>
          %add3A_344 = arith.addi %mul3A_194, %scan3A_311 : i32
          %get3A_345 = arith.index_cast %add3A_344 : i32 to index
          %get3A_346 = arith.constant 64 : index
          %get3A_347 = tpu.vector_load %arg16[%get3A_345, %get3A_346] {strides = array<i32>} : memref<125x128xf32, #tpu.memory_space<vmem>>, vector<1x16xf32>,
          %get3A_348 = vector.shape_cast %get3A_347 : vector<1x16xf32> to vector<16xf32>
          %add3A_349 = arith.addf %scan3A_316, %get3A_348 : vector<16xf32>
          %add3A_350 = arith.addi %mul3A_194, %scan3A_311 : i32
          %get3A_351 = arith.index_cast %add3A_350 : i32 to index
          %get3A_352 = arith.constant 80 : index
          %get3A_353 = tpu.vector_load %arg16[%get3A_351, %get3A_352] {strides = array<i32>} : memref<125x128xf32, #tpu.memory_space<vmem>>, vector<1x16xf32>,
          %get3A_354 = vector.shape_cast %get3A_353 : vector<1x16xf32> to vector<16xf32>
          %add3A_355 = arith.addf %scan3A_317, %get3A_354 : vector<16xf32>
          %add3A_356 = arith.addi %mul3A_194, %scan3A_311 : i32
          %get3A_357 = arith.index_cast %add3A_356 : i32 to index
          %get3A_358 = arith.constant 96 : index
          %get3A_359 = tpu.vector_load %arg16[%get3A_357, %get3A_358] {strides = array<i32>} : memref<125x128xf32, #tpu.memory_space<vmem>>, vector<1x16xf32>,
          %get3A_360 = vector.shape_cast %get3A_359 : vector<1x16xf32> to vector<16xf32>
          %add3A_361 = arith.addf %scan3A_318, %get3A_360 : vector<16xf32>
          %add3A_362 = arith.addi %mul3A_194, %scan3A_311 : i32
          %get3A_363 = arith.index_cast %add3A_362 : i32 to index
          %get3A_364 = arith.constant 112 : index
          %get3A_365 = tpu.vector_load %arg16[%get3A_363, %get3A_364] {strides = array<i32>} : memref<125x128xf32, #tpu.memory_space<vmem>>, vector<1x16xf32>,
          %get3A_366 = vector.shape_cast %get3A_365 : vector<1x16xf32> to vector<16xf32>
          %add3A_367 = arith.addf %scan3A_319, %get3A_366 : vector<16xf32>
          scf.yield %add3A_325, %add3A_331, %add3A_337, %add3A_343, %add3A_349, %add3A_355, %add3A_361, %add3A_367 : vector<16xf32>, vector<16xf32>, vector<16xf32>, vector<16xf32>, vector<16xf32>, vector<16xf32>, vector<16xf32>, vector<16xf32>
        }
        %scan3A_231 = arith.constant 24 : i32
        %mul3A_232 = arith.constant 1 : i32
        %mul3A_233 = arith.muli %add3A_151, %mul3A_232 : i32
        %mul3A_234 = arith.constant 5 : i32
        %mul3A_235 = arith.muli %mul3A_233, %mul3A_234 : i32
        %add3A_236 = arith.addi %mul3A_235, %scan3A_192 : i32
        %swap3A = arith.index_cast %add3A_236 : i32 to index
        %swap3A_237 = arith.constant 0 : index
        %swap3A_238 = tpu.vector_load %arg18[%swap3A, %swap3A_237] {strides = array<i32>} : memref<320x128xf32, #tpu.memory_space<vmem>>, vector<1x16xf32>,
        %swap3A_239 = vector.shape_cast %swap3A_238 : vector<1x16xf32> to vector<16xf32>
        %swap3A_240 = vector.shape_cast %scan3A_230#0 : vector<16xf32> to vector<1x16xf32>
        tpu.vector_store %arg18[%swap3A, %swap3A_237], %swap3A_240 {strides = array<i32>} : memref<320x128xf32, #tpu.memory_space<vmem>>, vector<1x16xf32>,
        %mul3A_241 = arith.constant 1 : i32
        %mul3A_242 = arith.muli %add3A_151, %mul3A_241 : i32
        %mul3A_243 = arith.constant 5 : i32
        %mul3A_244 = arith.muli %mul3A_242, %mul3A_243 : i32
        %add3A_245 = arith.addi %mul3A_244, %scan3A_192 : i32
        %swap3A_246 = arith.index_cast %add3A_245 : i32 to index
        %swap3A_247 = arith.constant 16 : index
        %swap3A_248 = tpu.vector_load %arg18[%swap3A_246, %swap3A_247] {strides = array<i32>} : memref<320x128xf32, #tpu.memory_space<vmem>>, vector<1x16xf32>,
        %swap3A_249 = vector.shape_cast %swap3A_248 : vector<1x16xf32> to vector<16xf32>
        %swap3A_250 = vector.shape_cast %scan3A_230#1 : vector<16xf32> to vector<1x16xf32>
        tpu.vector_store %arg18[%swap3A_246, %swap3A_247], %swap3A_250 {strides = array<i32>} : memref<320x128xf32, #tpu.memory_space<vmem>>, vector<1x16xf32>,
        %mul3A_251 = arith.constant 1 : i32
        %mul3A_252 = arith.muli %add3A_151, %mul3A_251 : i32
        %mul3A_253 = arith.constant 5 : i32
        %mul3A_254 = arith.muli %mul3A_252, %mul3A_253 : i32
        %add3A_255 = arith.addi %mul3A_254, %scan3A_192 : i32
        %swap3A_256 = arith.index_cast %add3A_255 : i32 to index
        %swap3A_257 = arith.constant 32 : index
        %swap3A_258 = tpu.vector_load %arg18[%swap3A_256, %swap3A_257] {strides = array<i32>} : memref<320x128xf32, #tpu.memory_space<vmem>>, vector<1x16xf32>,
        %swap3A_259 = vector.shape_cast %swap3A_258 : vector<1x16xf32> to vector<16xf32>
        %swap3A_260 = vector.shape_cast %scan3A_230#2 : vector<16xf32> to vector<1x16xf32>
        tpu.vector_store %arg18[%swap3A_256, %swap3A_257], %swap3A_260 {strides = array<i32>} : memref<320x128xf32, #tpu.memory_space<vmem>>, vector<1x16xf32>,
        %mul3A_261 = arith.constant 1 : i32
        %mul3A_262 = arith.muli %add3A_151, %mul3A_261 : i32
        %mul3A_263 = arith.constant 5 : i32
        %mul3A_264 = arith.muli %mul3A_262, %mul3A_263 : i32
        %add3A_265 = arith.addi %mul3A_264, %scan3A_192 : i32
        %swap3A_266 = arith.index_cast %add3A_265 : i32 to index
        %swap3A_267 = arith.constant 48 : index
        %swap3A_268 = tpu.vector_load %arg18[%swap3A_266, %swap3A_267] {strides = array<i32>} : memref<320x128xf32, #tpu.memory_space<vmem>>, vector<1x16xf32>,
        %swap3A_269 = vector.shape_cast %swap3A_268 : vector<1x16xf32> to vector<16xf32>
        %swap3A_270 = vector.shape_cast %scan3A_230#3 : vector<16xf32> to vector<1x16xf32>
        tpu.vector_store %arg18[%swap3A_266, %swap3A_267], %swap3A_270 {strides = array<i32>} : memref<320x128xf32, #tpu.memory_space<vmem>>, vector<1x16xf32>,
        %mul3A_271 = arith.constant 1 : i32
        %mul3A_272 = arith.muli %add3A_151, %mul3A_271 : i32
        %mul3A_273 = arith.constant 5 : i32
        %mul3A_274 = arith.muli %mul3A_272, %mul3A_273 : i32
        %add3A_275 = arith.addi %mul3A_274, %scan3A_192 : i32
        %swap3A_276 = arith.index_cast %add3A_275 : i32 to index
        %swap3A_277 = arith.constant 64 : index
        %swap3A_278 = tpu.vector_load %arg18[%swap3A_276, %swap3A_277] {strides = array<i32>} : memref<320x128xf32, #tpu.memory_space<vmem>>, vector<1x16xf32>,
        %swap3A_279 = vector.shape_cast %swap3A_278 : vector<1x16xf32> to vector<16xf32>
        %swap3A_280 = vector.shape_cast %scan3A_230#4 : vector<16xf32> to vector<1x16xf32>
        tpu.vector_store %arg18[%swap3A_276, %swap3A_277], %swap3A_280 {strides = array<i32>} : memref<320x128xf32, #tpu.memory_space<vmem>>, vector<1x16xf32>,
        %mul3A_281 = arith.constant 1 : i32
        %mul3A_282 = arith.muli %add3A_151, %mul3A_281 : i32
        %mul3A_283 = arith.constant 5 : i32
        %mul3A_284 = arith.muli %mul3A_282, %mul3A_283 : i32
        %add3A_285 = arith.addi %mul3A_284, %scan3A_192 : i32
        %swap3A_286 = arith.index_cast %add3A_285 : i32 to index
        %swap3A_287 = arith.constant 80 : index
        %swap3A_288 = tpu.vector_load %arg18[%swap3A_286, %swap3A_287] {strides = array<i32>} : memref<320x128xf32, #tpu.memory_space<vmem>>, vector<1x16xf32>,
        %swap3A_289 = vector.shape_cast %swap3A_288 : vector<1x16xf32> to vector<16xf32>
        %swap3A_290 = vector.shape_cast %scan3A_230#5 : vector<16xf32> to vector<1x16xf32>
        tpu.vector_store %arg18[%swap3A_286, %swap3A_287], %swap3A_290 {strides = array<i32>} : memref<320x128xf32, #tpu.memory_space<vmem>>, vector<1x16xf32>,
        %mul3A_291 = arith.constant 1 : i32
        %mul3A_292 = arith.muli %add3A_151, %mul3A_291 : i32
        %mul3A_293 = arith.constant 5 : i32
        %mul3A_294 = arith.muli %mul3A_292, %mul3A_293 : i32
        %add3A_295 = arith.addi %mul3A_294, %scan3A_192 : i32
        %swap3A_296 = arith.index_cast %add3A_295 : i32 to index
        %swap3A_297 = arith.constant 96 : index
        %swap3A_298 = tpu.vector_load %arg18[%swap3A_296, %swap3A_297] {strides = array<i32>} : memref<320x128xf32, #tpu.memory_space<vmem>>, vector<1x16xf32>,
        %swap3A_299 = vector.shape_cast %swap3A_298 : vector<1x16xf32> to vector<16xf32>
        %swap3A_300 = vector.shape_cast %scan3A_230#6 : vector<16xf32> to vector<1x16xf32>
        tpu.vector_store %arg18[%swap3A_296, %swap3A_297], %swap3A_300 {strides = array<i32>} : memref<320x128xf32, #tpu.memory_space<vmem>>, vector<1x16xf32>,
        %mul3A_301 = arith.constant 1 : i32
        %mul3A_302 = arith.muli %add3A_151, %mul3A_301 : i32
        %mul3A_303 = arith.constant 5 : i32
        %mul3A_304 = arith.muli %mul3A_302, %mul3A_303 : i32
        %add3A_305 = arith.addi %mul3A_304, %scan3A_192 : i32
        %swap3A_306 = arith.index_cast %add3A_305 : i32 to index
        %swap3A_307 = arith.constant 112 : index
        %swap3A_308 = tpu.vector_load %arg18[%swap3A_306, %swap3A_307] {strides = array<i32>} : memref<320x128xf32, #tpu.memory_space<vmem>>, vector<1x16xf32>,
        %swap3A_309 = vector.shape_cast %swap3A_308 : vector<1x16xf32> to vector<16xf32>
        %swap3A_310 = vector.shape_cast %scan3A_230#7 : vector<16xf32> to vector<1x16xf32>
        tpu.vector_store %arg18[%swap3A_306, %swap3A_307], %swap3A_310 {strides = array<i32>} : memref<320x128xf32, #tpu.memory_space<vmem>>, vector<1x16xf32>,
      }
      %scan3A_163 = arith.constant 5 : i32
      %add3A_164 = arith.constant 4 : i32
      %add3A_165 = arith.addi %add3A_151, %add3A_164 : i32
      %lt3A_166 = arith.constant 64 : i32
      %lt3A_167 = arith.cmpi slt, %add3A_165, %lt3A_166 : i32
      %convert_element_type3A_168 = arith.extui %lt3A_167 : i1 to i32
      %cond3A_169 = arith.constant 0 : i32
      %cond3A_170 = arith.cmpi ne, %convert_element_type3A_168, %cond3A_169 : i32
      scf.if %cond3A_170 {
        %add3A_192 = arith.constant 4 : i32
        %add3A_193 = arith.addi %add3A_151, %add3A_192 : i32
        %dma_start3A_194 = arith.constant 0 : i32
        %dma_start3A_195 = tpu.memref_slice %arg12[%add3A_193, %dma_start3A_194] : memref<64x125xi32, #tpu.memory_space<vmem>> -> memref<1x125xi32, #tpu.memory_space<vmem>>
        %dma_start3A_196 = tpu.memref_squeeze %dma_start3A_195 : memref<1x125xi32, #tpu.memory_space<vmem>> -> memref<125xi32, #tpu.memory_space<vmem>>
        %dma_start3A_197 = arith.constant 0 : i32
        %dma_start3A_198 = arith.constant 0 : i32
        %dma_start3A_199 = tpu.memref_slice %arg2[%dma_start3A_197, %dma_start3A_198] : memref<100000x128xf32, #tpu.memory_space<hbm>> -> memref<100000x128xf32, #tpu.memory_space<hbm>>
        tpu.enqueue_indirect_dma source(%dma_start3A_199 : memref<100000x128xf32, #tpu.memory_space<hbm>>) target(%arg16 : memref<125x128xf32, #tpu.memory_space<vmem>>) offsets(%dma_start3A_196 : memref<125xi32, #tpu.memory_space<vmem>>) semaphore(%arg21 : memref<!tpu.dma_semaphore, #tpu.memory_space<semaphore_mem>>)
      } else {
      }
      %add3A_171 = arith.constant 3 : i32
      %add3A_172 = arith.addi %mul3A_111, %add3A_171 : i32
      %dma_wait3A_173 = arith.constant 0 : i32
      %dma_wait3A_174 = tpu.memref_slice %arg12[%add3A_172, %dma_wait3A_173] : memref<64x125xi32, #tpu.memory_space<vmem>> -> memref<1x125xi32, #tpu.memory_space<vmem>>
      %dma_wait3A_175 = tpu.memref_squeeze %dma_wait3A_174 : memref<1x125xi32, #tpu.memory_space<vmem>> -> memref<125xi32, #tpu.memory_space<vmem>>
      %dma_wait3A_176 = arith.constant 0 : i32
      %dma_wait3A_177 = arith.constant 0 : i32
      %dma_wait3A_178 = tpu.memref_slice %arg2[%dma_wait3A_176, %dma_wait3A_177] : memref<100000x128xf32, #tpu.memory_space<hbm>> -> memref<100000x128xf32, #tpu.memory_space<hbm>>
      tpu.wait_indirect_dma semaphore(%arg22 : memref<!tpu.dma_semaphore, #tpu.memory_space<semaphore_mem>>) src(%dma_wait3A_178 : memref<100000x128xf32, #tpu.memory_space<hbm>>) dst(%arg17 : memref<125x128xf32, #tpu.memory_space<vmem>>)
      %scan3A_179 = arith.constant 0 : i32
      %scan3A_180 = arith.constant 0 : i32
      %scan3A_181 = arith.constant 5 : i32
      %scan3A_182 = arith.addi %scan3A_180, %scan3A_181 : i32
      %scan3A_183 = arith.constant 1 : i32
      scf.for %scan3A_192 = %scan3A_180 to %scan3A_182 step %scan3A_183  : i32 {
        %mul3A_193 = arith.constant 25 : i32
        %mul3A_194 = arith.muli %scan3A_192, %mul3A_193 : i32
        %get3A = arith.index_cast %mul3A_194 : i32 to index
        %get3A_195 = arith.constant 0 : index
        %get3A_196 = tpu.vector_load %arg17[%get3A, %get3A_195] {strides = array<i32>} : memref<125x128xf32, #tpu.memory_space<vmem>>, vector<1x16xf32>,
        %get3A_197 = vector.shape_cast %get3A_196 : vector<1x16xf32> to vector<16xf32>
        %get3A_198 = arith.index_cast %mul3A_194 : i32 to index
        %get3A_199 = arith.constant 16 : index
        %get3A_200 = tpu.vector_load %arg17[%get3A_198, %get3A_199] {strides = array<i32>} : memref<125x128xf32, #tpu.memory_space<vmem>>, vector<1x16xf32>,
        %get3A_201 = vector.shape_cast %get3A_200 : vector<1x16xf32> to vector<16xf32>
        %get3A_202 = arith.index_cast %mul3A_194 : i32 to index
        %get3A_203 = arith.constant 32 : index
        %get3A_204 = tpu.vector_load %arg17[%get3A_202, %get3A_203] {strides = array<i32>} : memref<125x128xf32, #tpu.memory_space<vmem>>, vector<1x16xf32>,
        %get3A_205 = vector.shape_cast %get3A_204 : vector<1x16xf32> to vector<16xf32>
        %get3A_206 = arith.index_cast %mul3A_194 : i32 to index
        %get3A_207 = arith.constant 48 : index
        %get3A_208 = tpu.vector_load %arg17[%get3A_206, %get3A_207] {strides = array<i32>} : memref<125x128xf32, #tpu.memory_space<vmem>>, vector<1x16xf32>,
        %get3A_209 = vector.shape_cast %get3A_208 : vector<1x16xf32> to vector<16xf32>
        %get3A_210 = arith.index_cast %mul3A_194 : i32 to index
        %get3A_211 = arith.constant 64 : index
        %get3A_212 = tpu.vector_load %arg17[%get3A_210, %get3A_211] {strides = array<i32>} : memref<125x128xf32, #tpu.memory_space<vmem>>, vector<1x16xf32>,
        %get3A_213 = vector.shape_cast %get3A_212 : vector<1x16xf32> to vector<16xf32>
        %get3A_214 = arith.index_cast %mul3A_194 : i32 to index
        %get3A_215 = arith.constant 80 : index
        %get3A_216 = tpu.vector_load %arg17[%get3A_214, %get3A_215] {strides = array<i32>} : memref<125x128xf32, #tpu.memory_space<vmem>>, vector<1x16xf32>,
        %get3A_217 = vector.shape_cast %get3A_216 : vector<1x16xf32> to vector<16xf32>
        %get3A_218 = arith.index_cast %mul3A_194 : i32 to index
        %get3A_219 = arith.constant 96 : index
        %get3A_220 = tpu.vector_load %arg17[%get3A_218, %get3A_219] {strides = array<i32>} : memref<125x128xf32, #tpu.memory_space<vmem>>, vector<1x16xf32>,
        %get3A_221 = vector.shape_cast %get3A_220 : vector<1x16xf32> to vector<16xf32>
        %get3A_222 = arith.index_cast %mul3A_194 : i32 to index
        %get3A_223 = arith.constant 112 : index
        %get3A_224 = tpu.vector_load %arg17[%get3A_222, %get3A_223] {strides = array<i32>} : memref<125x128xf32, #tpu.memory_space<vmem>>, vector<1x16xf32>,
        %get3A_225 = vector.shape_cast %get3A_224 : vector<1x16xf32> to vector<16xf32>
        %scan3A_226 = arith.constant 1 : i32
        %scan3A_227 = arith.constant 24 : i32
        %scan3A_228 = arith.addi %scan3A_226, %scan3A_227 : i32
        %scan3A_229 = arith.constant 1 : i32
        %scan3A_230:8 = scf.for %scan3A_311 = %scan3A_226 to %scan3A_228 step %scan3A_229 iter_args(%scan3A_312 = %get3A_197, %scan3A_313 = %get3A_201, %scan3A_314 = %get3A_205, %scan3A_315 = %get3A_209, %scan3A_316 = %get3A_213, %scan3A_317 = %get3A_217, %scan3A_318 = %get3A_221, %scan3A_319 = %get3A_225) -> (vector<16xf32>, vector<16xf32>, vector<16xf32>, vector<16xf32>, vector<16xf32>, vector<16xf32>, vector<16xf32>, vector<16xf32>)  : i32 {
          %add3A_320 = arith.addi %mul3A_194, %scan3A_311 : i32
          %get3A_321 = arith.index_cast %add3A_320 : i32 to index
          %get3A_322 = arith.constant 0 : index
          %get3A_323 = tpu.vector_load %arg17[%get3A_321, %get3A_322] {strides = array<i32>} : memref<125x128xf32, #tpu.memory_space<vmem>>, vector<1x16xf32>,
          %get3A_324 = vector.shape_cast %get3A_323 : vector<1x16xf32> to vector<16xf32>
          %add3A_325 = arith.addf %scan3A_312, %get3A_324 : vector<16xf32>
          %add3A_326 = arith.addi %mul3A_194, %scan3A_311 : i32
          %get3A_327 = arith.index_cast %add3A_326 : i32 to index
          %get3A_328 = arith.constant 16 : index
          %get3A_329 = tpu.vector_load %arg17[%get3A_327, %get3A_328] {strides = array<i32>} : memref<125x128xf32, #tpu.memory_space<vmem>>, vector<1x16xf32>,
          %get3A_330 = vector.shape_cast %get3A_329 : vector<1x16xf32> to vector<16xf32>
          %add3A_331 = arith.addf %scan3A_313, %get3A_330 : vector<16xf32>
          %add3A_332 = arith.addi %mul3A_194, %scan3A_311 : i32
          %get3A_333 = arith.index_cast %add3A_332 : i32 to index
          %get3A_334 = arith.constant 32 : index
          %get3A_335 = tpu.vector_load %arg17[%get3A_333, %get3A_334] {strides = array<i32>} : memref<125x128xf32, #tpu.memory_space<vmem>>, vector<1x16xf32>,
          %get3A_336 = vector.shape_cast %get3A_335 : vector<1x16xf32> to vector<16xf32>
          %add3A_337 = arith.addf %scan3A_314, %get3A_336 : vector<16xf32>
          %add3A_338 = arith.addi %mul3A_194, %scan3A_311 : i32
          %get3A_339 = arith.index_cast %add3A_338 : i32 to index
          %get3A_340 = arith.constant 48 : index
          %get3A_341 = tpu.vector_load %arg17[%get3A_339, %get3A_340] {strides = array<i32>} : memref<125x128xf32, #tpu.memory_space<vmem>>, vector<1x16xf32>,
          %get3A_342 = vector.shape_cast %get3A_341 : vector<1x16xf32> to vector<16xf32>
          %add3A_343 = arith.addf %scan3A_315, %get3A_342 : vector<16xf32>
          %add3A_344 = arith.addi %mul3A_194, %scan3A_311 : i32
          %get3A_345 = arith.index_cast %add3A_344 : i32 to index
          %get3A_346 = arith.constant 64 : index
          %get3A_347 = tpu.vector_load %arg17[%get3A_345, %get3A_346] {strides = array<i32>} : memref<125x128xf32, #tpu.memory_space<vmem>>, vector<1x16xf32>,
          %get3A_348 = vector.shape_cast %get3A_347 : vector<1x16xf32> to vector<16xf32>
          %add3A_349 = arith.addf %scan3A_316, %get3A_348 : vector<16xf32>
          %add3A_350 = arith.addi %mul3A_194, %scan3A_311 : i32
          %get3A_351 = arith.index_cast %add3A_350 : i32 to index
          %get3A_352 = arith.constant 80 : index
          %get3A_353 = tpu.vector_load %arg17[%get3A_351, %get3A_352] {strides = array<i32>} : memref<125x128xf32, #tpu.memory_space<vmem>>, vector<1x16xf32>,
          %get3A_354 = vector.shape_cast %get3A_353 : vector<1x16xf32> to vector<16xf32>
          %add3A_355 = arith.addf %scan3A_317, %get3A_354 : vector<16xf32>
          %add3A_356 = arith.addi %mul3A_194, %scan3A_311 : i32
          %get3A_357 = arith.index_cast %add3A_356 : i32 to index
          %get3A_358 = arith.constant 96 : index
          %get3A_359 = tpu.vector_load %arg17[%get3A_357, %get3A_358] {strides = array<i32>} : memref<125x128xf32, #tpu.memory_space<vmem>>, vector<1x16xf32>,
          %get3A_360 = vector.shape_cast %get3A_359 : vector<1x16xf32> to vector<16xf32>
          %add3A_361 = arith.addf %scan3A_318, %get3A_360 : vector<16xf32>
          %add3A_362 = arith.addi %mul3A_194, %scan3A_311 : i32
          %get3A_363 = arith.index_cast %add3A_362 : i32 to index
          %get3A_364 = arith.constant 112 : index
          %get3A_365 = tpu.vector_load %arg17[%get3A_363, %get3A_364] {strides = array<i32>} : memref<125x128xf32, #tpu.memory_space<vmem>>, vector<1x16xf32>,
          %get3A_366 = vector.shape_cast %get3A_365 : vector<1x16xf32> to vector<16xf32>
          %add3A_367 = arith.addf %scan3A_319, %get3A_366 : vector<16xf32>
          scf.yield %add3A_325, %add3A_331, %add3A_337, %add3A_343, %add3A_349, %add3A_355, %add3A_361, %add3A_367 : vector<16xf32>, vector<16xf32>, vector<16xf32>, vector<16xf32>, vector<16xf32>, vector<16xf32>, vector<16xf32>, vector<16xf32>
        }
        %scan3A_231 = arith.constant 24 : i32
        %mul3A_232 = arith.constant 1 : i32
        %mul3A_233 = arith.muli %add3A_172, %mul3A_232 : i32
        %mul3A_234 = arith.constant 5 : i32
        %mul3A_235 = arith.muli %mul3A_233, %mul3A_234 : i32
        %add3A_236 = arith.addi %mul3A_235, %scan3A_192 : i32
        %swap3A = arith.index_cast %add3A_236 : i32 to index
        %swap3A_237 = arith.constant 0 : index
        %swap3A_238 = tpu.vector_load %arg18[%swap3A, %swap3A_237] {strides = array<i32>} : memref<320x128xf32, #tpu.memory_space<vmem>>, vector<1x16xf32>,
        %swap3A_239 = vector.shape_cast %swap3A_238 : vector<1x16xf32> to vector<16xf32>
        %swap3A_240 = vector.shape_cast %scan3A_230#0 : vector<16xf32> to vector<1x16xf32>
        tpu.vector_store %arg18[%swap3A, %swap3A_237], %swap3A_240 {strides = array<i32>} : memref<320x128xf32, #tpu.memory_space<vmem>>, vector<1x16xf32>,
        %mul3A_241 = arith.constant 1 : i32
        %mul3A_242 = arith.muli %add3A_172, %mul3A_241 : i32
        %mul3A_243 = arith.constant 5 : i32
        %mul3A_244 = arith.muli %mul3A_242, %mul3A_243 : i32
        %add3A_245 = arith.addi %mul3A_244, %scan3A_192 : i32
        %swap3A_246 = arith.index_cast %add3A_245 : i32 to index
        %swap3A_247 = arith.constant 16 : index
        %swap3A_248 = tpu.vector_load %arg18[%swap3A_246, %swap3A_247] {strides = array<i32>} : memref<320x128xf32, #tpu.memory_space<vmem>>, vector<1x16xf32>,
        %swap3A_249 = vector.shape_cast %swap3A_248 : vector<1x16xf32> to vector<16xf32>
        %swap3A_250 = vector.shape_cast %scan3A_230#1 : vector<16xf32> to vector<1x16xf32>
        tpu.vector_store %arg18[%swap3A_246, %swap3A_247], %swap3A_250 {strides = array<i32>} : memref<320x128xf32, #tpu.memory_space<vmem>>, vector<1x16xf32>,
        %mul3A_251 = arith.constant 1 : i32
        %mul3A_252 = arith.muli %add3A_172, %mul3A_251 : i32
        %mul3A_253 = arith.constant 5 : i32
        %mul3A_254 = arith.muli %mul3A_252, %mul3A_253 : i32
        %add3A_255 = arith.addi %mul3A_254, %scan3A_192 : i32
        %swap3A_256 = arith.index_cast %add3A_255 : i32 to index
        %swap3A_257 = arith.constant 32 : index
        %swap3A_258 = tpu.vector_load %arg18[%swap3A_256, %swap3A_257] {strides = array<i32>} : memref<320x128xf32, #tpu.memory_space<vmem>>, vector<1x16xf32>,
        %swap3A_259 = vector.shape_cast %swap3A_258 : vector<1x16xf32> to vector<16xf32>
        %swap3A_260 = vector.shape_cast %scan3A_230#2 : vector<16xf32> to vector<1x16xf32>
        tpu.vector_store %arg18[%swap3A_256, %swap3A_257], %swap3A_260 {strides = array<i32>} : memref<320x128xf32, #tpu.memory_space<vmem>>, vector<1x16xf32>,
        %mul3A_261 = arith.constant 1 : i32
        %mul3A_262 = arith.muli %add3A_172, %mul3A_261 : i32
        %mul3A_263 = arith.constant 5 : i32
        %mul3A_264 = arith.muli %mul3A_262, %mul3A_263 : i32
        %add3A_265 = arith.addi %mul3A_264, %scan3A_192 : i32
        %swap3A_266 = arith.index_cast %add3A_265 : i32 to index
        %swap3A_267 = arith.constant 48 : index
        %swap3A_268 = tpu.vector_load %arg18[%swap3A_266, %swap3A_267] {strides = array<i32>} : memref<320x128xf32, #tpu.memory_space<vmem>>, vector<1x16xf32>,
        %swap3A_269 = vector.shape_cast %swap3A_268 : vector<1x16xf32> to vector<16xf32>
        %swap3A_270 = vector.shape_cast %scan3A_230#3 : vector<16xf32> to vector<1x16xf32>
        tpu.vector_store %arg18[%swap3A_266, %swap3A_267], %swap3A_270 {strides = array<i32>} : memref<320x128xf32, #tpu.memory_space<vmem>>, vector<1x16xf32>,
        %mul3A_271 = arith.constant 1 : i32
        %mul3A_272 = arith.muli %add3A_172, %mul3A_271 : i32
        %mul3A_273 = arith.constant 5 : i32
        %mul3A_274 = arith.muli %mul3A_272, %mul3A_273 : i32
        %add3A_275 = arith.addi %mul3A_274, %scan3A_192 : i32
        %swap3A_276 = arith.index_cast %add3A_275 : i32 to index
        %swap3A_277 = arith.constant 64 : index
        %swap3A_278 = tpu.vector_load %arg18[%swap3A_276, %swap3A_277] {strides = array<i32>} : memref<320x128xf32, #tpu.memory_space<vmem>>, vector<1x16xf32>,
        %swap3A_279 = vector.shape_cast %swap3A_278 : vector<1x16xf32> to vector<16xf32>
        %swap3A_280 = vector.shape_cast %scan3A_230#4 : vector<16xf32> to vector<1x16xf32>
        tpu.vector_store %arg18[%swap3A_276, %swap3A_277], %swap3A_280 {strides = array<i32>} : memref<320x128xf32, #tpu.memory_space<vmem>>, vector<1x16xf32>,
        %mul3A_281 = arith.constant 1 : i32
        %mul3A_282 = arith.muli %add3A_172, %mul3A_281 : i32
        %mul3A_283 = arith.constant 5 : i32
        %mul3A_284 = arith.muli %mul3A_282, %mul3A_283 : i32
        %add3A_285 = arith.addi %mul3A_284, %scan3A_192 : i32
        %swap3A_286 = arith.index_cast %add3A_285 : i32 to index
        %swap3A_287 = arith.constant 80 : index
        %swap3A_288 = tpu.vector_load %arg18[%swap3A_286, %swap3A_287] {strides = array<i32>} : memref<320x128xf32, #tpu.memory_space<vmem>>, vector<1x16xf32>,
        %swap3A_289 = vector.shape_cast %swap3A_288 : vector<1x16xf32> to vector<16xf32>
        %swap3A_290 = vector.shape_cast %scan3A_230#5 : vector<16xf32> to vector<1x16xf32>
        tpu.vector_store %arg18[%swap3A_286, %swap3A_287], %swap3A_290 {strides = array<i32>} : memref<320x128xf32, #tpu.memory_space<vmem>>, vector<1x16xf32>,
        %mul3A_291 = arith.constant 1 : i32
        %mul3A_292 = arith.muli %add3A_172, %mul3A_291 : i32
        %mul3A_293 = arith.constant 5 : i32
        %mul3A_294 = arith.muli %mul3A_292, %mul3A_293 : i32
        %add3A_295 = arith.addi %mul3A_294, %scan3A_192 : i32
        %swap3A_296 = arith.index_cast %add3A_295 : i32 to index
        %swap3A_297 = arith.constant 96 : index
        %swap3A_298 = tpu.vector_load %arg18[%swap3A_296, %swap3A_297] {strides = array<i32>} : memref<320x128xf32, #tpu.memory_space<vmem>>, vector<1x16xf32>,
        %swap3A_299 = vector.shape_cast %swap3A_298 : vector<1x16xf32> to vector<16xf32>
        %swap3A_300 = vector.shape_cast %scan3A_230#6 : vector<16xf32> to vector<1x16xf32>
        tpu.vector_store %arg18[%swap3A_296, %swap3A_297], %swap3A_300 {strides = array<i32>} : memref<320x128xf32, #tpu.memory_space<vmem>>, vector<1x16xf32>,
        %mul3A_301 = arith.constant 1 : i32
        %mul3A_302 = arith.muli %add3A_172, %mul3A_301 : i32
        %mul3A_303 = arith.constant 5 : i32
        %mul3A_304 = arith.muli %mul3A_302, %mul3A_303 : i32
        %add3A_305 = arith.addi %mul3A_304, %scan3A_192 : i32
        %swap3A_306 = arith.index_cast %add3A_305 : i32 to index
        %swap3A_307 = arith.constant 112 : index
        %swap3A_308 = tpu.vector_load %arg18[%swap3A_306, %swap3A_307] {strides = array<i32>} : memref<320x128xf32, #tpu.memory_space<vmem>>, vector<1x16xf32>,
        %swap3A_309 = vector.shape_cast %swap3A_308 : vector<1x16xf32> to vector<16xf32>
        %swap3A_310 = vector.shape_cast %scan3A_230#7 : vector<16xf32> to vector<1x16xf32>
        tpu.vector_store %arg18[%swap3A_306, %swap3A_307], %swap3A_310 {strides = array<i32>} : memref<320x128xf32, #tpu.memory_space<vmem>>, vector<1x16xf32>,
      }
      %scan3A_184 = arith.constant 5 : i32
      %add3A_185 = arith.constant 4 : i32
      %add3A_186 = arith.addi %add3A_172, %add3A_185 : i32
      %lt3A_187 = arith.constant 64 : i32
      %lt3A_188 = arith.cmpi slt, %add3A_186, %lt3A_187 : i32
      %convert_element_type3A_189 = arith.extui %lt3A_188 : i1 to i32
      %cond3A_190 = arith.constant 0 : i32
      %cond3A_191 = arith.cmpi ne, %convert_element_type3A_189, %cond3A_190 : i32
      scf.if %cond3A_191 {
        %add3A_192 = arith.constant 4 : i32
        %add3A_193 = arith.addi %add3A_172, %add3A_192 : i32
        %dma_start3A_194 = arith.constant 0 : i32
        %dma_start3A_195 = tpu.memref_slice %arg12[%add3A_193, %dma_start3A_194] : memref<64x125xi32, #tpu.memory_space<vmem>> -> memref<1x125xi32, #tpu.memory_space<vmem>>
        %dma_start3A_196 = tpu.memref_squeeze %dma_start3A_195 : memref<1x125xi32, #tpu.memory_space<vmem>> -> memref<125xi32, #tpu.memory_space<vmem>>
        %dma_start3A_197 = arith.constant 0 : i32
        %dma_start3A_198 = arith.constant 0 : i32
        %dma_start3A_199 = tpu.memref_slice %arg2[%dma_start3A_197, %dma_start3A_198] : memref<100000x128xf32, #tpu.memory_space<hbm>> -> memref<100000x128xf32, #tpu.memory_space<hbm>>
        tpu.enqueue_indirect_dma source(%dma_start3A_199 : memref<100000x128xf32, #tpu.memory_space<hbm>>) target(%arg17 : memref<125x128xf32, #tpu.memory_space<vmem>>) offsets(%dma_start3A_196 : memref<125xi32, #tpu.memory_space<vmem>>) semaphore(%arg22 : memref<!tpu.dma_semaphore, #tpu.memory_space<semaphore_mem>>)
      } else {
      }
    }
    %scan3A_74 = arith.constant 16 : i32
    "tpu.region"() ({
      %run_scoped3A = tpu.sem_alloc : memref<!tpu.dma_semaphore, #tpu.memory_space<semaphore_mem>>
      %dma_start3A_109 = arith.constant 0 : i32
      %dma_start3A_110 = tpu.memref_slice %arg9[%mul3A_2, %dma_start3A_109] : memref<10240x128xf32, #tpu.memory_space<hbm>> -> memref<320x128xf32, #tpu.memory_space<hbm>>
      %dma_start3A_111 = arith.constant 0 : i32
      %dma_start3A_112 = tpu.memref_slice %arg9[%mul3A_2, %dma_start3A_111] : memref<10240x128xf32, #tpu.memory_space<hbm>> -> memref<320x128xf32, #tpu.memory_space<hbm>>
      tpu.enqueue_dma source(%arg18 : memref<320x128xf32, #tpu.memory_space<vmem>>) target(%dma_start3A_112 : memref<320x128xf32, #tpu.memory_space<hbm>>) target_semaphore(%run_scoped3A : memref<!tpu.dma_semaphore, #tpu.memory_space<semaphore_mem>>)
      %dma_wait3A = arith.constant 0 : i32
      %dma_wait3A_113 = tpu.memref_slice %arg9[%mul3A_2, %dma_wait3A] : memref<10240x128xf32, #tpu.memory_space<hbm>> -> memref<320x128xf32, #tpu.memory_space<hbm>>
      %dma_wait3A_114 = arith.constant 0 : i32
      %dma_wait3A_115 = tpu.memref_slice %arg9[%mul3A_2, %dma_wait3A_114] : memref<10240x128xf32, #tpu.memory_space<hbm>> -> memref<320x128xf32, #tpu.memory_space<hbm>>
      tpu.wait_dma2 semaphore(%run_scoped3A : memref<!tpu.dma_semaphore, #tpu.memory_space<semaphore_mem>>) src(%arg18 : memref<320x128xf32, #tpu.memory_space<vmem>>) dst(%dma_wait3A_115 : memref<320x128xf32, #tpu.memory_space<hbm>>)
      tpu.yield
    }) : () -> ()
    "tpu.region"() ({
      %run_scoped3A = tpu.sem_alloc : memref<!tpu.dma_semaphore, #tpu.memory_space<semaphore_mem>>
      %dma_start3A_109 = arith.constant 0 : i32
      %dma_start3A_110 = arith.constant 0 : i32
      %dma_start3A_111 = tpu.memref_slice %arg6[%add3A, %dma_start3A_109, %dma_start3A_110] : memref<32x64x125xi32, #tpu.memory_space<hbm>> -> memref<1x64x125xi32, #tpu.memory_space<hbm>>
      %dma_start3A_112 = tpu.memref_squeeze %dma_start3A_111 : memref<1x64x125xi32, #tpu.memory_space<hbm>> -> memref<64x125xi32, #tpu.memory_space<hbm>>
      %dma_start3A_113 = arith.constant 0 : i32
      %dma_start3A_114 = arith.constant 0 : i32
      %dma_start3A_115 = tpu.memref_slice %arg6[%add3A, %dma_start3A_113, %dma_start3A_114] : memref<32x64x125xi32, #tpu.memory_space<hbm>> -> memref<1x64x125xi32, #tpu.memory_space<hbm>>
      %dma_start3A_116 = tpu.memref_squeeze %dma_start3A_115 : memref<1x64x125xi32, #tpu.memory_space<hbm>> -> memref<64x125xi32, #tpu.memory_space<hbm>>
      tpu.enqueue_dma source(%dma_start3A_116 : memref<64x125xi32, #tpu.memory_space<hbm>>) target(%arg11 : memref<64x125xi32, #tpu.memory_space<vmem>>) target_semaphore(%run_scoped3A : memref<!tpu.dma_semaphore, #tpu.memory_space<semaphore_mem>>)
      %dma_wait3A = arith.constant 0 : i32
      %dma_wait3A_117 = arith.constant 0 : i32
      %dma_wait3A_118 = tpu.memref_slice %arg6[%add3A, %dma_wait3A, %dma_wait3A_117] : memref<32x64x125xi32, #tpu.memory_space<hbm>> -> memref<1x64x125xi32, #tpu.memory_space<hbm>>
      %dma_wait3A_119 = tpu.memref_squeeze %dma_wait3A_118 : memref<1x64x125xi32, #tpu.memory_space<hbm>> -> memref<64x125xi32, #tpu.memory_space<hbm>>
      %dma_wait3A_120 = arith.constant 0 : i32
      %dma_wait3A_121 = arith.constant 0 : i32
      %dma_wait3A_122 = tpu.memref_slice %arg6[%add3A, %dma_wait3A_120, %dma_wait3A_121] : memref<32x64x125xi32, #tpu.memory_space<hbm>> -> memref<1x64x125xi32, #tpu.memory_space<hbm>>
      %dma_wait3A_123 = tpu.memref_squeeze %dma_wait3A_122 : memref<1x64x125xi32, #tpu.memory_space<hbm>> -> memref<64x125xi32, #tpu.memory_space<hbm>>
      tpu.wait_dma2 semaphore(%run_scoped3A : memref<!tpu.dma_semaphore, #tpu.memory_space<semaphore_mem>>) src(%dma_wait3A_123 : memref<64x125xi32, #tpu.memory_space<hbm>>) dst(%arg11 : memref<64x125xi32, #tpu.memory_space<vmem>>)
      tpu.yield
    }) : () -> ()
    %dma_start3A_75 = arith.constant 0 : i32
    %dma_start3A_76 = arith.constant 0 : i32
    %dma_start3A_77 = tpu.memref_slice %arg11[%dma_start3A_75, %dma_start3A_76] : memref<64x125xi32, #tpu.memory_space<vmem>> -> memref<1x125xi32, #tpu.memory_space<vmem>>
    %dma_start3A_78 = tpu.memref_squeeze %dma_start3A_77 : memref<1x125xi32, #tpu.memory_space<vmem>> -> memref<125xi32, #tpu.memory_space<vmem>>
    %dma_start3A_79 = arith.constant 0 : i32
    %dma_start3A_80 = arith.constant 0 : i32
    %dma_start3A_81 = tpu.memref_slice %arg2[%dma_start3A_79, %dma_start3A_80] : memref<100000x128xf32, #tpu.memory_space<hbm>> -> memref<100000x128xf32, #tpu.memory_space<hbm>>
    tpu.enqueue_indirect_dma source(%dma_start3A_81 : memref<100000x128xf32, #tpu.memory_space<hbm>>) target(%arg14 : memref<125x128xf32, #tpu.memory_space<vmem>>) offsets(%dma_start3A_78 : memref<125xi32, #tpu.memory_space<vmem>>) semaphore(%arg19 : memref<!tpu.dma_semaphore, #tpu.memory_space<semaphore_mem>>)
    %dma_start3A_82 = arith.constant 1 : i32
    %dma_start3A_83 = arith.constant 0 : i32
    %dma_start3A_84 = tpu.memref_slice %arg11[%dma_start3A_82, %dma_start3A_83] : memref<64x125xi32, #tpu.memory_space<vmem>> -> memref<1x125xi32, #tpu.memory_space<vmem>>
    %dma_start3A_85 = tpu.memref_squeeze %dma_start3A_84 : memref<1x125xi32, #tpu.memory_space<vmem>> -> memref<125xi32, #tpu.memory_space<vmem>>
    %dma_start3A_86 = arith.constant 0 : i32
    %dma_start3A_87 = arith.constant 0 : i32
    %dma_start3A_88 = tpu.memref_slice %arg2[%dma_start3A_86, %dma_start3A_87] : memref<100000x128xf32, #tpu.memory_space<hbm>> -> memref<100000x128xf32, #tpu.memory_space<hbm>>
    tpu.enqueue_indirect_dma source(%dma_start3A_88 : memref<100000x128xf32, #tpu.memory_space<hbm>>) target(%arg15 : memref<125x128xf32, #tpu.memory_space<vmem>>) offsets(%dma_start3A_85 : memref<125xi32, #tpu.memory_space<vmem>>) semaphore(%arg20 : memref<!tpu.dma_semaphore, #tpu.memory_space<semaphore_mem>>)
    %dma_start3A_89 = arith.constant 2 : i32
    %dma_start3A_90 = arith.constant 0 : i32
    %dma_start3A_91 = tpu.memref_slice %arg11[%dma_start3A_89, %dma_start3A_90] : memref<64x125xi32, #tpu.memory_space<vmem>> -> memref<1x125xi32, #tpu.memory_space<vmem>>
    %dma_start3A_92 = tpu.memref_squeeze %dma_start3A_91 : memref<1x125xi32, #tpu.memory_space<vmem>> -> memref<125xi32, #tpu.memory_space<vmem>>
    %dma_start3A_93 = arith.constant 0 : i32
    %dma_start3A_94 = arith.constant 0 : i32
    %dma_start3A_95 = tpu.memref_slice %arg2[%dma_start3A_93, %dma_start3A_94] : memref<100000x128xf32, #tpu.memory_space<hbm>> -> memref<100000x128xf32, #tpu.memory_space<hbm>>
    tpu.enqueue_indirect_dma source(%dma_start3A_95 : memref<100000x128xf32, #tpu.memory_space<hbm>>) target(%arg16 : memref<125x128xf32, #tpu.memory_space<vmem>>) offsets(%dma_start3A_92 : memref<125xi32, #tpu.memory_space<vmem>>) semaphore(%arg21 : memref<!tpu.dma_semaphore, #tpu.memory_space<semaphore_mem>>)
    %dma_start3A_96 = arith.constant 3 : i32
    %dma_start3A_97 = arith.constant 0 : i32
    %dma_start3A_98 = tpu.memref_slice %arg11[%dma_start3A_96, %dma_start3A_97] : memref<64x125xi32, #tpu.memory_space<vmem>> -> memref<1x125xi32, #tpu.memory_space<vmem>>
    %dma_start3A_99 = tpu.memref_squeeze %dma_start3A_98 : memref<1x125xi32, #tpu.memory_space<vmem>> -> memref<125xi32, #tpu.memory_space<vmem>>
    %dma_start3A_100 = arith.constant 0 : i32
    %dma_start3A_101 = arith.constant 0 : i32
    %dma_start3A_102 = tpu.memref_slice %arg2[%dma_start3A_100, %dma_start3A_101] : memref<100000x128xf32, #tpu.memory_space<hbm>> -> memref<100000x128xf32, #tpu.memory_space<hbm>>
    tpu.enqueue_indirect_dma source(%dma_start3A_102 : memref<100000x128xf32, #tpu.memory_space<hbm>>) target(%arg17 : memref<125x128xf32, #tpu.memory_space<vmem>>) offsets(%dma_start3A_99 : memref<125xi32, #tpu.memory_space<vmem>>) semaphore(%arg22 : memref<!tpu.dma_semaphore, #tpu.memory_space<semaphore_mem>>)
    %scan3A_103 = arith.constant 0 : i32
    %scan3A_104 = arith.constant 0 : i32
    %scan3A_105 = arith.constant 16 : i32
    %scan3A_106 = arith.addi %scan3A_104, %scan3A_105 : i32
    %scan3A_107 = arith.constant 1 : i32
    scf.for %scan3A_109 = %scan3A_104 to %scan3A_106 step %scan3A_107  : i32 {
      %mul3A_110 = arith.constant 4 : i32
      %mul3A_111 = arith.muli %scan3A_109, %mul3A_110 : i32
      %add3A_112 = arith.constant 0 : i32
      %add3A_113 = arith.addi %mul3A_111, %add3A_112 : i32
      %dma_wait3A = arith.constant 0 : i32
      %dma_wait3A_114 = tpu.memref_slice %arg11[%add3A_113, %dma_wait3A] : memref<64x125xi32, #tpu.memory_space<vmem>> -> memref<1x125xi32, #tpu.memory_space<vmem>>
      %dma_wait3A_115 = tpu.memref_squeeze %dma_wait3A_114 : memref<1x125xi32, #tpu.memory_space<vmem>> -> memref<125xi32, #tpu.memory_space<vmem>>
      %dma_wait3A_116 = arith.constant 0 : i32
      %dma_wait3A_117 = arith.constant 0 : i32
      %dma_wait3A_118 = tpu.memref_slice %arg2[%dma_wait3A_116, %dma_wait3A_117] : memref<100000x128xf32, #tpu.memory_space<hbm>> -> memref<100000x128xf32, #tpu.memory_space<hbm>>
      tpu.wait_indirect_dma semaphore(%arg19 : memref<!tpu.dma_semaphore, #tpu.memory_space<semaphore_mem>>) src(%dma_wait3A_118 : memref<100000x128xf32, #tpu.memory_space<hbm>>) dst(%arg14 : memref<125x128xf32, #tpu.memory_space<vmem>>)
      %scan3A_119 = arith.constant 0 : i32
      %scan3A_120 = arith.constant 0 : i32
      %scan3A_121 = arith.constant 5 : i32
      %scan3A_122 = arith.addi %scan3A_120, %scan3A_121 : i32
      %scan3A_123 = arith.constant 1 : i32
      scf.for %scan3A_192 = %scan3A_120 to %scan3A_122 step %scan3A_123  : i32 {
        %mul3A_193 = arith.constant 25 : i32
        %mul3A_194 = arith.muli %scan3A_192, %mul3A_193 : i32
        %get3A = arith.index_cast %mul3A_194 : i32 to index
        %get3A_195 = arith.constant 0 : index
        %get3A_196 = tpu.vector_load %arg14[%get3A, %get3A_195] {strides = array<i32>} : memref<125x128xf32, #tpu.memory_space<vmem>>, vector<1x16xf32>,
        %get3A_197 = vector.shape_cast %get3A_196 : vector<1x16xf32> to vector<16xf32>
        %get3A_198 = arith.index_cast %mul3A_194 : i32 to index
        %get3A_199 = arith.constant 16 : index
        %get3A_200 = tpu.vector_load %arg14[%get3A_198, %get3A_199] {strides = array<i32>} : memref<125x128xf32, #tpu.memory_space<vmem>>, vector<1x16xf32>,
        %get3A_201 = vector.shape_cast %get3A_200 : vector<1x16xf32> to vector<16xf32>
        %get3A_202 = arith.index_cast %mul3A_194 : i32 to index
        %get3A_203 = arith.constant 32 : index
        %get3A_204 = tpu.vector_load %arg14[%get3A_202, %get3A_203] {strides = array<i32>} : memref<125x128xf32, #tpu.memory_space<vmem>>, vector<1x16xf32>,
        %get3A_205 = vector.shape_cast %get3A_204 : vector<1x16xf32> to vector<16xf32>
        %get3A_206 = arith.index_cast %mul3A_194 : i32 to index
        %get3A_207 = arith.constant 48 : index
        %get3A_208 = tpu.vector_load %arg14[%get3A_206, %get3A_207] {strides = array<i32>} : memref<125x128xf32, #tpu.memory_space<vmem>>, vector<1x16xf32>,
        %get3A_209 = vector.shape_cast %get3A_208 : vector<1x16xf32> to vector<16xf32>
        %get3A_210 = arith.index_cast %mul3A_194 : i32 to index
        %get3A_211 = arith.constant 64 : index
        %get3A_212 = tpu.vector_load %arg14[%get3A_210, %get3A_211] {strides = array<i32>} : memref<125x128xf32, #tpu.memory_space<vmem>>, vector<1x16xf32>,
        %get3A_213 = vector.shape_cast %get3A_212 : vector<1x16xf32> to vector<16xf32>
        %get3A_214 = arith.index_cast %mul3A_194 : i32 to index
        %get3A_215 = arith.constant 80 : index
        %get3A_216 = tpu.vector_load %arg14[%get3A_214, %get3A_215] {strides = array<i32>} : memref<125x128xf32, #tpu.memory_space<vmem>>, vector<1x16xf32>,
        %get3A_217 = vector.shape_cast %get3A_216 : vector<1x16xf32> to vector<16xf32>
        %get3A_218 = arith.index_cast %mul3A_194 : i32 to index
        %get3A_219 = arith.constant 96 : index
        %get3A_220 = tpu.vector_load %arg14[%get3A_218, %get3A_219] {strides = array<i32>} : memref<125x128xf32, #tpu.memory_space<vmem>>, vector<1x16xf32>,
        %get3A_221 = vector.shape_cast %get3A_220 : vector<1x16xf32> to vector<16xf32>
        %get3A_222 = arith.index_cast %mul3A_194 : i32 to index
        %get3A_223 = arith.constant 112 : index
        %get3A_224 = tpu.vector_load %arg14[%get3A_222, %get3A_223] {strides = array<i32>} : memref<125x128xf32, #tpu.memory_space<vmem>>, vector<1x16xf32>,
        %get3A_225 = vector.shape_cast %get3A_224 : vector<1x16xf32> to vector<16xf32>
        %scan3A_226 = arith.constant 1 : i32
        %scan3A_227 = arith.constant 24 : i32
        %scan3A_228 = arith.addi %scan3A_226, %scan3A_227 : i32
        %scan3A_229 = arith.constant 1 : i32
        %scan3A_230:8 = scf.for %scan3A_311 = %scan3A_226 to %scan3A_228 step %scan3A_229 iter_args(%scan3A_312 = %get3A_197, %scan3A_313 = %get3A_201, %scan3A_314 = %get3A_205, %scan3A_315 = %get3A_209, %scan3A_316 = %get3A_213, %scan3A_317 = %get3A_217, %scan3A_318 = %get3A_221, %scan3A_319 = %get3A_225) -> (vector<16xf32>, vector<16xf32>, vector<16xf32>, vector<16xf32>, vector<16xf32>, vector<16xf32>, vector<16xf32>, vector<16xf32>)  : i32 {
          %add3A_320 = arith.addi %mul3A_194, %scan3A_311 : i32
          %get3A_321 = arith.index_cast %add3A_320 : i32 to index
          %get3A_322 = arith.constant 0 : index
          %get3A_323 = tpu.vector_load %arg14[%get3A_321, %get3A_322] {strides = array<i32>} : memref<125x128xf32, #tpu.memory_space<vmem>>, vector<1x16xf32>,
          %get3A_324 = vector.shape_cast %get3A_323 : vector<1x16xf32> to vector<16xf32>
          %add3A_325 = arith.addf %scan3A_312, %get3A_324 : vector<16xf32>
          %add3A_326 = arith.addi %mul3A_194, %scan3A_311 : i32
          %get3A_327 = arith.index_cast %add3A_326 : i32 to index
          %get3A_328 = arith.constant 16 : index
          %get3A_329 = tpu.vector_load %arg14[%get3A_327, %get3A_328] {strides = array<i32>} : memref<125x128xf32, #tpu.memory_space<vmem>>, vector<1x16xf32>,
          %get3A_330 = vector.shape_cast %get3A_329 : vector<1x16xf32> to vector<16xf32>
          %add3A_331 = arith.addf %scan3A_313, %get3A_330 : vector<16xf32>
          %add3A_332 = arith.addi %mul3A_194, %scan3A_311 : i32
          %get3A_333 = arith.index_cast %add3A_332 : i32 to index
          %get3A_334 = arith.constant 32 : index
          %get3A_335 = tpu.vector_load %arg14[%get3A_333, %get3A_334] {strides = array<i32>} : memref<125x128xf32, #tpu.memory_space<vmem>>, vector<1x16xf32>,
          %get3A_336 = vector.shape_cast %get3A_335 : vector<1x16xf32> to vector<16xf32>
          %add3A_337 = arith.addf %scan3A_314, %get3A_336 : vector<16xf32>
          %add3A_338 = arith.addi %mul3A_194, %scan3A_311 : i32
          %get3A_339 = arith.index_cast %add3A_338 : i32 to index
          %get3A_340 = arith.constant 48 : index
          %get3A_341 = tpu.vector_load %arg14[%get3A_339, %get3A_340] {strides = array<i32>} : memref<125x128xf32, #tpu.memory_space<vmem>>, vector<1x16xf32>,
          %get3A_342 = vector.shape_cast %get3A_341 : vector<1x16xf32> to vector<16xf32>
          %add3A_343 = arith.addf %scan3A_315, %get3A_342 : vector<16xf32>
          %add3A_344 = arith.addi %mul3A_194, %scan3A_311 : i32
          %get3A_345 = arith.index_cast %add3A_344 : i32 to index
          %get3A_346 = arith.constant 64 : index
          %get3A_347 = tpu.vector_load %arg14[%get3A_345, %get3A_346] {strides = array<i32>} : memref<125x128xf32, #tpu.memory_space<vmem>>, vector<1x16xf32>,
          %get3A_348 = vector.shape_cast %get3A_347 : vector<1x16xf32> to vector<16xf32>
          %add3A_349 = arith.addf %scan3A_316, %get3A_348 : vector<16xf32>
          %add3A_350 = arith.addi %mul3A_194, %scan3A_311 : i32
          %get3A_351 = arith.index_cast %add3A_350 : i32 to index
          %get3A_352 = arith.constant 80 : index
          %get3A_353 = tpu.vector_load %arg14[%get3A_351, %get3A_352] {strides = array<i32>} : memref<125x128xf32, #tpu.memory_space<vmem>>, vector<1x16xf32>,
          %get3A_354 = vector.shape_cast %get3A_353 : vector<1x16xf32> to vector<16xf32>
          %add3A_355 = arith.addf %scan3A_317, %get3A_354 : vector<16xf32>
          %add3A_356 = arith.addi %mul3A_194, %scan3A_311 : i32
          %get3A_357 = arith.index_cast %add3A_356 : i32 to index
          %get3A_358 = arith.constant 96 : index
          %get3A_359 = tpu.vector_load %arg14[%get3A_357, %get3A_358] {strides = array<i32>} : memref<125x128xf32, #tpu.memory_space<vmem>>, vector<1x16xf32>,
          %get3A_360 = vector.shape_cast %get3A_359 : vector<1x16xf32> to vector<16xf32>
          %add3A_361 = arith.addf %scan3A_318, %get3A_360 : vector<16xf32>
          %add3A_362 = arith.addi %mul3A_194, %scan3A_311 : i32
          %get3A_363 = arith.index_cast %add3A_362 : i32 to index
          %get3A_364 = arith.constant 112 : index
          %get3A_365 = tpu.vector_load %arg14[%get3A_363, %get3A_364] {strides = array<i32>} : memref<125x128xf32, #tpu.memory_space<vmem>>, vector<1x16xf32>,
          %get3A_366 = vector.shape_cast %get3A_365 : vector<1x16xf32> to vector<16xf32>
          %add3A_367 = arith.addf %scan3A_319, %get3A_366 : vector<16xf32>
          scf.yield %add3A_325, %add3A_331, %add3A_337, %add3A_343, %add3A_349, %add3A_355, %add3A_361, %add3A_367 : vector<16xf32>, vector<16xf32>, vector<16xf32>, vector<16xf32>, vector<16xf32>, vector<16xf32>, vector<16xf32>, vector<16xf32>
        }
        %scan3A_231 = arith.constant 24 : i32
        %mul3A_232 = arith.constant 1 : i32
        %mul3A_233 = arith.muli %add3A_113, %mul3A_232 : i32
        %mul3A_234 = arith.constant 5 : i32
        %mul3A_235 = arith.muli %mul3A_233, %mul3A_234 : i32
        %add3A_236 = arith.addi %mul3A_235, %scan3A_192 : i32
        %swap3A = arith.index_cast %add3A_236 : i32 to index
        %swap3A_237 = arith.constant 0 : index
        %swap3A_238 = tpu.vector_load %arg18[%swap3A, %swap3A_237] {strides = array<i32>} : memref<320x128xf32, #tpu.memory_space<vmem>>, vector<1x16xf32>,
        %swap3A_239 = vector.shape_cast %swap3A_238 : vector<1x16xf32> to vector<16xf32>
        %swap3A_240 = vector.shape_cast %scan3A_230#0 : vector<16xf32> to vector<1x16xf32>
        tpu.vector_store %arg18[%swap3A, %swap3A_237], %swap3A_240 {strides = array<i32>} : memref<320x128xf32, #tpu.memory_space<vmem>>, vector<1x16xf32>,
        %mul3A_241 = arith.constant 1 : i32
        %mul3A_242 = arith.muli %add3A_113, %mul3A_241 : i32
        %mul3A_243 = arith.constant 5 : i32
        %mul3A_244 = arith.muli %mul3A_242, %mul3A_243 : i32
        %add3A_245 = arith.addi %mul3A_244, %scan3A_192 : i32
        %swap3A_246 = arith.index_cast %add3A_245 : i32 to index
        %swap3A_247 = arith.constant 16 : index
        %swap3A_248 = tpu.vector_load %arg18[%swap3A_246, %swap3A_247] {strides = array<i32>} : memref<320x128xf32, #tpu.memory_space<vmem>>, vector<1x16xf32>,
        %swap3A_249 = vector.shape_cast %swap3A_248 : vector<1x16xf32> to vector<16xf32>
        %swap3A_250 = vector.shape_cast %scan3A_230#1 : vector<16xf32> to vector<1x16xf32>
        tpu.vector_store %arg18[%swap3A_246, %swap3A_247], %swap3A_250 {strides = array<i32>} : memref<320x128xf32, #tpu.memory_space<vmem>>, vector<1x16xf32>,
        %mul3A_251 = arith.constant 1 : i32
        %mul3A_252 = arith.muli %add3A_113, %mul3A_251 : i32
        %mul3A_253 = arith.constant 5 : i32
        %mul3A_254 = arith.muli %mul3A_252, %mul3A_253 : i32
        %add3A_255 = arith.addi %mul3A_254, %scan3A_192 : i32
        %swap3A_256 = arith.index_cast %add3A_255 : i32 to index
        %swap3A_257 = arith.constant 32 : index
        %swap3A_258 = tpu.vector_load %arg18[%swap3A_256, %swap3A_257] {strides = array<i32>} : memref<320x128xf32, #tpu.memory_space<vmem>>, vector<1x16xf32>,
        %swap3A_259 = vector.shape_cast %swap3A_258 : vector<1x16xf32> to vector<16xf32>
        %swap3A_260 = vector.shape_cast %scan3A_230#2 : vector<16xf32> to vector<1x16xf32>
        tpu.vector_store %arg18[%swap3A_256, %swap3A_257], %swap3A_260 {strides = array<i32>} : memref<320x128xf32, #tpu.memory_space<vmem>>, vector<1x16xf32>,
        %mul3A_261 = arith.constant 1 : i32
        %mul3A_262 = arith.muli %add3A_113, %mul3A_261 : i32
        %mul3A_263 = arith.constant 5 : i32
        %mul3A_264 = arith.muli %mul3A_262, %mul3A_263 : i32
        %add3A_265 = arith.addi %mul3A_264, %scan3A_192 : i32
        %swap3A_266 = arith.index_cast %add3A_265 : i32 to index
        %swap3A_267 = arith.constant 48 : index
        %swap3A_268 = tpu.vector_load %arg18[%swap3A_266, %swap3A_267] {strides = array<i32>} : memref<320x128xf32, #tpu.memory_space<vmem>>, vector<1x16xf32>,
        %swap3A_269 = vector.shape_cast %swap3A_268 : vector<1x16xf32> to vector<16xf32>
        %swap3A_270 = vector.shape_cast %scan3A_230#3 : vector<16xf32> to vector<1x16xf32>
        tpu.vector_store %arg18[%swap3A_266, %swap3A_267], %swap3A_270 {strides = array<i32>} : memref<320x128xf32, #tpu.memory_space<vmem>>, vector<1x16xf32>,
        %mul3A_271 = arith.constant 1 : i32
        %mul3A_272 = arith.muli %add3A_113, %mul3A_271 : i32
        %mul3A_273 = arith.constant 5 : i32
        %mul3A_274 = arith.muli %mul3A_272, %mul3A_273 : i32
        %add3A_275 = arith.addi %mul3A_274, %scan3A_192 : i32
        %swap3A_276 = arith.index_cast %add3A_275 : i32 to index
        %swap3A_277 = arith.constant 64 : index
        %swap3A_278 = tpu.vector_load %arg18[%swap3A_276, %swap3A_277] {strides = array<i32>} : memref<320x128xf32, #tpu.memory_space<vmem>>, vector<1x16xf32>,
        %swap3A_279 = vector.shape_cast %swap3A_278 : vector<1x16xf32> to vector<16xf32>
        %swap3A_280 = vector.shape_cast %scan3A_230#4 : vector<16xf32> to vector<1x16xf32>
        tpu.vector_store %arg18[%swap3A_276, %swap3A_277], %swap3A_280 {strides = array<i32>} : memref<320x128xf32, #tpu.memory_space<vmem>>, vector<1x16xf32>,
        %mul3A_281 = arith.constant 1 : i32
        %mul3A_282 = arith.muli %add3A_113, %mul3A_281 : i32
        %mul3A_283 = arith.constant 5 : i32
        %mul3A_284 = arith.muli %mul3A_282, %mul3A_283 : i32
        %add3A_285 = arith.addi %mul3A_284, %scan3A_192 : i32
        %swap3A_286 = arith.index_cast %add3A_285 : i32 to index
        %swap3A_287 = arith.constant 80 : index
        %swap3A_288 = tpu.vector_load %arg18[%swap3A_286, %swap3A_287] {strides = array<i32>} : memref<320x128xf32, #tpu.memory_space<vmem>>, vector<1x16xf32>,
        %swap3A_289 = vector.shape_cast %swap3A_288 : vector<1x16xf32> to vector<16xf32>
        %swap3A_290 = vector.shape_cast %scan3A_230#5 : vector<16xf32> to vector<1x16xf32>
        tpu.vector_store %arg18[%swap3A_286, %swap3A_287], %swap3A_290 {strides = array<i32>} : memref<320x128xf32, #tpu.memory_space<vmem>>, vector<1x16xf32>,
        %mul3A_291 = arith.constant 1 : i32
        %mul3A_292 = arith.muli %add3A_113, %mul3A_291 : i32
        %mul3A_293 = arith.constant 5 : i32
        %mul3A_294 = arith.muli %mul3A_292, %mul3A_293 : i32
        %add3A_295 = arith.addi %mul3A_294, %scan3A_192 : i32
        %swap3A_296 = arith.index_cast %add3A_295 : i32 to index
        %swap3A_297 = arith.constant 96 : index
        %swap3A_298 = tpu.vector_load %arg18[%swap3A_296, %swap3A_297] {strides = array<i32>} : memref<320x128xf32, #tpu.memory_space<vmem>>, vector<1x16xf32>,
        %swap3A_299 = vector.shape_cast %swap3A_298 : vector<1x16xf32> to vector<16xf32>
        %swap3A_300 = vector.shape_cast %scan3A_230#6 : vector<16xf32> to vector<1x16xf32>
        tpu.vector_store %arg18[%swap3A_296, %swap3A_297], %swap3A_300 {strides = array<i32>} : memref<320x128xf32, #tpu.memory_space<vmem>>, vector<1x16xf32>,
        %mul3A_301 = arith.constant 1 : i32
        %mul3A_302 = arith.muli %add3A_113, %mul3A_301 : i32
        %mul3A_303 = arith.constant 5 : i32
        %mul3A_304 = arith.muli %mul3A_302, %mul3A_303 : i32
        %add3A_305 = arith.addi %mul3A_304, %scan3A_192 : i32
        %swap3A_306 = arith.index_cast %add3A_305 : i32 to index
        %swap3A_307 = arith.constant 112 : index
        %swap3A_308 = tpu.vector_load %arg18[%swap3A_306, %swap3A_307] {strides = array<i32>} : memref<320x128xf32, #tpu.memory_space<vmem>>, vector<1x16xf32>,
        %swap3A_309 = vector.shape_cast %swap3A_308 : vector<1x16xf32> to vector<16xf32>
        %swap3A_310 = vector.shape_cast %scan3A_230#7 : vector<16xf32> to vector<1x16xf32>
        tpu.vector_store %arg18[%swap3A_306, %swap3A_307], %swap3A_310 {strides = array<i32>} : memref<320x128xf32, #tpu.memory_space<vmem>>, vector<1x16xf32>,
      }
      %scan3A_124 = arith.constant 5 : i32
      %add3A_125 = arith.constant 4 : i32
      %add3A_126 = arith.addi %add3A_113, %add3A_125 : i32
      %lt3A = arith.constant 64 : i32
      %lt3A_127 = arith.cmpi slt, %add3A_126, %lt3A : i32
      %convert_element_type3A = arith.extui %lt3A_127 : i1 to i32
      %cond3A = arith.constant 0 : i32
      %cond3A_128 = arith.cmpi ne, %convert_element_type3A, %cond3A : i32
      scf.if %cond3A_128 {
        %add3A_192 = arith.constant 4 : i32
        %add3A_193 = arith.addi %add3A_113, %add3A_192 : i32
        %dma_start3A_194 = arith.constant 0 : i32
        %dma_start3A_195 = tpu.memref_slice %arg11[%add3A_193, %dma_start3A_194] : memref<64x125xi32, #tpu.memory_space<vmem>> -> memref<1x125xi32, #tpu.memory_space<vmem>>
        %dma_start3A_196 = tpu.memref_squeeze %dma_start3A_195 : memref<1x125xi32, #tpu.memory_space<vmem>> -> memref<125xi32, #tpu.memory_space<vmem>>
        %dma_start3A_197 = arith.constant 0 : i32
        %dma_start3A_198 = arith.constant 0 : i32
        %dma_start3A_199 = tpu.memref_slice %arg2[%dma_start3A_197, %dma_start3A_198] : memref<100000x128xf32, #tpu.memory_space<hbm>> -> memref<100000x128xf32, #tpu.memory_space<hbm>>
        tpu.enqueue_indirect_dma source(%dma_start3A_199 : memref<100000x128xf32, #tpu.memory_space<hbm>>) target(%arg14 : memref<125x128xf32, #tpu.memory_space<vmem>>) offsets(%dma_start3A_196 : memref<125xi32, #tpu.memory_space<vmem>>) semaphore(%arg19 : memref<!tpu.dma_semaphore, #tpu.memory_space<semaphore_mem>>)
      } else {
      }
      %add3A_129 = arith.constant 1 : i32
      %add3A_130 = arith.addi %mul3A_111, %add3A_129 : i32
      %dma_wait3A_131 = arith.constant 0 : i32
      %dma_wait3A_132 = tpu.memref_slice %arg11[%add3A_130, %dma_wait3A_131] : memref<64x125xi32, #tpu.memory_space<vmem>> -> memref<1x125xi32, #tpu.memory_space<vmem>>
      %dma_wait3A_133 = tpu.memref_squeeze %dma_wait3A_132 : memref<1x125xi32, #tpu.memory_space<vmem>> -> memref<125xi32, #tpu.memory_space<vmem>>
      %dma_wait3A_134 = arith.constant 0 : i32
      %dma_wait3A_135 = arith.constant 0 : i32
      %dma_wait3A_136 = tpu.memref_slice %arg2[%dma_wait3A_134, %dma_wait3A_135] : memref<100000x128xf32, #tpu.memory_space<hbm>> -> memref<100000x128xf32, #tpu.memory_space<hbm>>
      tpu.wait_indirect_dma semaphore(%arg20 : memref<!tpu.dma_semaphore, #tpu.memory_space<semaphore_mem>>) src(%dma_wait3A_136 : memref<100000x128xf32, #tpu.memory_space<hbm>>) dst(%arg15 : memref<125x128xf32, #tpu.memory_space<vmem>>)
      %scan3A_137 = arith.constant 0 : i32
      %scan3A_138 = arith.constant 0 : i32
      %scan3A_139 = arith.constant 5 : i32
      %scan3A_140 = arith.addi %scan3A_138, %scan3A_139 : i32
      %scan3A_141 = arith.constant 1 : i32
      scf.for %scan3A_192 = %scan3A_138 to %scan3A_140 step %scan3A_141  : i32 {
        %mul3A_193 = arith.constant 25 : i32
        %mul3A_194 = arith.muli %scan3A_192, %mul3A_193 : i32
        %get3A = arith.index_cast %mul3A_194 : i32 to index
        %get3A_195 = arith.constant 0 : index
        %get3A_196 = tpu.vector_load %arg15[%get3A, %get3A_195] {strides = array<i32>} : memref<125x128xf32, #tpu.memory_space<vmem>>, vector<1x16xf32>,
        %get3A_197 = vector.shape_cast %get3A_196 : vector<1x16xf32> to vector<16xf32>
        %get3A_198 = arith.index_cast %mul3A_194 : i32 to index
        %get3A_199 = arith.constant 16 : index
        %get3A_200 = tpu.vector_load %arg15[%get3A_198, %get3A_199] {strides = array<i32>} : memref<125x128xf32, #tpu.memory_space<vmem>>, vector<1x16xf32>,
        %get3A_201 = vector.shape_cast %get3A_200 : vector<1x16xf32> to vector<16xf32>
        %get3A_202 = arith.index_cast %mul3A_194 : i32 to index
        %get3A_203 = arith.constant 32 : index
        %get3A_204 = tpu.vector_load %arg15[%get3A_202, %get3A_203] {strides = array<i32>} : memref<125x128xf32, #tpu.memory_space<vmem>>, vector<1x16xf32>,
        %get3A_205 = vector.shape_cast %get3A_204 : vector<1x16xf32> to vector<16xf32>
        %get3A_206 = arith.index_cast %mul3A_194 : i32 to index
        %get3A_207 = arith.constant 48 : index
        %get3A_208 = tpu.vector_load %arg15[%get3A_206, %get3A_207] {strides = array<i32>} : memref<125x128xf32, #tpu.memory_space<vmem>>, vector<1x16xf32>,
        %get3A_209 = vector.shape_cast %get3A_208 : vector<1x16xf32> to vector<16xf32>
        %get3A_210 = arith.index_cast %mul3A_194 : i32 to index
        %get3A_211 = arith.constant 64 : index
        %get3A_212 = tpu.vector_load %arg15[%get3A_210, %get3A_211] {strides = array<i32>} : memref<125x128xf32, #tpu.memory_space<vmem>>, vector<1x16xf32>,
        %get3A_213 = vector.shape_cast %get3A_212 : vector<1x16xf32> to vector<16xf32>
        %get3A_214 = arith.index_cast %mul3A_194 : i32 to index
        %get3A_215 = arith.constant 80 : index
        %get3A_216 = tpu.vector_load %arg15[%get3A_214, %get3A_215] {strides = array<i32>} : memref<125x128xf32, #tpu.memory_space<vmem>>, vector<1x16xf32>,
        %get3A_217 = vector.shape_cast %get3A_216 : vector<1x16xf32> to vector<16xf32>
        %get3A_218 = arith.index_cast %mul3A_194 : i32 to index
        %get3A_219 = arith.constant 96 : index
        %get3A_220 = tpu.vector_load %arg15[%get3A_218, %get3A_219] {strides = array<i32>} : memref<125x128xf32, #tpu.memory_space<vmem>>, vector<1x16xf32>,
        %get3A_221 = vector.shape_cast %get3A_220 : vector<1x16xf32> to vector<16xf32>
        %get3A_222 = arith.index_cast %mul3A_194 : i32 to index
        %get3A_223 = arith.constant 112 : index
        %get3A_224 = tpu.vector_load %arg15[%get3A_222, %get3A_223] {strides = array<i32>} : memref<125x128xf32, #tpu.memory_space<vmem>>, vector<1x16xf32>,
        %get3A_225 = vector.shape_cast %get3A_224 : vector<1x16xf32> to vector<16xf32>
        %scan3A_226 = arith.constant 1 : i32
        %scan3A_227 = arith.constant 24 : i32
        %scan3A_228 = arith.addi %scan3A_226, %scan3A_227 : i32
        %scan3A_229 = arith.constant 1 : i32
        %scan3A_230:8 = scf.for %scan3A_311 = %scan3A_226 to %scan3A_228 step %scan3A_229 iter_args(%scan3A_312 = %get3A_197, %scan3A_313 = %get3A_201, %scan3A_314 = %get3A_205, %scan3A_315 = %get3A_209, %scan3A_316 = %get3A_213, %scan3A_317 = %get3A_217, %scan3A_318 = %get3A_221, %scan3A_319 = %get3A_225) -> (vector<16xf32>, vector<16xf32>, vector<16xf32>, vector<16xf32>, vector<16xf32>, vector<16xf32>, vector<16xf32>, vector<16xf32>)  : i32 {
          %add3A_320 = arith.addi %mul3A_194, %scan3A_311 : i32
          %get3A_321 = arith.index_cast %add3A_320 : i32 to index
          %get3A_322 = arith.constant 0 : index
          %get3A_323 = tpu.vector_load %arg15[%get3A_321, %get3A_322] {strides = array<i32>} : memref<125x128xf32, #tpu.memory_space<vmem>>, vector<1x16xf32>,
          %get3A_324 = vector.shape_cast %get3A_323 : vector<1x16xf32> to vector<16xf32>
          %add3A_325 = arith.addf %scan3A_312, %get3A_324 : vector<16xf32>
          %add3A_326 = arith.addi %mul3A_194, %scan3A_311 : i32
          %get3A_327 = arith.index_cast %add3A_326 : i32 to index
          %get3A_328 = arith.constant 16 : index
          %get3A_329 = tpu.vector_load %arg15[%get3A_327, %get3A_328] {strides = array<i32>} : memref<125x128xf32, #tpu.memory_space<vmem>>, vector<1x16xf32>,
          %get3A_330 = vector.shape_cast %get3A_329 : vector<1x16xf32> to vector<16xf32>
          %add3A_331 = arith.addf %scan3A_313, %get3A_330 : vector<16xf32>
          %add3A_332 = arith.addi %mul3A_194, %scan3A_311 : i32
          %get3A_333 = arith.index_cast %add3A_332 : i32 to index
          %get3A_334 = arith.constant 32 : index
          %get3A_335 = tpu.vector_load %arg15[%get3A_333, %get3A_334] {strides = array<i32>} : memref<125x128xf32, #tpu.memory_space<vmem>>, vector<1x16xf32>,
          %get3A_336 = vector.shape_cast %get3A_335 : vector<1x16xf32> to vector<16xf32>
          %add3A_337 = arith.addf %scan3A_314, %get3A_336 : vector<16xf32>
          %add3A_338 = arith.addi %mul3A_194, %scan3A_311 : i32
          %get3A_339 = arith.index_cast %add3A_338 : i32 to index
          %get3A_340 = arith.constant 48 : index
          %get3A_341 = tpu.vector_load %arg15[%get3A_339, %get3A_340] {strides = array<i32>} : memref<125x128xf32, #tpu.memory_space<vmem>>, vector<1x16xf32>,
          %get3A_342 = vector.shape_cast %get3A_341 : vector<1x16xf32> to vector<16xf32>
          %add3A_343 = arith.addf %scan3A_315, %get3A_342 : vector<16xf32>
          %add3A_344 = arith.addi %mul3A_194, %scan3A_311 : i32
          %get3A_345 = arith.index_cast %add3A_344 : i32 to index
          %get3A_346 = arith.constant 64 : index
          %get3A_347 = tpu.vector_load %arg15[%get3A_345, %get3A_346] {strides = array<i32>} : memref<125x128xf32, #tpu.memory_space<vmem>>, vector<1x16xf32>,
          %get3A_348 = vector.shape_cast %get3A_347 : vector<1x16xf32> to vector<16xf32>
          %add3A_349 = arith.addf %scan3A_316, %get3A_348 : vector<16xf32>
          %add3A_350 = arith.addi %mul3A_194, %scan3A_311 : i32
          %get3A_351 = arith.index_cast %add3A_350 : i32 to index
          %get3A_352 = arith.constant 80 : index
          %get3A_353 = tpu.vector_load %arg15[%get3A_351, %get3A_352] {strides = array<i32>} : memref<125x128xf32, #tpu.memory_space<vmem>>, vector<1x16xf32>,
          %get3A_354 = vector.shape_cast %get3A_353 : vector<1x16xf32> to vector<16xf32>
          %add3A_355 = arith.addf %scan3A_317, %get3A_354 : vector<16xf32>
          %add3A_356 = arith.addi %mul3A_194, %scan3A_311 : i32
          %get3A_357 = arith.index_cast %add3A_356 : i32 to index
          %get3A_358 = arith.constant 96 : index
          %get3A_359 = tpu.vector_load %arg15[%get3A_357, %get3A_358] {strides = array<i32>} : memref<125x128xf32, #tpu.memory_space<vmem>>, vector<1x16xf32>,
          %get3A_360 = vector.shape_cast %get3A_359 : vector<1x16xf32> to vector<16xf32>
          %add3A_361 = arith.addf %scan3A_318, %get3A_360 : vector<16xf32>
          %add3A_362 = arith.addi %mul3A_194, %scan3A_311 : i32
          %get3A_363 = arith.index_cast %add3A_362 : i32 to index
          %get3A_364 = arith.constant 112 : index
          %get3A_365 = tpu.vector_load %arg15[%get3A_363, %get3A_364] {strides = array<i32>} : memref<125x128xf32, #tpu.memory_space<vmem>>, vector<1x16xf32>,
          %get3A_366 = vector.shape_cast %get3A_365 : vector<1x16xf32> to vector<16xf32>
          %add3A_367 = arith.addf %scan3A_319, %get3A_366 : vector<16xf32>
          scf.yield %add3A_325, %add3A_331, %add3A_337, %add3A_343, %add3A_349, %add3A_355, %add3A_361, %add3A_367 : vector<16xf32>, vector<16xf32>, vector<16xf32>, vector<16xf32>, vector<16xf32>, vector<16xf32>, vector<16xf32>, vector<16xf32>
        }
        %scan3A_231 = arith.constant 24 : i32
        %mul3A_232 = arith.constant 1 : i32
        %mul3A_233 = arith.muli %add3A_130, %mul3A_232 : i32
        %mul3A_234 = arith.constant 5 : i32
        %mul3A_235 = arith.muli %mul3A_233, %mul3A_234 : i32
        %add3A_236 = arith.addi %mul3A_235, %scan3A_192 : i32
        %swap3A = arith.index_cast %add3A_236 : i32 to index
        %swap3A_237 = arith.constant 0 : index
        %swap3A_238 = tpu.vector_load %arg18[%swap3A, %swap3A_237] {strides = array<i32>} : memref<320x128xf32, #tpu.memory_space<vmem>>, vector<1x16xf32>,
        %swap3A_239 = vector.shape_cast %swap3A_238 : vector<1x16xf32> to vector<16xf32>
        %swap3A_240 = vector.shape_cast %scan3A_230#0 : vector<16xf32> to vector<1x16xf32>
        tpu.vector_store %arg18[%swap3A, %swap3A_237], %swap3A_240 {strides = array<i32>} : memref<320x128xf32, #tpu.memory_space<vmem>>, vector<1x16xf32>,
        %mul3A_241 = arith.constant 1 : i32
        %mul3A_242 = arith.muli %add3A_130, %mul3A_241 : i32
        %mul3A_243 = arith.constant 5 : i32
        %mul3A_244 = arith.muli %mul3A_242, %mul3A_243 : i32
        %add3A_245 = arith.addi %mul3A_244, %scan3A_192 : i32
        %swap3A_246 = arith.index_cast %add3A_245 : i32 to index
        %swap3A_247 = arith.constant 16 : index
        %swap3A_248 = tpu.vector_load %arg18[%swap3A_246, %swap3A_247] {strides = array<i32>} : memref<320x128xf32, #tpu.memory_space<vmem>>, vector<1x16xf32>,
        %swap3A_249 = vector.shape_cast %swap3A_248 : vector<1x16xf32> to vector<16xf32>
        %swap3A_250 = vector.shape_cast %scan3A_230#1 : vector<16xf32> to vector<1x16xf32>
        tpu.vector_store %arg18[%swap3A_246, %swap3A_247], %swap3A_250 {strides = array<i32>} : memref<320x128xf32, #tpu.memory_space<vmem>>, vector<1x16xf32>,
        %mul3A_251 = arith.constant 1 : i32
        %mul3A_252 = arith.muli %add3A_130, %mul3A_251 : i32
        %mul3A_253 = arith.constant 5 : i32
        %mul3A_254 = arith.muli %mul3A_252, %mul3A_253 : i32
        %add3A_255 = arith.addi %mul3A_254, %scan3A_192 : i32
        %swap3A_256 = arith.index_cast %add3A_255 : i32 to index
        %swap3A_257 = arith.constant 32 : index
        %swap3A_258 = tpu.vector_load %arg18[%swap3A_256, %swap3A_257] {strides = array<i32>} : memref<320x128xf32, #tpu.memory_space<vmem>>, vector<1x16xf32>,
        %swap3A_259 = vector.shape_cast %swap3A_258 : vector<1x16xf32> to vector<16xf32>
        %swap3A_260 = vector.shape_cast %scan3A_230#2 : vector<16xf32> to vector<1x16xf32>
        tpu.vector_store %arg18[%swap3A_256, %swap3A_257], %swap3A_260 {strides = array<i32>} : memref<320x128xf32, #tpu.memory_space<vmem>>, vector<1x16xf32>,
        %mul3A_261 = arith.constant 1 : i32
        %mul3A_262 = arith.muli %add3A_130, %mul3A_261 : i32
        %mul3A_263 = arith.constant 5 : i32
        %mul3A_264 = arith.muli %mul3A_262, %mul3A_263 : i32
        %add3A_265 = arith.addi %mul3A_264, %scan3A_192 : i32
        %swap3A_266 = arith.index_cast %add3A_265 : i32 to index
        %swap3A_267 = arith.constant 48 : index
        %swap3A_268 = tpu.vector_load %arg18[%swap3A_266, %swap3A_267] {strides = array<i32>} : memref<320x128xf32, #tpu.memory_space<vmem>>, vector<1x16xf32>,
        %swap3A_269 = vector.shape_cast %swap3A_268 : vector<1x16xf32> to vector<16xf32>
        %swap3A_270 = vector.shape_cast %scan3A_230#3 : vector<16xf32> to vector<1x16xf32>
        tpu.vector_store %arg18[%swap3A_266, %swap3A_267], %swap3A_270 {strides = array<i32>} : memref<320x128xf32, #tpu.memory_space<vmem>>, vector<1x16xf32>,
        %mul3A_271 = arith.constant 1 : i32
        %mul3A_272 = arith.muli %add3A_130, %mul3A_271 : i32
        %mul3A_273 = arith.constant 5 : i32
        %mul3A_274 = arith.muli %mul3A_272, %mul3A_273 : i32
        %add3A_275 = arith.addi %mul3A_274, %scan3A_192 : i32
        %swap3A_276 = arith.index_cast %add3A_275 : i32 to index
        %swap3A_277 = arith.constant 64 : index
        %swap3A_278 = tpu.vector_load %arg18[%swap3A_276, %swap3A_277] {strides = array<i32>} : memref<320x128xf32, #tpu.memory_space<vmem>>, vector<1x16xf32>,
        %swap3A_279 = vector.shape_cast %swap3A_278 : vector<1x16xf32> to vector<16xf32>
        %swap3A_280 = vector.shape_cast %scan3A_230#4 : vector<16xf32> to vector<1x16xf32>
        tpu.vector_store %arg18[%swap3A_276, %swap3A_277], %swap3A_280 {strides = array<i32>} : memref<320x128xf32, #tpu.memory_space<vmem>>, vector<1x16xf32>,
        %mul3A_281 = arith.constant 1 : i32
        %mul3A_282 = arith.muli %add3A_130, %mul3A_281 : i32
        %mul3A_283 = arith.constant 5 : i32
        %mul3A_284 = arith.muli %mul3A_282, %mul3A_283 : i32
        %add3A_285 = arith.addi %mul3A_284, %scan3A_192 : i32
        %swap3A_286 = arith.index_cast %add3A_285 : i32 to index
        %swap3A_287 = arith.constant 80 : index
        %swap3A_288 = tpu.vector_load %arg18[%swap3A_286, %swap3A_287] {strides = array<i32>} : memref<320x128xf32, #tpu.memory_space<vmem>>, vector<1x16xf32>,
        %swap3A_289 = vector.shape_cast %swap3A_288 : vector<1x16xf32> to vector<16xf32>
        %swap3A_290 = vector.shape_cast %scan3A_230#5 : vector<16xf32> to vector<1x16xf32>
        tpu.vector_store %arg18[%swap3A_286, %swap3A_287], %swap3A_290 {strides = array<i32>} : memref<320x128xf32, #tpu.memory_space<vmem>>, vector<1x16xf32>,
        %mul3A_291 = arith.constant 1 : i32
        %mul3A_292 = arith.muli %add3A_130, %mul3A_291 : i32
        %mul3A_293 = arith.constant 5 : i32
        %mul3A_294 = arith.muli %mul3A_292, %mul3A_293 : i32
        %add3A_295 = arith.addi %mul3A_294, %scan3A_192 : i32
        %swap3A_296 = arith.index_cast %add3A_295 : i32 to index
        %swap3A_297 = arith.constant 96 : index
        %swap3A_298 = tpu.vector_load %arg18[%swap3A_296, %swap3A_297] {strides = array<i32>} : memref<320x128xf32, #tpu.memory_space<vmem>>, vector<1x16xf32>,
        %swap3A_299 = vector.shape_cast %swap3A_298 : vector<1x16xf32> to vector<16xf32>
        %swap3A_300 = vector.shape_cast %scan3A_230#6 : vector<16xf32> to vector<1x16xf32>
        tpu.vector_store %arg18[%swap3A_296, %swap3A_297], %swap3A_300 {strides = array<i32>} : memref<320x128xf32, #tpu.memory_space<vmem>>, vector<1x16xf32>,
        %mul3A_301 = arith.constant 1 : i32
        %mul3A_302 = arith.muli %add3A_130, %mul3A_301 : i32
        %mul3A_303 = arith.constant 5 : i32
        %mul3A_304 = arith.muli %mul3A_302, %mul3A_303 : i32
        %add3A_305 = arith.addi %mul3A_304, %scan3A_192 : i32
        %swap3A_306 = arith.index_cast %add3A_305 : i32 to index
        %swap3A_307 = arith.constant 112 : index
        %swap3A_308 = tpu.vector_load %arg18[%swap3A_306, %swap3A_307] {strides = array<i32>} : memref<320x128xf32, #tpu.memory_space<vmem>>, vector<1x16xf32>,
        %swap3A_309 = vector.shape_cast %swap3A_308 : vector<1x16xf32> to vector<16xf32>
        %swap3A_310 = vector.shape_cast %scan3A_230#7 : vector<16xf32> to vector<1x16xf32>
        tpu.vector_store %arg18[%swap3A_306, %swap3A_307], %swap3A_310 {strides = array<i32>} : memref<320x128xf32, #tpu.memory_space<vmem>>, vector<1x16xf32>,
      }
      %scan3A_142 = arith.constant 5 : i32
      %add3A_143 = arith.constant 4 : i32
      %add3A_144 = arith.addi %add3A_130, %add3A_143 : i32
      %lt3A_145 = arith.constant 64 : i32
      %lt3A_146 = arith.cmpi slt, %add3A_144, %lt3A_145 : i32
      %convert_element_type3A_147 = arith.extui %lt3A_146 : i1 to i32
      %cond3A_148 = arith.constant 0 : i32
      %cond3A_149 = arith.cmpi ne, %convert_element_type3A_147, %cond3A_148 : i32
      scf.if %cond3A_149 {
        %add3A_192 = arith.constant 4 : i32
        %add3A_193 = arith.addi %add3A_130, %add3A_192 : i32
        %dma_start3A_194 = arith.constant 0 : i32
        %dma_start3A_195 = tpu.memref_slice %arg11[%add3A_193, %dma_start3A_194] : memref<64x125xi32, #tpu.memory_space<vmem>> -> memref<1x125xi32, #tpu.memory_space<vmem>>
        %dma_start3A_196 = tpu.memref_squeeze %dma_start3A_195 : memref<1x125xi32, #tpu.memory_space<vmem>> -> memref<125xi32, #tpu.memory_space<vmem>>
        %dma_start3A_197 = arith.constant 0 : i32
        %dma_start3A_198 = arith.constant 0 : i32
        %dma_start3A_199 = tpu.memref_slice %arg2[%dma_start3A_197, %dma_start3A_198] : memref<100000x128xf32, #tpu.memory_space<hbm>> -> memref<100000x128xf32, #tpu.memory_space<hbm>>
        tpu.enqueue_indirect_dma source(%dma_start3A_199 : memref<100000x128xf32, #tpu.memory_space<hbm>>) target(%arg15 : memref<125x128xf32, #tpu.memory_space<vmem>>) offsets(%dma_start3A_196 : memref<125xi32, #tpu.memory_space<vmem>>) semaphore(%arg20 : memref<!tpu.dma_semaphore, #tpu.memory_space<semaphore_mem>>)
      } else {
      }
      %add3A_150 = arith.constant 2 : i32
      %add3A_151 = arith.addi %mul3A_111, %add3A_150 : i32
      %dma_wait3A_152 = arith.constant 0 : i32
      %dma_wait3A_153 = tpu.memref_slice %arg11[%add3A_151, %dma_wait3A_152] : memref<64x125xi32, #tpu.memory_space<vmem>> -> memref<1x125xi32, #tpu.memory_space<vmem>>
      %dma_wait3A_154 = tpu.memref_squeeze %dma_wait3A_153 : memref<1x125xi32, #tpu.memory_space<vmem>> -> memref<125xi32, #tpu.memory_space<vmem>>
      %dma_wait3A_155 = arith.constant 0 : i32
      %dma_wait3A_156 = arith.constant 0 : i32
      %dma_wait3A_157 = tpu.memref_slice %arg2[%dma_wait3A_155, %dma_wait3A_156] : memref<100000x128xf32, #tpu.memory_space<hbm>> -> memref<100000x128xf32, #tpu.memory_space<hbm>>
      tpu.wait_indirect_dma semaphore(%arg21 : memref<!tpu.dma_semaphore, #tpu.memory_space<semaphore_mem>>) src(%dma_wait3A_157 : memref<100000x128xf32, #tpu.memory_space<hbm>>) dst(%arg16 : memref<125x128xf32, #tpu.memory_space<vmem>>)
      %scan3A_158 = arith.constant 0 : i32
      %scan3A_159 = arith.constant 0 : i32
      %scan3A_160 = arith.constant 5 : i32
      %scan3A_161 = arith.addi %scan3A_159, %scan3A_160 : i32
      %scan3A_162 = arith.constant 1 : i32
      scf.for %scan3A_192 = %scan3A_159 to %scan3A_161 step %scan3A_162  : i32 {
        %mul3A_193 = arith.constant 25 : i32
        %mul3A_194 = arith.muli %scan3A_192, %mul3A_193 : i32
        %get3A = arith.index_cast %mul3A_194 : i32 to index
        %get3A_195 = arith.constant 0 : index
        %get3A_196 = tpu.vector_load %arg16[%get3A, %get3A_195] {strides = array<i32>} : memref<125x128xf32, #tpu.memory_space<vmem>>, vector<1x16xf32>,
        %get3A_197 = vector.shape_cast %get3A_196 : vector<1x16xf32> to vector<16xf32>
        %get3A_198 = arith.index_cast %mul3A_194 : i32 to index
        %get3A_199 = arith.constant 16 : index
        %get3A_200 = tpu.vector_load %arg16[%get3A_198, %get3A_199] {strides = array<i32>} : memref<125x128xf32, #tpu.memory_space<vmem>>, vector<1x16xf32>,
        %get3A_201 = vector.shape_cast %get3A_200 : vector<1x16xf32> to vector<16xf32>
        %get3A_202 = arith.index_cast %mul3A_194 : i32 to index
        %get3A_203 = arith.constant 32 : index
        %get3A_204 = tpu.vector_load %arg16[%get3A_202, %get3A_203] {strides = array<i32>} : memref<125x128xf32, #tpu.memory_space<vmem>>, vector<1x16xf32>,
        %get3A_205 = vector.shape_cast %get3A_204 : vector<1x16xf32> to vector<16xf32>
        %get3A_206 = arith.index_cast %mul3A_194 : i32 to index
        %get3A_207 = arith.constant 48 : index
        %get3A_208 = tpu.vector_load %arg16[%get3A_206, %get3A_207] {strides = array<i32>} : memref<125x128xf32, #tpu.memory_space<vmem>>, vector<1x16xf32>,
        %get3A_209 = vector.shape_cast %get3A_208 : vector<1x16xf32> to vector<16xf32>
        %get3A_210 = arith.index_cast %mul3A_194 : i32 to index
        %get3A_211 = arith.constant 64 : index
        %get3A_212 = tpu.vector_load %arg16[%get3A_210, %get3A_211] {strides = array<i32>} : memref<125x128xf32, #tpu.memory_space<vmem>>, vector<1x16xf32>,
        %get3A_213 = vector.shape_cast %get3A_212 : vector<1x16xf32> to vector<16xf32>
        %get3A_214 = arith.index_cast %mul3A_194 : i32 to index
        %get3A_215 = arith.constant 80 : index
        %get3A_216 = tpu.vector_load %arg16[%get3A_214, %get3A_215] {strides = array<i32>} : memref<125x128xf32, #tpu.memory_space<vmem>>, vector<1x16xf32>,
        %get3A_217 = vector.shape_cast %get3A_216 : vector<1x16xf32> to vector<16xf32>
        %get3A_218 = arith.index_cast %mul3A_194 : i32 to index
        %get3A_219 = arith.constant 96 : index
        %get3A_220 = tpu.vector_load %arg16[%get3A_218, %get3A_219] {strides = array<i32>} : memref<125x128xf32, #tpu.memory_space<vmem>>, vector<1x16xf32>,
        %get3A_221 = vector.shape_cast %get3A_220 : vector<1x16xf32> to vector<16xf32>
        %get3A_222 = arith.index_cast %mul3A_194 : i32 to index
        %get3A_223 = arith.constant 112 : index
        %get3A_224 = tpu.vector_load %arg16[%get3A_222, %get3A_223] {strides = array<i32>} : memref<125x128xf32, #tpu.memory_space<vmem>>, vector<1x16xf32>,
        %get3A_225 = vector.shape_cast %get3A_224 : vector<1x16xf32> to vector<16xf32>
        %scan3A_226 = arith.constant 1 : i32
        %scan3A_227 = arith.constant 24 : i32
        %scan3A_228 = arith.addi %scan3A_226, %scan3A_227 : i32
        %scan3A_229 = arith.constant 1 : i32
        %scan3A_230:8 = scf.for %scan3A_311 = %scan3A_226 to %scan3A_228 step %scan3A_229 iter_args(%scan3A_312 = %get3A_197, %scan3A_313 = %get3A_201, %scan3A_314 = %get3A_205, %scan3A_315 = %get3A_209, %scan3A_316 = %get3A_213, %scan3A_317 = %get3A_217, %scan3A_318 = %get3A_221, %scan3A_319 = %get3A_225) -> (vector<16xf32>, vector<16xf32>, vector<16xf32>, vector<16xf32>, vector<16xf32>, vector<16xf32>, vector<16xf32>, vector<16xf32>)  : i32 {
          %add3A_320 = arith.addi %mul3A_194, %scan3A_311 : i32
          %get3A_321 = arith.index_cast %add3A_320 : i32 to index
          %get3A_322 = arith.constant 0 : index
          %get3A_323 = tpu.vector_load %arg16[%get3A_321, %get3A_322] {strides = array<i32>} : memref<125x128xf32, #tpu.memory_space<vmem>>, vector<1x16xf32>,
          %get3A_324 = vector.shape_cast %get3A_323 : vector<1x16xf32> to vector<16xf32>
          %add3A_325 = arith.addf %scan3A_312, %get3A_324 : vector<16xf32>
          %add3A_326 = arith.addi %mul3A_194, %scan3A_311 : i32
          %get3A_327 = arith.index_cast %add3A_326 : i32 to index
          %get3A_328 = arith.constant 16 : index
          %get3A_329 = tpu.vector_load %arg16[%get3A_327, %get3A_328] {strides = array<i32>} : memref<125x128xf32, #tpu.memory_space<vmem>>, vector<1x16xf32>,
          %get3A_330 = vector.shape_cast %get3A_329 : vector<1x16xf32> to vector<16xf32>
          %add3A_331 = arith.addf %scan3A_313, %get3A_330 : vector<16xf32>
          %add3A_332 = arith.addi %mul3A_194, %scan3A_311 : i32
          %get3A_333 = arith.index_cast %add3A_332 : i32 to index
          %get3A_334 = arith.constant 32 : index
          %get3A_335 = tpu.vector_load %arg16[%get3A_333, %get3A_334] {strides = array<i32>} : memref<125x128xf32, #tpu.memory_space<vmem>>, vector<1x16xf32>,
          %get3A_336 = vector.shape_cast %get3A_335 : vector<1x16xf32> to vector<16xf32>
          %add3A_337 = arith.addf %scan3A_314, %get3A_336 : vector<16xf32>
          %add3A_338 = arith.addi %mul3A_194, %scan3A_311 : i32
          %get3A_339 = arith.index_cast %add3A_338 : i32 to index
          %get3A_340 = arith.constant 48 : index
          %get3A_341 = tpu.vector_load %arg16[%get3A_339, %get3A_340] {strides = array<i32>} : memref<125x128xf32, #tpu.memory_space<vmem>>, vector<1x16xf32>,
          %get3A_342 = vector.shape_cast %get3A_341 : vector<1x16xf32> to vector<16xf32>
          %add3A_343 = arith.addf %scan3A_315, %get3A_342 : vector<16xf32>
          %add3A_344 = arith.addi %mul3A_194, %scan3A_311 : i32
          %get3A_345 = arith.index_cast %add3A_344 : i32 to index
          %get3A_346 = arith.constant 64 : index
          %get3A_347 = tpu.vector_load %arg16[%get3A_345, %get3A_346] {strides = array<i32>} : memref<125x128xf32, #tpu.memory_space<vmem>>, vector<1x16xf32>,
          %get3A_348 = vector.shape_cast %get3A_347 : vector<1x16xf32> to vector<16xf32>
          %add3A_349 = arith.addf %scan3A_316, %get3A_348 : vector<16xf32>
          %add3A_350 = arith.addi %mul3A_194, %scan3A_311 : i32
          %get3A_351 = arith.index_cast %add3A_350 : i32 to index
          %get3A_352 = arith.constant 80 : index
          %get3A_353 = tpu.vector_load %arg16[%get3A_351, %get3A_352] {strides = array<i32>} : memref<125x128xf32, #tpu.memory_space<vmem>>, vector<1x16xf32>,
          %get3A_354 = vector.shape_cast %get3A_353 : vector<1x16xf32> to vector<16xf32>
          %add3A_355 = arith.addf %scan3A_317, %get3A_354 : vector<16xf32>
          %add3A_356 = arith.addi %mul3A_194, %scan3A_311 : i32
          %get3A_357 = arith.index_cast %add3A_356 : i32 to index
          %get3A_358 = arith.constant 96 : index
          %get3A_359 = tpu.vector_load %arg16[%get3A_357, %get3A_358] {strides = array<i32>} : memref<125x128xf32, #tpu.memory_space<vmem>>, vector<1x16xf32>,
          %get3A_360 = vector.shape_cast %get3A_359 : vector<1x16xf32> to vector<16xf32>
          %add3A_361 = arith.addf %scan3A_318, %get3A_360 : vector<16xf32>
          %add3A_362 = arith.addi %mul3A_194, %scan3A_311 : i32
          %get3A_363 = arith.index_cast %add3A_362 : i32 to index
          %get3A_364 = arith.constant 112 : index
          %get3A_365 = tpu.vector_load %arg16[%get3A_363, %get3A_364] {strides = array<i32>} : memref<125x128xf32, #tpu.memory_space<vmem>>, vector<1x16xf32>,
          %get3A_366 = vector.shape_cast %get3A_365 : vector<1x16xf32> to vector<16xf32>
          %add3A_367 = arith.addf %scan3A_319, %get3A_366 : vector<16xf32>
          scf.yield %add3A_325, %add3A_331, %add3A_337, %add3A_343, %add3A_349, %add3A_355, %add3A_361, %add3A_367 : vector<16xf32>, vector<16xf32>, vector<16xf32>, vector<16xf32>, vector<16xf32>, vector<16xf32>, vector<16xf32>, vector<16xf32>
        }
        %scan3A_231 = arith.constant 24 : i32
        %mul3A_232 = arith.constant 1 : i32
        %mul3A_233 = arith.muli %add3A_151, %mul3A_232 : i32
        %mul3A_234 = arith.constant 5 : i32
        %mul3A_235 = arith.muli %mul3A_233, %mul3A_234 : i32
        %add3A_236 = arith.addi %mul3A_235, %scan3A_192 : i32
        %swap3A = arith.index_cast %add3A_236 : i32 to index
        %swap3A_237 = arith.constant 0 : index
        %swap3A_238 = tpu.vector_load %arg18[%swap3A, %swap3A_237] {strides = array<i32>} : memref<320x128xf32, #tpu.memory_space<vmem>>, vector<1x16xf32>,
        %swap3A_239 = vector.shape_cast %swap3A_238 : vector<1x16xf32> to vector<16xf32>
        %swap3A_240 = vector.shape_cast %scan3A_230#0 : vector<16xf32> to vector<1x16xf32>
        tpu.vector_store %arg18[%swap3A, %swap3A_237], %swap3A_240 {strides = array<i32>} : memref<320x128xf32, #tpu.memory_space<vmem>>, vector<1x16xf32>,
        %mul3A_241 = arith.constant 1 : i32
        %mul3A_242 = arith.muli %add3A_151, %mul3A_241 : i32
        %mul3A_243 = arith.constant 5 : i32
        %mul3A_244 = arith.muli %mul3A_242, %mul3A_243 : i32
        %add3A_245 = arith.addi %mul3A_244, %scan3A_192 : i32
        %swap3A_246 = arith.index_cast %add3A_245 : i32 to index
        %swap3A_247 = arith.constant 16 : index
        %swap3A_248 = tpu.vector_load %arg18[%swap3A_246, %swap3A_247] {strides = array<i32>} : memref<320x128xf32, #tpu.memory_space<vmem>>, vector<1x16xf32>,
        %swap3A_249 = vector.shape_cast %swap3A_248 : vector<1x16xf32> to vector<16xf32>
        %swap3A_250 = vector.shape_cast %scan3A_230#1 : vector<16xf32> to vector<1x16xf32>
        tpu.vector_store %arg18[%swap3A_246, %swap3A_247], %swap3A_250 {strides = array<i32>} : memref<320x128xf32, #tpu.memory_space<vmem>>, vector<1x16xf32>,
        %mul3A_251 = arith.constant 1 : i32
        %mul3A_252 = arith.muli %add3A_151, %mul3A_251 : i32
        %mul3A_253 = arith.constant 5 : i32
        %mul3A_254 = arith.muli %mul3A_252, %mul3A_253 : i32
        %add3A_255 = arith.addi %mul3A_254, %scan3A_192 : i32
        %swap3A_256 = arith.index_cast %add3A_255 : i32 to index
        %swap3A_257 = arith.constant 32 : index
        %swap3A_258 = tpu.vector_load %arg18[%swap3A_256, %swap3A_257] {strides = array<i32>} : memref<320x128xf32, #tpu.memory_space<vmem>>, vector<1x16xf32>,
        %swap3A_259 = vector.shape_cast %swap3A_258 : vector<1x16xf32> to vector<16xf32>
        %swap3A_260 = vector.shape_cast %scan3A_230#2 : vector<16xf32> to vector<1x16xf32>
        tpu.vector_store %arg18[%swap3A_256, %swap3A_257], %swap3A_260 {strides = array<i32>} : memref<320x128xf32, #tpu.memory_space<vmem>>, vector<1x16xf32>,
        %mul3A_261 = arith.constant 1 : i32
        %mul3A_262 = arith.muli %add3A_151, %mul3A_261 : i32
        %mul3A_263 = arith.constant 5 : i32
        %mul3A_264 = arith.muli %mul3A_262, %mul3A_263 : i32
        %add3A_265 = arith.addi %mul3A_264, %scan3A_192 : i32
        %swap3A_266 = arith.index_cast %add3A_265 : i32 to index
        %swap3A_267 = arith.constant 48 : index
        %swap3A_268 = tpu.vector_load %arg18[%swap3A_266, %swap3A_267] {strides = array<i32>} : memref<320x128xf32, #tpu.memory_space<vmem>>, vector<1x16xf32>,
        %swap3A_269 = vector.shape_cast %swap3A_268 : vector<1x16xf32> to vector<16xf32>
        %swap3A_270 = vector.shape_cast %scan3A_230#3 : vector<16xf32> to vector<1x16xf32>
        tpu.vector_store %arg18[%swap3A_266, %swap3A_267], %swap3A_270 {strides = array<i32>} : memref<320x128xf32, #tpu.memory_space<vmem>>, vector<1x16xf32>,
        %mul3A_271 = arith.constant 1 : i32
        %mul3A_272 = arith.muli %add3A_151, %mul3A_271 : i32
        %mul3A_273 = arith.constant 5 : i32
        %mul3A_274 = arith.muli %mul3A_272, %mul3A_273 : i32
        %add3A_275 = arith.addi %mul3A_274, %scan3A_192 : i32
        %swap3A_276 = arith.index_cast %add3A_275 : i32 to index
        %swap3A_277 = arith.constant 64 : index
        %swap3A_278 = tpu.vector_load %arg18[%swap3A_276, %swap3A_277] {strides = array<i32>} : memref<320x128xf32, #tpu.memory_space<vmem>>, vector<1x16xf32>,
        %swap3A_279 = vector.shape_cast %swap3A_278 : vector<1x16xf32> to vector<16xf32>
        %swap3A_280 = vector.shape_cast %scan3A_230#4 : vector<16xf32> to vector<1x16xf32>
        tpu.vector_store %arg18[%swap3A_276, %swap3A_277], %swap3A_280 {strides = array<i32>} : memref<320x128xf32, #tpu.memory_space<vmem>>, vector<1x16xf32>,
        %mul3A_281 = arith.constant 1 : i32
        %mul3A_282 = arith.muli %add3A_151, %mul3A_281 : i32
        %mul3A_283 = arith.constant 5 : i32
        %mul3A_284 = arith.muli %mul3A_282, %mul3A_283 : i32
        %add3A_285 = arith.addi %mul3A_284, %scan3A_192 : i32
        %swap3A_286 = arith.index_cast %add3A_285 : i32 to index
        %swap3A_287 = arith.constant 80 : index
        %swap3A_288 = tpu.vector_load %arg18[%swap3A_286, %swap3A_287] {strides = array<i32>} : memref<320x128xf32, #tpu.memory_space<vmem>>, vector<1x16xf32>,
        %swap3A_289 = vector.shape_cast %swap3A_288 : vector<1x16xf32> to vector<16xf32>
        %swap3A_290 = vector.shape_cast %scan3A_230#5 : vector<16xf32> to vector<1x16xf32>
        tpu.vector_store %arg18[%swap3A_286, %swap3A_287], %swap3A_290 {strides = array<i32>} : memref<320x128xf32, #tpu.memory_space<vmem>>, vector<1x16xf32>,
        %mul3A_291 = arith.constant 1 : i32
        %mul3A_292 = arith.muli %add3A_151, %mul3A_291 : i32
        %mul3A_293 = arith.constant 5 : i32
        %mul3A_294 = arith.muli %mul3A_292, %mul3A_293 : i32
        %add3A_295 = arith.addi %mul3A_294, %scan3A_192 : i32
        %swap3A_296 = arith.index_cast %add3A_295 : i32 to index
        %swap3A_297 = arith.constant 96 : index
        %swap3A_298 = tpu.vector_load %arg18[%swap3A_296, %swap3A_297] {strides = array<i32>} : memref<320x128xf32, #tpu.memory_space<vmem>>, vector<1x16xf32>,
        %swap3A_299 = vector.shape_cast %swap3A_298 : vector<1x16xf32> to vector<16xf32>
        %swap3A_300 = vector.shape_cast %scan3A_230#6 : vector<16xf32> to vector<1x16xf32>
        tpu.vector_store %arg18[%swap3A_296, %swap3A_297], %swap3A_300 {strides = array<i32>} : memref<320x128xf32, #tpu.memory_space<vmem>>, vector<1x16xf32>,
        %mul3A_301 = arith.constant 1 : i32
        %mul3A_302 = arith.muli %add3A_151, %mul3A_301 : i32
        %mul3A_303 = arith.constant 5 : i32
        %mul3A_304 = arith.muli %mul3A_302, %mul3A_303 : i32
        %add3A_305 = arith.addi %mul3A_304, %scan3A_192 : i32
        %swap3A_306 = arith.index_cast %add3A_305 : i32 to index
        %swap3A_307 = arith.constant 112 : index
        %swap3A_308 = tpu.vector_load %arg18[%swap3A_306, %swap3A_307] {strides = array<i32>} : memref<320x128xf32, #tpu.memory_space<vmem>>, vector<1x16xf32>,
        %swap3A_309 = vector.shape_cast %swap3A_308 : vector<1x16xf32> to vector<16xf32>
        %swap3A_310 = vector.shape_cast %scan3A_230#7 : vector<16xf32> to vector<1x16xf32>
        tpu.vector_store %arg18[%swap3A_306, %swap3A_307], %swap3A_310 {strides = array<i32>} : memref<320x128xf32, #tpu.memory_space<vmem>>, vector<1x16xf32>,
      }
      %scan3A_163 = arith.constant 5 : i32
      %add3A_164 = arith.constant 4 : i32
      %add3A_165 = arith.addi %add3A_151, %add3A_164 : i32
      %lt3A_166 = arith.constant 64 : i32
      %lt3A_167 = arith.cmpi slt, %add3A_165, %lt3A_166 : i32
      %convert_element_type3A_168 = arith.extui %lt3A_167 : i1 to i32
      %cond3A_169 = arith.constant 0 : i32
      %cond3A_170 = arith.cmpi ne, %convert_element_type3A_168, %cond3A_169 : i32
      scf.if %cond3A_170 {
        %add3A_192 = arith.constant 4 : i32
        %add3A_193 = arith.addi %add3A_151, %add3A_192 : i32
        %dma_start3A_194 = arith.constant 0 : i32
        %dma_start3A_195 = tpu.memref_slice %arg11[%add3A_193, %dma_start3A_194] : memref<64x125xi32, #tpu.memory_space<vmem>> -> memref<1x125xi32, #tpu.memory_space<vmem>>
        %dma_start3A_196 = tpu.memref_squeeze %dma_start3A_195 : memref<1x125xi32, #tpu.memory_space<vmem>> -> memref<125xi32, #tpu.memory_space<vmem>>
        %dma_start3A_197 = arith.constant 0 : i32
        %dma_start3A_198 = arith.constant 0 : i32
        %dma_start3A_199 = tpu.memref_slice %arg2[%dma_start3A_197, %dma_start3A_198] : memref<100000x128xf32, #tpu.memory_space<hbm>> -> memref<100000x128xf32, #tpu.memory_space<hbm>>
        tpu.enqueue_indirect_dma source(%dma_start3A_199 : memref<100000x128xf32, #tpu.memory_space<hbm>>) target(%arg16 : memref<125x128xf32, #tpu.memory_space<vmem>>) offsets(%dma_start3A_196 : memref<125xi32, #tpu.memory_space<vmem>>) semaphore(%arg21 : memref<!tpu.dma_semaphore, #tpu.memory_space<semaphore_mem>>)
      } else {
      }
      %add3A_171 = arith.constant 3 : i32
      %add3A_172 = arith.addi %mul3A_111, %add3A_171 : i32
      %dma_wait3A_173 = arith.constant 0 : i32
      %dma_wait3A_174 = tpu.memref_slice %arg11[%add3A_172, %dma_wait3A_173] : memref<64x125xi32, #tpu.memory_space<vmem>> -> memref<1x125xi32, #tpu.memory_space<vmem>>
      %dma_wait3A_175 = tpu.memref_squeeze %dma_wait3A_174 : memref<1x125xi32, #tpu.memory_space<vmem>> -> memref<125xi32, #tpu.memory_space<vmem>>
      %dma_wait3A_176 = arith.constant 0 : i32
      %dma_wait3A_177 = arith.constant 0 : i32
      %dma_wait3A_178 = tpu.memref_slice %arg2[%dma_wait3A_176, %dma_wait3A_177] : memref<100000x128xf32, #tpu.memory_space<hbm>> -> memref<100000x128xf32, #tpu.memory_space<hbm>>
      tpu.wait_indirect_dma semaphore(%arg22 : memref<!tpu.dma_semaphore, #tpu.memory_space<semaphore_mem>>) src(%dma_wait3A_178 : memref<100000x128xf32, #tpu.memory_space<hbm>>) dst(%arg17 : memref<125x128xf32, #tpu.memory_space<vmem>>)
      %scan3A_179 = arith.constant 0 : i32
      %scan3A_180 = arith.constant 0 : i32
      %scan3A_181 = arith.constant 5 : i32
      %scan3A_182 = arith.addi %scan3A_180, %scan3A_181 : i32
      %scan3A_183 = arith.constant 1 : i32
      scf.for %scan3A_192 = %scan3A_180 to %scan3A_182 step %scan3A_183  : i32 {
        %mul3A_193 = arith.constant 25 : i32
        %mul3A_194 = arith.muli %scan3A_192, %mul3A_193 : i32
        %get3A = arith.index_cast %mul3A_194 : i32 to index
        %get3A_195 = arith.constant 0 : index
        %get3A_196 = tpu.vector_load %arg17[%get3A, %get3A_195] {strides = array<i32>} : memref<125x128xf32, #tpu.memory_space<vmem>>, vector<1x16xf32>,
        %get3A_197 = vector.shape_cast %get3A_196 : vector<1x16xf32> to vector<16xf32>
        %get3A_198 = arith.index_cast %mul3A_194 : i32 to index
        %get3A_199 = arith.constant 16 : index
        %get3A_200 = tpu.vector_load %arg17[%get3A_198, %get3A_199] {strides = array<i32>} : memref<125x128xf32, #tpu.memory_space<vmem>>, vector<1x16xf32>,
        %get3A_201 = vector.shape_cast %get3A_200 : vector<1x16xf32> to vector<16xf32>
        %get3A_202 = arith.index_cast %mul3A_194 : i32 to index
        %get3A_203 = arith.constant 32 : index
        %get3A_204 = tpu.vector_load %arg17[%get3A_202, %get3A_203] {strides = array<i32>} : memref<125x128xf32, #tpu.memory_space<vmem>>, vector<1x16xf32>,
        %get3A_205 = vector.shape_cast %get3A_204 : vector<1x16xf32> to vector<16xf32>
        %get3A_206 = arith.index_cast %mul3A_194 : i32 to index
        %get3A_207 = arith.constant 48 : index
        %get3A_208 = tpu.vector_load %arg17[%get3A_206, %get3A_207] {strides = array<i32>} : memref<125x128xf32, #tpu.memory_space<vmem>>, vector<1x16xf32>,
        %get3A_209 = vector.shape_cast %get3A_208 : vector<1x16xf32> to vector<16xf32>
        %get3A_210 = arith.index_cast %mul3A_194 : i32 to index
        %get3A_211 = arith.constant 64 : index
        %get3A_212 = tpu.vector_load %arg17[%get3A_210, %get3A_211] {strides = array<i32>} : memref<125x128xf32, #tpu.memory_space<vmem>>, vector<1x16xf32>,
        %get3A_213 = vector.shape_cast %get3A_212 : vector<1x16xf32> to vector<16xf32>
        %get3A_214 = arith.index_cast %mul3A_194 : i32 to index
        %get3A_215 = arith.constant 80 : index
        %get3A_216 = tpu.vector_load %arg17[%get3A_214, %get3A_215] {strides = array<i32>} : memref<125x128xf32, #tpu.memory_space<vmem>>, vector<1x16xf32>,
        %get3A_217 = vector.shape_cast %get3A_216 : vector<1x16xf32> to vector<16xf32>
        %get3A_218 = arith.index_cast %mul3A_194 : i32 to index
        %get3A_219 = arith.constant 96 : index
        %get3A_220 = tpu.vector_load %arg17[%get3A_218, %get3A_219] {strides = array<i32>} : memref<125x128xf32, #tpu.memory_space<vmem>>, vector<1x16xf32>,
        %get3A_221 = vector.shape_cast %get3A_220 : vector<1x16xf32> to vector<16xf32>
        %get3A_222 = arith.index_cast %mul3A_194 : i32 to index
        %get3A_223 = arith.constant 112 : index
        %get3A_224 = tpu.vector_load %arg17[%get3A_222, %get3A_223] {strides = array<i32>} : memref<125x128xf32, #tpu.memory_space<vmem>>, vector<1x16xf32>,
        %get3A_225 = vector.shape_cast %get3A_224 : vector<1x16xf32> to vector<16xf32>
        %scan3A_226 = arith.constant 1 : i32
        %scan3A_227 = arith.constant 24 : i32
        %scan3A_228 = arith.addi %scan3A_226, %scan3A_227 : i32
        %scan3A_229 = arith.constant 1 : i32
        %scan3A_230:8 = scf.for %scan3A_311 = %scan3A_226 to %scan3A_228 step %scan3A_229 iter_args(%scan3A_312 = %get3A_197, %scan3A_313 = %get3A_201, %scan3A_314 = %get3A_205, %scan3A_315 = %get3A_209, %scan3A_316 = %get3A_213, %scan3A_317 = %get3A_217, %scan3A_318 = %get3A_221, %scan3A_319 = %get3A_225) -> (vector<16xf32>, vector<16xf32>, vector<16xf32>, vector<16xf32>, vector<16xf32>, vector<16xf32>, vector<16xf32>, vector<16xf32>)  : i32 {
          %add3A_320 = arith.addi %mul3A_194, %scan3A_311 : i32
          %get3A_321 = arith.index_cast %add3A_320 : i32 to index
          %get3A_322 = arith.constant 0 : index
          %get3A_323 = tpu.vector_load %arg17[%get3A_321, %get3A_322] {strides = array<i32>} : memref<125x128xf32, #tpu.memory_space<vmem>>, vector<1x16xf32>,
          %get3A_324 = vector.shape_cast %get3A_323 : vector<1x16xf32> to vector<16xf32>
          %add3A_325 = arith.addf %scan3A_312, %get3A_324 : vector<16xf32>
          %add3A_326 = arith.addi %mul3A_194, %scan3A_311 : i32
          %get3A_327 = arith.index_cast %add3A_326 : i32 to index
          %get3A_328 = arith.constant 16 : index
          %get3A_329 = tpu.vector_load %arg17[%get3A_327, %get3A_328] {strides = array<i32>} : memref<125x128xf32, #tpu.memory_space<vmem>>, vector<1x16xf32>,
          %get3A_330 = vector.shape_cast %get3A_329 : vector<1x16xf32> to vector<16xf32>
          %add3A_331 = arith.addf %scan3A_313, %get3A_330 : vector<16xf32>
          %add3A_332 = arith.addi %mul3A_194, %scan3A_311 : i32
          %get3A_333 = arith.index_cast %add3A_332 : i32 to index
          %get3A_334 = arith.constant 32 : index
          %get3A_335 = tpu.vector_load %arg17[%get3A_333, %get3A_334] {strides = array<i32>} : memref<125x128xf32, #tpu.memory_space<vmem>>, vector<1x16xf32>,
          %get3A_336 = vector.shape_cast %get3A_335 : vector<1x16xf32> to vector<16xf32>
          %add3A_337 = arith.addf %scan3A_314, %get3A_336 : vector<16xf32>
          %add3A_338 = arith.addi %mul3A_194, %scan3A_311 : i32
          %get3A_339 = arith.index_cast %add3A_338 : i32 to index
          %get3A_340 = arith.constant 48 : index
          %get3A_341 = tpu.vector_load %arg17[%get3A_339, %get3A_340] {strides = array<i32>} : memref<125x128xf32, #tpu.memory_space<vmem>>, vector<1x16xf32>,
          %get3A_342 = vector.shape_cast %get3A_341 : vector<1x16xf32> to vector<16xf32>
          %add3A_343 = arith.addf %scan3A_315, %get3A_342 : vector<16xf32>
          %add3A_344 = arith.addi %mul3A_194, %scan3A_311 : i32
          %get3A_345 = arith.index_cast %add3A_344 : i32 to index
          %get3A_346 = arith.constant 64 : index
          %get3A_347 = tpu.vector_load %arg17[%get3A_345, %get3A_346] {strides = array<i32>} : memref<125x128xf32, #tpu.memory_space<vmem>>, vector<1x16xf32>,
          %get3A_348 = vector.shape_cast %get3A_347 : vector<1x16xf32> to vector<16xf32>
          %add3A_349 = arith.addf %scan3A_316, %get3A_348 : vector<16xf32>
          %add3A_350 = arith.addi %mul3A_194, %scan3A_311 : i32
          %get3A_351 = arith.index_cast %add3A_350 : i32 to index
          %get3A_352 = arith.constant 80 : index
          %get3A_353 = tpu.vector_load %arg17[%get3A_351, %get3A_352] {strides = array<i32>} : memref<125x128xf32, #tpu.memory_space<vmem>>, vector<1x16xf32>,
          %get3A_354 = vector.shape_cast %get3A_353 : vector<1x16xf32> to vector<16xf32>
          %add3A_355 = arith.addf %scan3A_317, %get3A_354 : vector<16xf32>
          %add3A_356 = arith.addi %mul3A_194, %scan3A_311 : i32
          %get3A_357 = arith.index_cast %add3A_356 : i32 to index
          %get3A_358 = arith.constant 96 : index
          %get3A_359 = tpu.vector_load %arg17[%get3A_357, %get3A_358] {strides = array<i32>} : memref<125x128xf32, #tpu.memory_space<vmem>>, vector<1x16xf32>,
          %get3A_360 = vector.shape_cast %get3A_359 : vector<1x16xf32> to vector<16xf32>
          %add3A_361 = arith.addf %scan3A_318, %get3A_360 : vector<16xf32>
          %add3A_362 = arith.addi %mul3A_194, %scan3A_311 : i32
          %get3A_363 = arith.index_cast %add3A_362 : i32 to index
          %get3A_364 = arith.constant 112 : index
          %get3A_365 = tpu.vector_load %arg17[%get3A_363, %get3A_364] {strides = array<i32>} : memref<125x128xf32, #tpu.memory_space<vmem>>, vector<1x16xf32>,
          %get3A_366 = vector.shape_cast %get3A_365 : vector<1x16xf32> to vector<16xf32>
          %add3A_367 = arith.addf %scan3A_319, %get3A_366 : vector<16xf32>
          scf.yield %add3A_325, %add3A_331, %add3A_337, %add3A_343, %add3A_349, %add3A_355, %add3A_361, %add3A_367 : vector<16xf32>, vector<16xf32>, vector<16xf32>, vector<16xf32>, vector<16xf32>, vector<16xf32>, vector<16xf32>, vector<16xf32>
        }
        %scan3A_231 = arith.constant 24 : i32
        %mul3A_232 = arith.constant 1 : i32
        %mul3A_233 = arith.muli %add3A_172, %mul3A_232 : i32
        %mul3A_234 = arith.constant 5 : i32
        %mul3A_235 = arith.muli %mul3A_233, %mul3A_234 : i32
        %add3A_236 = arith.addi %mul3A_235, %scan3A_192 : i32
        %swap3A = arith.index_cast %add3A_236 : i32 to index
        %swap3A_237 = arith.constant 0 : index
        %swap3A_238 = tpu.vector_load %arg18[%swap3A, %swap3A_237] {strides = array<i32>} : memref<320x128xf32, #tpu.memory_space<vmem>>, vector<1x16xf32>,
        %swap3A_239 = vector.shape_cast %swap3A_238 : vector<1x16xf32> to vector<16xf32>
        %swap3A_240 = vector.shape_cast %scan3A_230#0 : vector<16xf32> to vector<1x16xf32>
        tpu.vector_store %arg18[%swap3A, %swap3A_237], %swap3A_240 {strides = array<i32>} : memref<320x128xf32, #tpu.memory_space<vmem>>, vector<1x16xf32>,
        %mul3A_241 = arith.constant 1 : i32
        %mul3A_242 = arith.muli %add3A_172, %mul3A_241 : i32
        %mul3A_243 = arith.constant 5 : i32
        %mul3A_244 = arith.muli %mul3A_242, %mul3A_243 : i32
        %add3A_245 = arith.addi %mul3A_244, %scan3A_192 : i32
        %swap3A_246 = arith.index_cast %add3A_245 : i32 to index
        %swap3A_247 = arith.constant 16 : index
        %swap3A_248 = tpu.vector_load %arg18[%swap3A_246, %swap3A_247] {strides = array<i32>} : memref<320x128xf32, #tpu.memory_space<vmem>>, vector<1x16xf32>,
        %swap3A_249 = vector.shape_cast %swap3A_248 : vector<1x16xf32> to vector<16xf32>
        %swap3A_250 = vector.shape_cast %scan3A_230#1 : vector<16xf32> to vector<1x16xf32>
        tpu.vector_store %arg18[%swap3A_246, %swap3A_247], %swap3A_250 {strides = array<i32>} : memref<320x128xf32, #tpu.memory_space<vmem>>, vector<1x16xf32>,
        %mul3A_251 = arith.constant 1 : i32
        %mul3A_252 = arith.muli %add3A_172, %mul3A_251 : i32
        %mul3A_253 = arith.constant 5 : i32
        %mul3A_254 = arith.muli %mul3A_252, %mul3A_253 : i32
        %add3A_255 = arith.addi %mul3A_254, %scan3A_192 : i32
        %swap3A_256 = arith.index_cast %add3A_255 : i32 to index
        %swap3A_257 = arith.constant 32 : index
        %swap3A_258 = tpu.vector_load %arg18[%swap3A_256, %swap3A_257] {strides = array<i32>} : memref<320x128xf32, #tpu.memory_space<vmem>>, vector<1x16xf32>,
        %swap3A_259 = vector.shape_cast %swap3A_258 : vector<1x16xf32> to vector<16xf32>
        %swap3A_260 = vector.shape_cast %scan3A_230#2 : vector<16xf32> to vector<1x16xf32>
        tpu.vector_store %arg18[%swap3A_256, %swap3A_257], %swap3A_260 {strides = array<i32>} : memref<320x128xf32, #tpu.memory_space<vmem>>, vector<1x16xf32>,
        %mul3A_261 = arith.constant 1 : i32
        %mul3A_262 = arith.muli %add3A_172, %mul3A_261 : i32
        %mul3A_263 = arith.constant 5 : i32
        %mul3A_264 = arith.muli %mul3A_262, %mul3A_263 : i32
        %add3A_265 = arith.addi %mul3A_264, %scan3A_192 : i32
        %swap3A_266 = arith.index_cast %add3A_265 : i32 to index
        %swap3A_267 = arith.constant 48 : index
        %swap3A_268 = tpu.vector_load %arg18[%swap3A_266, %swap3A_267] {strides = array<i32>} : memref<320x128xf32, #tpu.memory_space<vmem>>, vector<1x16xf32>,
        %swap3A_269 = vector.shape_cast %swap3A_268 : vector<1x16xf32> to vector<16xf32>
        %swap3A_270 = vector.shape_cast %scan3A_230#3 : vector<16xf32> to vector<1x16xf32>
        tpu.vector_store %arg18[%swap3A_266, %swap3A_267], %swap3A_270 {strides = array<i32>} : memref<320x128xf32, #tpu.memory_space<vmem>>, vector<1x16xf32>,
        %mul3A_271 = arith.constant 1 : i32
        %mul3A_272 = arith.muli %add3A_172, %mul3A_271 : i32
        %mul3A_273 = arith.constant 5 : i32
        %mul3A_274 = arith.muli %mul3A_272, %mul3A_273 : i32
        %add3A_275 = arith.addi %mul3A_274, %scan3A_192 : i32
        %swap3A_276 = arith.index_cast %add3A_275 : i32 to index
        %swap3A_277 = arith.constant 64 : index
        %swap3A_278 = tpu.vector_load %arg18[%swap3A_276, %swap3A_277] {strides = array<i32>} : memref<320x128xf32, #tpu.memory_space<vmem>>, vector<1x16xf32>,
        %swap3A_279 = vector.shape_cast %swap3A_278 : vector<1x16xf32> to vector<16xf32>
        %swap3A_280 = vector.shape_cast %scan3A_230#4 : vector<16xf32> to vector<1x16xf32>
        tpu.vector_store %arg18[%swap3A_276, %swap3A_277], %swap3A_280 {strides = array<i32>} : memref<320x128xf32, #tpu.memory_space<vmem>>, vector<1x16xf32>,
        %mul3A_281 = arith.constant 1 : i32
        %mul3A_282 = arith.muli %add3A_172, %mul3A_281 : i32
        %mul3A_283 = arith.constant 5 : i32
        %mul3A_284 = arith.muli %mul3A_282, %mul3A_283 : i32
        %add3A_285 = arith.addi %mul3A_284, %scan3A_192 : i32
        %swap3A_286 = arith.index_cast %add3A_285 : i32 to index
        %swap3A_287 = arith.constant 80 : index
        %swap3A_288 = tpu.vector_load %arg18[%swap3A_286, %swap3A_287] {strides = array<i32>} : memref<320x128xf32, #tpu.memory_space<vmem>>, vector<1x16xf32>,
        %swap3A_289 = vector.shape_cast %swap3A_288 : vector<1x16xf32> to vector<16xf32>
        %swap3A_290 = vector.shape_cast %scan3A_230#5 : vector<16xf32> to vector<1x16xf32>
        tpu.vector_store %arg18[%swap3A_286, %swap3A_287], %swap3A_290 {strides = array<i32>} : memref<320x128xf32, #tpu.memory_space<vmem>>, vector<1x16xf32>,
        %mul3A_291 = arith.constant 1 : i32
        %mul3A_292 = arith.muli %add3A_172, %mul3A_291 : i32
        %mul3A_293 = arith.constant 5 : i32
        %mul3A_294 = arith.muli %mul3A_292, %mul3A_293 : i32
        %add3A_295 = arith.addi %mul3A_294, %scan3A_192 : i32
        %swap3A_296 = arith.index_cast %add3A_295 : i32 to index
        %swap3A_297 = arith.constant 96 : index
        %swap3A_298 = tpu.vector_load %arg18[%swap3A_296, %swap3A_297] {strides = array<i32>} : memref<320x128xf32, #tpu.memory_space<vmem>>, vector<1x16xf32>,
        %swap3A_299 = vector.shape_cast %swap3A_298 : vector<1x16xf32> to vector<16xf32>
        %swap3A_300 = vector.shape_cast %scan3A_230#6 : vector<16xf32> to vector<1x16xf32>
        tpu.vector_store %arg18[%swap3A_296, %swap3A_297], %swap3A_300 {strides = array<i32>} : memref<320x128xf32, #tpu.memory_space<vmem>>, vector<1x16xf32>,
        %mul3A_301 = arith.constant 1 : i32
        %mul3A_302 = arith.muli %add3A_172, %mul3A_301 : i32
        %mul3A_303 = arith.constant 5 : i32
        %mul3A_304 = arith.muli %mul3A_302, %mul3A_303 : i32
        %add3A_305 = arith.addi %mul3A_304, %scan3A_192 : i32
        %swap3A_306 = arith.index_cast %add3A_305 : i32 to index
        %swap3A_307 = arith.constant 112 : index
        %swap3A_308 = tpu.vector_load %arg18[%swap3A_306, %swap3A_307] {strides = array<i32>} : memref<320x128xf32, #tpu.memory_space<vmem>>, vector<1x16xf32>,
        %swap3A_309 = vector.shape_cast %swap3A_308 : vector<1x16xf32> to vector<16xf32>
        %swap3A_310 = vector.shape_cast %scan3A_230#7 : vector<16xf32> to vector<1x16xf32>
        tpu.vector_store %arg18[%swap3A_306, %swap3A_307], %swap3A_310 {strides = array<i32>} : memref<320x128xf32, #tpu.memory_space<vmem>>, vector<1x16xf32>,
      }
      %scan3A_184 = arith.constant 5 : i32
      %add3A_185 = arith.constant 4 : i32
      %add3A_186 = arith.addi %add3A_172, %add3A_185 : i32
      %lt3A_187 = arith.constant 64 : i32
      %lt3A_188 = arith.cmpi slt, %add3A_186, %lt3A_187 : i32
      %convert_element_type3A_189 = arith.extui %lt3A_188 : i1 to i32
      %cond3A_190 = arith.constant 0 : i32
      %cond3A_191 = arith.cmpi ne, %convert_element_type3A_189, %cond3A_190 : i32
      scf.if %cond3A_191 {
        %add3A_192 = arith.constant 4 : i32
        %add3A_193 = arith.addi %add3A_172, %add3A_192 : i32
        %dma_start3A_194 = arith.constant 0 : i32
        %dma_start3A_195 = tpu.memref_slice %arg11[%add3A_193, %dma_start3A_194] : memref<64x125xi32, #tpu.memory_space<vmem>> -> memref<1x125xi32, #tpu.memory_space<vmem>>
        %dma_start3A_196 = tpu.memref_squeeze %dma_start3A_195 : memref<1x125xi32, #tpu.memory_space<vmem>> -> memref<125xi32, #tpu.memory_space<vmem>>
        %dma_start3A_197 = arith.constant 0 : i32
        %dma_start3A_198 = arith.constant 0 : i32
        %dma_start3A_199 = tpu.memref_slice %arg2[%dma_start3A_197, %dma_start3A_198] : memref<100000x128xf32, #tpu.memory_space<hbm>> -> memref<100000x128xf32, #tpu.memory_space<hbm>>
        tpu.enqueue_indirect_dma source(%dma_start3A_199 : memref<100000x128xf32, #tpu.memory_space<hbm>>) target(%arg17 : memref<125x128xf32, #tpu.memory_space<vmem>>) offsets(%dma_start3A_196 : memref<125xi32, #tpu.memory_space<vmem>>) semaphore(%arg22 : memref<!tpu.dma_semaphore, #tpu.memory_space<semaphore_mem>>)
      } else {
      }
    }
    %scan3A_108 = arith.constant 16 : i32
    "tpu.region"() ({
      %run_scoped3A = tpu.sem_alloc : memref<!tpu.dma_semaphore, #tpu.memory_space<semaphore_mem>>
      %dma_start3A_109 = arith.constant 0 : i32
      %dma_start3A_110 = tpu.memref_slice %arg10[%mul3A_2, %dma_start3A_109] : memref<10240x128xf32, #tpu.memory_space<hbm>> -> memref<320x128xf32, #tpu.memory_space<hbm>>
      %dma_start3A_111 = arith.constant 0 : i32
      %dma_start3A_112 = tpu.memref_slice %arg10[%mul3A_2, %dma_start3A_111] : memref<10240x128xf32, #tpu.memory_space<hbm>> -> memref<320x128xf32, #tpu.memory_space<hbm>>
      tpu.enqueue_dma source(%arg18 : memref<320x128xf32, #tpu.memory_space<vmem>>) target(%dma_start3A_112 : memref<320x128xf32, #tpu.memory_space<hbm>>) target_semaphore(%run_scoped3A : memref<!tpu.dma_semaphore, #tpu.memory_space<semaphore_mem>>)
      %dma_wait3A = arith.constant 0 : i32
      %dma_wait3A_113 = tpu.memref_slice %arg10[%mul3A_2, %dma_wait3A] : memref<10240x128xf32, #tpu.memory_space<hbm>> -> memref<320x128xf32, #tpu.memory_space<hbm>>
      %dma_wait3A_114 = arith.constant 0 : i32
      %dma_wait3A_115 = tpu.memref_slice %arg10[%mul3A_2, %dma_wait3A_114] : memref<10240x128xf32, #tpu.memory_space<hbm>> -> memref<320x128xf32, #tpu.memory_space<hbm>>
      tpu.wait_dma2 semaphore(%run_scoped3A : memref<!tpu.dma_semaphore, #tpu.memory_space<semaphore_mem>>) src(%arg18 : memref<320x128xf32, #tpu.memory_space<vmem>>) dst(%dma_wait3A_115 : memref<320x128xf32, #tpu.memory_space<hbm>>)
      tpu.yield
    }) : () -> ()
    return
  }
}

module attributes {stable_mosaic.version = 14 : i64} {
  func.func @_tc_dense_body(%arg0: i32, %arg1: memref<512x128xf32, #tpu.memory_space<vmem>>, %arg2: memref<512x128xf32, #tpu.memory_space<vmem>>, %arg3: memref<512x128xf32, #tpu.memory_space<vmem>>, %arg4: memref<512x128xf32, #tpu.memory_space<vmem>>, %arg5: memref<128x128xf32, #tpu.memory_space<vmem>>, %arg6: memref<128x128xf32, #tpu.memory_space<vmem>>, %arg7: memref<256x128xf32, #tpu.memory_space<vmem>>, %arg8: memref<128x128xf32, #tpu.memory_space<vmem>>, %arg9: memref<256x128xf32, #tpu.memory_space<vmem>>, %arg10: memref<128x128xf32, #tpu.memory_space<vmem>>, %arg11: memref<256x64xf32, #tpu.memory_space<vmem>>, %arg12: memref<512x64xf32, #tpu.memory_space<vmem>>) attributes {dimension_semantics = [#tpu.dimension_semantics<arbitrary>], iteration_bounds = array<i64: 20>, scalar_prefetch = 0 : i64, scratch_operands = 0 : i64, tpu.core_type = #tpu.core_type<tc>, window_params = [{transform_indices = @transform_0, window_bounds = array<i64: 512, 128>}, {transform_indices = @transform_1, window_bounds = array<i64: 512, 128>}, {transform_indices = @transform_2, window_bounds = array<i64: 512, 128>}, {transform_indices = @transform_3, window_bounds = array<i64: 512, 128>}, {pipeline_mode = #tpu.pipeline_mode<synchronous>, transform_indices = @transform_4, window_bounds = array<i64: 128, 128>}, {pipeline_mode = #tpu.pipeline_mode<synchronous>, transform_indices = @transform_5, window_bounds = array<i64: 128, 128>}, {pipeline_mode = #tpu.pipeline_mode<synchronous>, transform_indices = @transform_6, window_bounds = array<i64: 256, 128>}, {pipeline_mode = #tpu.pipeline_mode<synchronous>, transform_indices = @transform_7, window_bounds = array<i64: 128, 128>}, {pipeline_mode = #tpu.pipeline_mode<synchronous>, transform_indices = @transform_8, window_bounds = array<i64: 256, 128>}, {pipeline_mode = #tpu.pipeline_mode<synchronous>, transform_indices = @transform_9, window_bounds = array<i64: 128, 128>}, {pipeline_mode = #tpu.pipeline_mode<synchronous>, transform_indices = @transform_10, window_bounds = array<i64: 256, 64>}, {transform_indices = @transform_11, window_bounds = array<i64: 512, 64>}]} {
    %get3A = arith.constant 0 : index
    %get3A_0 = arith.constant 0 : index
    %get3A_1 = vector.load %arg1[%get3A, %get3A_0] : memref<512x128xf32, #tpu.memory_space<vmem>>, vector<512x128xf32>
    %get3A_2 = arith.constant 0 : index
    %get3A_3 = arith.constant 0 : index
    %get3A_4 = vector.load %arg2[%get3A_2, %get3A_3] : memref<512x128xf32, #tpu.memory_space<vmem>>, vector<512x128xf32>
    %mul3A = arith.constant 4.000000e-02 : f32
    %mul3A_5 = vector.broadcast %mul3A : f32 to vector<512x128xf32>
    %mul3A_6 = arith.mulf %get3A_4, %mul3A_5 : vector<512x128xf32>
    %get3A_7 = arith.constant 0 : index
    %get3A_8 = arith.constant 0 : index
    %get3A_9 = vector.load %arg5[%get3A_7, %get3A_8] : memref<128x128xf32, #tpu.memory_space<vmem>>, vector<128x128xf32>
    %dot_general3A = arith.constant dense<0.000000e+00> : vector<512x128xf32>
    %dot_general3A_10 = tpu.matmul %get3A_1, %get3A_9, %dot_general3A {dimension_numbers = #tpu.dot_dimension_numbers<[1], [0], [0], [1], [0, 0, 1, 1], [], []>, transpose_lhs_hint = false} : vector<512x128xf32>, vector<128x128xf32>, vector<512x128xf32> -> vector<512x128xf32>
    %get3A_11 = arith.constant 0 : index
    %get3A_12 = arith.constant 0 : index
    %get3A_13 = vector.load %arg6[%get3A_11, %get3A_12] : memref<128x128xf32, #tpu.memory_space<vmem>>, vector<128x128xf32>
    %dot_general3A_14 = arith.constant dense<0.000000e+00> : vector<512x128xf32>
    %dot_general3A_15 = tpu.matmul %mul3A_6, %get3A_13, %dot_general3A_14 {dimension_numbers = #tpu.dot_dimension_numbers<[1], [0], [0], [1], [0, 0, 1, 1], [], []>, transpose_lhs_hint = false} : vector<512x128xf32>, vector<128x128xf32>, vector<512x128xf32> -> vector<512x128xf32>
    %concatenate3A = tpu.concatenate %dot_general3A_10, %dot_general3A_15 in 1 : vector<512x128xf32>, vector<512x128xf32> -> vector<512x256xf32>
    %max3A = arith.constant 0.000000e+00 : f32
    %max3A_16 = vector.broadcast %max3A : f32 to vector<512x256xf32>
    %max3A_17 = arith.maximumf %concatenate3A, %max3A_16 : vector<512x256xf32>
    %get3A_18 = arith.constant 0 : index
    %get3A_19 = arith.constant 0 : index
    %get3A_20 = vector.load %arg3[%get3A_18, %get3A_19] : memref<512x128xf32, #tpu.memory_space<vmem>>, vector<512x128xf32>
    %mul3A_21 = arith.constant 4.000000e-02 : f32
    %mul3A_22 = vector.broadcast %mul3A_21 : f32 to vector<512x128xf32>
    %mul3A_23 = arith.mulf %get3A_20, %mul3A_22 : vector<512x128xf32>
    %get3A_24 = arith.constant 0 : index
    %get3A_25 = arith.constant 0 : index
    %get3A_26 = vector.load %arg7[%get3A_24, %get3A_25] : memref<256x128xf32, #tpu.memory_space<vmem>>, vector<256x128xf32>
    %dot_general3A_27 = arith.constant dense<0.000000e+00> : vector<512x128xf32>
    %dot_general3A_28 = tpu.matmul %max3A_17, %get3A_26, %dot_general3A_27 {dimension_numbers = #tpu.dot_dimension_numbers<[1], [0], [0], [1], [0, 0, 1, 1], [], []>, transpose_lhs_hint = false} : vector<512x256xf32>, vector<256x128xf32>, vector<512x128xf32> -> vector<512x128xf32>
    %get3A_29 = arith.constant 0 : index
    %get3A_30 = arith.constant 0 : index
    %get3A_31 = vector.load %arg8[%get3A_29, %get3A_30] : memref<128x128xf32, #tpu.memory_space<vmem>>, vector<128x128xf32>
    %dot_general3A_32 = arith.constant dense<0.000000e+00> : vector<512x128xf32>
    %dot_general3A_33 = tpu.matmul %mul3A_23, %get3A_31, %dot_general3A_32 {dimension_numbers = #tpu.dot_dimension_numbers<[1], [0], [0], [1], [0, 0, 1, 1], [], []>, transpose_lhs_hint = false} : vector<512x128xf32>, vector<128x128xf32>, vector<512x128xf32> -> vector<512x128xf32>
    %concatenate3A_34 = tpu.concatenate %dot_general3A_28, %dot_general3A_33 in 1 : vector<512x128xf32>, vector<512x128xf32> -> vector<512x256xf32>
    %max3A_35 = arith.constant 0.000000e+00 : f32
    %max3A_36 = vector.broadcast %max3A_35 : f32 to vector<512x256xf32>
    %max3A_37 = arith.maximumf %concatenate3A_34, %max3A_36 : vector<512x256xf32>
    %get3A_38 = arith.constant 0 : index
    %get3A_39 = arith.constant 0 : index
    %get3A_40 = vector.load %arg4[%get3A_38, %get3A_39] : memref<512x128xf32, #tpu.memory_space<vmem>>, vector<512x128xf32>
    %mul3A_41 = arith.constant 4.000000e-02 : f32
    %mul3A_42 = vector.broadcast %mul3A_41 : f32 to vector<512x128xf32>
    %mul3A_43 = arith.mulf %get3A_40, %mul3A_42 : vector<512x128xf32>
    %get3A_44 = arith.constant 0 : index
    %get3A_45 = arith.constant 0 : index
    %get3A_46 = vector.load %arg9[%get3A_44, %get3A_45] : memref<256x128xf32, #tpu.memory_space<vmem>>, vector<256x128xf32>
    %dot_general3A_47 = arith.constant dense<0.000000e+00> : vector<512x128xf32>
    %dot_general3A_48 = tpu.matmul %max3A_37, %get3A_46, %dot_general3A_47 {dimension_numbers = #tpu.dot_dimension_numbers<[1], [0], [0], [1], [0, 0, 1, 1], [], []>, transpose_lhs_hint = false} : vector<512x256xf32>, vector<256x128xf32>, vector<512x128xf32> -> vector<512x128xf32>
    %get3A_49 = arith.constant 0 : index
    %get3A_50 = arith.constant 0 : index
    %get3A_51 = vector.load %arg10[%get3A_49, %get3A_50] : memref<128x128xf32, #tpu.memory_space<vmem>>, vector<128x128xf32>
    %dot_general3A_52 = arith.constant dense<0.000000e+00> : vector<512x128xf32>
    %dot_general3A_53 = tpu.matmul %mul3A_43, %get3A_51, %dot_general3A_52 {dimension_numbers = #tpu.dot_dimension_numbers<[1], [0], [0], [1], [0, 0, 1, 1], [], []>, transpose_lhs_hint = false} : vector<512x128xf32>, vector<128x128xf32>, vector<512x128xf32> -> vector<512x128xf32>
    %concatenate3A_54 = tpu.concatenate %dot_general3A_48, %dot_general3A_53 in 1 : vector<512x128xf32>, vector<512x128xf32> -> vector<512x256xf32>
    %max3A_55 = arith.constant 0.000000e+00 : f32
    %max3A_56 = vector.broadcast %max3A_55 : f32 to vector<512x256xf32>
    %max3A_57 = arith.maximumf %concatenate3A_54, %max3A_56 : vector<512x256xf32>
    %get3A_58 = arith.constant 0 : index
    %get3A_59 = arith.constant 0 : index
    %get3A_60 = vector.load %arg11[%get3A_58, %get3A_59] : memref<256x64xf32, #tpu.memory_space<vmem>>, vector<256x64xf32>
    %dot_general3A_61 = arith.constant dense<0.000000e+00> : vector<512x64xf32>
    %dot_general3A_62 = tpu.matmul %max3A_57, %get3A_60, %dot_general3A_61 {dimension_numbers = #tpu.dot_dimension_numbers<[1], [0], [0], [1], [0, 0, 1, 1], [], []>, transpose_lhs_hint = false} : vector<512x256xf32>, vector<256x64xf32>, vector<512x64xf32> -> vector<512x64xf32>
    %logistic3A = arith.negf %dot_general3A_62 : vector<512x64xf32>
    %logistic3A_63 = math.exp %logistic3A : vector<512x64xf32>
    %logistic3A_64 = arith.constant 1.000000e+00 : f32
    %logistic3A_65 = vector.broadcast %logistic3A_64 : f32 to vector<512x64xf32>
    %logistic3A_66 = arith.addf %logistic3A_65, %logistic3A_63 : vector<512x64xf32>
    %logistic3A_67 = arith.divf %logistic3A_65, %logistic3A_66 : vector<512x64xf32>
    %swap3A = arith.constant 0 : index
    %swap3A_68 = arith.constant 0 : index
    %swap3A_69 = vector.load %arg12[%swap3A, %swap3A_68] : memref<512x64xf32, #tpu.memory_space<vmem>>, vector<512x64xf32>
    tpu.vector_store %arg12[%swap3A, %swap3A_68], %logistic3A_67 {strides = array<i32>} : memref<512x64xf32, #tpu.memory_space<vmem>>, vector<512x64xf32>,
    return
  }
  func.func @transform_0(%arg0: i32) -> (i32, i32) {
    %c0_i32 = arith.constant 0 : i32
    %c0_i32_0 = arith.constant 0 : i32
    return %arg0, %c0_i32 : i32, i32
  }
  func.func @transform_1(%arg0: i32) -> (i32, i32) {
    %c0_i32 = arith.constant 0 : i32
    %c0_i32_0 = arith.constant 0 : i32
    return %arg0, %c0_i32 : i32, i32
  }
  func.func @transform_2(%arg0: i32) -> (i32, i32) {
    %c0_i32 = arith.constant 0 : i32
    %c0_i32_0 = arith.constant 0 : i32
    return %arg0, %c0_i32 : i32, i32
  }
  func.func @transform_3(%arg0: i32) -> (i32, i32) {
    %c0_i32 = arith.constant 0 : i32
    %c0_i32_0 = arith.constant 0 : i32
    return %arg0, %c0_i32 : i32, i32
  }
  func.func @transform_4(%arg0: i32) -> (i32, i32) {
    %c0_i32 = arith.constant 0 : i32
    %c0_i32_0 = arith.constant 0 : i32
    %c0_i32_1 = arith.constant 0 : i32
    return %c0_i32, %c0_i32_0 : i32, i32
  }
  func.func @transform_5(%arg0: i32) -> (i32, i32) {
    %c0_i32 = arith.constant 0 : i32
    %c0_i32_0 = arith.constant 0 : i32
    %c0_i32_1 = arith.constant 0 : i32
    return %c0_i32, %c0_i32_0 : i32, i32
  }
  func.func @transform_6(%arg0: i32) -> (i32, i32) {
    %c0_i32 = arith.constant 0 : i32
    %c0_i32_0 = arith.constant 0 : i32
    %c0_i32_1 = arith.constant 0 : i32
    return %c0_i32, %c0_i32_0 : i32, i32
  }
  func.func @transform_7(%arg0: i32) -> (i32, i32) {
    %c0_i32 = arith.constant 0 : i32
    %c0_i32_0 = arith.constant 0 : i32
    %c0_i32_1 = arith.constant 0 : i32
    return %c0_i32, %c0_i32_0 : i32, i32
  }
  func.func @transform_8(%arg0: i32) -> (i32, i32) {
    %c0_i32 = arith.constant 0 : i32
    %c0_i32_0 = arith.constant 0 : i32
    %c0_i32_1 = arith.constant 0 : i32
    return %c0_i32, %c0_i32_0 : i32, i32
  }
  func.func @transform_9(%arg0: i32) -> (i32, i32) {
    %c0_i32 = arith.constant 0 : i32
    %c0_i32_0 = arith.constant 0 : i32
    %c0_i32_1 = arith.constant 0 : i32
    return %c0_i32, %c0_i32_0 : i32, i32
  }
  func.func @transform_10(%arg0: i32) -> (i32, i32) {
    %c0_i32 = arith.constant 0 : i32
    %c0_i32_0 = arith.constant 0 : i32
    %c0_i32_1 = arith.constant 0 : i32
    return %c0_i32, %c0_i32_0 : i32, i32
  }
  func.func @transform_11(%arg0: i32) -> (i32, i32) {
    %c0_i32 = arith.constant 0 : i32
    %c0_i32_0 = arith.constant 0 : i32
    return %arg0, %c0_i32 : i32, i32
  }
}

</mosaic_0001>

<sc_bundles>
// kernel: kernel.4.cloned.1.call-start
scs
__scs_entry_jumppad:
0x0: {  	(pc) =	sbr.rel $0x88, $3  }
0x1: {  	(tag) =	ssettag $0x0;
	lr =	simm.s32 $0x1  }
0x2: {  	[smem:$0x3F95] =	sst lr;
	_ =	strace $0xD0000000  }
0x3: {  	_ = 	snop  }
0x4: {  	_ = 	snop  }
0x5: {  	_ = 	snop  }
0x6: {  	_ = 	snop  }
0x7: {  	_ = 	snop  }
__scs_overlays_trampoline_lowered:
0x8: {  	[smem:$0x3FA4] =	sst s0  }
0x9: {  	[smem:$0x3FA5] =	sst s1  }
0xa: {  	[smem:$0x3FA6] =	sst s2  }
0xb: {  	[smem:$0x3FA7] =	sst s3  }
0xc: {  	[smem:$0x3FA8] =	sst s4  }
0xd: {  	[smem:$0x3FA9] =	sst s5  }
0xe: {  	[smem:$0x3FAA] =	sst s6  }
0xf: {  	[smem:$0x3FAB] =	sst s7  }
0x10: {  	[smem:$0x3FAC] =	sst s8  }
0x11: {  	[smem:$0x3FAD] =	sst s9;
	s0 =	simm.s32 @!p0 $0x0  }
0x12: {  	s1 =	sld [smem:$0x3F93];
	s0 =	simm.s32 @p0 $0x1  }
0x13: {  	[smem:$0x3FAE] =	sst s0;
	s0 =	simm.s32 @!p1 $0x0  }
0x14: {  	s2 =	sld [smem:$0x3F92];
	s0 =	simm.s32 @p1 $0x1  }
0x15: {  	[smem:$0x3FAF] =	sst s0;
	s0 =	simm.s32 @!p2 $0x0  }
0x16: {  	s3 =	sld [smem:$0x3FDB];
	s0 =	simm.s32 @p2 $0x1  }
0x17: {  	s4 =	simm.s32 $0x1BF5;
	[smem:$0x3FB1] =	sst s0  }
0x18: {  	s0 =	sld [smem:$0x3F94];
	_ =	swait.ge [sflag:s4], $0x0  }
0x19: {  	s7 =	sld [smem:$0x3F95]  }
0x1a: {  	s8 =	sadd.s32 $0xFFFFE003, lr  }
0x1b: {  	s9 =	sadd.s32 $0xFFFFFEF7, lr;
	s5 =	simm.s32 $0xFFFFFFFF;
	p2 =	slt.u32 s8, $0xFFFFF086  }
0x1c: {  	p1 =	slt.u32 s9, $0xF7A;
	s5 =	simm.s32 @!p2 $0x0  }
0x1d: {  	s5 =	simm.s32 @p1 $0x1;
	p0 =	seq.s32 s7, s2  }
0x1e: {  	s7 =	smul.u32 @!p0 $0xF7A, s2;
	p2 =	seq.s32 @!p0 s5, $0x0  }
0x1f: {  	s9 =	smul.u32 $0xF7A, s1;
	s8 =	simm.s32 @!p0 $0x1BF5;
	p2 =	por !p2, p0  }
0x20: {  	[sflag:s8] =	ssyncset.s32 @!p0 $0xFFFFF086;
	s6 =	sadd.s32 @!p0 s3, s7;
	s7 =	simm.s32 @!p0 $0x108  }
0x21: {  	s3 =	sadd.s32 s3, s9;
	s6 =	sadd.s32 @!p0 $0x88, s6;
	s7 =	simm.s32 @p2 $0x1082  }
0x22: {  	[simem:s7], [sflag:s8] =	dma.local @!p0 [hbm:s6], $0xF7A  }
0x23: {  	s9 =	sor.u32 $0xD0000000, s2;
	s6 =	simm.s32 $0x108;
	_ =	swait.ge @!p0 [sflag:s8], $0x0  }
0x24: {  	s3 =	sadd.s32 $0x88, s3;
	s6 =	simm.s32 @!p1 $0x1082;
	[sflag:s4] =	ssyncset.s32 $0xFFFFF086  }
0x25: {  	[simem:s6], [sflag:s4] =	dma.local [hbm:s3], $0xF7A  }
0x26: {  	[smem:$0x3F95] =	sst s1;
	(tag) =	ssettag s2;
	_ =	strace s9  }
0x27: {  	s1 =	sld [smem:$0x3FA5]  }
0x28: {  	s2 =	sld [smem:$0x3FA6]  }
0x29: {  	s4 =	sld [smem:$0x3FA8]  }
0x2a: {  	p0 =	seq.s32 s5, $0x0;
	s5 =	sld [smem:$0x3FA9]  }
0x2b: {  	s6 =	sld [smem:$0x3FAA]  }
0x2c: {  	s7 =	sld [smem:$0x3FAB]  }
0x2d: {  	s3 =	simm.s32 $0x108;
	s8 =	sld [smem:$0x3FAC]  }
0x2e: {  	s3 =	simm.s32 @!p0 $0x1082;
	s9 =	sld [smem:$0x3FAD]  }
0x2f: {  	lr =	sadd.s32 s0, s3;
	s0 =	sld [smem:$0x3FA4]  }
0x30: {  	s3 =	sld [smem:$0x3FA7]  }
0x31: {  	[smem:$0x3FB0] =	sst s10  }
0x32: {  	s10 =	sld [smem:$0x3FAE];
	_ =	sdelay $0x3  }
0x33: {  	p0 =	seq.s32 s10, $0x1;
	s10 =	sld [smem:$0x3FB0];
	_ =	sdelay $0x3  }
0x34: {  	[smem:$0x3FB0] =	sst s10  }
0x35: {  	s10 =	sld [smem:$0x3FAF];
	_ =	sdelay $0x3  }
0x36: {  	p1 =	seq.s32 s10, $0x1;
	s10 =	sld [smem:$0x3FB0];
	_ =	sdelay $0x3  }
0x37: {  	[smem:$0x3FB0] =	sst s10  }
0x38: {  	s10 =	sld [smem:$0x3FB1]  }
0x39: {  	_ = 	snop;
	(pc) =	sbr.ind lr, $3  }
0x3a: {  	_ = 	snop  }
0x3b: {  	_ = 	snop  }
0x3c: {  	p2 =	seq.s32 s10, $0x1;
	s10 =	sld [smem:$0x3FB0]  }
0x3d: {  	_ =	shalt  }
0x3e: {  	_ =	shalt  }
0x3f: {  	_ =	shalt  }
0x40: {  	_ =	shalt  }
0x41: {  	_ =	shalt  }
0x42: {  	_ =	shalt  }
0x43: {  	_ =	shalt  }
0x44: {  	_ =	shalt  }
0x45: {  	_ =	shalt  }
0x46: {  	_ =	shalt  }
0x47: {  	_ =	shalt  }
0x48: {  	_ =	shalt  }
0x49: {  	_ =	shalt  }
0x4a: {  	_ =	shalt  }
0x4b: {  	_ =	shalt  }
0x4c: {  	_ =	shalt  }
0x4d: {  	_ =	shalt  }
0x4e: {  	_ =	shalt  }
0x4f: {  	_ =	shalt  }
0x50: {  	_ =	shalt  }
0x51: {  	_ =	shalt  }
0x52: {  	_ =	shalt  }
0x53: {  	_ =	shalt  }
0x54: {  	_ =	shalt  }
0x55: {  	_ =	shalt  }
0x56: {  	_ =	shalt  }
0x57: {  	_ =	shalt  }
0x58: {  	_ =	shalt  }
0x59: {  	_ =	shalt  }
0x5a: {  	_ =	shalt  }
0x5b: {  	_ =	shalt  }
0x5c: {  	_ =	shalt  }
0x5d: {  	_ =	shalt  }
0x5e: {  	_ =	shalt  }
0x5f: {  	_ =	shalt  }
0x60: {  	_ =	shalt  }
0x61: {  	_ =	shalt  }
0x62: {  	_ =	shalt  }
0x63: {  	_ =	shalt  }
0x64: {  	_ =	shalt  }
0x65: {  	_ =	shalt  }
0x66: {  	_ =	shalt  }
0x67: {  	_ =	shalt  }
0x68: {  	_ =	shalt  }
0x69: {  	_ =	shalt  }
0x6a: {  	_ =	shalt  }
0x6b: {  	_ =	shalt  }
0x6c: {  	_ =	shalt  }
0x6d: {  	_ =	shalt  }
0x6e: {  	_ =	shalt  }
0x6f: {  	_ =	shalt  }
0x70: {  	_ =	shalt  }
0x71: {  	_ =	shalt  }
0x72: {  	_ =	shalt  }
0x73: {  	_ =	shalt  }
0x74: {  	_ =	shalt  }
0x75: {  	_ =	shalt  }
0x76: {  	_ =	shalt  }
0x77: {  	_ =	shalt  }
0x78: {  	_ =	shalt  }
0x79: {  	_ =	shalt  }
0x7a: {  	_ =	shalt  }
0x7b: {  	_ =	shalt  }
0x7c: {  	_ =	shalt  }
0x7d: {  	_ =	shalt  }
0x7e: {  	_ =	shalt  }
0x7f: {  	_ =	shalt  }
0x80: {  	_ =	shalt  }
0x81: {  	_ =	shalt  }
0x82: {  	_ =	shalt  }
0x83: {  	_ =	shalt  }
0x84: {  	_ =	shalt  }
0x85: {  	_ =	shalt  }
0x86: {  	_ =	shalt  }
0x87: {  	_ =	shalt  }
.Lfunc_end0:
.L_simem_size_0:
called_computation_lowered:
.L_overlay_start_0:
0x88: {  	s2 =	sld [smem:$0x3FD9]  }
0x89: {  	s3 =	sld [smem:$0x3FFE];
	_ =	sdelay $0x1  }
0x8a: {  	s1 =	srdreg.scid  }
0x8b: {  	s0 =	sand.u32 $0x1, s1  }
0x8c: {  	s17 =	sshll.u32 s0, $0xA;
	s2 =	sadd.s32 s3, s2  }
0x8d: {  	s2 =	sadd.s32 s2, s17  }
0x8e: {  	[smem:$0x3FBC] =	sst s2  }
0x8f: {  	_ = 	snop  }
0x90: {  	s2 =	sld [smem:$0x3FC5]  }
0x91: {  	s18 =	sld [smem:$0x3FD0];
	(tm) =	ssettm $0x1  }
0x92: {  	s4 =	sld [smem:$0x3FFB];
	_ =	sdelay $0x3  }
0x93: {  	_ =	strace s4  }
0x94: {  	s4 =	sld [smem:$0x3FFC];
	_ =	sdelay $0x3  }
0x95: {  	_ =	strace s4  }
0x96: {  	s4 =	sld [smem:$0x3FFD];
	_ =	sdelay $0x3  }
0x97: {  	_ =	strace s4  }
0x98: {  	_ =	strace $0x8FFFFFFF  }
0x99: {  	s19 =	sld [smem:$0x3FDB];
	_ =	sdelay $0x1  }
0x9a: {  	s5 =	simm.s32 $_scs_section_size  }
0x9b: {  	s6 =	simm.s32 $_size__tile_overlayer_lowered;
	s7 =	simm.s32 $_tile_overlayer_lowered  }
0x9c: {  	s22 =	simm.s32 $0x1BFF;
	s21 =	sshll.u32 s7, $0x1;
	s4 =	sadd.s32 s5, s19  }
0x9d: {  	s8 =	simm.s32 $0x0;
	s20 =	sshll.u32 s6, $0x1;
	s6 =	sadd.s32 s21, s4  }
0x9e: {  	[timem:s8], [sflag:s22] =	dma.local [hbm:s6], s20  }
0x9f: {  	_ =	swait.ge [sflag:s22], s20  }
0xa0: {  	s5 =	ssub.s32 $0x0, s20;
	[sflag:s22] =	ssyncset.done $0x0  }
0xa1: {  	[sflag:s22] =	ssyncadd.s32 s5;
	_ =	sdelay $0x1  }
0xa2: {  	s23 =	simm.s32 $0x1B8B  }
0xa3: {  	_ =	swait.ge [sflag:s23], $0x1  }
0xa4: {  	[sflag:s23] =	ssyncset.done $0x0  }
0xa5: {  	s25 =	simm.s32 $0x1B8E;
	s24 =	sld [smem:$0x3FFE];
	[sflag:s23] =	ssyncadd.s32 $0xFFFFFFFF  }
0xa6: {  	s26 =	simm.s32 $execute0_lowered;
	[smem:$0x3FD2] =	sst s25  }
0xa7: {  	s6 =	sshll.u32 s26, $0x1;
	_ =	strace $0x80000046;
	[dreg:$0x1] =	wrdreg $0xFFFFFFFF  }
0xa8: {  	s28 =	simm.s32 $_size_execute0_lowered;
	s4 =	sadd.s32 s4, s6;
	[dreg:$0x0] =	wrdreg $0x0  }
0xa9: {  	s6 =	sshll.u32 s28, $0x1;
	[dreg:$0x2] =	wrdreg s4  }
0xaa: {  	[dreg:$0x3] =	wrdreg s6  }
0xab: {  	[dreg:$0x4] =	wrdreg $0xC0  }
0xac: {  	_ =	task [dreg:s8], $0x5FFFF  }
0xad: {  	[dreg:$0x1] =	wrdreg $0xFFFFFFFF  }
0xae: {  	[dreg:$0x0] =	wrdreg $0x60  }
0xaf: {  	[dreg:$0x2] =	wrdreg s2  }
0xb0: {  	[dreg:$0x3] =	wrdreg s24  }
0xb1: {  	[dreg:$0x4] =	wrdreg s18  }
0xb2: {  	[dreg:$0x5] =	wrdreg $0x9  }
0xb3: {  	_ =	task.clear_ibuf [dreg:s8], $0x6FFFF;
	_ =	strace $0x90000046  }
0xb4: {  	s29 =	simm.s32 $0x9;
	_ =	strace $0x80000048  }
0xb5: {  	_ =	swait.ge [sflag:s29], $0x1  }
0xb6: {  	[sflag:s29] =	ssyncadd.s32 $0xFFFFFFFF  }
0xb7: {  	_ =	strace $0x90000048  }
0xb8: {  	_ =	sfence  }
0xb9: {  	s30 =	sld [smem:$0x0];
	_ =	sdelay $0x2  }
0xba: {  	s31 =	sshll.u32 s1, $0xD;
	s1 =	sshrl.u32 s1, $0x2  }
0xbb: {  	s3 =	sand.u32 $0x4000, s31;
	s1 =	sadd.s32 s1, s30  }
0xbc: {  	s0 =	sor.u32 s3, s0;
	s1 =	sshll.u32 s1, $0x11  }
0xbd: {  	s0 =	sor.u32 s1, s0  }
0xbe: {  	s0 =	sadd.s32 $0x8F2B, s0  }
0xbf: {  	[sflag:s0] =	ssyncadd.remote.s32 $0x1  }
0xc0: {  	_ =	sfence.sel $0xFFFF  }
0xc1: {  	[dreg:$0x0] =	wrdreg $0xFFFFFFFF;
	(pc) =	sbr.abs _section_cstart, $3  }
0xc2: {  	[dreg:$0x1] =	wrdreg $0xFFFFFFFF  }
0xc3: {  	_ =	task.clear_ibuf [dreg:s8], $0x2FFFF;
	_ =	strace $0x9FFFFFFF  }
0xc4: {  	(tm) =	ssettm $0x7FFFFFFF  }
0xc5: {  	_ =	shalt  }
tec
execute0_lowered:
.L_overlay_start_1:
0x0: {  	(tag) =	ssettag $0x1  }
0x1: {  	s1 =	rddreg [dreg:$0x0]  }
0x2: {  	s0 =	rddreg [dreg:$0x1]  }
0x3: {  	s2 =	rddreg [dreg:$0x2]  }
0x4: {  	s4 =	srdreg.scid;
	s5 =	stileid.u32;
	s3 =	simm.s32 $0x0  }
0x5: {  	s18 =	simm.s32 $0x5;
	s19 =	simm.s32 $0x40;
	s20 =	simm.s32 $0x4400  }
0x6: {  	s29 =	simm.s32 $0x8400;
	s31 =	simm.s32 $0xC400;
	s21 =	simm.s32 $0x1  }
0x7: {  	s22 =	simm.s32 $0x2;
	s4 =	sand.u32 $0x1, s4;
	s5 =	sshll.u32 s5, $0x1  }
0x8: {  	s17 =	simm.s32 $0x14400;
	[smem:$0x7FF] =	sst s3;
	s5 =	sor.u32 s4, s5  }
0x9: {  	_ =	strace $0x80000047;
	s4 =	ssub.s32 $0x2, s4;
	s7 =	smul.u32 $0xA000, s5  }
0xa: {  	s6 =	sshll.u32 s5, $0x7;
	s8 =	sshll.u32 s5, $0xA;
	s5 =	smul.u32 $0x1400, s5  }
0xb: {  	s23 =	sshrl.u32 s4, $0x1;
	s6 =	sadd.s32 s6, s0;
	s9 =	sadd.s32 s8, s0  }
0xc: {  	s4 =	ssub.s32 s4, s23;
	s2 =	sadd.s32 s2, s8;
	s23 =	simm.s32 $0x3  }
0xd: {  	s7 =	sshrl.u32 s7, $0x3;
	s24 =	sadd.s32 $0x2000, s6;
	[dreg:$0x5] =	wrdreg s2  }
0xe: {  	s25 =	sadd.s32 $0x3000, s9;
	s30 =	sadd.s32 $0xB000, s9;
	[dreg:$0x4] =	wrdreg s24  }
0xf: {  	s11 =	smax.u32 s4, $0x1;
	s2 =	simm.s32 $0x10400;
	[dreg:$0x6] =	wrdreg s25  }
0x10: {  	s7 =	sadd.s32 s7, s0;
	s0 =	sadd.s32 s5, s0;
	[dreg:$0x9] =	wrdreg s30  }
.Ltmp0:
0x11: {  	s24 =	simm.s32 $0x4;
	s25 =	simm.s32 $0x0;
	(pc) =	sbr.rel .LBB2_1-.Ltmp0, $4  }
0x12: {  	s26 =	sadd.s32 $0x3B000, s0;
	s28 =	sadd.s32 $0x63000, s0;
	s0 =	sadd.s32 $0x8B000, s0  }
0x13: {  	s12 =	sadd.s32 $0x13000, s7;
	s13 =	sadd.s32 $0x13400, s7;
	[dreg:$0x7] =	wrdreg s26  }
0x14: {  	s14 =	sadd.s32 $0x13800, s7;
	s15 =	sadd.s32 $0x13C00, s7;
	[dreg:$0x8] =	wrdreg s28  }
0x15: {  	s16 =	sadd.s32 $0x14000, s7;
	[dreg:$0xa] =	wrdreg s0;
	s26 =	simm.s32 $0x7D  }
.LBB2_58:
0x16: {  	s25 =	sadd.s32 $0x1, s25  }
0x17: {  	p0 =	sne.s32 s25, s11  }
.Ltmp1:
0x18: {  	s0 =	rddreg [dreg:$0xa];
	(pc) =	sbr.rel @!p0 .LBB2_59-.Ltmp1, $4  }
0x19: {  	[hbm4b:s0+s3] =	stream.linear.scatter [tilespmem:s17], [sflag:$0x5], $0xA000, $0x38;
	[tilespmem:$0x1E400] =	vst v63  }
0x1a: {  	_ =	swait.ge [sflag:s18], $0xA000  }
0x1b: {  	[sflag:s18] =	ssyncset.done $0x0  }
0x1c: {  	[sflag:s18] =	ssyncadd.s32 $0xFFFF6000  }
.LBB2_1:
0x1d: {  	s0 =	rddreg [dreg:$0x4];
	s4 =	simm.s32 $0x4000  }
0x1e: {  	[tilespmem:s4], [sflag:$0x5] =	stream.linear.gather [hbm4b:s0+s3], $0x280, $0x38;
	[tilespmem:$0x1E400] =	vst v63  }
0x1f: {  	_ =	swait.ge [sflag:s18], $0x280  }
0x20: {  	[sflag:s18] =	ssyncset.done $0x0  }
0x21: {  	[sflag:s18] =	ssyncadd.s32 $0xFFFFFD80  }
0x22: {  	[tilespmem:s20], [sflag:$0x5] =	stream.indirect.gather [hbm4b:s1+s19], $0x80, s4, s19, $0xb8;
	[tilespmem:$0x1E400] =	vst v63  }
0x23: {  	_ =	swait.ge [sflag:s18], $0x2000  }
0x24: {  	[sflag:s18] =	ssyncset.done $0x0  }
0x25: {  	[sflag:s18] =	ssyncadd.s32 $0xFFFFE000  }
0x26: {  	[hbm4b:s12+s3] =	stream.linear.scatter [tilespmem:s20], [sflag:$0x5], $0x2000, $0x38;
	[tilespmem:$0x1E400] =	vst v63  }
0x27: {  	_ =	swait.ge [sflag:s18], $0x2000  }
0x28: {  	[sflag:s18] =	ssyncset.done $0x0  }
0x29: {  	s30 =	simm.s32 $0x4080;
	[sflag:s18] =	ssyncadd.s32 $0xFFFFE000  }
0x2a: {  	[tilespmem:s20], [sflag:$0x5] =	stream.indirect.gather [hbm4b:s1+s19], $0x80, s30, s19, $0xb8;
	[tilespmem:$0x1E400] =	vst v63  }
0x2b: {  	_ =	swait.ge [sflag:s18], $0x2000  }
0x2c: {  	[sflag:s18] =	ssyncset.done $0x0  }
0x2d: {  	[sflag:s18] =	ssyncadd.s32 $0xFFFFE000  }
0x2e: {  	[hbm4b:s13+s3] =	stream.linear.scatter [tilespmem:s20], [sflag:$0x5], $0x2000, $0x38;
	[tilespmem:$0x1E400] =	vst v63  }
0x2f: {  	_ =	swait.ge [sflag:s18], $0x2000  }
0x30: {  	[sflag:s18] =	ssyncset.done $0x0  }
0x31: {  	s4 =	simm.s32 $0x4100;
	[sflag:s18] =	ssyncadd.s32 $0xFFFFE000  }
0x32: {  	[tilespmem:s20], [sflag:$0x5] =	stream.indirect.gather [hbm4b:s1+s19], $0x80, s4, s19, $0xb8;
	[tilespmem:$0x1E400] =	vst v63  }
0x33: {  	_ =	swait.ge [sflag:s18], $0x2000  }
0x34: {  	[sflag:s18] =	ssyncset.done $0x0  }
0x35: {  	[sflag:s18] =	ssyncadd.s32 $0xFFFFE000  }
0x36: {  	[hbm4b:s14+s3] =	stream.linear.scatter [tilespmem:s20], [sflag:$0x5], $0x2000, $0x38;
	[tilespmem:$0x1E400] =	vst v63  }
0x37: {  	_ =	swait.ge [sflag:s18], $0x2000  }
0x38: {  	[sflag:s18] =	ssyncset.done $0x0  }
0x39: {  	s5 =	simm.s32 $0x4180;
	[sflag:s18] =	ssyncadd.s32 $0xFFFFE000  }
0x3a: {  	[tilespmem:s20], [sflag:$0x5] =	stream.indirect.gather [hbm4b:s1+s19], $0x80, s5, s19, $0xb8;
	[tilespmem:$0x1E400] =	vst v63  }
0x3b: {  	_ =	swait.ge [sflag:s18], $0x2000  }
0x3c: {  	[sflag:s18] =	ssyncset.done $0x0  }
0x3d: {  	[sflag:s18] =	ssyncadd.s32 $0xFFFFE000  }
0x3e: {  	[hbm4b:s15+s3] =	stream.linear.scatter [tilespmem:s20], [sflag:$0x5], $0x2000, $0x38;
	[tilespmem:$0x1E400] =	vst v63  }
0x3f: {  	_ =	swait.ge [sflag:s18], $0x2000  }
0x40: {  	[sflag:s18] =	ssyncset.done $0x0  }
0x41: {  	s6 =	simm.s32 $0x4200;
	[sflag:s18] =	ssyncadd.s32 $0xFFFFE000  }
0x42: {  	[tilespmem:s20], [sflag:$0x5] =	stream.indirect.gather [hbm4b:s1+s19], $0x80, s6, s19, $0xb8;
	[tilespmem:$0x1E400] =	vst v63  }
0x43: {  	_ =	swait.ge [sflag:s18], $0x2000  }
0x44: {  	[sflag:s18] =	ssyncset.done $0x0  }
0x45: {  	[sflag:s18] =	ssyncadd.s32 $0xFFFFE000  }
0x46: {  	[hbm4b:s16+s3] =	stream.linear.scatter [tilespmem:s20], [sflag:$0x5], $0x2000, $0x38;
	[tilespmem:$0x1E400] =	vst v63  }
0x47: {  	_ =	swait.ge [sflag:s18], $0x2000  }
0x48: {  	[sflag:s18] =	ssyncset.done $0x0  }
0x49: {  	s7 =	rddreg [dreg:$0x5];
	[sflag:s18] =	ssyncadd.s32 $0xFFFFE000  }
0x4a: {  	[tilespmem:s3], [sflag:$0x5] =	stream.linear.gather [hbm4b:s7+s3], $0x2000, $0x38;
	[tilespmem:$0x1E400] =	vst v63  }
0x4b: {  	_ =	swait.ge [sflag:s18], $0x2000  }
0x4c: {  	[sflag:s18] =	ssyncset.done $0x0  }
0x4d: {  	s9 =	simm.s32 $0x2000;
	s8 =	rddreg [dreg:$0x6];
	[sflag:s18] =	ssyncadd.s32 $0xFFFFE000  }
0x4e: {  	[tilespmem:s9], [sflag:$0x5] =	stream.linear.gather [hbm4b:s8+s3], $0x2000, $0x38;
	[tilespmem:$0x1E400] =	vst v63  }
0x4f: {  	_ =	swait.ge [sflag:s18], $0x2000  }
0x50: {  	[sflag:s18] =	ssyncset.done $0x0  }
0x51: {  	[sflag:s18] =	ssyncadd.s32 $0xFFFFE000  }
0x52: {  	[tilespmem:s20], [sflag:$0x1] =	stream.indirect.gather [hbm4b:s1+s26], $0x80, s3, s26, $0xb8;
	[tilespmem:$0x1E400] =	vst v63  }
0x53: {  	s10 =	simm.s32 $0x80  }
0x54: {  	[tilespmem:s29], [sflag:$0x2] =	stream.indirect.gather [hbm4b:s1+s26], $0x80, s10, s26, $0xb8;
	[tilespmem:$0x1E400] =	vst v63  }
0x55: {  	s28 =	simm.s32 $0x100  }
0x56: {  	[tilespmem:s31], [sflag:$0x3] =	stream.indirect.gather [hbm4b:s1+s26], $0x80, s28, s26, $0xb8;
	[tilespmem:$0x1E400] =	vst v63  }
0x57: {  	s30 =	simm.s32 $0x180;
	s4 =	simm.s32 $0x0  }
0x58: {  	[tilespmem:s2], [sflag:$0x4] =	stream.indirect.gather [hbm4b:s1+s26], $0x80, s30, s26, $0xb8;
	[tilespmem:$0x1E400] =	vst v63  }
.LBB2_2:
0x59: {  	_ =	swait.ge [sflag:s21], $0x3E80  }
0x5a: {  	s28 =	smul.u32 $0x14, s4;
	[sflag:s21] =	ssyncset.done $0x0  }
0x5b: {  	s5 =	simm.s32 $0x0;
	s6 =	simm.s32 $0x4400;
	[sflag:s21] =	ssyncadd.s32 $0xFFFFC180  }
.LBB2_3:
0x5c: {  	s0 =	smul.u32 $0x3200, s5;
	_ =	sdelay $0x1  }
0x5d: {  	s0 =	sshra.s32 s0, $0x2  }
0x5e: {  	v10 =	vld [tilespmem:s0+$0x4400]  }
0x5f: {  	v7 =	vld [tilespmem:s0+$0x4410]  }
0x60: {  	v6 =	vld [tilespmem:s0+$0x4420]  }
0x61: {  	v5 =	vmov s6;
	v4 =	vld [tilespmem:s0+$0x4430]  }
0x62: {  	v3 =	vld [tilespmem:s0+$0x4440]  }
0x63: {  	v1 =	vld [tilespmem:s0+$0x4450]  }
0x64: {  	v0 =	vld [tilespmem:s0+$0x4460]  }
0x65: {  	s30 =	simm.s32 $0xF0;
	v2 =	vld [tilespmem:s0+$0x4470]  }
0x66: {  	v13 =	vld.idx.msk [tilespmem:v5+s30+$0x0 ss:$0x1], $0xffff  }
0x67: {  	v15 =	vld.idx.msk [tilespmem:v5+s30+$0xFFFFFF90 ss:$0x1], $0xffff  }
0x68: {  	v14 =	vld.idx.msk [tilespmem:v5+s30+$0xFFFFFFA0 ss:$0x1], $0xffff  }
0x69: {  	v12 =	vld.idx.msk [tilespmem:v5+s30+$0xFFFFFFB0 ss:$0x1], $0xffff  }
0x6a: {  	v11 =	vld.idx.msk [tilespmem:v5+s30+$0xFFFFFFC0 ss:$0x1], $0xffff  }
0x6b: {  	v9 =	vld.idx.msk [tilespmem:v5+s30+$0xFFFFFFD0 ss:$0x1], $0xffff  }
0x6c: {  	v8 =	vld.idx.msk [tilespmem:v5+s30+$0xFFFFFFE0 ss:$0x1], $0xffff  }
0x6d: {  	s7 =	simm.s32 $0x170;
	s8 =	simm.s32 $0x7C0;
	v2 =	vadd.f32 v13, v2;
	v13 =	vadd.f32 v15, v10;
	v10 =	vld.idx.msk [tilespmem:v5+s30+$0xFFFFFFF0 ss:$0x1], $0xffff  }
.LBB2_4:
0x6e: {  	p0 =	sne.s32 s8, $0x31C0;
	v15 =	vld.idx.msk [tilespmem:v5+s7+$0x0 ss:$0x1], $0xffff;
	v7 =	vadd.f32 v14, v7  }
0x6f: {  	v6 =	vadd.f32 v12, v6;
	v16 =	vld.idx.msk [tilespmem:v5+s7+$0xFFFFFF90 ss:$0x1], $0xffff  }
0x70: {  	v4 =	vadd.f32 v11, v4;
	v14 =	vld.idx.msk [tilespmem:v5+s7+$0xFFFFFFA0 ss:$0x1], $0xffff  }
.Ltmp2:
0x71: {  	v3 =	vadd.f32 v9, v3;
	v12 =	vld.idx.msk [tilespmem:v5+s7+$0xFFFFFFB0 ss:$0x1], $0xffff;
	(pc) =	sbr.rel @p0 .LBB2_4-.Ltmp2, $4  }
0x72: {  	v1 =	vadd.f32 v8, v1;
	v11 =	vld.idx.msk [tilespmem:v5+s7+$0xFFFFFFC0 ss:$0x1], $0xffff  }
0x73: {  	v0 =	vadd.f32 v10, v0;
	v9 =	vld.idx.msk [tilespmem:v5+s7+$0xFFFFFFD0 ss:$0x1], $0xffff  }
0x74: {  	v2 =	vadd.f32 v15, v2;
	v8 =	vld.idx.msk [tilespmem:v5+s7+$0xFFFFFFE0 ss:$0x1], $0xffff  }
0x75: {  	v13 =	vadd.f32 v16, v13;
	v10 =	vld.idx.msk [tilespmem:v5+s7+$0xFFFFFFF0 ss:$0x1], $0xffff;
	s7 =	sshra.s32 s8, $0x2;
	s8 =	sadd.s32 $0x200, s8  }
0x76: {  	_ =	sdelay $0x3  }
0x77: {  	v16 =	vld.idx.msk [tilespmem:v5+s7+$0xFFFFFF90 ss:$0x1], $0xffff  }
0x78: {  	v17 =	vld.idx.msk [tilespmem:v5+s7+$0xFFFFFFA0 ss:$0x1], $0xffff  }
0x79: {  	v18 =	vld.idx.msk [tilespmem:v5+s7+$0xFFFFFFB0 ss:$0x1], $0xffff  }
0x7a: {  	v19 =	vld.idx.msk [tilespmem:v5+s7+$0xFFFFFFC0 ss:$0x1], $0xffff  }
0x7b: {  	v7 =	vadd.f32 v14, v7;
	v60 =	vld.idx.msk [tilespmem:v5+s7+$0xFFFFFFD0 ss:$0x1], $0xffff;
	s0 =	sadd.s32 s28, s5  }
0x7c: {  	v6 =	vadd.f32 v12, v6;
	v62 =	vld.idx.msk [tilespmem:v5+s7+$0xFFFFFFE0 ss:$0x1], $0xffff;
	s0 =	sshll.u32 s0, $0x7;
	v61 =	vadd.f32 v16, v13  }
0x7d: {  	v15 =	vld.idx.msk [tilespmem:v5+s7+$0x0 ss:$0x1], $0xffff;
	v4 =	vadd.f32 v11, v4;
	s0 =	sand.u32 $0x3FFFFF80, s0;
	v7 =	vadd.f32 v17, v7  }
0x7e: {  	v63 =	vld.idx.msk [tilespmem:v5+s7+$0xFFFFFFF0 ss:$0x1], $0xffff;
	v3 =	vadd.f32 v9, v3;
	v6 =	vadd.f32 v18, v6;
	[tilespmem:s0+$0x14400] =	vst v61  }
0x7f: {  	s5 =	sadd.s32 $0x1, s5;
	v1 =	vadd.f32 v8, v1;
	v4 =	vadd.f32 v19, v4;
	[tilespmem:s0+$0x14410] =	vst v7  }
0x80: {  	p0 =	sne.s32 s5, $0x5;
	v3 =	vadd.f32 v60, v3;
	[tilespmem:s0+$0x14420] =	vst v6  }
.Ltmp3:
0x81: {  	v0 =	vadd.f32 v10, v0;
	v1 =	vadd.f32 v62, v1;
	[tilespmem:s0+$0x14430] =	vst v4;
	(pc) =	sbr.rel @p0 .LBB2_3-.Ltmp3, $4  }
0x82: {  	v2 =	vadd.f32 v15, v2;
	[tilespmem:s0+$0x14440] =	vst v3  }
0x83: {  	v0 =	vadd.f32 v63, v0;
	[tilespmem:s0+$0x14450] =	vst v1  }
0x84: {  	[tilespmem:s0+$0x14470] =	vst v2  }
0x85: {  	s6 =	sadd.s32 $0xC80, s6;
	[tilespmem:s0+$0x14460] =	vst v0  }
0x86: {  	s5 =	sshll.u32 s4, $0xB;
	p0 =	seq.s32 s4, $0xF  }
0x87: {  	s6 =	sshrl.u32 @!p0 s5, $0x2  }
0x88: {  	s7 =	simm.s32 @!p0 $0x7D;
	s8 =	simm.s32 @!p0 $0x4400;
	s0 =	sadd.s32 @!p0 $0x200, s6  }
0x89: {  	[tilespmem:s8], [sflag:$0x1] =	stream.indirect.gather @!p0 [hbm4b:s1+s7], $0x80, s0, s7, $0xb8;
	[tilespmem:$0x1E400] =	vst v63  }
0x8a: {  	_ =	swait.ge [sflag:s22], $0x3E80  }
0x8b: {  	s30 =	simm.s32 $0x0;
	[sflag:s22] =	ssyncset.done $0x0  }
0x8c: {  	s7 =	sadd.s32 $0x5, s28;
	s8 =	simm.s32 $0x8400;
	[sflag:s22] =	ssyncadd.s32 $0xFFFFC180  }
.LBB2_7:
0x8d: {  	s0 =	smul.u32 $0x3200, s30;
	_ =	sdelay $0x1  }
0x8e: {  	s0 =	sshra.s32 s0, $0x2  }
0x8f: {  	v10 =	vld [tilespmem:s0+$0x8400]  }
0x90: {  	v7 =	vld [tilespmem:s0+$0x8410]  }
0x91: {  	v6 =	vld [tilespmem:s0+$0x8420]  }
0x92: {  	v5 =	vmov s8;
	v4 =	vld [tilespmem:s0+$0x8430]  }
0x93: {  	v3 =	vld [tilespmem:s0+$0x8440]  }
0x94: {  	v1 =	vld [tilespmem:s0+$0x8450]  }
0x95: {  	v0 =	vld [tilespmem:s0+$0x8460]  }
0x96: {  	s10 =	simm.s32 $0xF0;
	v2 =	vld [tilespmem:s0+$0x8470]  }
0x97: {  	v13 =	vld.idx.msk [tilespmem:v5+s10+$0x0 ss:$0x1], $0xffff  }
0x98: {  	v15 =	vld.idx.msk [tilespmem:v5+s10+$0xFFFFFF90 ss:$0x1], $0xffff  }
0x99: {  	v14 =	vld.idx.msk [tilespmem:v5+s10+$0xFFFFFFA0 ss:$0x1], $0xffff  }
0x9a: {  	v12 =	vld.idx.msk [tilespmem:v5+s10+$0xFFFFFFB0 ss:$0x1], $0xffff  }
0x9b: {  	v11 =	vld.idx.msk [tilespmem:v5+s10+$0xFFFFFFC0 ss:$0x1], $0xffff  }
0x9c: {  	v9 =	vld.idx.msk [tilespmem:v5+s10+$0xFFFFFFD0 ss:$0x1], $0xffff  }
0x9d: {  	v8 =	vld.idx.msk [tilespmem:v5+s10+$0xFFFFFFE0 ss:$0x1], $0xffff  }
0x9e: {  	s9 =	simm.s32 $0x170;
	s0 =	simm.s32 $0x7C0;
	v2 =	vadd.f32 v13, v2;
	v13 =	vadd.f32 v15, v10;
	v10 =	vld.idx.msk [tilespmem:v5+s10+$0xFFFFFFF0 ss:$0x1], $0xffff  }
.LBB2_8:
0x9f: {  	p1 =	sne.s32 s0, $0x31C0;
	v15 =	vld.idx.msk [tilespmem:v5+s9+$0x0 ss:$0x1], $0xffff;
	v7 =	vadd.f32 v14, v7  }
0xa0: {  	v6 =	vadd.f32 v12, v6;
	v16 =	vld.idx.msk [tilespmem:v5+s9+$0xFFFFFF90 ss:$0x1], $0xffff  }
0xa1: {  	v4 =	vadd.f32 v11, v4;
	v14 =	vld.idx.msk [tilespmem:v5+s9+$0xFFFFFFA0 ss:$0x1], $0xffff  }
.Ltmp4:
0xa2: {  	v3 =	vadd.f32 v9, v3;
	v12 =	vld.idx.msk [tilespmem:v5+s9+$0xFFFFFFB0 ss:$0x1], $0xffff;
	(pc) =	sbr.rel @p1 .LBB2_8-.Ltmp4, $4  }
0xa3: {  	v1 =	vadd.f32 v8, v1;
	v11 =	vld.idx.msk [tilespmem:v5+s9+$0xFFFFFFC0 ss:$0x1], $0xffff  }
0xa4: {  	v0 =	vadd.f32 v10, v0;
	v9 =	vld.idx.msk [tilespmem:v5+s9+$0xFFFFFFD0 ss:$0x1], $0xffff  }
0xa5: {  	v2 =	vadd.f32 v15, v2;
	v8 =	vld.idx.msk [tilespmem:v5+s9+$0xFFFFFFE0 ss:$0x1], $0xffff  }
0xa6: {  	v13 =	vadd.f32 v16, v13;
	v10 =	vld.idx.msk [tilespmem:v5+s9+$0xFFFFFFF0 ss:$0x1], $0xffff;
	s9 =	sshra.s32 s0, $0x2;
	s0 =	sadd.s32 $0x200, s0  }
0xa7: {  	_ =	sdelay $0x3  }
0xa8: {  	v16 =	vld.idx.msk [tilespmem:v5+s9+$0xFFFFFF90 ss:$0x1], $0xffff  }
0xa9: {  	v17 =	vld.idx.msk [tilespmem:v5+s9+$0xFFFFFFA0 ss:$0x1], $0xffff  }
0xaa: {  	v18 =	vld.idx.msk [tilespmem:v5+s9+$0xFFFFFFB0 ss:$0x1], $0xffff  }
0xab: {  	v19 =	vld.idx.msk [tilespmem:v5+s9+$0xFFFFFFC0 ss:$0x1], $0xffff  }
0xac: {  	v7 =	vadd.f32 v14, v7;
	v60 =	vld.idx.msk [tilespmem:v5+s9+$0xFFFFFFD0 ss:$0x1], $0xffff;
	s0 =	sadd.s32 s30, s7  }
0xad: {  	v6 =	vadd.f32 v12, v6;
	v62 =	vld.idx.msk [tilespmem:v5+s9+$0xFFFFFFE0 ss:$0x1], $0xffff;
	s0 =	sshll.u32 s0, $0x7;
	v61 =	vadd.f32 v16, v13  }
0xae: {  	v15 =	vld.idx.msk [tilespmem:v5+s9+$0x0 ss:$0x1], $0xffff;
	v4 =	vadd.f32 v11, v4;
	s0 =	sand.u32 $0x3FFFFF80, s0;
	v7 =	vadd.f32 v17, v7  }
0xaf: {  	v63 =	vld.idx.msk [tilespmem:v5+s9+$0xFFFFFFF0 ss:$0x1], $0xffff;
	v3 =	vadd.f32 v9, v3;
	v6 =	vadd.f32 v18, v6;
	[tilespmem:s0+$0x14400] =	vst v61  }
0xb0: {  	s30 =	sadd.s32 $0x1, s30;
	v1 =	vadd.f32 v8, v1;
	v4 =	vadd.f32 v19, v4;
	[tilespmem:s0+$0x14410] =	vst v7  }
0xb1: {  	p1 =	sne.s32 s30, $0x5;
	v3 =	vadd.f32 v60, v3;
	[tilespmem:s0+$0x14420] =	vst v6  }
.Ltmp5:
0xb2: {  	v0 =	vadd.f32 v10, v0;
	v1 =	vadd.f32 v62, v1;
	[tilespmem:s0+$0x14430] =	vst v4;
	(pc) =	sbr.rel @p1 .LBB2_7-.Ltmp5, $4  }
0xb3: {  	v2 =	vadd.f32 v15, v2;
	[tilespmem:s0+$0x14440] =	vst v3  }
0xb4: {  	v0 =	vadd.f32 v63, v0;
	[tilespmem:s0+$0x14450] =	vst v1  }
0xb5: {  	[tilespmem:s0+$0x14470] =	vst v2  }
0xb6: {  	s8 =	sadd.s32 $0xC80, s8;
	[tilespmem:s0+$0x14460] =	vst v0  }
0xb7: {  	s0 =	sadd.s32 @!p0 $0x280, s6;
	s7 =	simm.s32 @!p0 $0x7D;
	s8 =	simm.s32 @!p0 $0x8400  }
0xb8: {  	[tilespmem:s8], [sflag:$0x2] =	stream.indirect.gather @!p0 [hbm4b:s1+s7], $0x80, s0, s7, $0xb8;
	[tilespmem:$0x1E400] =	vst v63  }
0xb9: {  	_ =	swait.ge [sflag:s23], $0x3E80  }
0xba: {  	s30 =	simm.s32 $0x0;
	[sflag:s23] =	ssyncset.done $0x0  }
0xbb: {  	s7 =	sadd.s32 $0xA, s28;
	s8 =	simm.s32 $0xC400;
	[sflag:s23] =	ssyncadd.s32 $0xFFFFC180  }
.LBB2_11:
0xbc: {  	s0 =	smul.u32 $0x3200, s30;
	_ =	sdelay $0x1  }
0xbd: {  	s0 =	sshra.s32 s0, $0x2  }
0xbe: {  	v10 =	vld [tilespmem:s0+$0xC400]  }
0xbf: {  	v7 =	vld [tilespmem:s0+$0xC410]  }
0xc0: {  	v6 =	vld [tilespmem:s0+$0xC420]  }
0xc1: {  	v5 =	vmov s8;
	v4 =	vld [tilespmem:s0+$0xC430]  }
0xc2: {  	v3 =	vld [tilespmem:s0+$0xC440]  }
0xc3: {  	v1 =	vld [tilespmem:s0+$0xC450]  }
0xc4: {  	v0 =	vld [tilespmem:s0+$0xC460]  }
0xc5: {  	s10 =	simm.s32 $0xF0;
	v2 =	vld [tilespmem:s0+$0xC470]  }
0xc6: {  	v13 =	vld.idx.msk [tilespmem:v5+s10+$0x0 ss:$0x1], $0xffff  }
0xc7: {  	v15 =	vld.idx.msk [tilespmem:v5+s10+$0xFFFFFF90 ss:$0x1], $0xffff  }
0xc8: {  	v14 =	vld.idx.msk [tilespmem:v5+s10+$0xFFFFFFA0 ss:$0x1], $0xffff  }
0xc9: {  	v12 =	vld.idx.msk [tilespmem:v5+s10+$0xFFFFFFB0 ss:$0x1], $0xffff  }
0xca: {  	v11 =	vld.idx.msk [tilespmem:v5+s10+$0xFFFFFFC0 ss:$0x1], $0xffff  }
0xcb: {  	v9 =	vld.idx.msk [tilespmem:v5+s10+$0xFFFFFFD0 ss:$0x1], $0xffff  }
0xcc: {  	v8 =	vld.idx.msk [tilespmem:v5+s10+$0xFFFFFFE0 ss:$0x1], $0xffff  }
0xcd: {  	s9 =	simm.s32 $0x170;
	s0 =	simm.s32 $0x7C0;
	v2 =	vadd.f32 v13, v2;
	v13 =	vadd.f32 v15, v10;
	v10 =	vld.idx.msk [tilespmem:v5+s10+$0xFFFFFFF0 ss:$0x1], $0xffff  }
.LBB2_12:
0xce: {  	p1 =	sne.s32 s0, $0x31C0;
	v15 =	vld.idx.msk [tilespmem:v5+s9+$0x0 ss:$0x1], $0xffff;
	v7 =	vadd.f32 v14, v7  }
0xcf: {  	v6 =	vadd.f32 v12, v6;
	v16 =	vld.idx.msk [tilespmem:v5+s9+$0xFFFFFF90 ss:$0x1], $0xffff  }
0xd0: {  	v4 =	vadd.f32 v11, v4;
	v14 =	vld.idx.msk [tilespmem:v5+s9+$0xFFFFFFA0 ss:$0x1], $0xffff  }
.Ltmp6:
0xd1: {  	v3 =	vadd.f32 v9, v3;
	v12 =	vld.idx.msk [tilespmem:v5+s9+$0xFFFFFFB0 ss:$0x1], $0xffff;
	(pc) =	sbr.rel @p1 .LBB2_12-.Ltmp6, $4  }
0xd2: {  	v1 =	vadd.f32 v8, v1;
	v11 =	vld.idx.msk [tilespmem:v5+s9+$0xFFFFFFC0 ss:$0x1], $0xffff  }
0xd3: {  	v0 =	vadd.f32 v10, v0;
	v9 =	vld.idx.msk [tilespmem:v5+s9+$0xFFFFFFD0 ss:$0x1], $0xffff  }
0xd4: {  	v2 =	vadd.f32 v15, v2;
	v8 =	vld.idx.msk [tilespmem:v5+s9+$0xFFFFFFE0 ss:$0x1], $0xffff  }
0xd5: {  	v13 =	vadd.f32 v16, v13;
	v10 =	vld.idx.msk [tilespmem:v5+s9+$0xFFFFFFF0 ss:$0x1], $0xffff;
	s9 =	sshra.s32 s0, $0x2;
	s0 =	sadd.s32 $0x200, s0  }
0xd6: {  	_ =	sdelay $0x3  }
0xd7: {  	v16 =	vld.idx.msk [tilespmem:v5+s9+$0xFFFFFF90 ss:$0x1], $0xffff  }
0xd8: {  	v17 =	vld.idx.msk [tilespmem:v5+s9+$0xFFFFFFA0 ss:$0x1], $0xffff  }
0xd9: {  	v18 =	vld.idx.msk [tilespmem:v5+s9+$0xFFFFFFB0 ss:$0x1], $0xffff  }
0xda: {  	v19 =	vld.idx.msk [tilespmem:v5+s9+$0xFFFFFFC0 ss:$0x1], $0xffff  }
0xdb: {  	v7 =	vadd.f32 v14, v7;
	v60 =	vld.idx.msk [tilespmem:v5+s9+$0xFFFFFFD0 ss:$0x1], $0xffff;
	s0 =	sadd.s32 s30, s7  }
0xdc: {  	v6 =	vadd.f32 v12, v6;
	v62 =	vld.idx.msk [tilespmem:v5+s9+$0xFFFFFFE0 ss:$0x1], $0xffff;
	s0 =	sshll.u32 s0, $0x7;
	v61 =	vadd.f32 v16, v13  }
0xdd: {  	v15 =	vld.idx.msk [tilespmem:v5+s9+$0x0 ss:$0x1], $0xffff;
	v4 =	vadd.f32 v11, v4;
	s0 =	sand.u32 $0x3FFFFF80, s0;
	v7 =	vadd.f32 v17, v7  }
0xde: {  	v63 =	vld.idx.msk [tilespmem:v5+s9+$0xFFFFFFF0 ss:$0x1], $0xffff;
	v3 =	vadd.f32 v9, v3;
	v6 =	vadd.f32 v18, v6;
	[tilespmem:s0+$0x14400] =	vst v61  }
0xdf: {  	s30 =	sadd.s32 $0x1, s30;
	v1 =	vadd.f32 v8, v1;
	v4 =	vadd.f32 v19, v4;
	[tilespmem:s0+$0x14410] =	vst v7  }
0xe0: {  	p1 =	sne.s32 s30, $0x5;
	v3 =	vadd.f32 v60, v3;
	[tilespmem:s0+$0x14420] =	vst v6  }
.Ltmp7:
0xe1: {  	v0 =	vadd.f32 v10, v0;
	v1 =	vadd.f32 v62, v1;
	[tilespmem:s0+$0x14430] =	vst v4;
	(pc) =	sbr.rel @p1 .LBB2_11-.Ltmp7, $4  }
0xe2: {  	v2 =	vadd.f32 v15, v2;
	[tilespmem:s0+$0x14440] =	vst v3  }
0xe3: {  	v0 =	vadd.f32 v63, v0;
	[tilespmem:s0+$0x14450] =	vst v1  }
0xe4: {  	[tilespmem:s0+$0x14470] =	vst v2  }
0xe5: {  	s8 =	sadd.s32 $0xC80, s8;
	[tilespmem:s0+$0x14460] =	vst v0  }
0xe6: {  	s0 =	sadd.s32 @!p0 $0x300, s6;
	s6 =	simm.s32 @!p0 $0x7D;
	s7 =	simm.s32 @!p0 $0xC400  }
0xe7: {  	[tilespmem:s7], [sflag:$0x3] =	stream.indirect.gather @!p0 [hbm4b:s1+s6], $0x80, s0, s6, $0xb8;
	[tilespmem:$0x1E400] =	vst v63  }
0xe8: {  	_ =	swait.ge [sflag:s24], $0x3E80  }
0xe9: {  	s8 =	simm.s32 $0x10400;
	[sflag:s24] =	ssyncset.done $0x0  }
0xea: {  	s6 =	sadd.s32 $0xF, s28;
	s7 =	simm.s32 $0x0;
	[sflag:s24] =	ssyncadd.s32 $0xFFFFC180  }
.LBB2_15:
0xeb: {  	s0 =	smul.u32 $0x3200, s7;
	_ =	sdelay $0x1  }
0xec: {  	s0 =	sshra.s32 s0, $0x2  }
0xed: {  	v10 =	vld [tilespmem:s0+$0x10400]  }
0xee: {  	v7 =	vld [tilespmem:s0+$0x10410]  }
0xef: {  	v6 =	vld [tilespmem:s0+$0x10420]  }
0xf0: {  	v5 =	vmov s8;
	v4 =	vld [tilespmem:s0+$0x10430]  }
0xf1: {  	v3 =	vld [tilespmem:s0+$0x10440]  }
0xf2: {  	v1 =	vld [tilespmem:s0+$0x10450]  }
0xf3: {  	v0 =	vld [tilespmem:s0+$0x10460]  }
0xf4: {  	s10 =	simm.s32 $0xF0;
	v2 =	vld [tilespmem:s0+$0x10470]  }
0xf5: {  	v13 =	vld.idx.msk [tilespmem:v5+s10+$0x0 ss:$0x1], $0xffff  }
0xf6: {  	v15 =	vld.idx.msk [tilespmem:v5+s10+$0xFFFFFF90 ss:$0x1], $0xffff  }
0xf7: {  	v14 =	vld.idx.msk [tilespmem:v5+s10+$0xFFFFFFA0 ss:$0x1], $0xffff  }
0xf8: {  	v12 =	vld.idx.msk [tilespmem:v5+s10+$0xFFFFFFB0 ss:$0x1], $0xffff  }
0xf9: {  	v11 =	vld.idx.msk [tilespmem:v5+s10+$0xFFFFFFC0 ss:$0x1], $0xffff  }
0xfa: {  	v9 =	vld.idx.msk [tilespmem:v5+s10+$0xFFFFFFD0 ss:$0x1], $0xffff  }
0xfb: {  	v8 =	vld.idx.msk [tilespmem:v5+s10+$0xFFFFFFE0 ss:$0x1], $0xffff  }
0xfc: {  	s9 =	simm.s32 $0x170;
	s0 =	simm.s32 $0x7C0;
	v2 =	vadd.f32 v13, v2;
	v13 =	vadd.f32 v15, v10;
	v10 =	vld.idx.msk [tilespmem:v5+s10+$0xFFFFFFF0 ss:$0x1], $0xffff  }
.LBB2_16:
0xfd: {  	p1 =	sne.s32 s0, $0x31C0;
	v15 =	vld.idx.msk [tilespmem:v5+s9+$0x0 ss:$0x1], $0xffff;
	v7 =	vadd.f32 v14, v7  }
0xfe: {  	v6 =	vadd.f32 v12, v6;
	v16 =	vld.idx.msk [tilespmem:v5+s9+$0xFFFFFF90 ss:$0x1], $0xffff  }
0xff: {  	v4 =	vadd.f32 v11, v4;
	v14 =	vld.idx.msk [tilespmem:v5+s9+$0xFFFFFFA0 ss:$0x1], $0xffff  }
.Ltmp8:
0x100: {  	v3 =	vadd.f32 v9, v3;
	v12 =	vld.idx.msk [tilespmem:v5+s9+$0xFFFFFFB0 ss:$0x1], $0xffff;
	(pc) =	sbr.rel @p1 .LBB2_16-.Ltmp8, $4  }
0x101: {  	v1 =	vadd.f32 v8, v1;
	v11 =	vld.idx.msk [tilespmem:v5+s9+$0xFFFFFFC0 ss:$0x1], $0xffff  }
0x102: {  	v0 =	vadd.f32 v10, v0;
	v9 =	vld.idx.msk [tilespmem:v5+s9+$0xFFFFFFD0 ss:$0x1], $0xffff  }
0x103: {  	v2 =	vadd.f32 v15, v2;
	v8 =	vld.idx.msk [tilespmem:v5+s9+$0xFFFFFFE0 ss:$0x1], $0xffff  }
0x104: {  	v13 =	vadd.f32 v16, v13;
	v10 =	vld.idx.msk [tilespmem:v5+s9+$0xFFFFFFF0 ss:$0x1], $0xffff;
	s9 =	sshra.s32 s0, $0x2;
	s0 =	sadd.s32 $0x200, s0  }
0x105: {  	_ =	sdelay $0x3  }
0x106: {  	v16 =	vld.idx.msk [tilespmem:v5+s9+$0xFFFFFF90 ss:$0x1], $0xffff  }
0x107: {  	v17 =	vld.idx.msk [tilespmem:v5+s9+$0xFFFFFFA0 ss:$0x1], $0xffff  }
0x108: {  	v18 =	vld.idx.msk [tilespmem:v5+s9+$0xFFFFFFB0 ss:$0x1], $0xffff  }
0x109: {  	v19 =	vld.idx.msk [tilespmem:v5+s9+$0xFFFFFFC0 ss:$0x1], $0xffff  }
0x10a: {  	v7 =	vadd.f32 v14, v7;
	v60 =	vld.idx.msk [tilespmem:v5+s9+$0xFFFFFFD0 ss:$0x1], $0xffff;
	s0 =	sadd.s32 s7, s6  }
0x10b: {  	v6 =	vadd.f32 v12, v6;
	v62 =	vld.idx.msk [tilespmem:v5+s9+$0xFFFFFFE0 ss:$0x1], $0xffff;
	s0 =	sshll.u32 s0, $0x7;
	v61 =	vadd.f32 v16, v13  }
0x10c: {  	v15 =	vld.idx.msk [tilespmem:v5+s9+$0x0 ss:$0x1], $0xffff;
	v4 =	vadd.f32 v11, v4;
	s0 =	sand.u32 $0x3FFFFF80, s0;
	v7 =	vadd.f32 v17, v7  }
0x10d: {  	v63 =	vld.idx.msk [tilespmem:v5+s9+$0xFFFFFFF0 ss:$0x1], $0xffff;
	v3 =	vadd.f32 v9, v3;
	v6 =	vadd.f32 v18, v6;
	[tilespmem:s0+$0x14400] =	vst v61  }
0x10e: {  	s7 =	sadd.s32 $0x1, s7;
	v1 =	vadd.f32 v8, v1;
	v4 =	vadd.f32 v19, v4;
	[tilespmem:s0+$0x14410] =	vst v7  }
0x10f: {  	p1 =	sne.s32 s7, $0x5;
	v3 =	vadd.f32 v60, v3;
	[tilespmem:s0+$0x14420] =	vst v6  }
.Ltmp9:
0x110: {  	v0 =	vadd.f32 v10, v0;
	v1 =	vadd.f32 v62, v1;
	[tilespmem:s0+$0x14430] =	vst v4;
	(pc) =	sbr.rel @p1 .LBB2_15-.Ltmp9, $4  }
0x111: {  	v2 =	vadd.f32 v15, v2;
	[tilespmem:s0+$0x14440] =	vst v3  }
0x112: {  	v0 =	vadd.f32 v63, v0;
	[tilespmem:s0+$0x14450] =	vst v1  }
0x113: {  	[tilespmem:s0+$0x14470] =	vst v2  }
0x114: {  	s8 =	sadd.s32 $0xC80, s8;
	[tilespmem:s0+$0x14460] =	vst v0  }
.Ltmp10:
0x115: {  	(pc) =	sbr.rel @p0 .LBB2_20-.Ltmp10, $1  }
0x116: {  	_ =	sdelay $0x3  }
.Ltmp11:
0x117: {  	(pc) =	sbr.rel .LBB2_2-.Ltmp11, $4  }
0x118: {  	_ = 	snop  }
0x119: {  	s0 =	sshrl.u32 s5, $0x2  }
0x11a: {  	s4 =	sadd.s32 $0x1, s4;
	s0 =	sadd.s32 $0x380, s0  }
0x11b: {  	[tilespmem:s2], [sflag:$0x4] =	stream.indirect.gather [hbm4b:s1+s26], $0x80, s0, s26, $0xb8;
	[tilespmem:$0x1E400] =	vst v63  }
.LBB2_20:
0x11c: {  	s4 =	simm.s32 $0x0;
	s0 =	rddreg [dreg:$0x7]  }
0x11d: {  	[hbm4b:s0+s4] =	stream.linear.scatter [tilespmem:s17], [sflag:$0x5], $0xA000, $0x38;
	[tilespmem:$0x1E400] =	vst v63  }
0x11e: {  	_ =	swait.ge [sflag:s18], $0xA000  }
0x11f: {  	[sflag:s18] =	ssyncset.done $0x0  }
0x120: {  	s9 =	simm.s32 $0x2000;
	[sflag:s18] =	ssyncadd.s32 $0xFFFF6000  }
0x121: {  	[tilespmem:s20], [sflag:$0x1] =	stream.indirect.gather [hbm4b:s1+s26], $0x80, s9, s26, $0xb8;
	[tilespmem:$0x1E400] =	vst v63  }
0x122: {  	s10 =	simm.s32 $0x2080  }
0x123: {  	[tilespmem:s29], [sflag:$0x2] =	stream.indirect.gather [hbm4b:s1+s26], $0x80, s10, s26, $0xb8;
	[tilespmem:$0x1E400] =	vst v63  }
0x124: {  	s28 =	simm.s32 $0x2100  }
0x125: {  	[tilespmem:s31], [sflag:$0x3] =	stream.indirect.gather [hbm4b:s1+s26], $0x80, s28, s26, $0xb8;
	[tilespmem:$0x1E400] =	vst v63  }
0x126: {  	s30 =	simm.s32 $0x2180  }
0x127: {  	[tilespmem:s2], [sflag:$0x4] =	stream.indirect.gather [hbm4b:s1+s26], $0x80, s30, s26, $0xb8;
	[tilespmem:$0x1E400] =	vst v63  }
.LBB2_21:
0x128: {  	_ =	swait.ge [sflag:s21], $0x3E80  }
0x129: {  	s28 =	smul.u32 $0x14, s4;
	[sflag:s21] =	ssyncset.done $0x0  }
0x12a: {  	s5 =	simm.s32 $0x4400;
	s6 =	simm.s32 $0x0;
	[sflag:s21] =	ssyncadd.s32 $0xFFFFC180  }
.LBB2_22:
0x12b: {  	s0 =	smul.u32 $0x3200, s6;
	_ =	sdelay $0x1  }
0x12c: {  	s0 =	sshra.s32 s0, $0x2  }
0x12d: {  	v10 =	vld [tilespmem:s0+$0x4400]  }
0x12e: {  	v7 =	vld [tilespmem:s0+$0x4410]  }
0x12f: {  	v6 =	vld [tilespmem:s0+$0x4420]  }
0x130: {  	v5 =	vmov s5;
	v4 =	vld [tilespmem:s0+$0x4430]  }
0x131: {  	v3 =	vld [tilespmem:s0+$0x4440]  }
0x132: {  	v1 =	vld [tilespmem:s0+$0x4450]  }
0x133: {  	v0 =	vld [tilespmem:s0+$0x4460]  }
0x134: {  	s8 =	simm.s32 $0xF0;
	v2 =	vld [tilespmem:s0+$0x4470]  }
0x135: {  	v13 =	vld.idx.msk [tilespmem:v5+s8+$0x0 ss:$0x1], $0xffff  }
0x136: {  	v15 =	vld.idx.msk [tilespmem:v5+s8+$0xFFFFFF90 ss:$0x1], $0xffff  }
0x137: {  	v14 =	vld.idx.msk [tilespmem:v5+s8+$0xFFFFFFA0 ss:$0x1], $0xffff  }
0x138: {  	v12 =	vld.idx.msk [tilespmem:v5+s8+$0xFFFFFFB0 ss:$0x1], $0xffff  }
0x139: {  	v11 =	vld.idx.msk [tilespmem:v5+s8+$0xFFFFFFC0 ss:$0x1], $0xffff  }
0x13a: {  	v9 =	vld.idx.msk [tilespmem:v5+s8+$0xFFFFFFD0 ss:$0x1], $0xffff  }
0x13b: {  	v8 =	vld.idx.msk [tilespmem:v5+s8+$0xFFFFFFE0 ss:$0x1], $0xffff  }
0x13c: {  	s7 =	simm.s32 $0x170;
	s0 =	simm.s32 $0x7C0;
	v2 =	vadd.f32 v13, v2;
	v13 =	vadd.f32 v15, v10;
	v10 =	vld.idx.msk [tilespmem:v5+s8+$0xFFFFFFF0 ss:$0x1], $0xffff  }
.LBB2_23:
0x13d: {  	p0 =	sne.s32 s0, $0x31C0;
	v15 =	vld.idx.msk [tilespmem:v5+s7+$0x0 ss:$0x1], $0xffff;
	v7 =	vadd.f32 v14, v7  }
0x13e: {  	v6 =	vadd.f32 v12, v6;
	v16 =	vld.idx.msk [tilespmem:v5+s7+$0xFFFFFF90 ss:$0x1], $0xffff  }
0x13f: {  	v4 =	vadd.f32 v11, v4;
	v14 =	vld.idx.msk [tilespmem:v5+s7+$0xFFFFFFA0 ss:$0x1], $0xffff  }
.Ltmp12:
0x140: {  	v3 =	vadd.f32 v9, v3;
	v12 =	vld.idx.msk [tilespmem:v5+s7+$0xFFFFFFB0 ss:$0x1], $0xffff;
	(pc) =	sbr.rel @p0 .LBB2_23-.Ltmp12, $4  }
0x141: {  	v1 =	vadd.f32 v8, v1;
	v11 =	vld.idx.msk [tilespmem:v5+s7+$0xFFFFFFC0 ss:$0x1], $0xffff  }
0x142: {  	v0 =	vadd.f32 v10, v0;
	v9 =	vld.idx.msk [tilespmem:v5+s7+$0xFFFFFFD0 ss:$0x1], $0xffff  }
0x143: {  	v2 =	vadd.f32 v15, v2;
	v8 =	vld.idx.msk [tilespmem:v5+s7+$0xFFFFFFE0 ss:$0x1], $0xffff  }
0x144: {  	v13 =	vadd.f32 v16, v13;
	v10 =	vld.idx.msk [tilespmem:v5+s7+$0xFFFFFFF0 ss:$0x1], $0xffff;
	s7 =	sshra.s32 s0, $0x2;
	s0 =	sadd.s32 $0x200, s0  }
0x145: {  	_ =	sdelay $0x3  }
0x146: {  	v16 =	vld.idx.msk [tilespmem:v5+s7+$0xFFFFFF90 ss:$0x1], $0xffff  }
0x147: {  	v17 =	vld.idx.msk [tilespmem:v5+s7+$0xFFFFFFA0 ss:$0x1], $0xffff  }
0x148: {  	v18 =	vld.idx.msk [tilespmem:v5+s7+$0xFFFFFFB0 ss:$0x1], $0xffff  }
0x149: {  	v19 =	vld.idx.msk [tilespmem:v5+s7+$0xFFFFFFC0 ss:$0x1], $0xffff  }
0x14a: {  	v7 =	vadd.f32 v14, v7;
	v60 =	vld.idx.msk [tilespmem:v5+s7+$0xFFFFFFD0 ss:$0x1], $0xffff;
	s0 =	sadd.s32 s28, s6  }
0x14b: {  	v6 =	vadd.f32 v12, v6;
	v62 =	vld.idx.msk [tilespmem:v5+s7+$0xFFFFFFE0 ss:$0x1], $0xffff;
	s0 =	sshll.u32 s0, $0x7;
	v61 =	vadd.f32 v16, v13  }
0x14c: {  	v15 =	vld.idx.msk [tilespmem:v5+s7+$0x0 ss:$0x1], $0xffff;
	v4 =	vadd.f32 v11, v4;
	s0 =	sand.u32 $0x3FFFFF80, s0;
	v7 =	vadd.f32 v17, v7  }
0x14d: {  	v63 =	vld.idx.msk [tilespmem:v5+s7+$0xFFFFFFF0 ss:$0x1], $0xffff;
	v3 =	vadd.f32 v9, v3;
	v6 =	vadd.f32 v18, v6;
	[tilespmem:s0+$0x14400] =	vst v61  }
0x14e: {  	s6 =	sadd.s32 $0x1, s6;
	v1 =	vadd.f32 v8, v1;
	v4 =	vadd.f32 v19, v4;
	[tilespmem:s0+$0x14410] =	vst v7  }
0x14f: {  	p0 =	sne.s32 s6, $0x5;
	v3 =	vadd.f32 v60, v3;
	[tilespmem:s0+$0x14420] =	vst v6  }
.Ltmp13:
0x150: {  	v0 =	vadd.f32 v10, v0;
	v1 =	vadd.f32 v62, v1;
	[tilespmem:s0+$0x14430] =	vst v4;
	(pc) =	sbr.rel @p0 .LBB2_22-.Ltmp13, $4  }
0x151: {  	v2 =	vadd.f32 v15, v2;
	[tilespmem:s0+$0x14440] =	vst v3  }
0x152: {  	v0 =	vadd.f32 v63, v0;
	[tilespmem:s0+$0x14450] =	vst v1  }
0x153: {  	[tilespmem:s0+$0x14470] =	vst v2  }
0x154: {  	s5 =	sadd.s32 $0xC80, s5;
	[tilespmem:s0+$0x14460] =	vst v0  }
0x155: {  	s5 =	sshll.u32 s4, $0xB;
	p0 =	seq.s32 s4, $0xF  }
0x156: {  	s6 =	sshrl.u32 @!p0 s5, $0x2  }
0x157: {  	s7 =	simm.s32 @!p0 $0x7D;
	s8 =	simm.s32 @!p0 $0x4400;
	s0 =	sadd.s32 @!p0 $0x2200, s6  }
0x158: {  	[tilespmem:s8], [sflag:$0x1] =	stream.indirect.gather @!p0 [hbm4b:s1+s7], $0x80, s0, s7, $0xb8;
	[tilespmem:$0x1E400] =	vst v63  }
0x159: {  	_ =	swait.ge [sflag:s22], $0x3E80  }
0x15a: {  	s30 =	simm.s32 $0x0;
	[sflag:s22] =	ssyncset.done $0x0  }
0x15b: {  	s7 =	sadd.s32 $0x5, s28;
	s8 =	simm.s32 $0x8400;
	[sflag:s22] =	ssyncadd.s32 $0xFFFFC180  }
.LBB2_26:
0x15c: {  	s0 =	smul.u32 $0x3200, s30;
	_ =	sdelay $0x1  }
0x15d: {  	s0 =	sshra.s32 s0, $0x2  }
0x15e: {  	v10 =	vld [tilespmem:s0+$0x8400]  }
0x15f: {  	v7 =	vld [tilespmem:s0+$0x8410]  }
0x160: {  	v6 =	vld [tilespmem:s0+$0x8420]  }
0x161: {  	v5 =	vmov s8;
	v4 =	vld [tilespmem:s0+$0x8430]  }
0x162: {  	v3 =	vld [tilespmem:s0+$0x8440]  }
0x163: {  	v1 =	vld [tilespmem:s0+$0x8450]  }
0x164: {  	v0 =	vld [tilespmem:s0+$0x8460]  }
0x165: {  	s10 =	simm.s32 $0xF0;
	v2 =	vld [tilespmem:s0+$0x8470]  }
0x166: {  	v13 =	vld.idx.msk [tilespmem:v5+s10+$0x0 ss:$0x1], $0xffff  }
0x167: {  	v15 =	vld.idx.msk [tilespmem:v5+s10+$0xFFFFFF90 ss:$0x1], $0xffff  }
0x168: {  	v14 =	vld.idx.msk [tilespmem:v5+s10+$0xFFFFFFA0 ss:$0x1], $0xffff  }
0x169: {  	v12 =	vld.idx.msk [tilespmem:v5+s10+$0xFFFFFFB0 ss:$0x1], $0xffff  }
0x16a: {  	v11 =	vld.idx.msk [tilespmem:v5+s10+$0xFFFFFFC0 ss:$0x1], $0xffff  }
0x16b: {  	v9 =	vld.idx.msk [tilespmem:v5+s10+$0xFFFFFFD0 ss:$0x1], $0xffff  }
0x16c: {  	v8 =	vld.idx.msk [tilespmem:v5+s10+$0xFFFFFFE0 ss:$0x1], $0xffff  }
0x16d: {  	s9 =	simm.s32 $0x170;
	s0 =	simm.s32 $0x7C0;
	v2 =	vadd.f32 v13, v2;
	v13 =	vadd.f32 v15, v10;
	v10 =	vld.idx.msk [tilespmem:v5+s10+$0xFFFFFFF0 ss:$0x1], $0xffff  }
.LBB2_27:
0x16e: {  	p1 =	sne.s32 s0, $0x31C0;
	v15 =	vld.idx.msk [tilespmem:v5+s9+$0x0 ss:$0x1], $0xffff;
	v7 =	vadd.f32 v14, v7  }
0x16f: {  	v6 =	vadd.f32 v12, v6;
	v16 =	vld.idx.msk [tilespmem:v5+s9+$0xFFFFFF90 ss:$0x1], $0xffff  }
0x170: {  	v4 =	vadd.f32 v11, v4;
	v14 =	vld.idx.msk [tilespmem:v5+s9+$0xFFFFFFA0 ss:$0x1], $0xffff  }
.Ltmp14:
0x171: {  	v3 =	vadd.f32 v9, v3;
	v12 =	vld.idx.msk [tilespmem:v5+s9+$0xFFFFFFB0 ss:$0x1], $0xffff;
	(pc) =	sbr.rel @p1 .LBB2_27-.Ltmp14, $4  }
0x172: {  	v1 =	vadd.f32 v8, v1;
	v11 =	vld.idx.msk [tilespmem:v5+s9+$0xFFFFFFC0 ss:$0x1], $0xffff  }
0x173: {  	v0 =	vadd.f32 v10, v0;
	v9 =	vld.idx.msk [tilespmem:v5+s9+$0xFFFFFFD0 ss:$0x1], $0xffff  }
0x174: {  	v2 =	vadd.f32 v15, v2;
	v8 =	vld.idx.msk [tilespmem:v5+s9+$0xFFFFFFE0 ss:$0x1], $0xffff  }
0x175: {  	v13 =	vadd.f32 v16, v13;
	v10 =	vld.idx.msk [tilespmem:v5+s9+$0xFFFFFFF0 ss:$0x1], $0xffff;
	s9 =	sshra.s32 s0, $0x2;
	s0 =	sadd.s32 $0x200, s0  }
0x176: {  	_ =	sdelay $0x3  }
0x177: {  	v16 =	vld.idx.msk [tilespmem:v5+s9+$0xFFFFFF90 ss:$0x1], $0xffff  }
0x178: {  	v17 =	vld.idx.msk [tilespmem:v5+s9+$0xFFFFFFA0 ss:$0x1], $0xffff  }
0x179: {  	v18 =	vld.idx.msk [tilespmem:v5+s9+$0xFFFFFFB0 ss:$0x1], $0xffff  }
0x17a: {  	v19 =	vld.idx.msk [tilespmem:v5+s9+$0xFFFFFFC0 ss:$0x1], $0xffff  }
0x17b: {  	v7 =	vadd.f32 v14, v7;
	v60 =	vld.idx.msk [tilespmem:v5+s9+$0xFFFFFFD0 ss:$0x1], $0xffff;
	s0 =	sadd.s32 s30, s7  }
0x17c: {  	v6 =	vadd.f32 v12, v6;
	v62 =	vld.idx.msk [tilespmem:v5+s9+$0xFFFFFFE0 ss:$0x1], $0xffff;
	s0 =	sshll.u32 s0, $0x7;
	v61 =	vadd.f32 v16, v13  }
0x17d: {  	v15 =	vld.idx.msk [tilespmem:v5+s9+$0x0 ss:$0x1], $0xffff;
	v4 =	vadd.f32 v11, v4;
	s0 =	sand.u32 $0x3FFFFF80, s0;
	v7 =	vadd.f32 v17, v7  }
0x17e: {  	v63 =	vld.idx.msk [tilespmem:v5+s9+$0xFFFFFFF0 ss:$0x1], $0xffff;
	v3 =	vadd.f32 v9, v3;
	v6 =	vadd.f32 v18, v6;
	[tilespmem:s0+$0x14400] =	vst v61  }
0x17f: {  	s30 =	sadd.s32 $0x1, s30;
	v1 =	vadd.f32 v8, v1;
	v4 =	vadd.f32 v19, v4;
	[tilespmem:s0+$0x14410] =	vst v7  }
0x180: {  	p1 =	sne.s32 s30, $0x5;
	v3 =	vadd.f32 v60, v3;
	[tilespmem:s0+$0x14420] =	vst v6  }
.Ltmp15:
0x181: {  	v0 =	vadd.f32 v10, v0;
	v1 =	vadd.f32 v62, v1;
	[tilespmem:s0+$0x14430] =	vst v4;
	(pc) =	sbr.rel @p1 .LBB2_26-.Ltmp15, $4  }
0x182: {  	v2 =	vadd.f32 v15, v2;
	[tilespmem:s0+$0x14440] =	vst v3  }
0x183: {  	v0 =	vadd.f32 v63, v0;
	[tilespmem:s0+$0x14450] =	vst v1  }
0x184: {  	[tilespmem:s0+$0x14470] =	vst v2  }
0x185: {  	s8 =	sadd.s32 $0xC80, s8;
	[tilespmem:s0+$0x14460] =	vst v0  }
0x186: {  	s0 =	sadd.s32 @!p0 $0x2280, s6;
	s7 =	simm.s32 @!p0 $0x7D;
	s8 =	simm.s32 @!p0 $0x8400  }
0x187: {  	[tilespmem:s8], [sflag:$0x2] =	stream.indirect.gather @!p0 [hbm4b:s1+s7], $0x80, s0, s7, $0xb8;
	[tilespmem:$0x1E400] =	vst v63  }
0x188: {  	_ =	swait.ge [sflag:s23], $0x3E80  }
0x189: {  	s30 =	simm.s32 $0x0;
	[sflag:s23] =	ssyncset.done $0x0  }
0x18a: {  	s7 =	sadd.s32 $0xA, s28;
	s8 =	simm.s32 $0xC400;
	[sflag:s23] =	ssyncadd.s32 $0xFFFFC180  }
.LBB2_30:
0x18b: {  	s0 =	smul.u32 $0x3200, s30;
	_ =	sdelay $0x1  }
0x18c: {  	s0 =	sshra.s32 s0, $0x2  }
0x18d: {  	v10 =	vld [tilespmem:s0+$0xC400]  }
0x18e: {  	v7 =	vld [tilespmem:s0+$0xC410]  }
0x18f: {  	v6 =	vld [tilespmem:s0+$0xC420]  }
0x190: {  	v5 =	vmov s8;
	v4 =	vld [tilespmem:s0+$0xC430]  }
0x191: {  	v3 =	vld [tilespmem:s0+$0xC440]  }
0x192: {  	v1 =	vld [tilespmem:s0+$0xC450]  }
0x193: {  	v0 =	vld [tilespmem:s0+$0xC460]  }
0x194: {  	s10 =	simm.s32 $0xF0;
	v2 =	vld [tilespmem:s0+$0xC470]  }
0x195: {  	v13 =	vld.idx.msk [tilespmem:v5+s10+$0x0 ss:$0x1], $0xffff  }
0x196: {  	v15 =	vld.idx.msk [tilespmem:v5+s10+$0xFFFFFF90 ss:$0x1], $0xffff  }
0x197: {  	v14 =	vld.idx.msk [tilespmem:v5+s10+$0xFFFFFFA0 ss:$0x1], $0xffff  }
0x198: {  	v12 =	vld.idx.msk [tilespmem:v5+s10+$0xFFFFFFB0 ss:$0x1], $0xffff  }
0x199: {  	v11 =	vld.idx.msk [tilespmem:v5+s10+$0xFFFFFFC0 ss:$0x1], $0xffff  }
0x19a: {  	v9 =	vld.idx.msk [tilespmem:v5+s10+$0xFFFFFFD0 ss:$0x1], $0xffff  }
0x19b: {  	v8 =	vld.idx.msk [tilespmem:v5+s10+$0xFFFFFFE0 ss:$0x1], $0xffff  }
0x19c: {  	s9 =	simm.s32 $0x170;
	s0 =	simm.s32 $0x7C0;
	v2 =	vadd.f32 v13, v2;
	v13 =	vadd.f32 v15, v10;
	v10 =	vld.idx.msk [tilespmem:v5+s10+$0xFFFFFFF0 ss:$0x1], $0xffff  }
.LBB2_31:
0x19d: {  	p1 =	sne.s32 s0, $0x31C0;
	v15 =	vld.idx.msk [tilespmem:v5+s9+$0x0 ss:$0x1], $0xffff;
	v7 =	vadd.f32 v14, v7  }
0x19e: {  	v6 =	vadd.f32 v12, v6;
	v16 =	vld.idx.msk [tilespmem:v5+s9+$0xFFFFFF90 ss:$0x1], $0xffff  }
0x19f: {  	v4 =	vadd.f32 v11, v4;
	v14 =	vld.idx.msk [tilespmem:v5+s9+$0xFFFFFFA0 ss:$0x1], $0xffff  }
.Ltmp16:
0x1a0: {  	v3 =	vadd.f32 v9, v3;
	v12 =	vld.idx.msk [tilespmem:v5+s9+$0xFFFFFFB0 ss:$0x1], $0xffff;
	(pc) =	sbr.rel @p1 .LBB2_31-.Ltmp16, $4  }
0x1a1: {  	v1 =	vadd.f32 v8, v1;
	v11 =	vld.idx.msk [tilespmem:v5+s9+$0xFFFFFFC0 ss:$0x1], $0xffff  }
0x1a2: {  	v0 =	vadd.f32 v10, v0;
	v9 =	vld.idx.msk [tilespmem:v5+s9+$0xFFFFFFD0 ss:$0x1], $0xffff  }
0x1a3: {  	v2 =	vadd.f32 v15, v2;
	v8 =	vld.idx.msk [tilespmem:v5+s9+$0xFFFFFFE0 ss:$0x1], $0xffff  }
0x1a4: {  	v13 =	vadd.f32 v16, v13;
	v10 =	vld.idx.msk [tilespmem:v5+s9+$0xFFFFFFF0 ss:$0x1], $0xffff;
	s9 =	sshra.s32 s0, $0x2;
	s0 =	sadd.s32 $0x200, s0  }
0x1a5: {  	_ =	sdelay $0x3  }
0x1a6: {  	v16 =	vld.idx.msk [tilespmem:v5+s9+$0xFFFFFF90 ss:$0x1], $0xffff  }
0x1a7: {  	v17 =	vld.idx.msk [tilespmem:v5+s9+$0xFFFFFFA0 ss:$0x1], $0xffff  }
0x1a8: {  	v18 =	vld.idx.msk [tilespmem:v5+s9+$0xFFFFFFB0 ss:$0x1], $0xffff  }
0x1a9: {  	v19 =	vld.idx.msk [tilespmem:v5+s9+$0xFFFFFFC0 ss:$0x1], $0xffff  }
0x1aa: {  	v7 =	vadd.f32 v14, v7;
	v60 =	vld.idx.msk [tilespmem:v5+s9+$0xFFFFFFD0 ss:$0x1], $0xffff;
	s0 =	sadd.s32 s30, s7  }
0x1ab: {  	v6 =	vadd.f32 v12, v6;
	v62 =	vld.idx.msk [tilespmem:v5+s9+$0xFFFFFFE0 ss:$0x1], $0xffff;
	s0 =	sshll.u32 s0, $0x7;
	v61 =	vadd.f32 v16, v13  }
0x1ac: {  	v15 =	vld.idx.msk [tilespmem:v5+s9+$0x0 ss:$0x1], $0xffff;
	v4 =	vadd.f32 v11, v4;
	s0 =	sand.u32 $0x3FFFFF80, s0;
	v7 =	vadd.f32 v17, v7  }
0x1ad: {  	v63 =	vld.idx.msk [tilespmem:v5+s9+$0xFFFFFFF0 ss:$0x1], $0xffff;
	v3 =	vadd.f32 v9, v3;
	v6 =	vadd.f32 v18, v6;
	[tilespmem:s0+$0x14400] =	vst v61  }
0x1ae: {  	s30 =	sadd.s32 $0x1, s30;
	v1 =	vadd.f32 v8, v1;
	v4 =	vadd.f32 v19, v4;
	[tilespmem:s0+$0x14410] =	vst v7  }
0x1af: {  	p1 =	sne.s32 s30, $0x5;
	v3 =	vadd.f32 v60, v3;
	[tilespmem:s0+$0x14420] =	vst v6  }
.Ltmp17:
0x1b0: {  	v0 =	vadd.f32 v10, v0;
	v1 =	vadd.f32 v62, v1;
	[tilespmem:s0+$0x14430] =	vst v4;
	(pc) =	sbr.rel @p1 .LBB2_30-.Ltmp17, $4  }
0x1b1: {  	v2 =	vadd.f32 v15, v2;
	[tilespmem:s0+$0x14440] =	vst v3  }
0x1b2: {  	v0 =	vadd.f32 v63, v0;
	[tilespmem:s0+$0x14450] =	vst v1  }
0x1b3: {  	[tilespmem:s0+$0x14470] =	vst v2  }
0x1b4: {  	s8 =	sadd.s32 $0xC80, s8;
	[tilespmem:s0+$0x14460] =	vst v0  }
0x1b5: {  	s0 =	sadd.s32 @!p0 $0x2300, s6;
	s6 =	simm.s32 @!p0 $0x7D;
	s7 =	simm.s32 @!p0 $0xC400  }
0x1b6: {  	[tilespmem:s7], [sflag:$0x3] =	stream.indirect.gather @!p0 [hbm4b:s1+s6], $0x80, s0, s6, $0xb8;
	[tilespmem:$0x1E400] =	vst v63  }
0x1b7: {  	_ =	swait.ge [sflag:s24], $0x3E80  }
0x1b8: {  	s8 =	simm.s32 $0x10400;
	[sflag:s24] =	ssyncset.done $0x0  }
0x1b9: {  	s6 =	sadd.s32 $0xF, s28;
	s7 =	simm.s32 $0x0;
	[sflag:s24] =	ssyncadd.s32 $0xFFFFC180  }
.LBB2_34:
0x1ba: {  	s0 =	smul.u32 $0x3200, s7;
	_ =	sdelay $0x1  }
0x1bb: {  	s0 =	sshra.s32 s0, $0x2  }
0x1bc: {  	v10 =	vld [tilespmem:s0+$0x10400]  }
0x1bd: {  	v7 =	vld [tilespmem:s0+$0x10410]  }
0x1be: {  	v6 =	vld [tilespmem:s0+$0x10420]  }
0x1bf: {  	v5 =	vmov s8;
	v4 =	vld [tilespmem:s0+$0x10430]  }
0x1c0: {  	v3 =	vld [tilespmem:s0+$0x10440]  }
0x1c1: {  	v1 =	vld [tilespmem:s0+$0x10450]  }
0x1c2: {  	v0 =	vld [tilespmem:s0+$0x10460]  }
0x1c3: {  	s10 =	simm.s32 $0xF0;
	v2 =	vld [tilespmem:s0+$0x10470]  }
0x1c4: {  	v13 =	vld.idx.msk [tilespmem:v5+s10+$0x0 ss:$0x1], $0xffff  }
0x1c5: {  	v15 =	vld.idx.msk [tilespmem:v5+s10+$0xFFFFFF90 ss:$0x1], $0xffff  }
0x1c6: {  	v14 =	vld.idx.msk [tilespmem:v5+s10+$0xFFFFFFA0 ss:$0x1], $0xffff  }
0x1c7: {  	v12 =	vld.idx.msk [tilespmem:v5+s10+$0xFFFFFFB0 ss:$0x1], $0xffff  }
0x1c8: {  	v11 =	vld.idx.msk [tilespmem:v5+s10+$0xFFFFFFC0 ss:$0x1], $0xffff  }
0x1c9: {  	v9 =	vld.idx.msk [tilespmem:v5+s10+$0xFFFFFFD0 ss:$0x1], $0xffff  }
0x1ca: {  	v8 =	vld.idx.msk [tilespmem:v5+s10+$0xFFFFFFE0 ss:$0x1], $0xffff  }
0x1cb: {  	s9 =	simm.s32 $0x170;
	s0 =	simm.s32 $0x7C0;
	v2 =	vadd.f32 v13, v2;
	v13 =	vadd.f32 v15, v10;
	v10 =	vld.idx.msk [tilespmem:v5+s10+$0xFFFFFFF0 ss:$0x1], $0xffff  }
.LBB2_35:
0x1cc: {  	p1 =	sne.s32 s0, $0x31C0;
	v15 =	vld.idx.msk [tilespmem:v5+s9+$0x0 ss:$0x1], $0xffff;
	v7 =	vadd.f32 v14, v7  }
0x1cd: {  	v6 =	vadd.f32 v12, v6;
	v16 =	vld.idx.msk [tilespmem:v5+s9+$0xFFFFFF90 ss:$0x1], $0xffff  }
0x1ce: {  	v4 =	vadd.f32 v11, v4;
	v14 =	vld.idx.msk [tilespmem:v5+s9+$0xFFFFFFA0 ss:$0x1], $0xffff  }
.Ltmp18:
0x1cf: {  	v3 =	vadd.f32 v9, v3;
	v12 =	vld.idx.msk [tilespmem:v5+s9+$0xFFFFFFB0 ss:$0x1], $0xffff;
	(pc) =	sbr.rel @p1 .LBB2_35-.Ltmp18, $4  }
0x1d0: {  	v1 =	vadd.f32 v8, v1;
	v11 =	vld.idx.msk [tilespmem:v5+s9+$0xFFFFFFC0 ss:$0x1], $0xffff  }
0x1d1: {  	v0 =	vadd.f32 v10, v0;
	v9 =	vld.idx.msk [tilespmem:v5+s9+$0xFFFFFFD0 ss:$0x1], $0xffff  }
0x1d2: {  	v2 =	vadd.f32 v15, v2;
	v8 =	vld.idx.msk [tilespmem:v5+s9+$0xFFFFFFE0 ss:$0x1], $0xffff  }
0x1d3: {  	v13 =	vadd.f32 v16, v13;
	v10 =	vld.idx.msk [tilespmem:v5+s9+$0xFFFFFFF0 ss:$0x1], $0xffff;
	s9 =	sshra.s32 s0, $0x2;
	s0 =	sadd.s32 $0x200, s0  }
0x1d4: {  	_ =	sdelay $0x3  }
0x1d5: {  	v16 =	vld.idx.msk [tilespmem:v5+s9+$0xFFFFFF90 ss:$0x1], $0xffff  }
0x1d6: {  	v17 =	vld.idx.msk [tilespmem:v5+s9+$0xFFFFFFA0 ss:$0x1], $0xffff  }
0x1d7: {  	v18 =	vld.idx.msk [tilespmem:v5+s9+$0xFFFFFFB0 ss:$0x1], $0xffff  }
0x1d8: {  	v19 =	vld.idx.msk [tilespmem:v5+s9+$0xFFFFFFC0 ss:$0x1], $0xffff  }
0x1d9: {  	v7 =	vadd.f32 v14, v7;
	v60 =	vld.idx.msk [tilespmem:v5+s9+$0xFFFFFFD0 ss:$0x1], $0xffff;
	s0 =	sadd.s32 s7, s6  }
0x1da: {  	v6 =	vadd.f32 v12, v6;
	v62 =	vld.idx.msk [tilespmem:v5+s9+$0xFFFFFFE0 ss:$0x1], $0xffff;
	s0 =	sshll.u32 s0, $0x7;
	v61 =	vadd.f32 v16, v13  }
0x1db: {  	v15 =	vld.idx.msk [tilespmem:v5+s9+$0x0 ss:$0x1], $0xffff;
	v4 =	vadd.f32 v11, v4;
	s0 =	sand.u32 $0x3FFFFF80, s0;
	v7 =	vadd.f32 v17, v7  }
0x1dc: {  	v63 =	vld.idx.msk [tilespmem:v5+s9+$0xFFFFFFF0 ss:$0x1], $0xffff;
	v3 =	vadd.f32 v9, v3;
	v6 =	vadd.f32 v18, v6;
	[tilespmem:s0+$0x14400] =	vst v61  }
0x1dd: {  	s7 =	sadd.s32 $0x1, s7;
	v1 =	vadd.f32 v8, v1;
	v4 =	vadd.f32 v19, v4;
	[tilespmem:s0+$0x14410] =	vst v7  }
0x1de: {  	p1 =	sne.s32 s7, $0x5;
	v3 =	vadd.f32 v60, v3;
	[tilespmem:s0+$0x14420] =	vst v6  }
.Ltmp19:
0x1df: {  	v0 =	vadd.f32 v10, v0;
	v1 =	vadd.f32 v62, v1;
	[tilespmem:s0+$0x14430] =	vst v4;
	(pc) =	sbr.rel @p1 .LBB2_34-.Ltmp19, $4  }
0x1e0: {  	v2 =	vadd.f32 v15, v2;
	[tilespmem:s0+$0x14440] =	vst v3  }
0x1e1: {  	v0 =	vadd.f32 v63, v0;
	[tilespmem:s0+$0x14450] =	vst v1  }
0x1e2: {  	[tilespmem:s0+$0x14470] =	vst v2  }
0x1e3: {  	s8 =	sadd.s32 $0xC80, s8;
	[tilespmem:s0+$0x14460] =	vst v0  }
.Ltmp20:
0x1e4: {  	(pc) =	sbr.rel @p0 .LBB2_39-.Ltmp20, $1  }
0x1e5: {  	_ =	sdelay $0x3  }
.Ltmp21:
0x1e6: {  	(pc) =	sbr.rel .LBB2_21-.Ltmp21, $4  }
0x1e7: {  	_ = 	snop  }
0x1e8: {  	s0 =	sshrl.u32 s5, $0x2  }
0x1e9: {  	s4 =	sadd.s32 $0x1, s4;
	s0 =	sadd.s32 $0x2380, s0  }
0x1ea: {  	[tilespmem:s2], [sflag:$0x4] =	stream.indirect.gather [hbm4b:s1+s26], $0x80, s0, s26, $0xb8;
	[tilespmem:$0x1E400] =	vst v63  }
.LBB2_39:
0x1eb: {  	s4 =	simm.s32 $0x0;
	s0 =	rddreg [dreg:$0x8]  }
0x1ec: {  	[hbm4b:s0+s4] =	stream.linear.scatter [tilespmem:s17], [sflag:$0x5], $0xA000, $0x38;
	[tilespmem:$0x1E400] =	vst v63  }
0x1ed: {  	_ =	swait.ge [sflag:s18], $0xA000  }
0x1ee: {  	[sflag:s18] =	ssyncset.done $0x0  }
0x1ef: {  	s9 =	rddreg [dreg:$0x9];
	[sflag:s18] =	ssyncadd.s32 $0xFFFF6000  }
0x1f0: {  	[tilespmem:s4], [sflag:$0x5] =	stream.linear.gather [hbm4b:s9+s4], $0x2000, $0x38;
	[tilespmem:$0x1E400] =	vst v63  }
0x1f1: {  	_ =	swait.ge [sflag:s18], $0x2000  }
0x1f2: {  	[sflag:s18] =	ssyncset.done $0x0  }
0x1f3: {  	[sflag:s18] =	ssyncadd.s32 $0xFFFFE000  }
0x1f4: {  	[tilespmem:s20], [sflag:$0x1] =	stream.indirect.gather [hbm4b:s1+s26], $0x80, s4, s26, $0xb8;
	[tilespmem:$0x1E400] =	vst v63  }
0x1f5: {  	s10 =	simm.s32 $0x80  }
0x1f6: {  	[tilespmem:s29], [sflag:$0x2] =	stream.indirect.gather [hbm4b:s1+s26], $0x80, s10, s26, $0xb8;
	[tilespmem:$0x1E400] =	vst v63  }
0x1f7: {  	s28 =	simm.s32 $0x100  }
0x1f8: {  	[tilespmem:s31], [sflag:$0x3] =	stream.indirect.gather [hbm4b:s1+s26], $0x80, s28, s26, $0xb8;
	[tilespmem:$0x1E400] =	vst v63  }
0x1f9: {  	s30 =	simm.s32 $0x180  }
0x1fa: {  	[tilespmem:s2], [sflag:$0x4] =	stream.indirect.gather [hbm4b:s1+s26], $0x80, s30, s26, $0xb8;
	[tilespmem:$0x1E400] =	vst v63  }
.LBB2_40:
0x1fb: {  	_ =	swait.ge [sflag:s21], $0x3E80  }
0x1fc: {  	s28 =	smul.u32 $0x14, s4;
	[sflag:s21] =	ssyncset.done $0x0  }
0x1fd: {  	s5 =	simm.s32 $0x4400;
	s6 =	simm.s32 $0x0;
	[sflag:s21] =	ssyncadd.s32 $0xFFFFC180  }
.LBB2_41:
0x1fe: {  	s0 =	smul.u32 $0x3200, s6;
	_ =	sdelay $0x1  }
0x1ff: {  	s0 =	sshra.s32 s0, $0x2  }
0x200: {  	v10 =	vld [tilespmem:s0+$0x4400]  }
0x201: {  	v7 =	vld [tilespmem:s0+$0x4410]  }
0x202: {  	v6 =	vld [tilespmem:s0+$0x4420]  }
0x203: {  	v5 =	vmov s5;
	v4 =	vld [tilespmem:s0+$0x4430]  }
0x204: {  	v3 =	vld [tilespmem:s0+$0x4440]  }
0x205: {  	v1 =	vld [tilespmem:s0+$0x4450]  }
0x206: {  	v0 =	vld [tilespmem:s0+$0x4460]  }
0x207: {  	s8 =	simm.s32 $0xF0;
	v2 =	vld [tilespmem:s0+$0x4470]  }
0x208: {  	v13 =	vld.idx.msk [tilespmem:v5+s8+$0x0 ss:$0x1], $0xffff  }
0x209: {  	v15 =	vld.idx.msk [tilespmem:v5+s8+$0xFFFFFF90 ss:$0x1], $0xffff  }
0x20a: {  	v14 =	vld.idx.msk [tilespmem:v5+s8+$0xFFFFFFA0 ss:$0x1], $0xffff  }
0x20b: {  	v12 =	vld.idx.msk [tilespmem:v5+s8+$0xFFFFFFB0 ss:$0x1], $0xffff  }
0x20c: {  	v11 =	vld.idx.msk [tilespmem:v5+s8+$0xFFFFFFC0 ss:$0x1], $0xffff  }
0x20d: {  	v9 =	vld.idx.msk [tilespmem:v5+s8+$0xFFFFFFD0 ss:$0x1], $0xffff  }
0x20e: {  	v8 =	vld.idx.msk [tilespmem:v5+s8+$0xFFFFFFE0 ss:$0x1], $0xffff  }
0x20f: {  	s7 =	simm.s32 $0x170;
	s0 =	simm.s32 $0x7C0;
	v2 =	vadd.f32 v13, v2;
	v13 =	vadd.f32 v15, v10;
	v10 =	vld.idx.msk [tilespmem:v5+s8+$0xFFFFFFF0 ss:$0x1], $0xffff  }
.LBB2_42:
0x210: {  	p0 =	sne.s32 s0, $0x31C0;
	v15 =	vld.idx.msk [tilespmem:v5+s7+$0x0 ss:$0x1], $0xffff;
	v7 =	vadd.f32 v14, v7  }
0x211: {  	v6 =	vadd.f32 v12, v6;
	v16 =	vld.idx.msk [tilespmem:v5+s7+$0xFFFFFF90 ss:$0x1], $0xffff  }
0x212: {  	v4 =	vadd.f32 v11, v4;
	v14 =	vld.idx.msk [tilespmem:v5+s7+$0xFFFFFFA0 ss:$0x1], $0xffff  }
.Ltmp22:
0x213: {  	v3 =	vadd.f32 v9, v3;
	v12 =	vld.idx.msk [tilespmem:v5+s7+$0xFFFFFFB0 ss:$0x1], $0xffff;
	(pc) =	sbr.rel @p0 .LBB2_42-.Ltmp22, $4  }
0x214: {  	v1 =	vadd.f32 v8, v1;
	v11 =	vld.idx.msk [tilespmem:v5+s7+$0xFFFFFFC0 ss:$0x1], $0xffff  }
0x215: {  	v0 =	vadd.f32 v10, v0;
	v9 =	vld.idx.msk [tilespmem:v5+s7+$0xFFFFFFD0 ss:$0x1], $0xffff  }
0x216: {  	v2 =	vadd.f32 v15, v2;
	v8 =	vld.idx.msk [tilespmem:v5+s7+$0xFFFFFFE0 ss:$0x1], $0xffff  }
0x217: {  	v13 =	vadd.f32 v16, v13;
	v10 =	vld.idx.msk [tilespmem:v5+s7+$0xFFFFFFF0 ss:$0x1], $0xffff;
	s7 =	sshra.s32 s0, $0x2;
	s0 =	sadd.s32 $0x200, s0  }
0x218: {  	_ =	sdelay $0x3  }
0x219: {  	v16 =	vld.idx.msk [tilespmem:v5+s7+$0xFFFFFF90 ss:$0x1], $0xffff  }
0x21a: {  	v17 =	vld.idx.msk [tilespmem:v5+s7+$0xFFFFFFA0 ss:$0x1], $0xffff  }
0x21b: {  	v18 =	vld.idx.msk [tilespmem:v5+s7+$0xFFFFFFB0 ss:$0x1], $0xffff  }
0x21c: {  	v19 =	vld.idx.msk [tilespmem:v5+s7+$0xFFFFFFC0 ss:$0x1], $0xffff  }
0x21d: {  	v7 =	vadd.f32 v14, v7;
	v60 =	vld.idx.msk [tilespmem:v5+s7+$0xFFFFFFD0 ss:$0x1], $0xffff;
	s0 =	sadd.s32 s28, s6  }
0x21e: {  	v6 =	vadd.f32 v12, v6;
	v62 =	vld.idx.msk [tilespmem:v5+s7+$0xFFFFFFE0 ss:$0x1], $0xffff;
	s0 =	sshll.u32 s0, $0x7;
	v61 =	vadd.f32 v16, v13  }
0x21f: {  	v15 =	vld.idx.msk [tilespmem:v5+s7+$0x0 ss:$0x1], $0xffff;
	v4 =	vadd.f32 v11, v4;
	s0 =	sand.u32 $0x3FFFFF80, s0;
	v7 =	vadd.f32 v17, v7  }
0x220: {  	v63 =	vld.idx.msk [tilespmem:v5+s7+$0xFFFFFFF0 ss:$0x1], $0xffff;
	v3 =	vadd.f32 v9, v3;
	v6 =	vadd.f32 v18, v6;
	[tilespmem:s0+$0x14400] =	vst v61  }
0x221: {  	s6 =	sadd.s32 $0x1, s6;
	v1 =	vadd.f32 v8, v1;
	v4 =	vadd.f32 v19, v4;
	[tilespmem:s0+$0x14410] =	vst v7  }
0x222: {  	p0 =	sne.s32 s6, $0x5;
	v3 =	vadd.f32 v60, v3;
	[tilespmem:s0+$0x14420] =	vst v6  }
.Ltmp23:
0x223: {  	v0 =	vadd.f32 v10, v0;
	v1 =	vadd.f32 v62, v1;
	[tilespmem:s0+$0x14430] =	vst v4;
	(pc) =	sbr.rel @p0 .LBB2_41-.Ltmp23, $4  }
0x224: {  	v2 =	vadd.f32 v15, v2;
	[tilespmem:s0+$0x14440] =	vst v3  }
0x225: {  	v0 =	vadd.f32 v63, v0;
	[tilespmem:s0+$0x14450] =	vst v1  }
0x226: {  	[tilespmem:s0+$0x14470] =	vst v2  }
0x227: {  	s5 =	sadd.s32 $0xC80, s5;
	[tilespmem:s0+$0x14460] =	vst v0  }
0x228: {  	s5 =	sshll.u32 s4, $0xB;
	p0 =	seq.s32 s4, $0xF  }
0x229: {  	s6 =	sshrl.u32 @!p0 s5, $0x2  }
0x22a: {  	s7 =	simm.s32 @!p0 $0x7D;
	s8 =	simm.s32 @!p0 $0x4400;
	s0 =	sadd.s32 @!p0 $0x200, s6  }
0x22b: {  	[tilespmem:s8], [sflag:$0x1] =	stream.indirect.gather @!p0 [hbm4b:s1+s7], $0x80, s0, s7, $0xb8;
	[tilespmem:$0x1E400] =	vst v63  }
0x22c: {  	_ =	swait.ge [sflag:s22], $0x3E80  }
0x22d: {  	s30 =	simm.s32 $0x0;
	[sflag:s22] =	ssyncset.done $0x0  }
0x22e: {  	s7 =	sadd.s32 $0x5, s28;
	s8 =	simm.s32 $0x8400;
	[sflag:s22] =	ssyncadd.s32 $0xFFFFC180  }
.LBB2_45:
0x22f: {  	s0 =	smul.u32 $0x3200, s30;
	_ =	sdelay $0x1  }
0x230: {  	s0 =	sshra.s32 s0, $0x2  }
0x231: {  	v10 =	vld [tilespmem:s0+$0x8400]  }
0x232: {  	v7 =	vld [tilespmem:s0+$0x8410]  }
0x233: {  	v6 =	vld [tilespmem:s0+$0x8420]  }
0x234: {  	v5 =	vmov s8;
	v4 =	vld [tilespmem:s0+$0x8430]  }
0x235: {  	v3 =	vld [tilespmem:s0+$0x8440]  }
0x236: {  	v1 =	vld [tilespmem:s0+$0x8450]  }
0x237: {  	v0 =	vld [tilespmem:s0+$0x8460]  }
0x238: {  	s10 =	simm.s32 $0xF0;
	v2 =	vld [tilespmem:s0+$0x8470]  }
0x239: {  	v13 =	vld.idx.msk [tilespmem:v5+s10+$0x0 ss:$0x1], $0xffff  }
0x23a: {  	v15 =	vld.idx.msk [tilespmem:v5+s10+$0xFFFFFF90 ss:$0x1], $0xffff  }
0x23b: {  	v14 =	vld.idx.msk [tilespmem:v5+s10+$0xFFFFFFA0 ss:$0x1], $0xffff  }
0x23c: {  	v12 =	vld.idx.msk [tilespmem:v5+s10+$0xFFFFFFB0 ss:$0x1], $0xffff  }
0x23d: {  	v11 =	vld.idx.msk [tilespmem:v5+s10+$0xFFFFFFC0 ss:$0x1], $0xffff  }
0x23e: {  	v9 =	vld.idx.msk [tilespmem:v5+s10+$0xFFFFFFD0 ss:$0x1], $0xffff  }
0x23f: {  	v8 =	vld.idx.msk [tilespmem:v5+s10+$0xFFFFFFE0 ss:$0x1], $0xffff  }
0x240: {  	s9 =	simm.s32 $0x170;
	s0 =	simm.s32 $0x7C0;
	v2 =	vadd.f32 v13, v2;
	v13 =	vadd.f32 v15, v10;
	v10 =	vld.idx.msk [tilespmem:v5+s10+$0xFFFFFFF0 ss:$0x1], $0xffff  }
.LBB2_46:
0x241: {  	p1 =	sne.s32 s0, $0x31C0;
	v15 =	vld.idx.msk [tilespmem:v5+s9+$0x0 ss:$0x1], $0xffff;
	v7 =	vadd.f32 v14, v7  }
0x242: {  	v6 =	vadd.f32 v12, v6;
	v16 =	vld.idx.msk [tilespmem:v5+s9+$0xFFFFFF90 ss:$0x1], $0xffff  }
0x243: {  	v4 =	vadd.f32 v11, v4;
	v14 =	vld.idx.msk [tilespmem:v5+s9+$0xFFFFFFA0 ss:$0x1], $0xffff  }
.Ltmp24:
0x244: {  	v3 =	vadd.f32 v9, v3;
	v12 =	vld.idx.msk [tilespmem:v5+s9+$0xFFFFFFB0 ss:$0x1], $0xffff;
	(pc) =	sbr.rel @p1 .LBB2_46-.Ltmp24, $4  }
0x245: {  	v1 =	vadd.f32 v8, v1;
	v11 =	vld.idx.msk [tilespmem:v5+s9+$0xFFFFFFC0 ss:$0x1], $0xffff  }
0x246: {  	v0 =	vadd.f32 v10, v0;
	v9 =	vld.idx.msk [tilespmem:v5+s9+$0xFFFFFFD0 ss:$0x1], $0xffff  }
0x247: {  	v2 =	vadd.f32 v15, v2;
	v8 =	vld.idx.msk [tilespmem:v5+s9+$0xFFFFFFE0 ss:$0x1], $0xffff  }
0x248: {  	v13 =	vadd.f32 v16, v13;
	v10 =	vld.idx.msk [tilespmem:v5+s9+$0xFFFFFFF0 ss:$0x1], $0xffff;
	s9 =	sshra.s32 s0, $0x2;
	s0 =	sadd.s32 $0x200, s0  }
0x249: {  	_ =	sdelay $0x3  }
0x24a: {  	v16 =	vld.idx.msk [tilespmem:v5+s9+$0xFFFFFF90 ss:$0x1], $0xffff  }
0x24b: {  	v17 =	vld.idx.msk [tilespmem:v5+s9+$0xFFFFFFA0 ss:$0x1], $0xffff  }
0x24c: {  	v18 =	vld.idx.msk [tilespmem:v5+s9+$0xFFFFFFB0 ss:$0x1], $0xffff  }
0x24d: {  	v19 =	vld.idx.msk [tilespmem:v5+s9+$0xFFFFFFC0 ss:$0x1], $0xffff  }
0x24e: {  	v7 =	vadd.f32 v14, v7;
	v60 =	vld.idx.msk [tilespmem:v5+s9+$0xFFFFFFD0 ss:$0x1], $0xffff;
	s0 =	sadd.s32 s30, s7  }
0x24f: {  	v6 =	vadd.f32 v12, v6;
	v62 =	vld.idx.msk [tilespmem:v5+s9+$0xFFFFFFE0 ss:$0x1], $0xffff;
	s0 =	sshll.u32 s0, $0x7;
	v61 =	vadd.f32 v16, v13  }
0x250: {  	v15 =	vld.idx.msk [tilespmem:v5+s9+$0x0 ss:$0x1], $0xffff;
	v4 =	vadd.f32 v11, v4;
	s0 =	sand.u32 $0x3FFFFF80, s0;
	v7 =	vadd.f32 v17, v7  }
0x251: {  	v63 =	vld.idx.msk [tilespmem:v5+s9+$0xFFFFFFF0 ss:$0x1], $0xffff;
	v3 =	vadd.f32 v9, v3;
	v6 =	vadd.f32 v18, v6;
	[tilespmem:s0+$0x14400] =	vst v61  }
0x252: {  	s30 =	sadd.s32 $0x1, s30;
	v1 =	vadd.f32 v8, v1;
	v4 =	vadd.f32 v19, v4;
	[tilespmem:s0+$0x14410] =	vst v7  }
0x253: {  	p1 =	sne.s32 s30, $0x5;
	v3 =	vadd.f32 v60, v3;
	[tilespmem:s0+$0x14420] =	vst v6  }
.Ltmp25:
0x254: {  	v0 =	vadd.f32 v10, v0;
	v1 =	vadd.f32 v62, v1;
	[tilespmem:s0+$0x14430] =	vst v4;
	(pc) =	sbr.rel @p1 .LBB2_45-.Ltmp25, $4  }
0x255: {  	v2 =	vadd.f32 v15, v2;
	[tilespmem:s0+$0x14440] =	vst v3  }
0x256: {  	v0 =	vadd.f32 v63, v0;
	[tilespmem:s0+$0x14450] =	vst v1  }
0x257: {  	[tilespmem:s0+$0x14470] =	vst v2  }
0x258: {  	s8 =	sadd.s32 $0xC80, s8;
	[tilespmem:s0+$0x14460] =	vst v0  }
0x259: {  	s0 =	sadd.s32 @!p0 $0x280, s6;
	s7 =	simm.s32 @!p0 $0x7D;
	s8 =	simm.s32 @!p0 $0x8400  }
0x25a: {  	[tilespmem:s8], [sflag:$0x2] =	stream.indirect.gather @!p0 [hbm4b:s1+s7], $0x80, s0, s7, $0xb8;
	[tilespmem:$0x1E400] =	vst v63  }
0x25b: {  	_ =	swait.ge [sflag:s23], $0x3E80  }
0x25c: {  	s30 =	simm.s32 $0x0;
	[sflag:s23] =	ssyncset.done $0x0  }
0x25d: {  	s7 =	sadd.s32 $0xA, s28;
	s8 =	simm.s32 $0xC400;
	[sflag:s23] =	ssyncadd.s32 $0xFFFFC180  }
.LBB2_49:
0x25e: {  	s0 =	smul.u32 $0x3200, s30;
	_ =	sdelay $0x1  }
0x25f: {  	s0 =	sshra.s32 s0, $0x2  }
0x260: {  	v10 =	vld [tilespmem:s0+$0xC400]  }
0x261: {  	v7 =	vld [tilespmem:s0+$0xC410]  }
0x262: {  	v6 =	vld [tilespmem:s0+$0xC420]  }
0x263: {  	v5 =	vmov s8;
	v4 =	vld [tilespmem:s0+$0xC430]  }
0x264: {  	v3 =	vld [tilespmem:s0+$0xC440]  }
0x265: {  	v1 =	vld [tilespmem:s0+$0xC450]  }
0x266: {  	v0 =	vld [tilespmem:s0+$0xC460]  }
0x267: {  	s10 =	simm.s32 $0xF0;
	v2 =	vld [tilespmem:s0+$0xC470]  }
0x268: {  	v13 =	vld.idx.msk [tilespmem:v5+s10+$0x0 ss:$0x1], $0xffff  }
0x269: {  	v15 =	vld.idx.msk [tilespmem:v5+s10+$0xFFFFFF90 ss:$0x1], $0xffff  }
0x26a: {  	v14 =	vld.idx.msk [tilespmem:v5+s10+$0xFFFFFFA0 ss:$0x1], $0xffff  }
0x26b: {  	v12 =	vld.idx.msk [tilespmem:v5+s10+$0xFFFFFFB0 ss:$0x1], $0xffff  }
0x26c: {  	v11 =	vld.idx.msk [tilespmem:v5+s10+$0xFFFFFFC0 ss:$0x1], $0xffff  }
0x26d: {  	v9 =	vld.idx.msk [tilespmem:v5+s10+$0xFFFFFFD0 ss:$0x1], $0xffff  }
0x26e: {  	v8 =	vld.idx.msk [tilespmem:v5+s10+$0xFFFFFFE0 ss:$0x1], $0xffff  }
0x26f: {  	s9 =	simm.s32 $0x170;
	s0 =	simm.s32 $0x7C0;
	v2 =	vadd.f32 v13, v2;
	v13 =	vadd.f32 v15, v10;
	v10 =	vld.idx.msk [tilespmem:v5+s10+$0xFFFFFFF0 ss:$0x1], $0xffff  }
.LBB2_50:
0x270: {  	p1 =	sne.s32 s0, $0x31C0;
	v15 =	vld.idx.msk [tilespmem:v5+s9+$0x0 ss:$0x1], $0xffff;
	v7 =	vadd.f32 v14, v7  }
0x271: {  	v6 =	vadd.f32 v12, v6;
	v16 =	vld.idx.msk [tilespmem:v5+s9+$0xFFFFFF90 ss:$0x1], $0xffff  }
0x272: {  	v4 =	vadd.f32 v11, v4;
	v14 =	vld.idx.msk [tilespmem:v5+s9+$0xFFFFFFA0 ss:$0x1], $0xffff  }
.Ltmp26:
0x273: {  	v3 =	vadd.f32 v9, v3;
	v12 =	vld.idx.msk [tilespmem:v5+s9+$0xFFFFFFB0 ss:$0x1], $0xffff;
	(pc) =	sbr.rel @p1 .LBB2_50-.Ltmp26, $4  }
0x274: {  	v1 =	vadd.f32 v8, v1;
	v11 =	vld.idx.msk [tilespmem:v5+s9+$0xFFFFFFC0 ss:$0x1], $0xffff  }
0x275: {  	v0 =	vadd.f32 v10, v0;
	v9 =	vld.idx.msk [tilespmem:v5+s9+$0xFFFFFFD0 ss:$0x1], $0xffff  }
0x276: {  	v2 =	vadd.f32 v15, v2;
	v8 =	vld.idx.msk [tilespmem:v5+s9+$0xFFFFFFE0 ss:$0x1], $0xffff  }
0x277: {  	v13 =	vadd.f32 v16, v13;
	v10 =	vld.idx.msk [tilespmem:v5+s9+$0xFFFFFFF0 ss:$0x1], $0xffff;
	s9 =	sshra.s32 s0, $0x2;
	s0 =	sadd.s32 $0x200, s0  }
0x278: {  	_ =	sdelay $0x3  }
0x279: {  	v16 =	vld.idx.msk [tilespmem:v5+s9+$0xFFFFFF90 ss:$0x1], $0xffff  }
0x27a: {  	v17 =	vld.idx.msk [tilespmem:v5+s9+$0xFFFFFFA0 ss:$0x1], $0xffff  }
0x27b: {  	v18 =	vld.idx.msk [tilespmem:v5+s9+$0xFFFFFFB0 ss:$0x1], $0xffff  }
0x27c: {  	v19 =	vld.idx.msk [tilespmem:v5+s9+$0xFFFFFFC0 ss:$0x1], $0xffff  }
0x27d: {  	v7 =	vadd.f32 v14, v7;
	v60 =	vld.idx.msk [tilespmem:v5+s9+$0xFFFFFFD0 ss:$0x1], $0xffff;
	s0 =	sadd.s32 s30, s7  }
0x27e: {  	v6 =	vadd.f32 v12, v6;
	v62 =	vld.idx.msk [tilespmem:v5+s9+$0xFFFFFFE0 ss:$0x1], $0xffff;
	s0 =	sshll.u32 s0, $0x7;
	v61 =	vadd.f32 v16, v13  }
0x27f: {  	v15 =	vld.idx.msk [tilespmem:v5+s9+$0x0 ss:$0x1], $0xffff;
	v4 =	vadd.f32 v11, v4;
	s0 =	sand.u32 $0x3FFFFF80, s0;
	v7 =	vadd.f32 v17, v7  }
0x280: {  	v63 =	vld.idx.msk [tilespmem:v5+s9+$0xFFFFFFF0 ss:$0x1], $0xffff;
	v3 =	vadd.f32 v9, v3;
	v6 =	vadd.f32 v18, v6;
	[tilespmem:s0+$0x14400] =	vst v61  }
0x281: {  	s30 =	sadd.s32 $0x1, s30;
	v1 =	vadd.f32 v8, v1;
	v4 =	vadd.f32 v19, v4;
	[tilespmem:s0+$0x14410] =	vst v7  }
0x282: {  	p1 =	sne.s32 s30, $0x5;
	v3 =	vadd.f32 v60, v3;
	[tilespmem:s0+$0x14420] =	vst v6  }
.Ltmp27:
0x283: {  	v0 =	vadd.f32 v10, v0;
	v1 =	vadd.f32 v62, v1;
	[tilespmem:s0+$0x14430] =	vst v4;
	(pc) =	sbr.rel @p1 .LBB2_49-.Ltmp27, $4  }
0x284: {  	v2 =	vadd.f32 v15, v2;
	[tilespmem:s0+$0x14440] =	vst v3  }
0x285: {  	v0 =	vadd.f32 v63, v0;
	[tilespmem:s0+$0x14450] =	vst v1  }
0x286: {  	[tilespmem:s0+$0x14470] =	vst v2  }
0x287: {  	s8 =	sadd.s32 $0xC80, s8;
	[tilespmem:s0+$0x14460] =	vst v0  }
0x288: {  	s0 =	sadd.s32 @!p0 $0x300, s6;
	s6 =	simm.s32 @!p0 $0x7D;
	s7 =	simm.s32 @!p0 $0xC400  }
0x289: {  	[tilespmem:s7], [sflag:$0x3] =	stream.indirect.gather @!p0 [hbm4b:s1+s6], $0x80, s0, s6, $0xb8;
	[tilespmem:$0x1E400] =	vst v63  }
0x28a: {  	_ =	swait.ge [sflag:s24], $0x3E80  }
0x28b: {  	s8 =	simm.s32 $0x10400;
	[sflag:s24] =	ssyncset.done $0x0  }
0x28c: {  	s6 =	sadd.s32 $0xF, s28;
	s7 =	simm.s32 $0x0;
	[sflag:s24] =	ssyncadd.s32 $0xFFFFC180  }
.LBB2_53:
0x28d: {  	s0 =	smul.u32 $0x3200, s7;
	_ =	sdelay $0x1  }
0x28e: {  	s0 =	sshra.s32 s0, $0x2  }
0x28f: {  	v10 =	vld [tilespmem:s0+$0x10400]  }
0x290: {  	v7 =	vld [tilespmem:s0+$0x10410]  }
0x291: {  	v6 =	vld [tilespmem:s0+$0x10420]  }
0x292: {  	v5 =	vmov s8;
	v4 =	vld [tilespmem:s0+$0x10430]  }
0x293: {  	v3 =	vld [tilespmem:s0+$0x10440]  }
0x294: {  	v1 =	vld [tilespmem:s0+$0x10450]  }
0x295: {  	v0 =	vld [tilespmem:s0+$0x10460]  }
0x296: {  	s10 =	simm.s32 $0xF0;
	v2 =	vld [tilespmem:s0+$0x10470]  }
0x297: {  	v13 =	vld.idx.msk [tilespmem:v5+s10+$0x0 ss:$0x1], $0xffff  }
0x298: {  	v15 =	vld.idx.msk [tilespmem:v5+s10+$0xFFFFFF90 ss:$0x1], $0xffff  }
0x299: {  	v14 =	vld.idx.msk [tilespmem:v5+s10+$0xFFFFFFA0 ss:$0x1], $0xffff  }
0x29a: {  	v12 =	vld.idx.msk [tilespmem:v5+s10+$0xFFFFFFB0 ss:$0x1], $0xffff  }
0x29b: {  	v11 =	vld.idx.msk [tilespmem:v5+s10+$0xFFFFFFC0 ss:$0x1], $0xffff  }
0x29c: {  	v9 =	vld.idx.msk [tilespmem:v5+s10+$0xFFFFFFD0 ss:$0x1], $0xffff  }
0x29d: {  	v8 =	vld.idx.msk [tilespmem:v5+s10+$0xFFFFFFE0 ss:$0x1], $0xffff  }
0x29e: {  	s9 =	simm.s32 $0x170;
	s0 =	simm.s32 $0x7C0;
	v2 =	vadd.f32 v13, v2;
	v13 =	vadd.f32 v15, v10;
	v10 =	vld.idx.msk [tilespmem:v5+s10+$0xFFFFFFF0 ss:$0x1], $0xffff  }
.LBB2_54:
0x29f: {  	p1 =	sne.s32 s0, $0x31C0;
	v15 =	vld.idx.msk [tilespmem:v5+s9+$0x0 ss:$0x1], $0xffff;
	v7 =	vadd.f32 v14, v7  }
0x2a0: {  	v6 =	vadd.f32 v12, v6;
	v16 =	vld.idx.msk [tilespmem:v5+s9+$0xFFFFFF90 ss:$0x1], $0xffff  }
0x2a1: {  	v4 =	vadd.f32 v11, v4;
	v14 =	vld.idx.msk [tilespmem:v5+s9+$0xFFFFFFA0 ss:$0x1], $0xffff  }
.Ltmp28:
0x2a2: {  	v3 =	vadd.f32 v9, v3;
	v12 =	vld.idx.msk [tilespmem:v5+s9+$0xFFFFFFB0 ss:$0x1], $0xffff;
	(pc) =	sbr.rel @p1 .LBB2_54-.Ltmp28, $4  }
0x2a3: {  	v1 =	vadd.f32 v8, v1;
	v11 =	vld.idx.msk [tilespmem:v5+s9+$0xFFFFFFC0 ss:$0x1], $0xffff  }
0x2a4: {  	v0 =	vadd.f32 v10, v0;
	v9 =	vld.idx.msk [tilespmem:v5+s9+$0xFFFFFFD0 ss:$0x1], $0xffff  }
0x2a5: {  	v2 =	vadd.f32 v15, v2;
	v8 =	vld.idx.msk [tilespmem:v5+s9+$0xFFFFFFE0 ss:$0x1], $0xffff  }
0x2a6: {  	v13 =	vadd.f32 v16, v13;
	v10 =	vld.idx.msk [tilespmem:v5+s9+$0xFFFFFFF0 ss:$0x1], $0xffff;
	s9 =	sshra.s32 s0, $0x2;
	s0 =	sadd.s32 $0x200, s0  }
0x2a7: {  	_ =	sdelay $0x3  }
0x2a8: {  	v16 =	vld.idx.msk [tilespmem:v5+s9+$0xFFFFFF90 ss:$0x1], $0xffff  }
0x2a9: {  	v17 =	vld.idx.msk [tilespmem:v5+s9+$0xFFFFFFA0 ss:$0x1], $0xffff  }
0x2aa: {  	v18 =	vld.idx.msk [tilespmem:v5+s9+$0xFFFFFFB0 ss:$0x1], $0xffff  }
0x2ab: {  	v19 =	vld.idx.msk [tilespmem:v5+s9+$0xFFFFFFC0 ss:$0x1], $0xffff  }
0x2ac: {  	v7 =	vadd.f32 v14, v7;
	v60 =	vld.idx.msk [tilespmem:v5+s9+$0xFFFFFFD0 ss:$0x1], $0xffff;
	s0 =	sadd.s32 s7, s6  }
0x2ad: {  	v6 =	vadd.f32 v12, v6;
	v62 =	vld.idx.msk [tilespmem:v5+s9+$0xFFFFFFE0 ss:$0x1], $0xffff;
	s0 =	sshll.u32 s0, $0x7;
	v61 =	vadd.f32 v16, v13  }
0x2ae: {  	v15 =	vld.idx.msk [tilespmem:v5+s9+$0x0 ss:$0x1], $0xffff;
	v4 =	vadd.f32 v11, v4;
	s0 =	sand.u32 $0x3FFFFF80, s0;
	v7 =	vadd.f32 v17, v7  }
0x2af: {  	v63 =	vld.idx.msk [tilespmem:v5+s9+$0xFFFFFFF0 ss:$0x1], $0xffff;
	v3 =	vadd.f32 v9, v3;
	v6 =	vadd.f32 v18, v6;
	[tilespmem:s0+$0x14400] =	vst v61  }
0x2b0: {  	s7 =	sadd.s32 $0x1, s7;
	v1 =	vadd.f32 v8, v1;
	v4 =	vadd.f32 v19, v4;
	[tilespmem:s0+$0x14410] =	vst v7  }
0x2b1: {  	p1 =	sne.s32 s7, $0x5;
	v3 =	vadd.f32 v60, v3;
	[tilespmem:s0+$0x14420] =	vst v6  }
.Ltmp29:
0x2b2: {  	v0 =	vadd.f32 v10, v0;
	v1 =	vadd.f32 v62, v1;
	[tilespmem:s0+$0x14430] =	vst v4;
	(pc) =	sbr.rel @p1 .LBB2_53-.Ltmp29, $4  }
0x2b3: {  	v2 =	vadd.f32 v15, v2;
	[tilespmem:s0+$0x14440] =	vst v3  }
0x2b4: {  	v0 =	vadd.f32 v63, v0;
	[tilespmem:s0+$0x14450] =	vst v1  }
0x2b5: {  	[tilespmem:s0+$0x14470] =	vst v2  }
0x2b6: {  	s8 =	sadd.s32 $0xC80, s8;
	[tilespmem:s0+$0x14460] =	vst v0  }
.Ltmp30:
0x2b7: {  	(pc) =	sbr.rel @p0 .LBB2_58-.Ltmp30, $1  }
0x2b8: {  	_ =	sdelay $0x3  }
.Ltmp31:
0x2b9: {  	(pc) =	sbr.rel .LBB2_40-.Ltmp31, $4  }
0x2ba: {  	_ = 	snop  }
0x2bb: {  	s0 =	sshrl.u32 s5, $0x2  }
0x2bc: {  	s4 =	sadd.s32 $0x1, s4;
	s0 =	sadd.s32 $0x380, s0  }
0x2bd: {  	[tilespmem:s2], [sflag:$0x4] =	stream.indirect.gather [hbm4b:s1+s26], $0x80, s0, s26, $0xb8;
	[tilespmem:$0x1E400] =	vst v63  }
.LBB2_59:
0x2be: {  	_ =	sfence.sel $0x180000  }
0x2bf: {  	[bflag:$0x0] =	sbarrier.arrive $0xFFFF  }
0x2c0: {  	_ =	strace $0x90000047  }
0x2c1: {  	s0 =	stileid.u32;
	[bflag:$0x2] =	sbarrier.arrive $0xFFFF  }
0x2c2: {  	p0 =	sne.s32 s0, $0x0;
	s0 =	rddreg [dreg:$0x3]  }
0x2c3: {  	s0 =	sadd.s32 @!p0 $0x100000, s0  }
0x2c4: {  	[sflag:s0] =	ssyncadd.tile.s32 @!p0 $0x1;
	_ =	shalt  }
.Lfunc_end2:
_tile_overlayer_lowered:
.L_overlay_start_2:
0x2c5: {  	(tag) =	ssettag $0x2  }
0x2c6: {  	s0 =	rddreg [dreg:$0x0];
	s2 =	stileid.u32  }
0x2c7: {  	s1 =	rddreg [dreg:$0x1];
	p0 =	sne.s32 s2, $0x0  }
0x2c8: {  	s3 =	rddreg [dreg:$0x2];
	[bflag:$0x3] =	sbarrier.arrive $0xFFFF;
	s2 =	simm.s32 @!p0 $0x1C05  }
0x2c9: {  	[timem:s3], [sflag:s2] =	dma.local @!p0 [hbm:s0], s1  }
0x2ca: {  	s0 =	simm.s32 @!p0 $0x5  }
0x2cb: {  	_ =	swait.ge @!p0 [sflag:s0], s1  }
0x2cc: {  	s1 =	ssub.s32 @!p0 $0x0, s1;
	[sflag:s0] =	ssyncset.done @!p0 $0x0  }
0x2cd: {  	[sflag:s0] =	ssyncadd.s32 @!p0 s1  }
0x2ce: {  	[bflag:$0x3] =	sbarrier.arrive $0xFFFF  }
0x2cf: {  	_ =	shalt  }

</sc_bundles>
